<compile_context>
chip_gen: v7x
topology: tpu7x:2x2x1
jax: 0.10.2.dev20260603
libtpu: 0.0.44.dev20260713+nightly
codegen_flags: <defaults>
</compile_context>

<pallas_src>
import functools

import jax
import jax.numpy as jnp
from jax import lax
from jax.experimental import pallas as pl
from jax.experimental.pallas import tpu as pltpu
from jax.experimental.pallas import tpu_sc as plsc

B = 16384
EMB = 32
WIDE = 128
NC = 2
NS = 16
NW = NC * NS
CHUNK = 128
ROWS = B // CHUNK
RPW = ROWS // NW
BPW = RPW * CHUNK
NSTEP = 2 * RPW


def _tr_body(in_ref, out_ref):
    blk = in_ref.shape[1]
    q = blk // 4
    x = in_ref[...]
    row = lax.broadcasted_iota(jnp.int32, (EMB, WIDE), 0)
    col = lax.broadcasted_iota(jnp.int32, (EMB, WIDE), 1)
    out = None
    for c in range(4):
        e_c = (col == row + c * EMB).astype(jnp.float32)
        d = lax.dot_general(x[:, c * q:(c + 1) * q], e_c,
                            (((0,), (0,)), ((), ())),
                            preferred_element_type=jnp.float32)
        out = d if out is None else out + d
    out_ref[...] = out


def _transpose(x_t, blk):
    n = x_t.shape[1]
    nb = pl.cdiv(n, blk)
    return pl.pallas_call(
        _tr_body,
        grid=(nb,),
        in_specs=[pl.BlockSpec((EMB, blk), lambda i: (0, i))],
        out_specs=pl.BlockSpec((blk // 4, WIDE), lambda i: (i, 0)),
        out_shape=jax.ShapeDtypeStruct((nb * (blk // 4), WIDE), jnp.float32),
    )(x_t)


def _gather_body(ur_hbm, mr_hbm, uq_hbm, mq_hbm, utab_w, mtab_w,
                 ue_out, me_out,
                 ur_v, mr_v, uq_v, mq_v, wide_a, wide_b, sel_a, sel_b,
                 gsem0, gsem1, wsem):
    wid = lax.axis_index("s") * NC + lax.axis_index("c")
    r0 = wid * RPW
    b0 = wid * BPW
    pltpu.sync_copy(ur_hbm.at[pl.ds(r0, RPW)], ur_v)
    pltpu.sync_copy(mr_hbm.at[pl.ds(r0, RPW)], mr_v)
    pltpu.sync_copy(uq_hbm.at[pl.ds(b0, BPW)], uq_v)
    pltpu.sync_copy(mq_hbm.at[pl.ds(b0, BPW)], mq_v)
    gsems = (gsem0, gsem1)
    wides = (wide_a, wide_b)

    def step_src(s):
        if s < RPW:
            return utab_w.at[ur_v.at[s]]
        return mtab_w.at[mr_v.at[s - RPW]]

    sels = (sel_a, sel_b)

    def select(s):
        j = s % RPW
        q_v = uq_v if s < RPW else mq_v
        sel_v = sels[s % 2]
        wide2d = wides[s % 2]

        @pl.loop(0, CHUNK // 16)
        def _(g):
            q16 = q_v[pl.ds(j * CHUNK + g * 16, 16)] * EMB
            for l in range(16):
                row = g * 16 + l
                qoff = pl.multiple_of(q16[l], EMB)
                sel_v[row, pl.ds(0, EMB)] = wide2d[row, pl.ds(qoff, EMB)]

    def step_out(s):
        j = s % RPW
        out = ue_out if s < RPW else me_out
        return out.at[pl.ds(b0 + j * CHUNK, CHUNK)]

    gathers = [None] * NSTEP
    writes = [None] * NSTEP
    gathers[0] = pltpu.async_copy(step_src(0), wides[0], gsems[0])
    for s in range(NSTEP):
        if s + 1 < NSTEP:
            gathers[s + 1] = pltpu.async_copy(step_src(s + 1),
                                              wides[(s + 1) % 2],
                                              gsems[(s + 1) % 2])
        gathers[s].wait()
        if s >= 2:
            writes[s - 2].wait()
        select(s)
        writes[s] = pltpu.async_copy(sels[s % 2], step_out(s), wsem)
    writes[NSTEP - 2].wait()
    writes[NSTEP - 1].wait()


@functools.partial(
    pl.kernel,
    mesh=plsc.VectorSubcoreMesh(core_axis_name="c", subcore_axis_name="s",
                                num_cores=NC),
    out_type=[
        jax.ShapeDtypeStruct((B, EMB), jnp.float32),
        jax.ShapeDtypeStruct((B, EMB), jnp.float32),
    ],
    scratch_types=[
        pltpu.VMEM((RPW, CHUNK), jnp.int32),
        pltpu.VMEM((RPW, CHUNK), jnp.int32),
        pltpu.VMEM((BPW,), jnp.int32),
        pltpu.VMEM((BPW,), jnp.int32),
        pltpu.VMEM((CHUNK, WIDE), jnp.float32),
        pltpu.VMEM((CHUNK, WIDE), jnp.float32),
        pltpu.VMEM((CHUNK, EMB), jnp.float32),
        pltpu.VMEM((CHUNK, EMB), jnp.float32),
        pltpu.SemaphoreType.DMA,
        pltpu.SemaphoreType.DMA,
        pltpu.SemaphoreType.DMA,
    ],
)
def _gather(*args):
    _gather_body(*args)


def _mlp_body(ue_ref, me_ref, w1a_ref, w1b_ref, b1_ref, w2_ref, b2_ref,
              w3_ref, b3_ref, out_ref):
    x = jnp.dot(ue_ref[...], w1a_ref[...], preferred_element_type=jnp.float32)
    x = x + jnp.dot(me_ref[...], w1b_ref[...],
                    preferred_element_type=jnp.float32)
    x = jnp.maximum(x + b1_ref[...], 0.0)
    x = jnp.maximum(
        jnp.dot(x, w2_ref[...], preferred_element_type=jnp.float32)
        + b2_ref[...], 0.0)
    out_ref[...] = (jnp.dot(x, w3_ref[...], preferred_element_type=jnp.float32)
                    + b3_ref[...])


def _mlp(ue, me, W1a, W1b, b1, W2, b2, W3, b3):
    BB = 2048
    grid = (B // BB,)
    full = lambda shape: pl.BlockSpec(shape, lambda i: (0, 0))
    return pl.pallas_call(
        _mlp_body,
        grid=grid,
        in_specs=[
            pl.BlockSpec((BB, EMB), lambda i: (i, 0)),
            pl.BlockSpec((BB, EMB), lambda i: (i, 0)),
            full((EMB, 64)),
            full((EMB, 64)),
            full((1, 64)),
            full((64, 32)),
            full((1, 32)),
            full((32, 1)),
            full((1, 1)),
        ],
        out_specs=pl.BlockSpec((BB, 1), lambda i: (i, 0)),
        out_shape=jax.ShapeDtypeStruct((B, 1), jnp.float32),
    )(ue, me, W1a, W1b, b1, W2, b2, W3, b3)


def kernel(user, movie, user_table, movie_table, W1, b1, W2, b2, W3, b3):
    user = user.astype(jnp.int32)
    movie = movie.astype(jnp.int32)
    ur = ((user >> 15) * 8192 + (user & 8191)).reshape(ROWS, CHUNK)
    mr = ((movie >> 15) * 8192 + (movie & 8191)).reshape(ROWS, CHUNK)
    uq = (user >> 13) & 3
    mq = (movie >> 13) & 3
    utab_w = _transpose(user_table.T, 32768)
    mtab_w = _transpose(movie_table.T, 32768)
    ue, me = _gather(ur, mr, uq, mq, utab_w, mtab_w)
    return _mlp(ue, me, W1[:EMB], W1[EMB:], b1.reshape(1, 64),
                W2, b2.reshape(1, 32), W3, b3.reshape(1, 1))

# --- scband reference (transcript-rebuilt; emitter-appended) ---
"""Pipeline reference for scband-recommender-net-5282809774708 (READ-ONLY COPY).

The authoritative reference and input builder live on the scoring server;
editing this copy changes nothing except your own understanding.
"""

import jax, jax.numpy as jnp
import numpy as np

N_USERS = 1000000
N_MOVIES = 100000
EMB = 32
BATCH = 16384


def setup_inputs(seed: int = 0) -> dict:
    key = jax.random.key(seed)
    ks = jax.random.split(key, 12)
    user = jax.random.randint(ks[0], (BATCH,), 0, N_USERS, dtype=jnp.int64 if jax.config.jax_enable_x64 else jnp.int32)
    movie = jax.random.randint(ks[1], (BATCH,), 0, N_MOVIES, dtype=jnp.int64 if jax.config.jax_enable_x64 else jnp.int32)
    user_table = jax.random.normal(ks[2], (N_USERS, EMB), dtype=jnp.float32)
    movie_table = jax.random.normal(ks[3], (N_MOVIES, EMB), dtype=jnp.float32)
    W1 = jax.random.normal(ks[4], (EMB * 2, 64), dtype=jnp.float32) * 0.05
    b1 = jnp.zeros((64,), dtype=jnp.float32)
    W2 = jax.random.normal(ks[5], (64, 32), dtype=jnp.float32) * 0.05
    b2 = jnp.zeros((32,), dtype=jnp.float32)
    W3 = jax.random.normal(ks[6], (32, 1), dtype=jnp.float32) * 0.05
    b3 = jnp.zeros((1,), dtype=jnp.float32)
    return {"user": user, "movie": movie, "user_table": user_table, "movie_table": movie_table,
            "W1": W1, "b1": b1, "W2": W2, "b2": b2, "W3": W3, "b3": b3}


def reference(user, movie, user_table, movie_table, W1, b1, W2, b2, W3, b3):
    user_emb = jnp.take(user_table, user, axis=0)
    movie_emb = jnp.take(movie_table, movie, axis=0)
    x = jnp.concatenate([user_emb, movie_emb], axis=1)
    x = jax.nn.relu(x @ W1 + b1)
    x = jax.nn.relu(x @ W2 + b2)
    x = x @ W3 + b3
    return x

if __name__ == "__main__":
    import jax
    _d = setup_inputs()
    print(jax.jit(kernel)(*tuple(_d.values())))

</pallas_src>

<mosaic_0001>
#map = affine_map<(d0, d1) -> (0, 0)>
#map1 = affine_map<(d0, d1) -> (0)>
module attributes {stable_mosaic.version = 14 : i64} {
  func.func @_gather(%arg0: i32, %arg1: i32, %arg2: memref<128x128xi32, #tpu.memory_space<hbm>>, %arg3: memref<128x128xi32, #tpu.memory_space<hbm>>, %arg4: memref<16384xi32, #tpu.memory_space<hbm>>, %arg5: memref<16384xi32, #tpu.memory_space<hbm>>, %arg6: memref<253952x128xf32, #tpu.memory_space<hbm>>, %arg7: memref<32768x128xf32, #tpu.memory_space<hbm>>, %arg8: memref<16384x32xf32, #tpu.memory_space<hbm>>, %arg9: memref<16384x32xf32, #tpu.memory_space<hbm>>, %arg10: memref<4x128xi32, #tpu.memory_space<vmem>>, %arg11: memref<4x128xi32, #tpu.memory_space<vmem>>, %arg12: memref<512xi32, #tpu.memory_space<vmem>>, %arg13: memref<512xi32, #tpu.memory_space<vmem>>, %arg14: memref<128x128xf32, #tpu.memory_space<vmem>>, %arg15: memref<128x128xf32, #tpu.memory_space<vmem>>, %arg16: memref<128x32xf32, #tpu.memory_space<vmem>>, %arg17: memref<128x32xf32, #tpu.memory_space<vmem>>, %arg18: memref<!tpu.dma_semaphore, #tpu.memory_space<semaphore_mem>>, %arg19: memref<!tpu.dma_semaphore, #tpu.memory_space<semaphore_mem>>, %arg20: memref<!tpu.dma_semaphore, #tpu.memory_space<semaphore_mem>>) attributes {dimension_semantics = [#tpu.dimension_semantics<core_parallel>, #tpu.dimension_semantics<subcore_parallel>], iteration_bounds = array<i64: 2, 16>, scalar_prefetch = 0 : i64, scratch_operands = 11 : i64, tpu.core_type = #tpu.core_type<sc_vector_subcore>, window_params = [{transform_indices = #map}, {transform_indices = #map}, {transform_indices = #map1}, {transform_indices = #map1}, {transform_indices = #map}, {transform_indices = #map}, {transform_indices = #map}, {transform_indices = #map}]} {
    %mul3A = arith.constant 2 : i32
    %mul3A_0 = arith.muli %arg1, %mul3A : i32
    %add3A = arith.addi %mul3A_0, %arg0 : i32
    %mul3A_1 = arith.constant 4 : i32
    %mul3A_2 = arith.muli %add3A, %mul3A_1 : i32
    %mul3A_3 = arith.constant 512 : i32
    %mul3A_4 = arith.muli %add3A, %mul3A_3 : i32
    "tpu.region"() ({
      %run_scoped3A = tpu.sem_alloc : memref<!tpu.dma_semaphore, #tpu.memory_space<semaphore_mem>>
      %dma_start3A_234 = arith.constant 0 : i32
      %dma_start3A_235 = tpu.memref_slice %arg2[%mul3A_2, %dma_start3A_234] : memref<128x128xi32, #tpu.memory_space<hbm>> -> memref<4x128xi32, #tpu.memory_space<hbm>>
      %dma_start3A_236 = arith.constant 0 : i32
      %dma_start3A_237 = tpu.memref_slice %arg2[%mul3A_2, %dma_start3A_236] : memref<128x128xi32, #tpu.memory_space<hbm>> -> memref<4x128xi32, #tpu.memory_space<hbm>>
      tpu.enqueue_dma source(%dma_start3A_237 : memref<4x128xi32, #tpu.memory_space<hbm>>) target(%arg10 : memref<4x128xi32, #tpu.memory_space<vmem>>) target_semaphore(%run_scoped3A : memref<!tpu.dma_semaphore, #tpu.memory_space<semaphore_mem>>)
      %dma_wait3A_238 = arith.constant 0 : i32
      %dma_wait3A_239 = tpu.memref_slice %arg2[%mul3A_2, %dma_wait3A_238] : memref<128x128xi32, #tpu.memory_space<hbm>> -> memref<4x128xi32, #tpu.memory_space<hbm>>
      %dma_wait3A_240 = arith.constant 0 : i32
      %dma_wait3A_241 = tpu.memref_slice %arg2[%mul3A_2, %dma_wait3A_240] : memref<128x128xi32, #tpu.memory_space<hbm>> -> memref<4x128xi32, #tpu.memory_space<hbm>>
      tpu.wait_dma2 semaphore(%run_scoped3A : memref<!tpu.dma_semaphore, #tpu.memory_space<semaphore_mem>>) src(%dma_wait3A_241 : memref<4x128xi32, #tpu.memory_space<hbm>>) dst(%arg10 : memref<4x128xi32, #tpu.memory_space<vmem>>)
      tpu.yield
    }) : () -> ()
    "tpu.region"() ({
      %run_scoped3A = tpu.sem_alloc : memref<!tpu.dma_semaphore, #tpu.memory_space<semaphore_mem>>
      %dma_start3A_234 = arith.constant 0 : i32
      %dma_start3A_235 = tpu.memref_slice %arg3[%mul3A_2, %dma_start3A_234] : memref<128x128xi32, #tpu.memory_space<hbm>> -> memref<4x128xi32, #tpu.memory_space<hbm>>
      %dma_start3A_236 = arith.constant 0 : i32
      %dma_start3A_237 = tpu.memref_slice %arg3[%mul3A_2, %dma_start3A_236] : memref<128x128xi32, #tpu.memory_space<hbm>> -> memref<4x128xi32, #tpu.memory_space<hbm>>
      tpu.enqueue_dma source(%dma_start3A_237 : memref<4x128xi32, #tpu.memory_space<hbm>>) target(%arg11 : memref<4x128xi32, #tpu.memory_space<vmem>>) target_semaphore(%run_scoped3A : memref<!tpu.dma_semaphore, #tpu.memory_space<semaphore_mem>>)
      %dma_wait3A_238 = arith.constant 0 : i32
      %dma_wait3A_239 = tpu.memref_slice %arg3[%mul3A_2, %dma_wait3A_238] : memref<128x128xi32, #tpu.memory_space<hbm>> -> memref<4x128xi32, #tpu.memory_space<hbm>>
      %dma_wait3A_240 = arith.constant 0 : i32
      %dma_wait3A_241 = tpu.memref_slice %arg3[%mul3A_2, %dma_wait3A_240] : memref<128x128xi32, #tpu.memory_space<hbm>> -> memref<4x128xi32, #tpu.memory_space<hbm>>
      tpu.wait_dma2 semaphore(%run_scoped3A : memref<!tpu.dma_semaphore, #tpu.memory_space<semaphore_mem>>) src(%dma_wait3A_241 : memref<4x128xi32, #tpu.memory_space<hbm>>) dst(%arg11 : memref<4x128xi32, #tpu.memory_space<vmem>>)
      tpu.yield
    }) : () -> ()
    "tpu.region"() ({
      %run_scoped3A = tpu.sem_alloc : memref<!tpu.dma_semaphore, #tpu.memory_space<semaphore_mem>>
      %dma_start3A_234 = tpu.memref_slice %arg4[%mul3A_4] : memref<16384xi32, #tpu.memory_space<hbm>> -> memref<512xi32, #tpu.memory_space<hbm>>
      %dma_start3A_235 = tpu.memref_slice %arg4[%mul3A_4] : memref<16384xi32, #tpu.memory_space<hbm>> -> memref<512xi32, #tpu.memory_space<hbm>>
      tpu.enqueue_dma source(%dma_start3A_235 : memref<512xi32, #tpu.memory_space<hbm>>) target(%arg12 : memref<512xi32, #tpu.memory_space<vmem>>) target_semaphore(%run_scoped3A : memref<!tpu.dma_semaphore, #tpu.memory_space<semaphore_mem>>)
      %dma_wait3A_236 = tpu.memref_slice %arg4[%mul3A_4] : memref<16384xi32, #tpu.memory_space<hbm>> -> memref<512xi32, #tpu.memory_space<hbm>>
      %dma_wait3A_237 = tpu.memref_slice %arg4[%mul3A_4] : memref<16384xi32, #tpu.memory_space<hbm>> -> memref<512xi32, #tpu.memory_space<hbm>>
      tpu.wait_dma2 semaphore(%run_scoped3A : memref<!tpu.dma_semaphore, #tpu.memory_space<semaphore_mem>>) src(%dma_wait3A_237 : memref<512xi32, #tpu.memory_space<hbm>>) dst(%arg12 : memref<512xi32, #tpu.memory_space<vmem>>)
      tpu.yield
    }) : () -> ()
    "tpu.region"() ({
      %run_scoped3A = tpu.sem_alloc : memref<!tpu.dma_semaphore, #tpu.memory_space<semaphore_mem>>
      %dma_start3A_234 = tpu.memref_slice %arg5[%mul3A_4] : memref<16384xi32, #tpu.memory_space<hbm>> -> memref<512xi32, #tpu.memory_space<hbm>>
      %dma_start3A_235 = tpu.memref_slice %arg5[%mul3A_4] : memref<16384xi32, #tpu.memory_space<hbm>> -> memref<512xi32, #tpu.memory_space<hbm>>
      tpu.enqueue_dma source(%dma_start3A_235 : memref<512xi32, #tpu.memory_space<hbm>>) target(%arg13 : memref<512xi32, #tpu.memory_space<vmem>>) target_semaphore(%run_scoped3A : memref<!tpu.dma_semaphore, #tpu.memory_space<semaphore_mem>>)
      %dma_wait3A_236 = tpu.memref_slice %arg5[%mul3A_4] : memref<16384xi32, #tpu.memory_space<hbm>> -> memref<512xi32, #tpu.memory_space<hbm>>
      %dma_wait3A_237 = tpu.memref_slice %arg5[%mul3A_4] : memref<16384xi32, #tpu.memory_space<hbm>> -> memref<512xi32, #tpu.memory_space<hbm>>
      tpu.wait_dma2 semaphore(%run_scoped3A : memref<!tpu.dma_semaphore, #tpu.memory_space<semaphore_mem>>) src(%dma_wait3A_237 : memref<512xi32, #tpu.memory_space<hbm>>) dst(%arg13 : memref<512xi32, #tpu.memory_space<vmem>>)
      tpu.yield
    }) : () -> ()
    %dma_start3A = arith.constant 0 : i32
    %dma_start3A_5 = arith.constant 0 : i32
    %dma_start3A_6 = tpu.memref_slice %arg10[%dma_start3A, %dma_start3A_5] : memref<4x128xi32, #tpu.memory_space<vmem>> -> memref<1x128xi32, #tpu.memory_space<vmem>>
    %dma_start3A_7 = tpu.memref_squeeze %dma_start3A_6 : memref<1x128xi32, #tpu.memory_space<vmem>> -> memref<128xi32, #tpu.memory_space<vmem>>
    %dma_start3A_8 = arith.constant 0 : i32
    %dma_start3A_9 = arith.constant 0 : i32
    %dma_start3A_10 = tpu.memref_slice %arg6[%dma_start3A_8, %dma_start3A_9] : memref<253952x128xf32, #tpu.memory_space<hbm>> -> memref<253952x128xf32, #tpu.memory_space<hbm>>
    tpu.enqueue_indirect_dma source(%dma_start3A_10 : memref<253952x128xf32, #tpu.memory_space<hbm>>) target(%arg14 : memref<128x128xf32, #tpu.memory_space<vmem>>) offsets(%dma_start3A_7 : memref<128xi32, #tpu.memory_space<vmem>>) semaphore(%arg18 : memref<!tpu.dma_semaphore, #tpu.memory_space<semaphore_mem>>)
    %dma_start3A_11 = arith.constant 1 : i32
    %dma_start3A_12 = arith.constant 0 : i32
    %dma_start3A_13 = tpu.memref_slice %arg10[%dma_start3A_11, %dma_start3A_12] : memref<4x128xi32, #tpu.memory_space<vmem>> -> memref<1x128xi32, #tpu.memory_space<vmem>>
    %dma_start3A_14 = tpu.memref_squeeze %dma_start3A_13 : memref<1x128xi32, #tpu.memory_space<vmem>> -> memref<128xi32, #tpu.memory_space<vmem>>
    %dma_start3A_15 = arith.constant 0 : i32
    %dma_start3A_16 = arith.constant 0 : i32
    %dma_start3A_17 = tpu.memref_slice %arg6[%dma_start3A_15, %dma_start3A_16] : memref<253952x128xf32, #tpu.memory_space<hbm>> -> memref<253952x128xf32, #tpu.memory_space<hbm>>
    tpu.enqueue_indirect_dma source(%dma_start3A_17 : memref<253952x128xf32, #tpu.memory_space<hbm>>) target(%arg15 : memref<128x128xf32, #tpu.memory_space<vmem>>) offsets(%dma_start3A_14 : memref<128xi32, #tpu.memory_space<vmem>>) semaphore(%arg19 : memref<!tpu.dma_semaphore, #tpu.memory_space<semaphore_mem>>)
    %dma_wait3A = arith.constant 0 : i32
    %dma_wait3A_18 = arith.constant 0 : i32
    %dma_wait3A_19 = tpu.memref_slice %arg10[%dma_wait3A, %dma_wait3A_18] : memref<4x128xi32, #tpu.memory_space<vmem>> -> memref<1x128xi32, #tpu.memory_space<vmem>>
    %dma_wait3A_20 = tpu.memref_squeeze %dma_wait3A_19 : memref<1x128xi32, #tpu.memory_space<vmem>> -> memref<128xi32, #tpu.memory_space<vmem>>
    %dma_wait3A_21 = arith.constant 0 : i32
    %dma_wait3A_22 = arith.constant 0 : i32
    %dma_wait3A_23 = tpu.memref_slice %arg6[%dma_wait3A_21, %dma_wait3A_22] : memref<253952x128xf32, #tpu.memory_space<hbm>> -> memref<253952x128xf32, #tpu.memory_space<hbm>>
    tpu.wait_indirect_dma semaphore(%arg18 : memref<!tpu.dma_semaphore, #tpu.memory_space<semaphore_mem>>) src(%dma_wait3A_23 : memref<253952x128xf32, #tpu.memory_space<hbm>>) dst(%arg14 : memref<128x128xf32, #tpu.memory_space<vmem>>)
    %scan3A = arith.constant 0 : i32
    %scan3A_24 = arith.constant 8 : i32
    %scan3A_25 = arith.addi %scan3A, %scan3A_24 : i32
    %scan3A_26 = arith.constant 1 : i32
    scf.for %scan3A_234 = %scan3A to %scan3A_25 step %scan3A_26  : i32 {
      %mul3A_235 = arith.constant 1 : i32
      %mul3A_236 = arith.muli %scan3A_234, %mul3A_235 : i32
      %add3A_237 = arith.constant 0 : i32
      %add3A_238 = arith.addi %add3A_237, %mul3A_236 : i32
      %mul3A_239 = arith.constant 16 : i32
      %mul3A_240 = arith.muli %add3A_238, %mul3A_239 : i32
      %add3A_241 = arith.constant 0 : i32
      %add3A_242 = arith.addi %add3A_241, %mul3A_240 : i32
      %get3A = arith.index_cast %add3A_242 : i32 to index
      %get3A_243 = tpu.vector_load %arg12[%get3A] {strides = array<i32>} : memref<512xi32, #tpu.memory_space<vmem>>, vector<16xi32>,
      %get3A_244 = vector.shape_cast %get3A_243 : vector<16xi32> to vector<16xi32>
      %mul3A_245 = arith.constant 32 : i32
      %mul3A_246 = vector.broadcast %mul3A_245 : i32 to vector<16xi32>
      %mul3A_247 = arith.muli %get3A_244, %mul3A_246 : vector<16xi32>
      %mul3A_248 = arith.constant 16 : i32
      %mul3A_249 = arith.muli %add3A_238, %mul3A_248 : i32
      %add3A_250 = arith.constant 0 : i32
      %add3A_251 = arith.addi %mul3A_249, %add3A_250 : i32
      %slice3A = vector.extract_strided_slice %mul3A_247 {offsets = [0], sizes = [1], strides = [1]} : vector<16xi32> to vector<1xi32>
      %squeeze3A = vector.extract %slice3A[0] : i32 from vector<1xi32>
      %multiple_of3A = tpu.assume_multiple %squeeze3A, 32 : i32
      %get3A_252 = arith.index_cast %add3A_251 : i32 to index
      %get3A_253 = arith.index_cast %multiple_of3A : i32 to index
      %get3A_254 = tpu.vector_load %arg14[%get3A_252, %get3A_253] {strides = array<i32>} : memref<128x128xf32, #tpu.memory_space<vmem>>, vector<1x32xf32>,
      %get3A_255 = vector.shape_cast %get3A_254 : vector<1x32xf32> to vector<32xf32>
      %swap3A = arith.index_cast %add3A_251 : i32 to index
      %swap3A_256 = arith.constant 0 : index
      %swap3A_257 = tpu.vector_load %arg16[%swap3A, %swap3A_256] {strides = array<i32>} : memref<128x32xf32, #tpu.memory_space<vmem>>, vector<1x32xf32>,
      %swap3A_258 = vector.shape_cast %swap3A_257 : vector<1x32xf32> to vector<32xf32>
      %swap3A_259 = vector.shape_cast %get3A_255 : vector<32xf32> to vector<1x32xf32>
      tpu.vector_store %arg16[%swap3A, %swap3A_256], %swap3A_259 {strides = array<i32>} : memref<128x32xf32, #tpu.memory_space<vmem>>, vector<1x32xf32>,
      %mul3A_260 = arith.constant 16 : i32
      %mul3A_261 = arith.muli %add3A_238, %mul3A_260 : i32
      %add3A_262 = arith.constant 1 : i32
      %add3A_263 = arith.addi %mul3A_261, %add3A_262 : i32
      %slice3A_264 = vector.extract_strided_slice %mul3A_247 {offsets = [1], sizes = [1], strides = [1]} : vector<16xi32> to vector<1xi32>
      %squeeze3A_265 = vector.extract %slice3A_264[0] : i32 from vector<1xi32>
      %multiple_of3A_266 = tpu.assume_multiple %squeeze3A_265, 32 : i32
      %get3A_267 = arith.index_cast %add3A_263 : i32 to index
      %get3A_268 = arith.index_cast %multiple_of3A_266 : i32 to index
      %get3A_269 = tpu.vector_load %arg14[%get3A_267, %get3A_268] {strides = array<i32>} : memref<128x128xf32, #tpu.memory_space<vmem>>, vector<1x32xf32>,
      %get3A_270 = vector.shape_cast %get3A_269 : vector<1x32xf32> to vector<32xf32>
      %swap3A_271 = arith.index_cast %add3A_263 : i32 to index
      %swap3A_272 = arith.constant 0 : index
      %swap3A_273 = tpu.vector_load %arg16[%swap3A_271, %swap3A_272] {strides = array<i32>} : memref<128x32xf32, #tpu.memory_space<vmem>>, vector<1x32xf32>,
      %swap3A_274 = vector.shape_cast %swap3A_273 : vector<1x32xf32> to vector<32xf32>
      %swap3A_275 = vector.shape_cast %get3A_270 : vector<32xf32> to vector<1x32xf32>
      tpu.vector_store %arg16[%swap3A_271, %swap3A_272], %swap3A_275 {strides = array<i32>} : memref<128x32xf32, #tpu.memory_space<vmem>>, vector<1x32xf32>,
      %mul3A_276 = arith.constant 16 : i32
      %mul3A_277 = arith.muli %add3A_238, %mul3A_276 : i32
      %add3A_278 = arith.constant 2 : i32
      %add3A_279 = arith.addi %mul3A_277, %add3A_278 : i32
      %slice3A_280 = vector.extract_strided_slice %mul3A_247 {offsets = [2], sizes = [1], strides = [1]} : vector<16xi32> to vector<1xi32>
      %squeeze3A_281 = vector.extract %slice3A_280[0] : i32 from vector<1xi32>
      %multiple_of3A_282 = tpu.assume_multiple %squeeze3A_281, 32 : i32
      %get3A_283 = arith.index_cast %add3A_279 : i32 to index
      %get3A_284 = arith.index_cast %multiple_of3A_282 : i32 to index
      %get3A_285 = tpu.vector_load %arg14[%get3A_283, %get3A_284] {strides = array<i32>} : memref<128x128xf32, #tpu.memory_space<vmem>>, vector<1x32xf32>,
      %get3A_286 = vector.shape_cast %get3A_285 : vector<1x32xf32> to vector<32xf32>
      %swap3A_287 = arith.index_cast %add3A_279 : i32 to index
      %swap3A_288 = arith.constant 0 : index
      %swap3A_289 = tpu.vector_load %arg16[%swap3A_287, %swap3A_288] {strides = array<i32>} : memref<128x32xf32, #tpu.memory_space<vmem>>, vector<1x32xf32>,
      %swap3A_290 = vector.shape_cast %swap3A_289 : vector<1x32xf32> to vector<32xf32>
      %swap3A_291 = vector.shape_cast %get3A_286 : vector<32xf32> to vector<1x32xf32>
      tpu.vector_store %arg16[%swap3A_287, %swap3A_288], %swap3A_291 {strides = array<i32>} : memref<128x32xf32, #tpu.memory_space<vmem>>, vector<1x32xf32>,
      %mul3A_292 = arith.constant 16 : i32
      %mul3A_293 = arith.muli %add3A_238, %mul3A_292 : i32
      %add3A_294 = arith.constant 3 : i32
      %add3A_295 = arith.addi %mul3A_293, %add3A_294 : i32
      %slice3A_296 = vector.extract_strided_slice %mul3A_247 {offsets = [3], sizes = [1], strides = [1]} : vector<16xi32> to vector<1xi32>
      %squeeze3A_297 = vector.extract %slice3A_296[0] : i32 from vector<1xi32>
      %multiple_of3A_298 = tpu.assume_multiple %squeeze3A_297, 32 : i32
      %get3A_299 = arith.index_cast %add3A_295 : i32 to index
      %get3A_300 = arith.index_cast %multiple_of3A_298 : i32 to index
      %get3A_301 = tpu.vector_load %arg14[%get3A_299, %get3A_300] {strides = array<i32>} : memref<128x128xf32, #tpu.memory_space<vmem>>, vector<1x32xf32>,
      %get3A_302 = vector.shape_cast %get3A_301 : vector<1x32xf32> to vector<32xf32>
      %swap3A_303 = arith.index_cast %add3A_295 : i32 to index
      %swap3A_304 = arith.constant 0 : index
      %swap3A_305 = tpu.vector_load %arg16[%swap3A_303, %swap3A_304] {strides = array<i32>} : memref<128x32xf32, #tpu.memory_space<vmem>>, vector<1x32xf32>,
      %swap3A_306 = vector.shape_cast %swap3A_305 : vector<1x32xf32> to vector<32xf32>
      %swap3A_307 = vector.shape_cast %get3A_302 : vector<32xf32> to vector<1x32xf32>
      tpu.vector_store %arg16[%swap3A_303, %swap3A_304], %swap3A_307 {strides = array<i32>} : memref<128x32xf32, #tpu.memory_space<vmem>>, vector<1x32xf32>,
      %mul3A_308 = arith.constant 16 : i32
      %mul3A_309 = arith.muli %add3A_238, %mul3A_308 : i32
      %add3A_310 = arith.constant 4 : i32
      %add3A_311 = arith.addi %mul3A_309, %add3A_310 : i32
      %slice3A_312 = vector.extract_strided_slice %mul3A_247 {offsets = [4], sizes = [1], strides = [1]} : vector<16xi32> to vector<1xi32>
      %squeeze3A_313 = vector.extract %slice3A_312[0] : i32 from vector<1xi32>
      %multiple_of3A_314 = tpu.assume_multiple %squeeze3A_313, 32 : i32
      %get3A_315 = arith.index_cast %add3A_311 : i32 to index
      %get3A_316 = arith.index_cast %multiple_of3A_314 : i32 to index
      %get3A_317 = tpu.vector_load %arg14[%get3A_315, %get3A_316] {strides = array<i32>} : memref<128x128xf32, #tpu.memory_space<vmem>>, vector<1x32xf32>,
      %get3A_318 = vector.shape_cast %get3A_317 : vector<1x32xf32> to vector<32xf32>
      %swap3A_319 = arith.index_cast %add3A_311 : i32 to index
      %swap3A_320 = arith.constant 0 : index
      %swap3A_321 = tpu.vector_load %arg16[%swap3A_319, %swap3A_320] {strides = array<i32>} : memref<128x32xf32, #tpu.memory_space<vmem>>, vector<1x32xf32>,
      %swap3A_322 = vector.shape_cast %swap3A_321 : vector<1x32xf32> to vector<32xf32>
      %swap3A_323 = vector.shape_cast %get3A_318 : vector<32xf32> to vector<1x32xf32>
      tpu.vector_store %arg16[%swap3A_319, %swap3A_320], %swap3A_323 {strides = array<i32>} : memref<128x32xf32, #tpu.memory_space<vmem>>, vector<1x32xf32>,
      %mul3A_324 = arith.constant 16 : i32
      %mul3A_325 = arith.muli %add3A_238, %mul3A_324 : i32
      %add3A_326 = arith.constant 5 : i32
      %add3A_327 = arith.addi %mul3A_325, %add3A_326 : i32
      %slice3A_328 = vector.extract_strided_slice %mul3A_247 {offsets = [5], sizes = [1], strides = [1]} : vector<16xi32> to vector<1xi32>
      %squeeze3A_329 = vector.extract %slice3A_328[0] : i32 from vector<1xi32>
      %multiple_of3A_330 = tpu.assume_multiple %squeeze3A_329, 32 : i32
      %get3A_331 = arith.index_cast %add3A_327 : i32 to index
      %get3A_332 = arith.index_cast %multiple_of3A_330 : i32 to index
      %get3A_333 = tpu.vector_load %arg14[%get3A_331, %get3A_332] {strides = array<i32>} : memref<128x128xf32, #tpu.memory_space<vmem>>, vector<1x32xf32>,
      %get3A_334 = vector.shape_cast %get3A_333 : vector<1x32xf32> to vector<32xf32>
      %swap3A_335 = arith.index_cast %add3A_327 : i32 to index
      %swap3A_336 = arith.constant 0 : index
      %swap3A_337 = tpu.vector_load %arg16[%swap3A_335, %swap3A_336] {strides = array<i32>} : memref<128x32xf32, #tpu.memory_space<vmem>>, vector<1x32xf32>,
      %swap3A_338 = vector.shape_cast %swap3A_337 : vector<1x32xf32> to vector<32xf32>
      %swap3A_339 = vector.shape_cast %get3A_334 : vector<32xf32> to vector<1x32xf32>
      tpu.vector_store %arg16[%swap3A_335, %swap3A_336], %swap3A_339 {strides = array<i32>} : memref<128x32xf32, #tpu.memory_space<vmem>>, vector<1x32xf32>,
      %mul3A_340 = arith.constant 16 : i32
      %mul3A_341 = arith.muli %add3A_238, %mul3A_340 : i32
      %add3A_342 = arith.constant 6 : i32
      %add3A_343 = arith.addi %mul3A_341, %add3A_342 : i32
      %slice3A_344 = vector.extract_strided_slice %mul3A_247 {offsets = [6], sizes = [1], strides = [1]} : vector<16xi32> to vector<1xi32>
      %squeeze3A_345 = vector.extract %slice3A_344[0] : i32 from vector<1xi32>
      %multiple_of3A_346 = tpu.assume_multiple %squeeze3A_345, 32 : i32
      %get3A_347 = arith.index_cast %add3A_343 : i32 to index
      %get3A_348 = arith.index_cast %multiple_of3A_346 : i32 to index
      %get3A_349 = tpu.vector_load %arg14[%get3A_347, %get3A_348] {strides = array<i32>} : memref<128x128xf32, #tpu.memory_space<vmem>>, vector<1x32xf32>,
      %get3A_350 = vector.shape_cast %get3A_349 : vector<1x32xf32> to vector<32xf32>
      %swap3A_351 = arith.index_cast %add3A_343 : i32 to index
      %swap3A_352 = arith.constant 0 : index
      %swap3A_353 = tpu.vector_load %arg16[%swap3A_351, %swap3A_352] {strides = array<i32>} : memref<128x32xf32, #tpu.memory_space<vmem>>, vector<1x32xf32>,
      %swap3A_354 = vector.shape_cast %swap3A_353 : vector<1x32xf32> to vector<32xf32>
      %swap3A_355 = vector.shape_cast %get3A_350 : vector<32xf32> to vector<1x32xf32>
      tpu.vector_store %arg16[%swap3A_351, %swap3A_352], %swap3A_355 {strides = array<i32>} : memref<128x32xf32, #tpu.memory_space<vmem>>, vector<1x32xf32>,
      %mul3A_356 = arith.constant 16 : i32
      %mul3A_357 = arith.muli %add3A_238, %mul3A_356 : i32
      %add3A_358 = arith.constant 7 : i32
      %add3A_359 = arith.addi %mul3A_357, %add3A_358 : i32
      %slice3A_360 = vector.extract_strided_slice %mul3A_247 {offsets = [7], sizes = [1], strides = [1]} : vector<16xi32> to vector<1xi32>
      %squeeze3A_361 = vector.extract %slice3A_360[0] : i32 from vector<1xi32>
      %multiple_of3A_362 = tpu.assume_multiple %squeeze3A_361, 32 : i32
      %get3A_363 = arith.index_cast %add3A_359 : i32 to index
      %get3A_364 = arith.index_cast %multiple_of3A_362 : i32 to index
      %get3A_365 = tpu.vector_load %arg14[%get3A_363, %get3A_364] {strides = array<i32>} : memref<128x128xf32, #tpu.memory_space<vmem>>, vector<1x32xf32>,
      %get3A_366 = vector.shape_cast %get3A_365 : vector<1x32xf32> to vector<32xf32>
      %swap3A_367 = arith.index_cast %add3A_359 : i32 to index
      %swap3A_368 = arith.constant 0 : index
      %swap3A_369 = tpu.vector_load %arg16[%swap3A_367, %swap3A_368] {strides = array<i32>} : memref<128x32xf32, #tpu.memory_space<vmem>>, vector<1x32xf32>,
      %swap3A_370 = vector.shape_cast %swap3A_369 : vector<1x32xf32> to vector<32xf32>
      %swap3A_371 = vector.shape_cast %get3A_366 : vector<32xf32> to vector<1x32xf32>
      tpu.vector_store %arg16[%swap3A_367, %swap3A_368], %swap3A_371 {strides = array<i32>} : memref<128x32xf32, #tpu.memory_space<vmem>>, vector<1x32xf32>,
      %mul3A_372 = arith.constant 16 : i32
      %mul3A_373 = arith.muli %add3A_238, %mul3A_372 : i32
      %add3A_374 = arith.constant 8 : i32
      %add3A_375 = arith.addi %mul3A_373, %add3A_374 : i32
      %slice3A_376 = vector.extract_strided_slice %mul3A_247 {offsets = [8], sizes = [1], strides = [1]} : vector<16xi32> to vector<1xi32>
      %squeeze3A_377 = vector.extract %slice3A_376[0] : i32 from vector<1xi32>
      %multiple_of3A_378 = tpu.assume_multiple %squeeze3A_377, 32 : i32
      %get3A_379 = arith.index_cast %add3A_375 : i32 to index
      %get3A_380 = arith.index_cast %multiple_of3A_378 : i32 to index
      %get3A_381 = tpu.vector_load %arg14[%get3A_379, %get3A_380] {strides = array<i32>} : memref<128x128xf32, #tpu.memory_space<vmem>>, vector<1x32xf32>,
      %get3A_382 = vector.shape_cast %get3A_381 : vector<1x32xf32> to vector<32xf32>
      %swap3A_383 = arith.index_cast %add3A_375 : i32 to index
      %swap3A_384 = arith.constant 0 : index
      %swap3A_385 = tpu.vector_load %arg16[%swap3A_383, %swap3A_384] {strides = array<i32>} : memref<128x32xf32, #tpu.memory_space<vmem>>, vector<1x32xf32>,
      %swap3A_386 = vector.shape_cast %swap3A_385 : vector<1x32xf32> to vector<32xf32>
      %swap3A_387 = vector.shape_cast %get3A_382 : vector<32xf32> to vector<1x32xf32>
      tpu.vector_store %arg16[%swap3A_383, %swap3A_384], %swap3A_387 {strides = array<i32>} : memref<128x32xf32, #tpu.memory_space<vmem>>, vector<1x32xf32>,
      %mul3A_388 = arith.constant 16 : i32
      %mul3A_389 = arith.muli %add3A_238, %mul3A_388 : i32
      %add3A_390 = arith.constant 9 : i32
      %add3A_391 = arith.addi %mul3A_389, %add3A_390 : i32
      %slice3A_392 = vector.extract_strided_slice %mul3A_247 {offsets = [9], sizes = [1], strides = [1]} : vector<16xi32> to vector<1xi32>
      %squeeze3A_393 = vector.extract %slice3A_392[0] : i32 from vector<1xi32>
      %multiple_of3A_394 = tpu.assume_multiple %squeeze3A_393, 32 : i32
      %get3A_395 = arith.index_cast %add3A_391 : i32 to index
      %get3A_396 = arith.index_cast %multiple_of3A_394 : i32 to index
      %get3A_397 = tpu.vector_load %arg14[%get3A_395, %get3A_396] {strides = array<i32>} : memref<128x128xf32, #tpu.memory_space<vmem>>, vector<1x32xf32>,
      %get3A_398 = vector.shape_cast %get3A_397 : vector<1x32xf32> to vector<32xf32>
      %swap3A_399 = arith.index_cast %add3A_391 : i32 to index
      %swap3A_400 = arith.constant 0 : index
      %swap3A_401 = tpu.vector_load %arg16[%swap3A_399, %swap3A_400] {strides = array<i32>} : memref<128x32xf32, #tpu.memory_space<vmem>>, vector<1x32xf32>,
      %swap3A_402 = vector.shape_cast %swap3A_401 : vector<1x32xf32> to vector<32xf32>
      %swap3A_403 = vector.shape_cast %get3A_398 : vector<32xf32> to vector<1x32xf32>
      tpu.vector_store %arg16[%swap3A_399, %swap3A_400], %swap3A_403 {strides = array<i32>} : memref<128x32xf32, #tpu.memory_space<vmem>>, vector<1x32xf32>,
      %mul3A_404 = arith.constant 16 : i32
      %mul3A_405 = arith.muli %add3A_238, %mul3A_404 : i32
      %add3A_406 = arith.constant 10 : i32
      %add3A_407 = arith.addi %mul3A_405, %add3A_406 : i32
      %slice3A_408 = vector.extract_strided_slice %mul3A_247 {offsets = [10], sizes = [1], strides = [1]} : vector<16xi32> to vector<1xi32>
      %squeeze3A_409 = vector.extract %slice3A_408[0] : i32 from vector<1xi32>
      %multiple_of3A_410 = tpu.assume_multiple %squeeze3A_409, 32 : i32
      %get3A_411 = arith.index_cast %add3A_407 : i32 to index
      %get3A_412 = arith.index_cast %multiple_of3A_410 : i32 to index
      %get3A_413 = tpu.vector_load %arg14[%get3A_411, %get3A_412] {strides = array<i32>} : memref<128x128xf32, #tpu.memory_space<vmem>>, vector<1x32xf32>,
      %get3A_414 = vector.shape_cast %get3A_413 : vector<1x32xf32> to vector<32xf32>
      %swap3A_415 = arith.index_cast %add3A_407 : i32 to index
      %swap3A_416 = arith.constant 0 : index
      %swap3A_417 = tpu.vector_load %arg16[%swap3A_415, %swap3A_416] {strides = array<i32>} : memref<128x32xf32, #tpu.memory_space<vmem>>, vector<1x32xf32>,
      %swap3A_418 = vector.shape_cast %swap3A_417 : vector<1x32xf32> to vector<32xf32>
      %swap3A_419 = vector.shape_cast %get3A_414 : vector<32xf32> to vector<1x32xf32>
      tpu.vector_store %arg16[%swap3A_415, %swap3A_416], %swap3A_419 {strides = array<i32>} : memref<128x32xf32, #tpu.memory_space<vmem>>, vector<1x32xf32>,
      %mul3A_420 = arith.constant 16 : i32
      %mul3A_421 = arith.muli %add3A_238, %mul3A_420 : i32
      %add3A_422 = arith.constant 11 : i32
      %add3A_423 = arith.addi %mul3A_421, %add3A_422 : i32
      %slice3A_424 = vector.extract_strided_slice %mul3A_247 {offsets = [11], sizes = [1], strides = [1]} : vector<16xi32> to vector<1xi32>
      %squeeze3A_425 = vector.extract %slice3A_424[0] : i32 from vector<1xi32>
      %multiple_of3A_426 = tpu.assume_multiple %squeeze3A_425, 32 : i32
      %get3A_427 = arith.index_cast %add3A_423 : i32 to index
      %get3A_428 = arith.index_cast %multiple_of3A_426 : i32 to index
      %get3A_429 = tpu.vector_load %arg14[%get3A_427, %get3A_428] {strides = array<i32>} : memref<128x128xf32, #tpu.memory_space<vmem>>, vector<1x32xf32>,
      %get3A_430 = vector.shape_cast %get3A_429 : vector<1x32xf32> to vector<32xf32>
      %swap3A_431 = arith.index_cast %add3A_423 : i32 to index
      %swap3A_432 = arith.constant 0 : index
      %swap3A_433 = tpu.vector_load %arg16[%swap3A_431, %swap3A_432] {strides = array<i32>} : memref<128x32xf32, #tpu.memory_space<vmem>>, vector<1x32xf32>,
      %swap3A_434 = vector.shape_cast %swap3A_433 : vector<1x32xf32> to vector<32xf32>
      %swap3A_435 = vector.shape_cast %get3A_430 : vector<32xf32> to vector<1x32xf32>
      tpu.vector_store %arg16[%swap3A_431, %swap3A_432], %swap3A_435 {strides = array<i32>} : memref<128x32xf32, #tpu.memory_space<vmem>>, vector<1x32xf32>,
      %mul3A_436 = arith.constant 16 : i32
      %mul3A_437 = arith.muli %add3A_238, %mul3A_436 : i32
      %add3A_438 = arith.constant 12 : i32
      %add3A_439 = arith.addi %mul3A_437, %add3A_438 : i32
      %slice3A_440 = vector.extract_strided_slice %mul3A_247 {offsets = [12], sizes = [1], strides = [1]} : vector<16xi32> to vector<1xi32>
      %squeeze3A_441 = vector.extract %slice3A_440[0] : i32 from vector<1xi32>
      %multiple_of3A_442 = tpu.assume_multiple %squeeze3A_441, 32 : i32
      %get3A_443 = arith.index_cast %add3A_439 : i32 to index
      %get3A_444 = arith.index_cast %multiple_of3A_442 : i32 to index
      %get3A_445 = tpu.vector_load %arg14[%get3A_443, %get3A_444] {strides = array<i32>} : memref<128x128xf32, #tpu.memory_space<vmem>>, vector<1x32xf32>,
      %get3A_446 = vector.shape_cast %get3A_445 : vector<1x32xf32> to vector<32xf32>
      %swap3A_447 = arith.index_cast %add3A_439 : i32 to index
      %swap3A_448 = arith.constant 0 : index
      %swap3A_449 = tpu.vector_load %arg16[%swap3A_447, %swap3A_448] {strides = array<i32>} : memref<128x32xf32, #tpu.memory_space<vmem>>, vector<1x32xf32>,
      %swap3A_450 = vector.shape_cast %swap3A_449 : vector<1x32xf32> to vector<32xf32>
      %swap3A_451 = vector.shape_cast %get3A_446 : vector<32xf32> to vector<1x32xf32>
      tpu.vector_store %arg16[%swap3A_447, %swap3A_448], %swap3A_451 {strides = array<i32>} : memref<128x32xf32, #tpu.memory_space<vmem>>, vector<1x32xf32>,
      %mul3A_452 = arith.constant 16 : i32
      %mul3A_453 = arith.muli %add3A_238, %mul3A_452 : i32
      %add3A_454 = arith.constant 13 : i32
      %add3A_455 = arith.addi %mul3A_453, %add3A_454 : i32
      %slice3A_456 = vector.extract_strided_slice %mul3A_247 {offsets = [13], sizes = [1], strides = [1]} : vector<16xi32> to vector<1xi32>
      %squeeze3A_457 = vector.extract %slice3A_456[0] : i32 from vector<1xi32>
      %multiple_of3A_458 = tpu.assume_multiple %squeeze3A_457, 32 : i32
      %get3A_459 = arith.index_cast %add3A_455 : i32 to index
      %get3A_460 = arith.index_cast %multiple_of3A_458 : i32 to index
      %get3A_461 = tpu.vector_load %arg14[%get3A_459, %get3A_460] {strides = array<i32>} : memref<128x128xf32, #tpu.memory_space<vmem>>, vector<1x32xf32>,
      %get3A_462 = vector.shape_cast %get3A_461 : vector<1x32xf32> to vector<32xf32>
      %swap3A_463 = arith.index_cast %add3A_455 : i32 to index
      %swap3A_464 = arith.constant 0 : index
      %swap3A_465 = tpu.vector_load %arg16[%swap3A_463, %swap3A_464] {strides = array<i32>} : memref<128x32xf32, #tpu.memory_space<vmem>>, vector<1x32xf32>,
      %swap3A_466 = vector.shape_cast %swap3A_465 : vector<1x32xf32> to vector<32xf32>
      %swap3A_467 = vector.shape_cast %get3A_462 : vector<32xf32> to vector<1x32xf32>
      tpu.vector_store %arg16[%swap3A_463, %swap3A_464], %swap3A_467 {strides = array<i32>} : memref<128x32xf32, #tpu.memory_space<vmem>>, vector<1x32xf32>,
      %mul3A_468 = arith.constant 16 : i32
      %mul3A_469 = arith.muli %add3A_238, %mul3A_468 : i32
      %add3A_470 = arith.constant 14 : i32
      %add3A_471 = arith.addi %mul3A_469, %add3A_470 : i32
      %slice3A_472 = vector.extract_strided_slice %mul3A_247 {offsets = [14], sizes = [1], strides = [1]} : vector<16xi32> to vector<1xi32>
      %squeeze3A_473 = vector.extract %slice3A_472[0] : i32 from vector<1xi32>
      %multiple_of3A_474 = tpu.assume_multiple %squeeze3A_473, 32 : i32
      %get3A_475 = arith.index_cast %add3A_471 : i32 to index
      %get3A_476 = arith.index_cast %multiple_of3A_474 : i32 to index
      %get3A_477 = tpu.vector_load %arg14[%get3A_475, %get3A_476] {strides = array<i32>} : memref<128x128xf32, #tpu.memory_space<vmem>>, vector<1x32xf32>,
      %get3A_478 = vector.shape_cast %get3A_477 : vector<1x32xf32> to vector<32xf32>
      %swap3A_479 = arith.index_cast %add3A_471 : i32 to index
      %swap3A_480 = arith.constant 0 : index
      %swap3A_481 = tpu.vector_load %arg16[%swap3A_479, %swap3A_480] {strides = array<i32>} : memref<128x32xf32, #tpu.memory_space<vmem>>, vector<1x32xf32>,
      %swap3A_482 = vector.shape_cast %swap3A_481 : vector<1x32xf32> to vector<32xf32>
      %swap3A_483 = vector.shape_cast %get3A_478 : vector<32xf32> to vector<1x32xf32>
      tpu.vector_store %arg16[%swap3A_479, %swap3A_480], %swap3A_483 {strides = array<i32>} : memref<128x32xf32, #tpu.memory_space<vmem>>, vector<1x32xf32>,
      %mul3A_484 = arith.constant 16 : i32
      %mul3A_485 = arith.muli %add3A_238, %mul3A_484 : i32
      %add3A_486 = arith.constant 15 : i32
      %add3A_487 = arith.addi %mul3A_485, %add3A_486 : i32
      %slice3A_488 = vector.extract_strided_slice %mul3A_247 {offsets = [15], sizes = [1], strides = [1]} : vector<16xi32> to vector<1xi32>
      %squeeze3A_489 = vector.extract %slice3A_488[0] : i32 from vector<1xi32>
      %multiple_of3A_490 = tpu.assume_multiple %squeeze3A_489, 32 : i32
      %get3A_491 = arith.index_cast %add3A_487 : i32 to index
      %get3A_492 = arith.index_cast %multiple_of3A_490 : i32 to index
      %get3A_493 = tpu.vector_load %arg14[%get3A_491, %get3A_492] {strides = array<i32>} : memref<128x128xf32, #tpu.memory_space<vmem>>, vector<1x32xf32>,
      %get3A_494 = vector.shape_cast %get3A_493 : vector<1x32xf32> to vector<32xf32>
      %swap3A_495 = arith.index_cast %add3A_487 : i32 to index
      %swap3A_496 = arith.constant 0 : index
      %swap3A_497 = tpu.vector_load %arg16[%swap3A_495, %swap3A_496] {strides = array<i32>} : memref<128x32xf32, #tpu.memory_space<vmem>>, vector<1x32xf32>,
      %swap3A_498 = vector.shape_cast %swap3A_497 : vector<1x32xf32> to vector<32xf32>
      %swap3A_499 = vector.shape_cast %get3A_494 : vector<32xf32> to vector<1x32xf32>
      tpu.vector_store %arg16[%swap3A_495, %swap3A_496], %swap3A_499 {strides = array<i32>} : memref<128x32xf32, #tpu.memory_space<vmem>>, vector<1x32xf32>,
    }
    %scan3A_27 = arith.constant 8 : i32
    %add3A_28 = arith.constant 0 : i32
    %add3A_29 = arith.addi %mul3A_4, %add3A_28 : i32
    %dma_start3A_30 = arith.constant 0 : i32
    %dma_start3A_31 = tpu.memref_slice %arg8[%add3A_29, %dma_start3A_30] : memref<16384x32xf32, #tpu.memory_space<hbm>> -> memref<128x32xf32, #tpu.memory_space<hbm>>
    %dma_start3A_32 = arith.constant 0 : i32
    %dma_start3A_33 = tpu.memref_slice %arg8[%add3A_29, %dma_start3A_32] : memref<16384x32xf32, #tpu.memory_space<hbm>> -> memref<128x32xf32, #tpu.memory_space<hbm>>
    tpu.enqueue_dma source(%arg16 : memref<128x32xf32, #tpu.memory_space<vmem>>) target(%dma_start3A_33 : memref<128x32xf32, #tpu.memory_space<hbm>>) target_semaphore(%arg20 : memref<!tpu.dma_semaphore, #tpu.memory_space<semaphore_mem>>)
    %dma_start3A_34 = arith.constant 2 : i32
    %dma_start3A_35 = arith.constant 0 : i32
    %dma_start3A_36 = tpu.memref_slice %arg10[%dma_start3A_34, %dma_start3A_35] : memref<4x128xi32, #tpu.memory_space<vmem>> -> memref<1x128xi32, #tpu.memory_space<vmem>>
    %dma_start3A_37 = tpu.memref_squeeze %dma_start3A_36 : memref<1x128xi32, #tpu.memory_space<vmem>> -> memref<128xi32, #tpu.memory_space<vmem>>
    %dma_start3A_38 = arith.constant 0 : i32
    %dma_start3A_39 = arith.constant 0 : i32
    %dma_start3A_40 = tpu.memref_slice %arg6[%dma_start3A_38, %dma_start3A_39] : memref<253952x128xf32, #tpu.memory_space<hbm>> -> memref<253952x128xf32, #tpu.memory_space<hbm>>
    tpu.enqueue_indirect_dma source(%dma_start3A_40 : memref<253952x128xf32, #tpu.memory_space<hbm>>) target(%arg14 : memref<128x128xf32, #tpu.memory_space<vmem>>) offsets(%dma_start3A_37 : memref<128xi32, #tpu.memory_space<vmem>>) semaphore(%arg18 : memref<!tpu.dma_semaphore, #tpu.memory_space<semaphore_mem>>)
    %dma_wait3A_41 = arith.constant 1 : i32
    %dma_wait3A_42 = arith.constant 0 : i32
    %dma_wait3A_43 = tpu.memref_slice %arg10[%dma_wait3A_41, %dma_wait3A_42] : memref<4x128xi32, #tpu.memory_space<vmem>> -> memref<1x128xi32, #tpu.memory_space<vmem>>
    %dma_wait3A_44 = tpu.memref_squeeze %dma_wait3A_43 : memref<1x128xi32, #tpu.memory_space<vmem>> -> memref<128xi32, #tpu.memory_space<vmem>>
    %dma_wait3A_45 = arith.constant 0 : i32
    %dma_wait3A_46 = arith.constant 0 : i32
    %dma_wait3A_47 = tpu.memref_slice %arg6[%dma_wait3A_45, %dma_wait3A_46] : memref<253952x128xf32, #tpu.memory_space<hbm>> -> memref<253952x128xf32, #tpu.memory_space<hbm>>
    tpu.wait_indirect_dma semaphore(%arg19 : memref<!tpu.dma_semaphore, #tpu.memory_space<semaphore_mem>>) src(%dma_wait3A_47 : memref<253952x128xf32, #tpu.memory_space<hbm>>) dst(%arg15 : memref<128x128xf32, #tpu.memory_space<vmem>>)
    %scan3A_48 = arith.constant 0 : i32
    %scan3A_49 = arith.constant 8 : i32
    %scan3A_50 = arith.addi %scan3A_48, %scan3A_49 : i32
    %scan3A_51 = arith.constant 1 : i32
    scf.for %scan3A_234 = %scan3A_48 to %scan3A_50 step %scan3A_51  : i32 {
      %mul3A_235 = arith.constant 1 : i32
      %mul3A_236 = arith.muli %scan3A_234, %mul3A_235 : i32
      %add3A_237 = arith.constant 0 : i32
      %add3A_238 = arith.addi %add3A_237, %mul3A_236 : i32
      %mul3A_239 = arith.constant 16 : i32
      %mul3A_240 = arith.muli %add3A_238, %mul3A_239 : i32
      %add3A_241 = arith.constant 128 : i32
      %add3A_242 = arith.addi %add3A_241, %mul3A_240 : i32
      %get3A = arith.index_cast %add3A_242 : i32 to index
      %get3A_243 = tpu.vector_load %arg12[%get3A] {strides = array<i32>} : memref<512xi32, #tpu.memory_space<vmem>>, vector<16xi32>,
      %get3A_244 = vector.shape_cast %get3A_243 : vector<16xi32> to vector<16xi32>
      %mul3A_245 = arith.constant 32 : i32
      %mul3A_246 = vector.broadcast %mul3A_245 : i32 to vector<16xi32>
      %mul3A_247 = arith.muli %get3A_244, %mul3A_246 : vector<16xi32>
      %mul3A_248 = arith.constant 16 : i32
      %mul3A_249 = arith.muli %add3A_238, %mul3A_248 : i32
      %add3A_250 = arith.constant 0 : i32
      %add3A_251 = arith.addi %mul3A_249, %add3A_250 : i32
      %slice3A = vector.extract_strided_slice %mul3A_247 {offsets = [0], sizes = [1], strides = [1]} : vector<16xi32> to vector<1xi32>
      %squeeze3A = vector.extract %slice3A[0] : i32 from vector<1xi32>
      %multiple_of3A = tpu.assume_multiple %squeeze3A, 32 : i32
      %get3A_252 = arith.index_cast %add3A_251 : i32 to index
      %get3A_253 = arith.index_cast %multiple_of3A : i32 to index
      %get3A_254 = tpu.vector_load %arg15[%get3A_252, %get3A_253] {strides = array<i32>} : memref<128x128xf32, #tpu.memory_space<vmem>>, vector<1x32xf32>,
      %get3A_255 = vector.shape_cast %get3A_254 : vector<1x32xf32> to vector<32xf32>
      %swap3A = arith.index_cast %add3A_251 : i32 to index
      %swap3A_256 = arith.constant 0 : index
      %swap3A_257 = tpu.vector_load %arg17[%swap3A, %swap3A_256] {strides = array<i32>} : memref<128x32xf32, #tpu.memory_space<vmem>>, vector<1x32xf32>,
      %swap3A_258 = vector.shape_cast %swap3A_257 : vector<1x32xf32> to vector<32xf32>
      %swap3A_259 = vector.shape_cast %get3A_255 : vector<32xf32> to vector<1x32xf32>
      tpu.vector_store %arg17[%swap3A, %swap3A_256], %swap3A_259 {strides = array<i32>} : memref<128x32xf32, #tpu.memory_space<vmem>>, vector<1x32xf32>,
      %mul3A_260 = arith.constant 16 : i32
      %mul3A_261 = arith.muli %add3A_238, %mul3A_260 : i32
      %add3A_262 = arith.constant 1 : i32
      %add3A_263 = arith.addi %mul3A_261, %add3A_262 : i32
      %slice3A_264 = vector.extract_strided_slice %mul3A_247 {offsets = [1], sizes = [1], strides = [1]} : vector<16xi32> to vector<1xi32>
      %squeeze3A_265 = vector.extract %slice3A_264[0] : i32 from vector<1xi32>
      %multiple_of3A_266 = tpu.assume_multiple %squeeze3A_265, 32 : i32
      %get3A_267 = arith.index_cast %add3A_263 : i32 to index
      %get3A_268 = arith.index_cast %multiple_of3A_266 : i32 to index
      %get3A_269 = tpu.vector_load %arg15[%get3A_267, %get3A_268] {strides = array<i32>} : memref<128x128xf32, #tpu.memory_space<vmem>>, vector<1x32xf32>,
      %get3A_270 = vector.shape_cast %get3A_269 : vector<1x32xf32> to vector<32xf32>
      %swap3A_271 = arith.index_cast %add3A_263 : i32 to index
      %swap3A_272 = arith.constant 0 : index
      %swap3A_273 = tpu.vector_load %arg17[%swap3A_271, %swap3A_272] {strides = array<i32>} : memref<128x32xf32, #tpu.memory_space<vmem>>, vector<1x32xf32>,
      %swap3A_274 = vector.shape_cast %swap3A_273 : vector<1x32xf32> to vector<32xf32>
      %swap3A_275 = vector.shape_cast %get3A_270 : vector<32xf32> to vector<1x32xf32>
      tpu.vector_store %arg17[%swap3A_271, %swap3A_272], %swap3A_275 {strides = array<i32>} : memref<128x32xf32, #tpu.memory_space<vmem>>, vector<1x32xf32>,
      %mul3A_276 = arith.constant 16 : i32
      %mul3A_277 = arith.muli %add3A_238, %mul3A_276 : i32
      %add3A_278 = arith.constant 2 : i32
      %add3A_279 = arith.addi %mul3A_277, %add3A_278 : i32
      %slice3A_280 = vector.extract_strided_slice %mul3A_247 {offsets = [2], sizes = [1], strides = [1]} : vector<16xi32> to vector<1xi32>
      %squeeze3A_281 = vector.extract %slice3A_280[0] : i32 from vector<1xi32>
      %multiple_of3A_282 = tpu.assume_multiple %squeeze3A_281, 32 : i32
      %get3A_283 = arith.index_cast %add3A_279 : i32 to index
      %get3A_284 = arith.index_cast %multiple_of3A_282 : i32 to index
      %get3A_285 = tpu.vector_load %arg15[%get3A_283, %get3A_284] {strides = array<i32>} : memref<128x128xf32, #tpu.memory_space<vmem>>, vector<1x32xf32>,
      %get3A_286 = vector.shape_cast %get3A_285 : vector<1x32xf32> to vector<32xf32>
      %swap3A_287 = arith.index_cast %add3A_279 : i32 to index
      %swap3A_288 = arith.constant 0 : index
      %swap3A_289 = tpu.vector_load %arg17[%swap3A_287, %swap3A_288] {strides = array<i32>} : memref<128x32xf32, #tpu.memory_space<vmem>>, vector<1x32xf32>,
      %swap3A_290 = vector.shape_cast %swap3A_289 : vector<1x32xf32> to vector<32xf32>
      %swap3A_291 = vector.shape_cast %get3A_286 : vector<32xf32> to vector<1x32xf32>
      tpu.vector_store %arg17[%swap3A_287, %swap3A_288], %swap3A_291 {strides = array<i32>} : memref<128x32xf32, #tpu.memory_space<vmem>>, vector<1x32xf32>,
      %mul3A_292 = arith.constant 16 : i32
      %mul3A_293 = arith.muli %add3A_238, %mul3A_292 : i32
      %add3A_294 = arith.constant 3 : i32
      %add3A_295 = arith.addi %mul3A_293, %add3A_294 : i32
      %slice3A_296 = vector.extract_strided_slice %mul3A_247 {offsets = [3], sizes = [1], strides = [1]} : vector<16xi32> to vector<1xi32>
      %squeeze3A_297 = vector.extract %slice3A_296[0] : i32 from vector<1xi32>
      %multiple_of3A_298 = tpu.assume_multiple %squeeze3A_297, 32 : i32
      %get3A_299 = arith.index_cast %add3A_295 : i32 to index
      %get3A_300 = arith.index_cast %multiple_of3A_298 : i32 to index
      %get3A_301 = tpu.vector_load %arg15[%get3A_299, %get3A_300] {strides = array<i32>} : memref<128x128xf32, #tpu.memory_space<vmem>>, vector<1x32xf32>,
      %get3A_302 = vector.shape_cast %get3A_301 : vector<1x32xf32> to vector<32xf32>
      %swap3A_303 = arith.index_cast %add3A_295 : i32 to index
      %swap3A_304 = arith.constant 0 : index
      %swap3A_305 = tpu.vector_load %arg17[%swap3A_303, %swap3A_304] {strides = array<i32>} : memref<128x32xf32, #tpu.memory_space<vmem>>, vector<1x32xf32>,
      %swap3A_306 = vector.shape_cast %swap3A_305 : vector<1x32xf32> to vector<32xf32>
      %swap3A_307 = vector.shape_cast %get3A_302 : vector<32xf32> to vector<1x32xf32>
      tpu.vector_store %arg17[%swap3A_303, %swap3A_304], %swap3A_307 {strides = array<i32>} : memref<128x32xf32, #tpu.memory_space<vmem>>, vector<1x32xf32>,
      %mul3A_308 = arith.constant 16 : i32
      %mul3A_309 = arith.muli %add3A_238, %mul3A_308 : i32
      %add3A_310 = arith.constant 4 : i32
      %add3A_311 = arith.addi %mul3A_309, %add3A_310 : i32
      %slice3A_312 = vector.extract_strided_slice %mul3A_247 {offsets = [4], sizes = [1], strides = [1]} : vector<16xi32> to vector<1xi32>
      %squeeze3A_313 = vector.extract %slice3A_312[0] : i32 from vector<1xi32>
      %multiple_of3A_314 = tpu.assume_multiple %squeeze3A_313, 32 : i32
      %get3A_315 = arith.index_cast %add3A_311 : i32 to index
      %get3A_316 = arith.index_cast %multiple_of3A_314 : i32 to index
      %get3A_317 = tpu.vector_load %arg15[%get3A_315, %get3A_316] {strides = array<i32>} : memref<128x128xf32, #tpu.memory_space<vmem>>, vector<1x32xf32>,
      %get3A_318 = vector.shape_cast %get3A_317 : vector<1x32xf32> to vector<32xf32>
      %swap3A_319 = arith.index_cast %add3A_311 : i32 to index
      %swap3A_320 = arith.constant 0 : index
      %swap3A_321 = tpu.vector_load %arg17[%swap3A_319, %swap3A_320] {strides = array<i32>} : memref<128x32xf32, #tpu.memory_space<vmem>>, vector<1x32xf32>,
      %swap3A_322 = vector.shape_cast %swap3A_321 : vector<1x32xf32> to vector<32xf32>
      %swap3A_323 = vector.shape_cast %get3A_318 : vector<32xf32> to vector<1x32xf32>
      tpu.vector_store %arg17[%swap3A_319, %swap3A_320], %swap3A_323 {strides = array<i32>} : memref<128x32xf32, #tpu.memory_space<vmem>>, vector<1x32xf32>,
      %mul3A_324 = arith.constant 16 : i32
      %mul3A_325 = arith.muli %add3A_238, %mul3A_324 : i32
      %add3A_326 = arith.constant 5 : i32
      %add3A_327 = arith.addi %mul3A_325, %add3A_326 : i32
      %slice3A_328 = vector.extract_strided_slice %mul3A_247 {offsets = [5], sizes = [1], strides = [1]} : vector<16xi32> to vector<1xi32>
      %squeeze3A_329 = vector.extract %slice3A_328[0] : i32 from vector<1xi32>
      %multiple_of3A_330 = tpu.assume_multiple %squeeze3A_329, 32 : i32
      %get3A_331 = arith.index_cast %add3A_327 : i32 to index
      %get3A_332 = arith.index_cast %multiple_of3A_330 : i32 to index
      %get3A_333 = tpu.vector_load %arg15[%get3A_331, %get3A_332] {strides = array<i32>} : memref<128x128xf32, #tpu.memory_space<vmem>>, vector<1x32xf32>,
      %get3A_334 = vector.shape_cast %get3A_333 : vector<1x32xf32> to vector<32xf32>
      %swap3A_335 = arith.index_cast %add3A_327 : i32 to index
      %swap3A_336 = arith.constant 0 : index
      %swap3A_337 = tpu.vector_load %arg17[%swap3A_335, %swap3A_336] {strides = array<i32>} : memref<128x32xf32, #tpu.memory_space<vmem>>, vector<1x32xf32>,
      %swap3A_338 = vector.shape_cast %swap3A_337 : vector<1x32xf32> to vector<32xf32>
      %swap3A_339 = vector.shape_cast %get3A_334 : vector<32xf32> to vector<1x32xf32>
      tpu.vector_store %arg17[%swap3A_335, %swap3A_336], %swap3A_339 {strides = array<i32>} : memref<128x32xf32, #tpu.memory_space<vmem>>, vector<1x32xf32>,
      %mul3A_340 = arith.constant 16 : i32
      %mul3A_341 = arith.muli %add3A_238, %mul3A_340 : i32
      %add3A_342 = arith.constant 6 : i32
      %add3A_343 = arith.addi %mul3A_341, %add3A_342 : i32
      %slice3A_344 = vector.extract_strided_slice %mul3A_247 {offsets = [6], sizes = [1], strides = [1]} : vector<16xi32> to vector<1xi32>
      %squeeze3A_345 = vector.extract %slice3A_344[0] : i32 from vector<1xi32>
      %multiple_of3A_346 = tpu.assume_multiple %squeeze3A_345, 32 : i32
      %get3A_347 = arith.index_cast %add3A_343 : i32 to index
      %get3A_348 = arith.index_cast %multiple_of3A_346 : i32 to index
      %get3A_349 = tpu.vector_load %arg15[%get3A_347, %get3A_348] {strides = array<i32>} : memref<128x128xf32, #tpu.memory_space<vmem>>, vector<1x32xf32>,
      %get3A_350 = vector.shape_cast %get3A_349 : vector<1x32xf32> to vector<32xf32>
      %swap3A_351 = arith.index_cast %add3A_343 : i32 to index
      %swap3A_352 = arith.constant 0 : index
      %swap3A_353 = tpu.vector_load %arg17[%swap3A_351, %swap3A_352] {strides = array<i32>} : memref<128x32xf32, #tpu.memory_space<vmem>>, vector<1x32xf32>,
      %swap3A_354 = vector.shape_cast %swap3A_353 : vector<1x32xf32> to vector<32xf32>
      %swap3A_355 = vector.shape_cast %get3A_350 : vector<32xf32> to vector<1x32xf32>
      tpu.vector_store %arg17[%swap3A_351, %swap3A_352], %swap3A_355 {strides = array<i32>} : memref<128x32xf32, #tpu.memory_space<vmem>>, vector<1x32xf32>,
      %mul3A_356 = arith.constant 16 : i32
      %mul3A_357 = arith.muli %add3A_238, %mul3A_356 : i32
      %add3A_358 = arith.constant 7 : i32
      %add3A_359 = arith.addi %mul3A_357, %add3A_358 : i32
      %slice3A_360 = vector.extract_strided_slice %mul3A_247 {offsets = [7], sizes = [1], strides = [1]} : vector<16xi32> to vector<1xi32>
      %squeeze3A_361 = vector.extract %slice3A_360[0] : i32 from vector<1xi32>
      %multiple_of3A_362 = tpu.assume_multiple %squeeze3A_361, 32 : i32
      %get3A_363 = arith.index_cast %add3A_359 : i32 to index
      %get3A_364 = arith.index_cast %multiple_of3A_362 : i32 to index
      %get3A_365 = tpu.vector_load %arg15[%get3A_363, %get3A_364] {strides = array<i32>} : memref<128x128xf32, #tpu.memory_space<vmem>>, vector<1x32xf32>,
      %get3A_366 = vector.shape_cast %get3A_365 : vector<1x32xf32> to vector<32xf32>
      %swap3A_367 = arith.index_cast %add3A_359 : i32 to index
      %swap3A_368 = arith.constant 0 : index
      %swap3A_369 = tpu.vector_load %arg17[%swap3A_367, %swap3A_368] {strides = array<i32>} : memref<128x32xf32, #tpu.memory_space<vmem>>, vector<1x32xf32>,
      %swap3A_370 = vector.shape_cast %swap3A_369 : vector<1x32xf32> to vector<32xf32>
      %swap3A_371 = vector.shape_cast %get3A_366 : vector<32xf32> to vector<1x32xf32>
      tpu.vector_store %arg17[%swap3A_367, %swap3A_368], %swap3A_371 {strides = array<i32>} : memref<128x32xf32, #tpu.memory_space<vmem>>, vector<1x32xf32>,
      %mul3A_372 = arith.constant 16 : i32
      %mul3A_373 = arith.muli %add3A_238, %mul3A_372 : i32
      %add3A_374 = arith.constant 8 : i32
      %add3A_375 = arith.addi %mul3A_373, %add3A_374 : i32
      %slice3A_376 = vector.extract_strided_slice %mul3A_247 {offsets = [8], sizes = [1], strides = [1]} : vector<16xi32> to vector<1xi32>
      %squeeze3A_377 = vector.extract %slice3A_376[0] : i32 from vector<1xi32>
      %multiple_of3A_378 = tpu.assume_multiple %squeeze3A_377, 32 : i32
      %get3A_379 = arith.index_cast %add3A_375 : i32 to index
      %get3A_380 = arith.index_cast %multiple_of3A_378 : i32 to index
      %get3A_381 = tpu.vector_load %arg15[%get3A_379, %get3A_380] {strides = array<i32>} : memref<128x128xf32, #tpu.memory_space<vmem>>, vector<1x32xf32>,
      %get3A_382 = vector.shape_cast %get3A_381 : vector<1x32xf32> to vector<32xf32>
      %swap3A_383 = arith.index_cast %add3A_375 : i32 to index
      %swap3A_384 = arith.constant 0 : index
      %swap3A_385 = tpu.vector_load %arg17[%swap3A_383, %swap3A_384] {strides = array<i32>} : memref<128x32xf32, #tpu.memory_space<vmem>>, vector<1x32xf32>,
      %swap3A_386 = vector.shape_cast %swap3A_385 : vector<1x32xf32> to vector<32xf32>
      %swap3A_387 = vector.shape_cast %get3A_382 : vector<32xf32> to vector<1x32xf32>
      tpu.vector_store %arg17[%swap3A_383, %swap3A_384], %swap3A_387 {strides = array<i32>} : memref<128x32xf32, #tpu.memory_space<vmem>>, vector<1x32xf32>,
      %mul3A_388 = arith.constant 16 : i32
      %mul3A_389 = arith.muli %add3A_238, %mul3A_388 : i32
      %add3A_390 = arith.constant 9 : i32
      %add3A_391 = arith.addi %mul3A_389, %add3A_390 : i32
      %slice3A_392 = vector.extract_strided_slice %mul3A_247 {offsets = [9], sizes = [1], strides = [1]} : vector<16xi32> to vector<1xi32>
      %squeeze3A_393 = vector.extract %slice3A_392[0] : i32 from vector<1xi32>
      %multiple_of3A_394 = tpu.assume_multiple %squeeze3A_393, 32 : i32
      %get3A_395 = arith.index_cast %add3A_391 : i32 to index
      %get3A_396 = arith.index_cast %multiple_of3A_394 : i32 to index
      %get3A_397 = tpu.vector_load %arg15[%get3A_395, %get3A_396] {strides = array<i32>} : memref<128x128xf32, #tpu.memory_space<vmem>>, vector<1x32xf32>,
      %get3A_398 = vector.shape_cast %get3A_397 : vector<1x32xf32> to vector<32xf32>
      %swap3A_399 = arith.index_cast %add3A_391 : i32 to index
      %swap3A_400 = arith.constant 0 : index
      %swap3A_401 = tpu.vector_load %arg17[%swap3A_399, %swap3A_400] {strides = array<i32>} : memref<128x32xf32, #tpu.memory_space<vmem>>, vector<1x32xf32>,
      %swap3A_402 = vector.shape_cast %swap3A_401 : vector<1x32xf32> to vector<32xf32>
      %swap3A_403 = vector.shape_cast %get3A_398 : vector<32xf32> to vector<1x32xf32>
      tpu.vector_store %arg17[%swap3A_399, %swap3A_400], %swap3A_403 {strides = array<i32>} : memref<128x32xf32, #tpu.memory_space<vmem>>, vector<1x32xf32>,
      %mul3A_404 = arith.constant 16 : i32
      %mul3A_405 = arith.muli %add3A_238, %mul3A_404 : i32
      %add3A_406 = arith.constant 10 : i32
      %add3A_407 = arith.addi %mul3A_405, %add3A_406 : i32
      %slice3A_408 = vector.extract_strided_slice %mul3A_247 {offsets = [10], sizes = [1], strides = [1]} : vector<16xi32> to vector<1xi32>
      %squeeze3A_409 = vector.extract %slice3A_408[0] : i32 from vector<1xi32>
      %multiple_of3A_410 = tpu.assume_multiple %squeeze3A_409, 32 : i32
      %get3A_411 = arith.index_cast %add3A_407 : i32 to index
      %get3A_412 = arith.index_cast %multiple_of3A_410 : i32 to index
      %get3A_413 = tpu.vector_load %arg15[%get3A_411, %get3A_412] {strides = array<i32>} : memref<128x128xf32, #tpu.memory_space<vmem>>, vector<1x32xf32>,
      %get3A_414 = vector.shape_cast %get3A_413 : vector<1x32xf32> to vector<32xf32>
      %swap3A_415 = arith.index_cast %add3A_407 : i32 to index
      %swap3A_416 = arith.constant 0 : index
      %swap3A_417 = tpu.vector_load %arg17[%swap3A_415, %swap3A_416] {strides = array<i32>} : memref<128x32xf32, #tpu.memory_space<vmem>>, vector<1x32xf32>,
      %swap3A_418 = vector.shape_cast %swap3A_417 : vector<1x32xf32> to vector<32xf32>
      %swap3A_419 = vector.shape_cast %get3A_414 : vector<32xf32> to vector<1x32xf32>
      tpu.vector_store %arg17[%swap3A_415, %swap3A_416], %swap3A_419 {strides = array<i32>} : memref<128x32xf32, #tpu.memory_space<vmem>>, vector<1x32xf32>,
      %mul3A_420 = arith.constant 16 : i32
      %mul3A_421 = arith.muli %add3A_238, %mul3A_420 : i32
      %add3A_422 = arith.constant 11 : i32
      %add3A_423 = arith.addi %mul3A_421, %add3A_422 : i32
      %slice3A_424 = vector.extract_strided_slice %mul3A_247 {offsets = [11], sizes = [1], strides = [1]} : vector<16xi32> to vector<1xi32>
      %squeeze3A_425 = vector.extract %slice3A_424[0] : i32 from vector<1xi32>
      %multiple_of3A_426 = tpu.assume_multiple %squeeze3A_425, 32 : i32
      %get3A_427 = arith.index_cast %add3A_423 : i32 to index
      %get3A_428 = arith.index_cast %multiple_of3A_426 : i32 to index
      %get3A_429 = tpu.vector_load %arg15[%get3A_427, %get3A_428] {strides = array<i32>} : memref<128x128xf32, #tpu.memory_space<vmem>>, vector<1x32xf32>,
      %get3A_430 = vector.shape_cast %get3A_429 : vector<1x32xf32> to vector<32xf32>
      %swap3A_431 = arith.index_cast %add3A_423 : i32 to index
      %swap3A_432 = arith.constant 0 : index
      %swap3A_433 = tpu.vector_load %arg17[%swap3A_431, %swap3A_432] {strides = array<i32>} : memref<128x32xf32, #tpu.memory_space<vmem>>, vector<1x32xf32>,
      %swap3A_434 = vector.shape_cast %swap3A_433 : vector<1x32xf32> to vector<32xf32>
      %swap3A_435 = vector.shape_cast %get3A_430 : vector<32xf32> to vector<1x32xf32>
      tpu.vector_store %arg17[%swap3A_431, %swap3A_432], %swap3A_435 {strides = array<i32>} : memref<128x32xf32, #tpu.memory_space<vmem>>, vector<1x32xf32>,
      %mul3A_436 = arith.constant 16 : i32
      %mul3A_437 = arith.muli %add3A_238, %mul3A_436 : i32
      %add3A_438 = arith.constant 12 : i32
      %add3A_439 = arith.addi %mul3A_437, %add3A_438 : i32
      %slice3A_440 = vector.extract_strided_slice %mul3A_247 {offsets = [12], sizes = [1], strides = [1]} : vector<16xi32> to vector<1xi32>
      %squeeze3A_441 = vector.extract %slice3A_440[0] : i32 from vector<1xi32>
      %multiple_of3A_442 = tpu.assume_multiple %squeeze3A_441, 32 : i32
      %get3A_443 = arith.index_cast %add3A_439 : i32 to index
      %get3A_444 = arith.index_cast %multiple_of3A_442 : i32 to index
      %get3A_445 = tpu.vector_load %arg15[%get3A_443, %get3A_444] {strides = array<i32>} : memref<128x128xf32, #tpu.memory_space<vmem>>, vector<1x32xf32>,
      %get3A_446 = vector.shape_cast %get3A_445 : vector<1x32xf32> to vector<32xf32>
      %swap3A_447 = arith.index_cast %add3A_439 : i32 to index
      %swap3A_448 = arith.constant 0 : index
      %swap3A_449 = tpu.vector_load %arg17[%swap3A_447, %swap3A_448] {strides = array<i32>} : memref<128x32xf32, #tpu.memory_space<vmem>>, vector<1x32xf32>,
      %swap3A_450 = vector.shape_cast %swap3A_449 : vector<1x32xf32> to vector<32xf32>
      %swap3A_451 = vector.shape_cast %get3A_446 : vector<32xf32> to vector<1x32xf32>
      tpu.vector_store %arg17[%swap3A_447, %swap3A_448], %swap3A_451 {strides = array<i32>} : memref<128x32xf32, #tpu.memory_space<vmem>>, vector<1x32xf32>,
      %mul3A_452 = arith.constant 16 : i32
      %mul3A_453 = arith.muli %add3A_238, %mul3A_452 : i32
      %add3A_454 = arith.constant 13 : i32
      %add3A_455 = arith.addi %mul3A_453, %add3A_454 : i32
      %slice3A_456 = vector.extract_strided_slice %mul3A_247 {offsets = [13], sizes = [1], strides = [1]} : vector<16xi32> to vector<1xi32>
      %squeeze3A_457 = vector.extract %slice3A_456[0] : i32 from vector<1xi32>
      %multiple_of3A_458 = tpu.assume_multiple %squeeze3A_457, 32 : i32
      %get3A_459 = arith.index_cast %add3A_455 : i32 to index
      %get3A_460 = arith.index_cast %multiple_of3A_458 : i32 to index
      %get3A_461 = tpu.vector_load %arg15[%get3A_459, %get3A_460] {strides = array<i32>} : memref<128x128xf32, #tpu.memory_space<vmem>>, vector<1x32xf32>,
      %get3A_462 = vector.shape_cast %get3A_461 : vector<1x32xf32> to vector<32xf32>
      %swap3A_463 = arith.index_cast %add3A_455 : i32 to index
      %swap3A_464 = arith.constant 0 : index
      %swap3A_465 = tpu.vector_load %arg17[%swap3A_463, %swap3A_464] {strides = array<i32>} : memref<128x32xf32, #tpu.memory_space<vmem>>, vector<1x32xf32>,
      %swap3A_466 = vector.shape_cast %swap3A_465 : vector<1x32xf32> to vector<32xf32>
      %swap3A_467 = vector.shape_cast %get3A_462 : vector<32xf32> to vector<1x32xf32>
      tpu.vector_store %arg17[%swap3A_463, %swap3A_464], %swap3A_467 {strides = array<i32>} : memref<128x32xf32, #tpu.memory_space<vmem>>, vector<1x32xf32>,
      %mul3A_468 = arith.constant 16 : i32
      %mul3A_469 = arith.muli %add3A_238, %mul3A_468 : i32
      %add3A_470 = arith.constant 14 : i32
      %add3A_471 = arith.addi %mul3A_469, %add3A_470 : i32
      %slice3A_472 = vector.extract_strided_slice %mul3A_247 {offsets = [14], sizes = [1], strides = [1]} : vector<16xi32> to vector<1xi32>
      %squeeze3A_473 = vector.extract %slice3A_472[0] : i32 from vector<1xi32>
      %multiple_of3A_474 = tpu.assume_multiple %squeeze3A_473, 32 : i32
      %get3A_475 = arith.index_cast %add3A_471 : i32 to index
      %get3A_476 = arith.index_cast %multiple_of3A_474 : i32 to index
      %get3A_477 = tpu.vector_load %arg15[%get3A_475, %get3A_476] {strides = array<i32>} : memref<128x128xf32, #tpu.memory_space<vmem>>, vector<1x32xf32>,
      %get3A_478 = vector.shape_cast %get3A_477 : vector<1x32xf32> to vector<32xf32>
      %swap3A_479 = arith.index_cast %add3A_471 : i32 to index
      %swap3A_480 = arith.constant 0 : index
      %swap3A_481 = tpu.vector_load %arg17[%swap3A_479, %swap3A_480] {strides = array<i32>} : memref<128x32xf32, #tpu.memory_space<vmem>>, vector<1x32xf32>,
      %swap3A_482 = vector.shape_cast %swap3A_481 : vector<1x32xf32> to vector<32xf32>
      %swap3A_483 = vector.shape_cast %get3A_478 : vector<32xf32> to vector<1x32xf32>
      tpu.vector_store %arg17[%swap3A_479, %swap3A_480], %swap3A_483 {strides = array<i32>} : memref<128x32xf32, #tpu.memory_space<vmem>>, vector<1x32xf32>,
      %mul3A_484 = arith.constant 16 : i32
      %mul3A_485 = arith.muli %add3A_238, %mul3A_484 : i32
      %add3A_486 = arith.constant 15 : i32
      %add3A_487 = arith.addi %mul3A_485, %add3A_486 : i32
      %slice3A_488 = vector.extract_strided_slice %mul3A_247 {offsets = [15], sizes = [1], strides = [1]} : vector<16xi32> to vector<1xi32>
      %squeeze3A_489 = vector.extract %slice3A_488[0] : i32 from vector<1xi32>
      %multiple_of3A_490 = tpu.assume_multiple %squeeze3A_489, 32 : i32
      %get3A_491 = arith.index_cast %add3A_487 : i32 to index
      %get3A_492 = arith.index_cast %multiple_of3A_490 : i32 to index
      %get3A_493 = tpu.vector_load %arg15[%get3A_491, %get3A_492] {strides = array<i32>} : memref<128x128xf32, #tpu.memory_space<vmem>>, vector<1x32xf32>,
      %get3A_494 = vector.shape_cast %get3A_493 : vector<1x32xf32> to vector<32xf32>
      %swap3A_495 = arith.index_cast %add3A_487 : i32 to index
      %swap3A_496 = arith.constant 0 : index
      %swap3A_497 = tpu.vector_load %arg17[%swap3A_495, %swap3A_496] {strides = array<i32>} : memref<128x32xf32, #tpu.memory_space<vmem>>, vector<1x32xf32>,
      %swap3A_498 = vector.shape_cast %swap3A_497 : vector<1x32xf32> to vector<32xf32>
      %swap3A_499 = vector.shape_cast %get3A_494 : vector<32xf32> to vector<1x32xf32>
      tpu.vector_store %arg17[%swap3A_495, %swap3A_496], %swap3A_499 {strides = array<i32>} : memref<128x32xf32, #tpu.memory_space<vmem>>, vector<1x32xf32>,
    }
    %scan3A_52 = arith.constant 8 : i32
    %add3A_53 = arith.constant 128 : i32
    %add3A_54 = arith.addi %mul3A_4, %add3A_53 : i32
    %dma_start3A_55 = arith.constant 0 : i32
    %dma_start3A_56 = tpu.memref_slice %arg8[%add3A_54, %dma_start3A_55] : memref<16384x32xf32, #tpu.memory_space<hbm>> -> memref<128x32xf32, #tpu.memory_space<hbm>>
    %dma_start3A_57 = arith.constant 0 : i32
    %dma_start3A_58 = tpu.memref_slice %arg8[%add3A_54, %dma_start3A_57] : memref<16384x32xf32, #tpu.memory_space<hbm>> -> memref<128x32xf32, #tpu.memory_space<hbm>>
    tpu.enqueue_dma source(%arg17 : memref<128x32xf32, #tpu.memory_space<vmem>>) target(%dma_start3A_58 : memref<128x32xf32, #tpu.memory_space<hbm>>) target_semaphore(%arg20 : memref<!tpu.dma_semaphore, #tpu.memory_space<semaphore_mem>>)
    %dma_start3A_59 = arith.constant 3 : i32
    %dma_start3A_60 = arith.constant 0 : i32
    %dma_start3A_61 = tpu.memref_slice %arg10[%dma_start3A_59, %dma_start3A_60] : memref<4x128xi32, #tpu.memory_space<vmem>> -> memref<1x128xi32, #tpu.memory_space<vmem>>
    %dma_start3A_62 = tpu.memref_squeeze %dma_start3A_61 : memref<1x128xi32, #tpu.memory_space<vmem>> -> memref<128xi32, #tpu.memory_space<vmem>>
    %dma_start3A_63 = arith.constant 0 : i32
    %dma_start3A_64 = arith.constant 0 : i32
    %dma_start3A_65 = tpu.memref_slice %arg6[%dma_start3A_63, %dma_start3A_64] : memref<253952x128xf32, #tpu.memory_space<hbm>> -> memref<253952x128xf32, #tpu.memory_space<hbm>>
    tpu.enqueue_indirect_dma source(%dma_start3A_65 : memref<253952x128xf32, #tpu.memory_space<hbm>>) target(%arg15 : memref<128x128xf32, #tpu.memory_space<vmem>>) offsets(%dma_start3A_62 : memref<128xi32, #tpu.memory_space<vmem>>) semaphore(%arg19 : memref<!tpu.dma_semaphore, #tpu.memory_space<semaphore_mem>>)
    %dma_wait3A_66 = arith.constant 2 : i32
    %dma_wait3A_67 = arith.constant 0 : i32
    %dma_wait3A_68 = tpu.memref_slice %arg10[%dma_wait3A_66, %dma_wait3A_67] : memref<4x128xi32, #tpu.memory_space<vmem>> -> memref<1x128xi32, #tpu.memory_space<vmem>>
    %dma_wait3A_69 = tpu.memref_squeeze %dma_wait3A_68 : memref<1x128xi32, #tpu.memory_space<vmem>> -> memref<128xi32, #tpu.memory_space<vmem>>
    %dma_wait3A_70 = arith.constant 0 : i32
    %dma_wait3A_71 = arith.constant 0 : i32
    %dma_wait3A_72 = tpu.memref_slice %arg6[%dma_wait3A_70, %dma_wait3A_71] : memref<253952x128xf32, #tpu.memory_space<hbm>> -> memref<253952x128xf32, #tpu.memory_space<hbm>>
    tpu.wait_indirect_dma semaphore(%arg18 : memref<!tpu.dma_semaphore, #tpu.memory_space<semaphore_mem>>) src(%dma_wait3A_72 : memref<253952x128xf32, #tpu.memory_space<hbm>>) dst(%arg14 : memref<128x128xf32, #tpu.memory_space<vmem>>)
    %dma_wait3A_73 = arith.constant 0 : i32
    %dma_wait3A_74 = tpu.memref_slice %arg8[%add3A_29, %dma_wait3A_73] : memref<16384x32xf32, #tpu.memory_space<hbm>> -> memref<128x32xf32, #tpu.memory_space<hbm>>
    %dma_wait3A_75 = arith.constant 0 : i32
    %dma_wait3A_76 = tpu.memref_slice %arg8[%add3A_29, %dma_wait3A_75] : memref<16384x32xf32, #tpu.memory_space<hbm>> -> memref<128x32xf32, #tpu.memory_space<hbm>>
    tpu.wait_dma2 semaphore(%arg20 : memref<!tpu.dma_semaphore, #tpu.memory_space<semaphore_mem>>) src(%arg16 : memref<128x32xf32, #tpu.memory_space<vmem>>) dst(%dma_wait3A_76 : memref<128x32xf32, #tpu.memory_space<hbm>>)
    %scan3A_77 = arith.constant 0 : i32
    %scan3A_78 = arith.constant 8 : i32
    %scan3A_79 = arith.addi %scan3A_77, %scan3A_78 : i32
    %scan3A_80 = arith.constant 1 : i32
    scf.for %scan3A_234 = %scan3A_77 to %scan3A_79 step %scan3A_80  : i32 {
      %mul3A_235 = arith.constant 1 : i32
      %mul3A_236 = arith.muli %scan3A_234, %mul3A_235 : i32
      %add3A_237 = arith.constant 0 : i32
      %add3A_238 = arith.addi %add3A_237, %mul3A_236 : i32
      %mul3A_239 = arith.constant 16 : i32
      %mul3A_240 = arith.muli %add3A_238, %mul3A_239 : i32
      %add3A_241 = arith.constant 256 : i32
      %add3A_242 = arith.addi %add3A_241, %mul3A_240 : i32
      %get3A = arith.index_cast %add3A_242 : i32 to index
      %get3A_243 = tpu.vector_load %arg12[%get3A] {strides = array<i32>} : memref<512xi32, #tpu.memory_space<vmem>>, vector<16xi32>,
      %get3A_244 = vector.shape_cast %get3A_243 : vector<16xi32> to vector<16xi32>
      %mul3A_245 = arith.constant 32 : i32
      %mul3A_246 = vector.broadcast %mul3A_245 : i32 to vector<16xi32>
      %mul3A_247 = arith.muli %get3A_244, %mul3A_246 : vector<16xi32>
      %mul3A_248 = arith.constant 16 : i32
      %mul3A_249 = arith.muli %add3A_238, %mul3A_248 : i32
      %add3A_250 = arith.constant 0 : i32
      %add3A_251 = arith.addi %mul3A_249, %add3A_250 : i32
      %slice3A = vector.extract_strided_slice %mul3A_247 {offsets = [0], sizes = [1], strides = [1]} : vector<16xi32> to vector<1xi32>
      %squeeze3A = vector.extract %slice3A[0] : i32 from vector<1xi32>
      %multiple_of3A = tpu.assume_multiple %squeeze3A, 32 : i32
      %get3A_252 = arith.index_cast %add3A_251 : i32 to index
      %get3A_253 = arith.index_cast %multiple_of3A : i32 to index
      %get3A_254 = tpu.vector_load %arg14[%get3A_252, %get3A_253] {strides = array<i32>} : memref<128x128xf32, #tpu.memory_space<vmem>>, vector<1x32xf32>,
      %get3A_255 = vector.shape_cast %get3A_254 : vector<1x32xf32> to vector<32xf32>
      %swap3A = arith.index_cast %add3A_251 : i32 to index
      %swap3A_256 = arith.constant 0 : index
      %swap3A_257 = tpu.vector_load %arg16[%swap3A, %swap3A_256] {strides = array<i32>} : memref<128x32xf32, #tpu.memory_space<vmem>>, vector<1x32xf32>,
      %swap3A_258 = vector.shape_cast %swap3A_257 : vector<1x32xf32> to vector<32xf32>
      %swap3A_259 = vector.shape_cast %get3A_255 : vector<32xf32> to vector<1x32xf32>
      tpu.vector_store %arg16[%swap3A, %swap3A_256], %swap3A_259 {strides = array<i32>} : memref<128x32xf32, #tpu.memory_space<vmem>>, vector<1x32xf32>,
      %mul3A_260 = arith.constant 16 : i32
      %mul3A_261 = arith.muli %add3A_238, %mul3A_260 : i32
      %add3A_262 = arith.constant 1 : i32
      %add3A_263 = arith.addi %mul3A_261, %add3A_262 : i32
      %slice3A_264 = vector.extract_strided_slice %mul3A_247 {offsets = [1], sizes = [1], strides = [1]} : vector<16xi32> to vector<1xi32>
      %squeeze3A_265 = vector.extract %slice3A_264[0] : i32 from vector<1xi32>
      %multiple_of3A_266 = tpu.assume_multiple %squeeze3A_265, 32 : i32
      %get3A_267 = arith.index_cast %add3A_263 : i32 to index
      %get3A_268 = arith.index_cast %multiple_of3A_266 : i32 to index
      %get3A_269 = tpu.vector_load %arg14[%get3A_267, %get3A_268] {strides = array<i32>} : memref<128x128xf32, #tpu.memory_space<vmem>>, vector<1x32xf32>,
      %get3A_270 = vector.shape_cast %get3A_269 : vector<1x32xf32> to vector<32xf32>
      %swap3A_271 = arith.index_cast %add3A_263 : i32 to index
      %swap3A_272 = arith.constant 0 : index
      %swap3A_273 = tpu.vector_load %arg16[%swap3A_271, %swap3A_272] {strides = array<i32>} : memref<128x32xf32, #tpu.memory_space<vmem>>, vector<1x32xf32>,
      %swap3A_274 = vector.shape_cast %swap3A_273 : vector<1x32xf32> to vector<32xf32>
      %swap3A_275 = vector.shape_cast %get3A_270 : vector<32xf32> to vector<1x32xf32>
      tpu.vector_store %arg16[%swap3A_271, %swap3A_272], %swap3A_275 {strides = array<i32>} : memref<128x32xf32, #tpu.memory_space<vmem>>, vector<1x32xf32>,
      %mul3A_276 = arith.constant 16 : i32
      %mul3A_277 = arith.muli %add3A_238, %mul3A_276 : i32
      %add3A_278 = arith.constant 2 : i32
      %add3A_279 = arith.addi %mul3A_277, %add3A_278 : i32
      %slice3A_280 = vector.extract_strided_slice %mul3A_247 {offsets = [2], sizes = [1], strides = [1]} : vector<16xi32> to vector<1xi32>
      %squeeze3A_281 = vector.extract %slice3A_280[0] : i32 from vector<1xi32>
      %multiple_of3A_282 = tpu.assume_multiple %squeeze3A_281, 32 : i32
      %get3A_283 = arith.index_cast %add3A_279 : i32 to index
      %get3A_284 = arith.index_cast %multiple_of3A_282 : i32 to index
      %get3A_285 = tpu.vector_load %arg14[%get3A_283, %get3A_284] {strides = array<i32>} : memref<128x128xf32, #tpu.memory_space<vmem>>, vector<1x32xf32>,
      %get3A_286 = vector.shape_cast %get3A_285 : vector<1x32xf32> to vector<32xf32>
      %swap3A_287 = arith.index_cast %add3A_279 : i32 to index
      %swap3A_288 = arith.constant 0 : index
      %swap3A_289 = tpu.vector_load %arg16[%swap3A_287, %swap3A_288] {strides = array<i32>} : memref<128x32xf32, #tpu.memory_space<vmem>>, vector<1x32xf32>,
      %swap3A_290 = vector.shape_cast %swap3A_289 : vector<1x32xf32> to vector<32xf32>
      %swap3A_291 = vector.shape_cast %get3A_286 : vector<32xf32> to vector<1x32xf32>
      tpu.vector_store %arg16[%swap3A_287, %swap3A_288], %swap3A_291 {strides = array<i32>} : memref<128x32xf32, #tpu.memory_space<vmem>>, vector<1x32xf32>,
      %mul3A_292 = arith.constant 16 : i32
      %mul3A_293 = arith.muli %add3A_238, %mul3A_292 : i32
      %add3A_294 = arith.constant 3 : i32
      %add3A_295 = arith.addi %mul3A_293, %add3A_294 : i32
      %slice3A_296 = vector.extract_strided_slice %mul3A_247 {offsets = [3], sizes = [1], strides = [1]} : vector<16xi32> to vector<1xi32>
      %squeeze3A_297 = vector.extract %slice3A_296[0] : i32 from vector<1xi32>
      %multiple_of3A_298 = tpu.assume_multiple %squeeze3A_297, 32 : i32
      %get3A_299 = arith.index_cast %add3A_295 : i32 to index
      %get3A_300 = arith.index_cast %multiple_of3A_298 : i32 to index
      %get3A_301 = tpu.vector_load %arg14[%get3A_299, %get3A_300] {strides = array<i32>} : memref<128x128xf32, #tpu.memory_space<vmem>>, vector<1x32xf32>,
      %get3A_302 = vector.shape_cast %get3A_301 : vector<1x32xf32> to vector<32xf32>
      %swap3A_303 = arith.index_cast %add3A_295 : i32 to index
      %swap3A_304 = arith.constant 0 : index
      %swap3A_305 = tpu.vector_load %arg16[%swap3A_303, %swap3A_304] {strides = array<i32>} : memref<128x32xf32, #tpu.memory_space<vmem>>, vector<1x32xf32>,
      %swap3A_306 = vector.shape_cast %swap3A_305 : vector<1x32xf32> to vector<32xf32>
      %swap3A_307 = vector.shape_cast %get3A_302 : vector<32xf32> to vector<1x32xf32>
      tpu.vector_store %arg16[%swap3A_303, %swap3A_304], %swap3A_307 {strides = array<i32>} : memref<128x32xf32, #tpu.memory_space<vmem>>, vector<1x32xf32>,
      %mul3A_308 = arith.constant 16 : i32
      %mul3A_309 = arith.muli %add3A_238, %mul3A_308 : i32
      %add3A_310 = arith.constant 4 : i32
      %add3A_311 = arith.addi %mul3A_309, %add3A_310 : i32
      %slice3A_312 = vector.extract_strided_slice %mul3A_247 {offsets = [4], sizes = [1], strides = [1]} : vector<16xi32> to vector<1xi32>
      %squeeze3A_313 = vector.extract %slice3A_312[0] : i32 from vector<1xi32>
      %multiple_of3A_314 = tpu.assume_multiple %squeeze3A_313, 32 : i32
      %get3A_315 = arith.index_cast %add3A_311 : i32 to index
      %get3A_316 = arith.index_cast %multiple_of3A_314 : i32 to index
      %get3A_317 = tpu.vector_load %arg14[%get3A_315, %get3A_316] {strides = array<i32>} : memref<128x128xf32, #tpu.memory_space<vmem>>, vector<1x32xf32>,
      %get3A_318 = vector.shape_cast %get3A_317 : vector<1x32xf32> to vector<32xf32>
      %swap3A_319 = arith.index_cast %add3A_311 : i32 to index
      %swap3A_320 = arith.constant 0 : index
      %swap3A_321 = tpu.vector_load %arg16[%swap3A_319, %swap3A_320] {strides = array<i32>} : memref<128x32xf32, #tpu.memory_space<vmem>>, vector<1x32xf32>,
      %swap3A_322 = vector.shape_cast %swap3A_321 : vector<1x32xf32> to vector<32xf32>
      %swap3A_323 = vector.shape_cast %get3A_318 : vector<32xf32> to vector<1x32xf32>
      tpu.vector_store %arg16[%swap3A_319, %swap3A_320], %swap3A_323 {strides = array<i32>} : memref<128x32xf32, #tpu.memory_space<vmem>>, vector<1x32xf32>,
      %mul3A_324 = arith.constant 16 : i32
      %mul3A_325 = arith.muli %add3A_238, %mul3A_324 : i32
      %add3A_326 = arith.constant 5 : i32
      %add3A_327 = arith.addi %mul3A_325, %add3A_326 : i32
      %slice3A_328 = vector.extract_strided_slice %mul3A_247 {offsets = [5], sizes = [1], strides = [1]} : vector<16xi32> to vector<1xi32>
      %squeeze3A_329 = vector.extract %slice3A_328[0] : i32 from vector<1xi32>
      %multiple_of3A_330 = tpu.assume_multiple %squeeze3A_329, 32 : i32
      %get3A_331 = arith.index_cast %add3A_327 : i32 to index
      %get3A_332 = arith.index_cast %multiple_of3A_330 : i32 to index
      %get3A_333 = tpu.vector_load %arg14[%get3A_331, %get3A_332] {strides = array<i32>} : memref<128x128xf32, #tpu.memory_space<vmem>>, vector<1x32xf32>,
      %get3A_334 = vector.shape_cast %get3A_333 : vector<1x32xf32> to vector<32xf32>
      %swap3A_335 = arith.index_cast %add3A_327 : i32 to index
      %swap3A_336 = arith.constant 0 : index
      %swap3A_337 = tpu.vector_load %arg16[%swap3A_335, %swap3A_336] {strides = array<i32>} : memref<128x32xf32, #tpu.memory_space<vmem>>, vector<1x32xf32>,
      %swap3A_338 = vector.shape_cast %swap3A_337 : vector<1x32xf32> to vector<32xf32>
      %swap3A_339 = vector.shape_cast %get3A_334 : vector<32xf32> to vector<1x32xf32>
      tpu.vector_store %arg16[%swap3A_335, %swap3A_336], %swap3A_339 {strides = array<i32>} : memref<128x32xf32, #tpu.memory_space<vmem>>, vector<1x32xf32>,
      %mul3A_340 = arith.constant 16 : i32
      %mul3A_341 = arith.muli %add3A_238, %mul3A_340 : i32
      %add3A_342 = arith.constant 6 : i32
      %add3A_343 = arith.addi %mul3A_341, %add3A_342 : i32
      %slice3A_344 = vector.extract_strided_slice %mul3A_247 {offsets = [6], sizes = [1], strides = [1]} : vector<16xi32> to vector<1xi32>
      %squeeze3A_345 = vector.extract %slice3A_344[0] : i32 from vector<1xi32>
      %multiple_of3A_346 = tpu.assume_multiple %squeeze3A_345, 32 : i32
      %get3A_347 = arith.index_cast %add3A_343 : i32 to index
      %get3A_348 = arith.index_cast %multiple_of3A_346 : i32 to index
      %get3A_349 = tpu.vector_load %arg14[%get3A_347, %get3A_348] {strides = array<i32>} : memref<128x128xf32, #tpu.memory_space<vmem>>, vector<1x32xf32>,
      %get3A_350 = vector.shape_cast %get3A_349 : vector<1x32xf32> to vector<32xf32>
      %swap3A_351 = arith.index_cast %add3A_343 : i32 to index
      %swap3A_352 = arith.constant 0 : index
      %swap3A_353 = tpu.vector_load %arg16[%swap3A_351, %swap3A_352] {strides = array<i32>} : memref<128x32xf32, #tpu.memory_space<vmem>>, vector<1x32xf32>,
      %swap3A_354 = vector.shape_cast %swap3A_353 : vector<1x32xf32> to vector<32xf32>
      %swap3A_355 = vector.shape_cast %get3A_350 : vector<32xf32> to vector<1x32xf32>
      tpu.vector_store %arg16[%swap3A_351, %swap3A_352], %swap3A_355 {strides = array<i32>} : memref<128x32xf32, #tpu.memory_space<vmem>>, vector<1x32xf32>,
      %mul3A_356 = arith.constant 16 : i32
      %mul3A_357 = arith.muli %add3A_238, %mul3A_356 : i32
      %add3A_358 = arith.constant 7 : i32
      %add3A_359 = arith.addi %mul3A_357, %add3A_358 : i32
      %slice3A_360 = vector.extract_strided_slice %mul3A_247 {offsets = [7], sizes = [1], strides = [1]} : vector<16xi32> to vector<1xi32>
      %squeeze3A_361 = vector.extract %slice3A_360[0] : i32 from vector<1xi32>
      %multiple_of3A_362 = tpu.assume_multiple %squeeze3A_361, 32 : i32
      %get3A_363 = arith.index_cast %add3A_359 : i32 to index
      %get3A_364 = arith.index_cast %multiple_of3A_362 : i32 to index
      %get3A_365 = tpu.vector_load %arg14[%get3A_363, %get3A_364] {strides = array<i32>} : memref<128x128xf32, #tpu.memory_space<vmem>>, vector<1x32xf32>,
      %get3A_366 = vector.shape_cast %get3A_365 : vector<1x32xf32> to vector<32xf32>
      %swap3A_367 = arith.index_cast %add3A_359 : i32 to index
      %swap3A_368 = arith.constant 0 : index
      %swap3A_369 = tpu.vector_load %arg16[%swap3A_367, %swap3A_368] {strides = array<i32>} : memref<128x32xf32, #tpu.memory_space<vmem>>, vector<1x32xf32>,
      %swap3A_370 = vector.shape_cast %swap3A_369 : vector<1x32xf32> to vector<32xf32>
      %swap3A_371 = vector.shape_cast %get3A_366 : vector<32xf32> to vector<1x32xf32>
      tpu.vector_store %arg16[%swap3A_367, %swap3A_368], %swap3A_371 {strides = array<i32>} : memref<128x32xf32, #tpu.memory_space<vmem>>, vector<1x32xf32>,
      %mul3A_372 = arith.constant 16 : i32
      %mul3A_373 = arith.muli %add3A_238, %mul3A_372 : i32
      %add3A_374 = arith.constant 8 : i32
      %add3A_375 = arith.addi %mul3A_373, %add3A_374 : i32
      %slice3A_376 = vector.extract_strided_slice %mul3A_247 {offsets = [8], sizes = [1], strides = [1]} : vector<16xi32> to vector<1xi32>
      %squeeze3A_377 = vector.extract %slice3A_376[0] : i32 from vector<1xi32>
      %multiple_of3A_378 = tpu.assume_multiple %squeeze3A_377, 32 : i32
      %get3A_379 = arith.index_cast %add3A_375 : i32 to index
      %get3A_380 = arith.index_cast %multiple_of3A_378 : i32 to index
      %get3A_381 = tpu.vector_load %arg14[%get3A_379, %get3A_380] {strides = array<i32>} : memref<128x128xf32, #tpu.memory_space<vmem>>, vector<1x32xf32>,
      %get3A_382 = vector.shape_cast %get3A_381 : vector<1x32xf32> to vector<32xf32>
      %swap3A_383 = arith.index_cast %add3A_375 : i32 to index
      %swap3A_384 = arith.constant 0 : index
      %swap3A_385 = tpu.vector_load %arg16[%swap3A_383, %swap3A_384] {strides = array<i32>} : memref<128x32xf32, #tpu.memory_space<vmem>>, vector<1x32xf32>,
      %swap3A_386 = vector.shape_cast %swap3A_385 : vector<1x32xf32> to vector<32xf32>
      %swap3A_387 = vector.shape_cast %get3A_382 : vector<32xf32> to vector<1x32xf32>
      tpu.vector_store %arg16[%swap3A_383, %swap3A_384], %swap3A_387 {strides = array<i32>} : memref<128x32xf32, #tpu.memory_space<vmem>>, vector<1x32xf32>,
      %mul3A_388 = arith.constant 16 : i32
      %mul3A_389 = arith.muli %add3A_238, %mul3A_388 : i32
      %add3A_390 = arith.constant 9 : i32
      %add3A_391 = arith.addi %mul3A_389, %add3A_390 : i32
      %slice3A_392 = vector.extract_strided_slice %mul3A_247 {offsets = [9], sizes = [1], strides = [1]} : vector<16xi32> to vector<1xi32>
      %squeeze3A_393 = vector.extract %slice3A_392[0] : i32 from vector<1xi32>
      %multiple_of3A_394 = tpu.assume_multiple %squeeze3A_393, 32 : i32
      %get3A_395 = arith.index_cast %add3A_391 : i32 to index
      %get3A_396 = arith.index_cast %multiple_of3A_394 : i32 to index
      %get3A_397 = tpu.vector_load %arg14[%get3A_395, %get3A_396] {strides = array<i32>} : memref<128x128xf32, #tpu.memory_space<vmem>>, vector<1x32xf32>,
      %get3A_398 = vector.shape_cast %get3A_397 : vector<1x32xf32> to vector<32xf32>
      %swap3A_399 = arith.index_cast %add3A_391 : i32 to index
      %swap3A_400 = arith.constant 0 : index
      %swap3A_401 = tpu.vector_load %arg16[%swap3A_399, %swap3A_400] {strides = array<i32>} : memref<128x32xf32, #tpu.memory_space<vmem>>, vector<1x32xf32>,
      %swap3A_402 = vector.shape_cast %swap3A_401 : vector<1x32xf32> to vector<32xf32>
      %swap3A_403 = vector.shape_cast %get3A_398 : vector<32xf32> to vector<1x32xf32>
      tpu.vector_store %arg16[%swap3A_399, %swap3A_400], %swap3A_403 {strides = array<i32>} : memref<128x32xf32, #tpu.memory_space<vmem>>, vector<1x32xf32>,
      %mul3A_404 = arith.constant 16 : i32
      %mul3A_405 = arith.muli %add3A_238, %mul3A_404 : i32
      %add3A_406 = arith.constant 10 : i32
      %add3A_407 = arith.addi %mul3A_405, %add3A_406 : i32
      %slice3A_408 = vector.extract_strided_slice %mul3A_247 {offsets = [10], sizes = [1], strides = [1]} : vector<16xi32> to vector<1xi32>
      %squeeze3A_409 = vector.extract %slice3A_408[0] : i32 from vector<1xi32>
      %multiple_of3A_410 = tpu.assume_multiple %squeeze3A_409, 32 : i32
      %get3A_411 = arith.index_cast %add3A_407 : i32 to index
      %get3A_412 = arith.index_cast %multiple_of3A_410 : i32 to index
      %get3A_413 = tpu.vector_load %arg14[%get3A_411, %get3A_412] {strides = array<i32>} : memref<128x128xf32, #tpu.memory_space<vmem>>, vector<1x32xf32>,
      %get3A_414 = vector.shape_cast %get3A_413 : vector<1x32xf32> to vector<32xf32>
      %swap3A_415 = arith.index_cast %add3A_407 : i32 to index
      %swap3A_416 = arith.constant 0 : index
      %swap3A_417 = tpu.vector_load %arg16[%swap3A_415, %swap3A_416] {strides = array<i32>} : memref<128x32xf32, #tpu.memory_space<vmem>>, vector<1x32xf32>,
      %swap3A_418 = vector.shape_cast %swap3A_417 : vector<1x32xf32> to vector<32xf32>
      %swap3A_419 = vector.shape_cast %get3A_414 : vector<32xf32> to vector<1x32xf32>
      tpu.vector_store %arg16[%swap3A_415, %swap3A_416], %swap3A_419 {strides = array<i32>} : memref<128x32xf32, #tpu.memory_space<vmem>>, vector<1x32xf32>,
      %mul3A_420 = arith.constant 16 : i32
      %mul3A_421 = arith.muli %add3A_238, %mul3A_420 : i32
      %add3A_422 = arith.constant 11 : i32
      %add3A_423 = arith.addi %mul3A_421, %add3A_422 : i32
      %slice3A_424 = vector.extract_strided_slice %mul3A_247 {offsets = [11], sizes = [1], strides = [1]} : vector<16xi32> to vector<1xi32>
      %squeeze3A_425 = vector.extract %slice3A_424[0] : i32 from vector<1xi32>
      %multiple_of3A_426 = tpu.assume_multiple %squeeze3A_425, 32 : i32
      %get3A_427 = arith.index_cast %add3A_423 : i32 to index
      %get3A_428 = arith.index_cast %multiple_of3A_426 : i32 to index
      %get3A_429 = tpu.vector_load %arg14[%get3A_427, %get3A_428] {strides = array<i32>} : memref<128x128xf32, #tpu.memory_space<vmem>>, vector<1x32xf32>,
      %get3A_430 = vector.shape_cast %get3A_429 : vector<1x32xf32> to vector<32xf32>
      %swap3A_431 = arith.index_cast %add3A_423 : i32 to index
      %swap3A_432 = arith.constant 0 : index
      %swap3A_433 = tpu.vector_load %arg16[%swap3A_431, %swap3A_432] {strides = array<i32>} : memref<128x32xf32, #tpu.memory_space<vmem>>, vector<1x32xf32>,
      %swap3A_434 = vector.shape_cast %swap3A_433 : vector<1x32xf32> to vector<32xf32>
      %swap3A_435 = vector.shape_cast %get3A_430 : vector<32xf32> to vector<1x32xf32>
      tpu.vector_store %arg16[%swap3A_431, %swap3A_432], %swap3A_435 {strides = array<i32>} : memref<128x32xf32, #tpu.memory_space<vmem>>, vector<1x32xf32>,
      %mul3A_436 = arith.constant 16 : i32
      %mul3A_437 = arith.muli %add3A_238, %mul3A_436 : i32
      %add3A_438 = arith.constant 12 : i32
      %add3A_439 = arith.addi %mul3A_437, %add3A_438 : i32
      %slice3A_440 = vector.extract_strided_slice %mul3A_247 {offsets = [12], sizes = [1], strides = [1]} : vector<16xi32> to vector<1xi32>
      %squeeze3A_441 = vector.extract %slice3A_440[0] : i32 from vector<1xi32>
      %multiple_of3A_442 = tpu.assume_multiple %squeeze3A_441, 32 : i32
      %get3A_443 = arith.index_cast %add3A_439 : i32 to index
      %get3A_444 = arith.index_cast %multiple_of3A_442 : i32 to index
      %get3A_445 = tpu.vector_load %arg14[%get3A_443, %get3A_444] {strides = array<i32>} : memref<128x128xf32, #tpu.memory_space<vmem>>, vector<1x32xf32>,
      %get3A_446 = vector.shape_cast %get3A_445 : vector<1x32xf32> to vector<32xf32>
      %swap3A_447 = arith.index_cast %add3A_439 : i32 to index
      %swap3A_448 = arith.constant 0 : index
      %swap3A_449 = tpu.vector_load %arg16[%swap3A_447, %swap3A_448] {strides = array<i32>} : memref<128x32xf32, #tpu.memory_space<vmem>>, vector<1x32xf32>,
      %swap3A_450 = vector.shape_cast %swap3A_449 : vector<1x32xf32> to vector<32xf32>
      %swap3A_451 = vector.shape_cast %get3A_446 : vector<32xf32> to vector<1x32xf32>
      tpu.vector_store %arg16[%swap3A_447, %swap3A_448], %swap3A_451 {strides = array<i32>} : memref<128x32xf32, #tpu.memory_space<vmem>>, vector<1x32xf32>,
      %mul3A_452 = arith.constant 16 : i32
      %mul3A_453 = arith.muli %add3A_238, %mul3A_452 : i32
      %add3A_454 = arith.constant 13 : i32
      %add3A_455 = arith.addi %mul3A_453, %add3A_454 : i32
      %slice3A_456 = vector.extract_strided_slice %mul3A_247 {offsets = [13], sizes = [1], strides = [1]} : vector<16xi32> to vector<1xi32>
      %squeeze3A_457 = vector.extract %slice3A_456[0] : i32 from vector<1xi32>
      %multiple_of3A_458 = tpu.assume_multiple %squeeze3A_457, 32 : i32
      %get3A_459 = arith.index_cast %add3A_455 : i32 to index
      %get3A_460 = arith.index_cast %multiple_of3A_458 : i32 to index
      %get3A_461 = tpu.vector_load %arg14[%get3A_459, %get3A_460] {strides = array<i32>} : memref<128x128xf32, #tpu.memory_space<vmem>>, vector<1x32xf32>,
      %get3A_462 = vector.shape_cast %get3A_461 : vector<1x32xf32> to vector<32xf32>
      %swap3A_463 = arith.index_cast %add3A_455 : i32 to index
      %swap3A_464 = arith.constant 0 : index
      %swap3A_465 = tpu.vector_load %arg16[%swap3A_463, %swap3A_464] {strides = array<i32>} : memref<128x32xf32, #tpu.memory_space<vmem>>, vector<1x32xf32>,
      %swap3A_466 = vector.shape_cast %swap3A_465 : vector<1x32xf32> to vector<32xf32>
      %swap3A_467 = vector.shape_cast %get3A_462 : vector<32xf32> to vector<1x32xf32>
      tpu.vector_store %arg16[%swap3A_463, %swap3A_464], %swap3A_467 {strides = array<i32>} : memref<128x32xf32, #tpu.memory_space<vmem>>, vector<1x32xf32>,
      %mul3A_468 = arith.constant 16 : i32
      %mul3A_469 = arith.muli %add3A_238, %mul3A_468 : i32
      %add3A_470 = arith.constant 14 : i32
      %add3A_471 = arith.addi %mul3A_469, %add3A_470 : i32
      %slice3A_472 = vector.extract_strided_slice %mul3A_247 {offsets = [14], sizes = [1], strides = [1]} : vector<16xi32> to vector<1xi32>
      %squeeze3A_473 = vector.extract %slice3A_472[0] : i32 from vector<1xi32>
      %multiple_of3A_474 = tpu.assume_multiple %squeeze3A_473, 32 : i32
      %get3A_475 = arith.index_cast %add3A_471 : i32 to index
      %get3A_476 = arith.index_cast %multiple_of3A_474 : i32 to index
      %get3A_477 = tpu.vector_load %arg14[%get3A_475, %get3A_476] {strides = array<i32>} : memref<128x128xf32, #tpu.memory_space<vmem>>, vector<1x32xf32>,
      %get3A_478 = vector.shape_cast %get3A_477 : vector<1x32xf32> to vector<32xf32>
      %swap3A_479 = arith.index_cast %add3A_471 : i32 to index
      %swap3A_480 = arith.constant 0 : index
      %swap3A_481 = tpu.vector_load %arg16[%swap3A_479, %swap3A_480] {strides = array<i32>} : memref<128x32xf32, #tpu.memory_space<vmem>>, vector<1x32xf32>,
      %swap3A_482 = vector.shape_cast %swap3A_481 : vector<1x32xf32> to vector<32xf32>
      %swap3A_483 = vector.shape_cast %get3A_478 : vector<32xf32> to vector<1x32xf32>
      tpu.vector_store %arg16[%swap3A_479, %swap3A_480], %swap3A_483 {strides = array<i32>} : memref<128x32xf32, #tpu.memory_space<vmem>>, vector<1x32xf32>,
      %mul3A_484 = arith.constant 16 : i32
      %mul3A_485 = arith.muli %add3A_238, %mul3A_484 : i32
      %add3A_486 = arith.constant 15 : i32
      %add3A_487 = arith.addi %mul3A_485, %add3A_486 : i32
      %slice3A_488 = vector.extract_strided_slice %mul3A_247 {offsets = [15], sizes = [1], strides = [1]} : vector<16xi32> to vector<1xi32>
      %squeeze3A_489 = vector.extract %slice3A_488[0] : i32 from vector<1xi32>
      %multiple_of3A_490 = tpu.assume_multiple %squeeze3A_489, 32 : i32
      %get3A_491 = arith.index_cast %add3A_487 : i32 to index
      %get3A_492 = arith.index_cast %multiple_of3A_490 : i32 to index
      %get3A_493 = tpu.vector_load %arg14[%get3A_491, %get3A_492] {strides = array<i32>} : memref<128x128xf32, #tpu.memory_space<vmem>>, vector<1x32xf32>,
      %get3A_494 = vector.shape_cast %get3A_493 : vector<1x32xf32> to vector<32xf32>
      %swap3A_495 = arith.index_cast %add3A_487 : i32 to index
      %swap3A_496 = arith.constant 0 : index
      %swap3A_497 = tpu.vector_load %arg16[%swap3A_495, %swap3A_496] {strides = array<i32>} : memref<128x32xf32, #tpu.memory_space<vmem>>, vector<1x32xf32>,
      %swap3A_498 = vector.shape_cast %swap3A_497 : vector<1x32xf32> to vector<32xf32>
      %swap3A_499 = vector.shape_cast %get3A_494 : vector<32xf32> to vector<1x32xf32>
      tpu.vector_store %arg16[%swap3A_495, %swap3A_496], %swap3A_499 {strides = array<i32>} : memref<128x32xf32, #tpu.memory_space<vmem>>, vector<1x32xf32>,
    }
    %scan3A_81 = arith.constant 8 : i32
    %add3A_82 = arith.constant 256 : i32
    %add3A_83 = arith.addi %mul3A_4, %add3A_82 : i32
    %dma_start3A_84 = arith.constant 0 : i32
    %dma_start3A_85 = tpu.memref_slice %arg8[%add3A_83, %dma_start3A_84] : memref<16384x32xf32, #tpu.memory_space<hbm>> -> memref<128x32xf32, #tpu.memory_space<hbm>>
    %dma_start3A_86 = arith.constant 0 : i32
    %dma_start3A_87 = tpu.memref_slice %arg8[%add3A_83, %dma_start3A_86] : memref<16384x32xf32, #tpu.memory_space<hbm>> -> memref<128x32xf32, #tpu.memory_space<hbm>>
    tpu.enqueue_dma source(%arg16 : memref<128x32xf32, #tpu.memory_space<vmem>>) target(%dma_start3A_87 : memref<128x32xf32, #tpu.memory_space<hbm>>) target_semaphore(%arg20 : memref<!tpu.dma_semaphore, #tpu.memory_space<semaphore_mem>>)
    %dma_start3A_88 = arith.constant 0 : i32
    %dma_start3A_89 = arith.constant 0 : i32
    %dma_start3A_90 = tpu.memref_slice %arg11[%dma_start3A_88, %dma_start3A_89] : memref<4x128xi32, #tpu.memory_space<vmem>> -> memref<1x128xi32, #tpu.memory_space<vmem>>
    %dma_start3A_91 = tpu.memref_squeeze %dma_start3A_90 : memref<1x128xi32, #tpu.memory_space<vmem>> -> memref<128xi32, #tpu.memory_space<vmem>>
    %dma_start3A_92 = arith.constant 0 : i32
    %dma_start3A_93 = arith.constant 0 : i32
    %dma_start3A_94 = tpu.memref_slice %arg7[%dma_start3A_92, %dma_start3A_93] : memref<32768x128xf32, #tpu.memory_space<hbm>> -> memref<32768x128xf32, #tpu.memory_space<hbm>>
    tpu.enqueue_indirect_dma source(%dma_start3A_94 : memref<32768x128xf32, #tpu.memory_space<hbm>>) target(%arg14 : memref<128x128xf32, #tpu.memory_space<vmem>>) offsets(%dma_start3A_91 : memref<128xi32, #tpu.memory_space<vmem>>) semaphore(%arg18 : memref<!tpu.dma_semaphore, #tpu.memory_space<semaphore_mem>>)
    %dma_wait3A_95 = arith.constant 3 : i32
    %dma_wait3A_96 = arith.constant 0 : i32
    %dma_wait3A_97 = tpu.memref_slice %arg10[%dma_wait3A_95, %dma_wait3A_96] : memref<4x128xi32, #tpu.memory_space<vmem>> -> memref<1x128xi32, #tpu.memory_space<vmem>>
    %dma_wait3A_98 = tpu.memref_squeeze %dma_wait3A_97 : memref<1x128xi32, #tpu.memory_space<vmem>> -> memref<128xi32, #tpu.memory_space<vmem>>
    %dma_wait3A_99 = arith.constant 0 : i32
    %dma_wait3A_100 = arith.constant 0 : i32
    %dma_wait3A_101 = tpu.memref_slice %arg6[%dma_wait3A_99, %dma_wait3A_100] : memref<253952x128xf32, #tpu.memory_space<hbm>> -> memref<253952x128xf32, #tpu.memory_space<hbm>>
    tpu.wait_indirect_dma semaphore(%arg19 : memref<!tpu.dma_semaphore, #tpu.memory_space<semaphore_mem>>) src(%dma_wait3A_101 : memref<253952x128xf32, #tpu.memory_space<hbm>>) dst(%arg15 : memref<128x128xf32, #tpu.memory_space<vmem>>)
    %dma_wait3A_102 = arith.constant 0 : i32
    %dma_wait3A_103 = tpu.memref_slice %arg8[%add3A_54, %dma_wait3A_102] : memref<16384x32xf32, #tpu.memory_space<hbm>> -> memref<128x32xf32, #tpu.memory_space<hbm>>
    %dma_wait3A_104 = arith.constant 0 : i32
    %dma_wait3A_105 = tpu.memref_slice %arg8[%add3A_54, %dma_wait3A_104] : memref<16384x32xf32, #tpu.memory_space<hbm>> -> memref<128x32xf32, #tpu.memory_space<hbm>>
    tpu.wait_dma2 semaphore(%arg20 : memref<!tpu.dma_semaphore, #tpu.memory_space<semaphore_mem>>) src(%arg17 : memref<128x32xf32, #tpu.memory_space<vmem>>) dst(%dma_wait3A_105 : memref<128x32xf32, #tpu.memory_space<hbm>>)
    %scan3A_106 = arith.constant 0 : i32
    %scan3A_107 = arith.constant 8 : i32
    %scan3A_108 = arith.addi %scan3A_106, %scan3A_107 : i32
    %scan3A_109 = arith.constant 1 : i32
    scf.for %scan3A_234 = %scan3A_106 to %scan3A_108 step %scan3A_109  : i32 {
      %mul3A_235 = arith.constant 1 : i32
      %mul3A_236 = arith.muli %scan3A_234, %mul3A_235 : i32
      %add3A_237 = arith.constant 0 : i32
      %add3A_238 = arith.addi %add3A_237, %mul3A_236 : i32
      %mul3A_239 = arith.constant 16 : i32
      %mul3A_240 = arith.muli %add3A_238, %mul3A_239 : i32
      %add3A_241 = arith.constant 384 : i32
      %add3A_242 = arith.addi %add3A_241, %mul3A_240 : i32
      %get3A = arith.index_cast %add3A_242 : i32 to index
      %get3A_243 = tpu.vector_load %arg12[%get3A] {strides = array<i32>} : memref<512xi32, #tpu.memory_space<vmem>>, vector<16xi32>,
      %get3A_244 = vector.shape_cast %get3A_243 : vector<16xi32> to vector<16xi32>
      %mul3A_245 = arith.constant 32 : i32
      %mul3A_246 = vector.broadcast %mul3A_245 : i32 to vector<16xi32>
      %mul3A_247 = arith.muli %get3A_244, %mul3A_246 : vector<16xi32>
      %mul3A_248 = arith.constant 16 : i32
      %mul3A_249 = arith.muli %add3A_238, %mul3A_248 : i32
      %add3A_250 = arith.constant 0 : i32
      %add3A_251 = arith.addi %mul3A_249, %add3A_250 : i32
      %slice3A = vector.extract_strided_slice %mul3A_247 {offsets = [0], sizes = [1], strides = [1]} : vector<16xi32> to vector<1xi32>
      %squeeze3A = vector.extract %slice3A[0] : i32 from vector<1xi32>
      %multiple_of3A = tpu.assume_multiple %squeeze3A, 32 : i32
      %get3A_252 = arith.index_cast %add3A_251 : i32 to index
      %get3A_253 = arith.index_cast %multiple_of3A : i32 to index
      %get3A_254 = tpu.vector_load %arg15[%get3A_252, %get3A_253] {strides = array<i32>} : memref<128x128xf32, #tpu.memory_space<vmem>>, vector<1x32xf32>,
      %get3A_255 = vector.shape_cast %get3A_254 : vector<1x32xf32> to vector<32xf32>
      %swap3A = arith.index_cast %add3A_251 : i32 to index
      %swap3A_256 = arith.constant 0 : index
      %swap3A_257 = tpu.vector_load %arg17[%swap3A, %swap3A_256] {strides = array<i32>} : memref<128x32xf32, #tpu.memory_space<vmem>>, vector<1x32xf32>,
      %swap3A_258 = vector.shape_cast %swap3A_257 : vector<1x32xf32> to vector<32xf32>
      %swap3A_259 = vector.shape_cast %get3A_255 : vector<32xf32> to vector<1x32xf32>
      tpu.vector_store %arg17[%swap3A, %swap3A_256], %swap3A_259 {strides = array<i32>} : memref<128x32xf32, #tpu.memory_space<vmem>>, vector<1x32xf32>,
      %mul3A_260 = arith.constant 16 : i32
      %mul3A_261 = arith.muli %add3A_238, %mul3A_260 : i32
      %add3A_262 = arith.constant 1 : i32
      %add3A_263 = arith.addi %mul3A_261, %add3A_262 : i32
      %slice3A_264 = vector.extract_strided_slice %mul3A_247 {offsets = [1], sizes = [1], strides = [1]} : vector<16xi32> to vector<1xi32>
      %squeeze3A_265 = vector.extract %slice3A_264[0] : i32 from vector<1xi32>
      %multiple_of3A_266 = tpu.assume_multiple %squeeze3A_265, 32 : i32
      %get3A_267 = arith.index_cast %add3A_263 : i32 to index
      %get3A_268 = arith.index_cast %multiple_of3A_266 : i32 to index
      %get3A_269 = tpu.vector_load %arg15[%get3A_267, %get3A_268] {strides = array<i32>} : memref<128x128xf32, #tpu.memory_space<vmem>>, vector<1x32xf32>,
      %get3A_270 = vector.shape_cast %get3A_269 : vector<1x32xf32> to vector<32xf32>
      %swap3A_271 = arith.index_cast %add3A_263 : i32 to index
      %swap3A_272 = arith.constant 0 : index
      %swap3A_273 = tpu.vector_load %arg17[%swap3A_271, %swap3A_272] {strides = array<i32>} : memref<128x32xf32, #tpu.memory_space<vmem>>, vector<1x32xf32>,
      %swap3A_274 = vector.shape_cast %swap3A_273 : vector<1x32xf32> to vector<32xf32>
      %swap3A_275 = vector.shape_cast %get3A_270 : vector<32xf32> to vector<1x32xf32>
      tpu.vector_store %arg17[%swap3A_271, %swap3A_272], %swap3A_275 {strides = array<i32>} : memref<128x32xf32, #tpu.memory_space<vmem>>, vector<1x32xf32>,
      %mul3A_276 = arith.constant 16 : i32
      %mul3A_277 = arith.muli %add3A_238, %mul3A_276 : i32
      %add3A_278 = arith.constant 2 : i32
      %add3A_279 = arith.addi %mul3A_277, %add3A_278 : i32
      %slice3A_280 = vector.extract_strided_slice %mul3A_247 {offsets = [2], sizes = [1], strides = [1]} : vector<16xi32> to vector<1xi32>
      %squeeze3A_281 = vector.extract %slice3A_280[0] : i32 from vector<1xi32>
      %multiple_of3A_282 = tpu.assume_multiple %squeeze3A_281, 32 : i32
      %get3A_283 = arith.index_cast %add3A_279 : i32 to index
      %get3A_284 = arith.index_cast %multiple_of3A_282 : i32 to index
      %get3A_285 = tpu.vector_load %arg15[%get3A_283, %get3A_284] {strides = array<i32>} : memref<128x128xf32, #tpu.memory_space<vmem>>, vector<1x32xf32>,
      %get3A_286 = vector.shape_cast %get3A_285 : vector<1x32xf32> to vector<32xf32>
      %swap3A_287 = arith.index_cast %add3A_279 : i32 to index
      %swap3A_288 = arith.constant 0 : index
      %swap3A_289 = tpu.vector_load %arg17[%swap3A_287, %swap3A_288] {strides = array<i32>} : memref<128x32xf32, #tpu.memory_space<vmem>>, vector<1x32xf32>,
      %swap3A_290 = vector.shape_cast %swap3A_289 : vector<1x32xf32> to vector<32xf32>
      %swap3A_291 = vector.shape_cast %get3A_286 : vector<32xf32> to vector<1x32xf32>
      tpu.vector_store %arg17[%swap3A_287, %swap3A_288], %swap3A_291 {strides = array<i32>} : memref<128x32xf32, #tpu.memory_space<vmem>>, vector<1x32xf32>,
      %mul3A_292 = arith.constant 16 : i32
      %mul3A_293 = arith.muli %add3A_238, %mul3A_292 : i32
      %add3A_294 = arith.constant 3 : i32
      %add3A_295 = arith.addi %mul3A_293, %add3A_294 : i32
      %slice3A_296 = vector.extract_strided_slice %mul3A_247 {offsets = [3], sizes = [1], strides = [1]} : vector<16xi32> to vector<1xi32>
      %squeeze3A_297 = vector.extract %slice3A_296[0] : i32 from vector<1xi32>
      %multiple_of3A_298 = tpu.assume_multiple %squeeze3A_297, 32 : i32
      %get3A_299 = arith.index_cast %add3A_295 : i32 to index
      %get3A_300 = arith.index_cast %multiple_of3A_298 : i32 to index
      %get3A_301 = tpu.vector_load %arg15[%get3A_299, %get3A_300] {strides = array<i32>} : memref<128x128xf32, #tpu.memory_space<vmem>>, vector<1x32xf32>,
      %get3A_302 = vector.shape_cast %get3A_301 : vector<1x32xf32> to vector<32xf32>
      %swap3A_303 = arith.index_cast %add3A_295 : i32 to index
      %swap3A_304 = arith.constant 0 : index
      %swap3A_305 = tpu.vector_load %arg17[%swap3A_303, %swap3A_304] {strides = array<i32>} : memref<128x32xf32, #tpu.memory_space<vmem>>, vector<1x32xf32>,
      %swap3A_306 = vector.shape_cast %swap3A_305 : vector<1x32xf32> to vector<32xf32>
      %swap3A_307 = vector.shape_cast %get3A_302 : vector<32xf32> to vector<1x32xf32>
      tpu.vector_store %arg17[%swap3A_303, %swap3A_304], %swap3A_307 {strides = array<i32>} : memref<128x32xf32, #tpu.memory_space<vmem>>, vector<1x32xf32>,
      %mul3A_308 = arith.constant 16 : i32
      %mul3A_309 = arith.muli %add3A_238, %mul3A_308 : i32
      %add3A_310 = arith.constant 4 : i32
      %add3A_311 = arith.addi %mul3A_309, %add3A_310 : i32
      %slice3A_312 = vector.extract_strided_slice %mul3A_247 {offsets = [4], sizes = [1], strides = [1]} : vector<16xi32> to vector<1xi32>
      %squeeze3A_313 = vector.extract %slice3A_312[0] : i32 from vector<1xi32>
      %multiple_of3A_314 = tpu.assume_multiple %squeeze3A_313, 32 : i32
      %get3A_315 = arith.index_cast %add3A_311 : i32 to index
      %get3A_316 = arith.index_cast %multiple_of3A_314 : i32 to index
      %get3A_317 = tpu.vector_load %arg15[%get3A_315, %get3A_316] {strides = array<i32>} : memref<128x128xf32, #tpu.memory_space<vmem>>, vector<1x32xf32>,
      %get3A_318 = vector.shape_cast %get3A_317 : vector<1x32xf32> to vector<32xf32>
      %swap3A_319 = arith.index_cast %add3A_311 : i32 to index
      %swap3A_320 = arith.constant 0 : index
      %swap3A_321 = tpu.vector_load %arg17[%swap3A_319, %swap3A_320] {strides = array<i32>} : memref<128x32xf32, #tpu.memory_space<vmem>>, vector<1x32xf32>,
      %swap3A_322 = vector.shape_cast %swap3A_321 : vector<1x32xf32> to vector<32xf32>
      %swap3A_323 = vector.shape_cast %get3A_318 : vector<32xf32> to vector<1x32xf32>
      tpu.vector_store %arg17[%swap3A_319, %swap3A_320], %swap3A_323 {strides = array<i32>} : memref<128x32xf32, #tpu.memory_space<vmem>>, vector<1x32xf32>,
      %mul3A_324 = arith.constant 16 : i32
      %mul3A_325 = arith.muli %add3A_238, %mul3A_324 : i32
      %add3A_326 = arith.constant 5 : i32
      %add3A_327 = arith.addi %mul3A_325, %add3A_326 : i32
      %slice3A_328 = vector.extract_strided_slice %mul3A_247 {offsets = [5], sizes = [1], strides = [1]} : vector<16xi32> to vector<1xi32>
      %squeeze3A_329 = vector.extract %slice3A_328[0] : i32 from vector<1xi32>
      %multiple_of3A_330 = tpu.assume_multiple %squeeze3A_329, 32 : i32
      %get3A_331 = arith.index_cast %add3A_327 : i32 to index
      %get3A_332 = arith.index_cast %multiple_of3A_330 : i32 to index
      %get3A_333 = tpu.vector_load %arg15[%get3A_331, %get3A_332] {strides = array<i32>} : memref<128x128xf32, #tpu.memory_space<vmem>>, vector<1x32xf32>,
      %get3A_334 = vector.shape_cast %get3A_333 : vector<1x32xf32> to vector<32xf32>
      %swap3A_335 = arith.index_cast %add3A_327 : i32 to index
      %swap3A_336 = arith.constant 0 : index
      %swap3A_337 = tpu.vector_load %arg17[%swap3A_335, %swap3A_336] {strides = array<i32>} : memref<128x32xf32, #tpu.memory_space<vmem>>, vector<1x32xf32>,
      %swap3A_338 = vector.shape_cast %swap3A_337 : vector<1x32xf32> to vector<32xf32>
      %swap3A_339 = vector.shape_cast %get3A_334 : vector<32xf32> to vector<1x32xf32>
      tpu.vector_store %arg17[%swap3A_335, %swap3A_336], %swap3A_339 {strides = array<i32>} : memref<128x32xf32, #tpu.memory_space<vmem>>, vector<1x32xf32>,
      %mul3A_340 = arith.constant 16 : i32
      %mul3A_341 = arith.muli %add3A_238, %mul3A_340 : i32
      %add3A_342 = arith.constant 6 : i32
      %add3A_343 = arith.addi %mul3A_341, %add3A_342 : i32
      %slice3A_344 = vector.extract_strided_slice %mul3A_247 {offsets = [6], sizes = [1], strides = [1]} : vector<16xi32> to vector<1xi32>
      %squeeze3A_345 = vector.extract %slice3A_344[0] : i32 from vector<1xi32>
      %multiple_of3A_346 = tpu.assume_multiple %squeeze3A_345, 32 : i32
      %get3A_347 = arith.index_cast %add3A_343 : i32 to index
      %get3A_348 = arith.index_cast %multiple_of3A_346 : i32 to index
      %get3A_349 = tpu.vector_load %arg15[%get3A_347, %get3A_348] {strides = array<i32>} : memref<128x128xf32, #tpu.memory_space<vmem>>, vector<1x32xf32>,
      %get3A_350 = vector.shape_cast %get3A_349 : vector<1x32xf32> to vector<32xf32>
      %swap3A_351 = arith.index_cast %add3A_343 : i32 to index
      %swap3A_352 = arith.constant 0 : index
      %swap3A_353 = tpu.vector_load %arg17[%swap3A_351, %swap3A_352] {strides = array<i32>} : memref<128x32xf32, #tpu.memory_space<vmem>>, vector<1x32xf32>,
      %swap3A_354 = vector.shape_cast %swap3A_353 : vector<1x32xf32> to vector<32xf32>
      %swap3A_355 = vector.shape_cast %get3A_350 : vector<32xf32> to vector<1x32xf32>
      tpu.vector_store %arg17[%swap3A_351, %swap3A_352], %swap3A_355 {strides = array<i32>} : memref<128x32xf32, #tpu.memory_space<vmem>>, vector<1x32xf32>,
      %mul3A_356 = arith.constant 16 : i32
      %mul3A_357 = arith.muli %add3A_238, %mul3A_356 : i32
      %add3A_358 = arith.constant 7 : i32
      %add3A_359 = arith.addi %mul3A_357, %add3A_358 : i32
      %slice3A_360 = vector.extract_strided_slice %mul3A_247 {offsets = [7], sizes = [1], strides = [1]} : vector<16xi32> to vector<1xi32>
      %squeeze3A_361 = vector.extract %slice3A_360[0] : i32 from vector<1xi32>
      %multiple_of3A_362 = tpu.assume_multiple %squeeze3A_361, 32 : i32
      %get3A_363 = arith.index_cast %add3A_359 : i32 to index
      %get3A_364 = arith.index_cast %multiple_of3A_362 : i32 to index
      %get3A_365 = tpu.vector_load %arg15[%get3A_363, %get3A_364] {strides = array<i32>} : memref<128x128xf32, #tpu.memory_space<vmem>>, vector<1x32xf32>,
      %get3A_366 = vector.shape_cast %get3A_365 : vector<1x32xf32> to vector<32xf32>
      %swap3A_367 = arith.index_cast %add3A_359 : i32 to index
      %swap3A_368 = arith.constant 0 : index
      %swap3A_369 = tpu.vector_load %arg17[%swap3A_367, %swap3A_368] {strides = array<i32>} : memref<128x32xf32, #tpu.memory_space<vmem>>, vector<1x32xf32>,
      %swap3A_370 = vector.shape_cast %swap3A_369 : vector<1x32xf32> to vector<32xf32>
      %swap3A_371 = vector.shape_cast %get3A_366 : vector<32xf32> to vector<1x32xf32>
      tpu.vector_store %arg17[%swap3A_367, %swap3A_368], %swap3A_371 {strides = array<i32>} : memref<128x32xf32, #tpu.memory_space<vmem>>, vector<1x32xf32>,
      %mul3A_372 = arith.constant 16 : i32
      %mul3A_373 = arith.muli %add3A_238, %mul3A_372 : i32
      %add3A_374 = arith.constant 8 : i32
      %add3A_375 = arith.addi %mul3A_373, %add3A_374 : i32
      %slice3A_376 = vector.extract_strided_slice %mul3A_247 {offsets = [8], sizes = [1], strides = [1]} : vector<16xi32> to vector<1xi32>
      %squeeze3A_377 = vector.extract %slice3A_376[0] : i32 from vector<1xi32>
      %multiple_of3A_378 = tpu.assume_multiple %squeeze3A_377, 32 : i32
      %get3A_379 = arith.index_cast %add3A_375 : i32 to index
      %get3A_380 = arith.index_cast %multiple_of3A_378 : i32 to index
      %get3A_381 = tpu.vector_load %arg15[%get3A_379, %get3A_380] {strides = array<i32>} : memref<128x128xf32, #tpu.memory_space<vmem>>, vector<1x32xf32>,
      %get3A_382 = vector.shape_cast %get3A_381 : vector<1x32xf32> to vector<32xf32>
      %swap3A_383 = arith.index_cast %add3A_375 : i32 to index
      %swap3A_384 = arith.constant 0 : index
      %swap3A_385 = tpu.vector_load %arg17[%swap3A_383, %swap3A_384] {strides = array<i32>} : memref<128x32xf32, #tpu.memory_space<vmem>>, vector<1x32xf32>,
      %swap3A_386 = vector.shape_cast %swap3A_385 : vector<1x32xf32> to vector<32xf32>
      %swap3A_387 = vector.shape_cast %get3A_382 : vector<32xf32> to vector<1x32xf32>
      tpu.vector_store %arg17[%swap3A_383, %swap3A_384], %swap3A_387 {strides = array<i32>} : memref<128x32xf32, #tpu.memory_space<vmem>>, vector<1x32xf32>,
      %mul3A_388 = arith.constant 16 : i32
      %mul3A_389 = arith.muli %add3A_238, %mul3A_388 : i32
      %add3A_390 = arith.constant 9 : i32
      %add3A_391 = arith.addi %mul3A_389, %add3A_390 : i32
      %slice3A_392 = vector.extract_strided_slice %mul3A_247 {offsets = [9], sizes = [1], strides = [1]} : vector<16xi32> to vector<1xi32>
      %squeeze3A_393 = vector.extract %slice3A_392[0] : i32 from vector<1xi32>
      %multiple_of3A_394 = tpu.assume_multiple %squeeze3A_393, 32 : i32
      %get3A_395 = arith.index_cast %add3A_391 : i32 to index
      %get3A_396 = arith.index_cast %multiple_of3A_394 : i32 to index
      %get3A_397 = tpu.vector_load %arg15[%get3A_395, %get3A_396] {strides = array<i32>} : memref<128x128xf32, #tpu.memory_space<vmem>>, vector<1x32xf32>,
      %get3A_398 = vector.shape_cast %get3A_397 : vector<1x32xf32> to vector<32xf32>
      %swap3A_399 = arith.index_cast %add3A_391 : i32 to index
      %swap3A_400 = arith.constant 0 : index
      %swap3A_401 = tpu.vector_load %arg17[%swap3A_399, %swap3A_400] {strides = array<i32>} : memref<128x32xf32, #tpu.memory_space<vmem>>, vector<1x32xf32>,
      %swap3A_402 = vector.shape_cast %swap3A_401 : vector<1x32xf32> to vector<32xf32>
      %swap3A_403 = vector.shape_cast %get3A_398 : vector<32xf32> to vector<1x32xf32>
      tpu.vector_store %arg17[%swap3A_399, %swap3A_400], %swap3A_403 {strides = array<i32>} : memref<128x32xf32, #tpu.memory_space<vmem>>, vector<1x32xf32>,
      %mul3A_404 = arith.constant 16 : i32
      %mul3A_405 = arith.muli %add3A_238, %mul3A_404 : i32
      %add3A_406 = arith.constant 10 : i32
      %add3A_407 = arith.addi %mul3A_405, %add3A_406 : i32
      %slice3A_408 = vector.extract_strided_slice %mul3A_247 {offsets = [10], sizes = [1], strides = [1]} : vector<16xi32> to vector<1xi32>
      %squeeze3A_409 = vector.extract %slice3A_408[0] : i32 from vector<1xi32>
      %multiple_of3A_410 = tpu.assume_multiple %squeeze3A_409, 32 : i32
      %get3A_411 = arith.index_cast %add3A_407 : i32 to index
      %get3A_412 = arith.index_cast %multiple_of3A_410 : i32 to index
      %get3A_413 = tpu.vector_load %arg15[%get3A_411, %get3A_412] {strides = array<i32>} : memref<128x128xf32, #tpu.memory_space<vmem>>, vector<1x32xf32>,
      %get3A_414 = vector.shape_cast %get3A_413 : vector<1x32xf32> to vector<32xf32>
      %swap3A_415 = arith.index_cast %add3A_407 : i32 to index
      %swap3A_416 = arith.constant 0 : index
      %swap3A_417 = tpu.vector_load %arg17[%swap3A_415, %swap3A_416] {strides = array<i32>} : memref<128x32xf32, #tpu.memory_space<vmem>>, vector<1x32xf32>,
      %swap3A_418 = vector.shape_cast %swap3A_417 : vector<1x32xf32> to vector<32xf32>
      %swap3A_419 = vector.shape_cast %get3A_414 : vector<32xf32> to vector<1x32xf32>
      tpu.vector_store %arg17[%swap3A_415, %swap3A_416], %swap3A_419 {strides = array<i32>} : memref<128x32xf32, #tpu.memory_space<vmem>>, vector<1x32xf32>,
      %mul3A_420 = arith.constant 16 : i32
      %mul3A_421 = arith.muli %add3A_238, %mul3A_420 : i32
      %add3A_422 = arith.constant 11 : i32
      %add3A_423 = arith.addi %mul3A_421, %add3A_422 : i32
      %slice3A_424 = vector.extract_strided_slice %mul3A_247 {offsets = [11], sizes = [1], strides = [1]} : vector<16xi32> to vector<1xi32>
      %squeeze3A_425 = vector.extract %slice3A_424[0] : i32 from vector<1xi32>
      %multiple_of3A_426 = tpu.assume_multiple %squeeze3A_425, 32 : i32
      %get3A_427 = arith.index_cast %add3A_423 : i32 to index
      %get3A_428 = arith.index_cast %multiple_of3A_426 : i32 to index
      %get3A_429 = tpu.vector_load %arg15[%get3A_427, %get3A_428] {strides = array<i32>} : memref<128x128xf32, #tpu.memory_space<vmem>>, vector<1x32xf32>,
      %get3A_430 = vector.shape_cast %get3A_429 : vector<1x32xf32> to vector<32xf32>
      %swap3A_431 = arith.index_cast %add3A_423 : i32 to index
      %swap3A_432 = arith.constant 0 : index
      %swap3A_433 = tpu.vector_load %arg17[%swap3A_431, %swap3A_432] {strides = array<i32>} : memref<128x32xf32, #tpu.memory_space<vmem>>, vector<1x32xf32>,
      %swap3A_434 = vector.shape_cast %swap3A_433 : vector<1x32xf32> to vector<32xf32>
      %swap3A_435 = vector.shape_cast %get3A_430 : vector<32xf32> to vector<1x32xf32>
      tpu.vector_store %arg17[%swap3A_431, %swap3A_432], %swap3A_435 {strides = array<i32>} : memref<128x32xf32, #tpu.memory_space<vmem>>, vector<1x32xf32>,
      %mul3A_436 = arith.constant 16 : i32
      %mul3A_437 = arith.muli %add3A_238, %mul3A_436 : i32
      %add3A_438 = arith.constant 12 : i32
      %add3A_439 = arith.addi %mul3A_437, %add3A_438 : i32
      %slice3A_440 = vector.extract_strided_slice %mul3A_247 {offsets = [12], sizes = [1], strides = [1]} : vector<16xi32> to vector<1xi32>
      %squeeze3A_441 = vector.extract %slice3A_440[0] : i32 from vector<1xi32>
      %multiple_of3A_442 = tpu.assume_multiple %squeeze3A_441, 32 : i32
      %get3A_443 = arith.index_cast %add3A_439 : i32 to index
      %get3A_444 = arith.index_cast %multiple_of3A_442 : i32 to index
      %get3A_445 = tpu.vector_load %arg15[%get3A_443, %get3A_444] {strides = array<i32>} : memref<128x128xf32, #tpu.memory_space<vmem>>, vector<1x32xf32>,
      %get3A_446 = vector.shape_cast %get3A_445 : vector<1x32xf32> to vector<32xf32>
      %swap3A_447 = arith.index_cast %add3A_439 : i32 to index
      %swap3A_448 = arith.constant 0 : index
      %swap3A_449 = tpu.vector_load %arg17[%swap3A_447, %swap3A_448] {strides = array<i32>} : memref<128x32xf32, #tpu.memory_space<vmem>>, vector<1x32xf32>,
      %swap3A_450 = vector.shape_cast %swap3A_449 : vector<1x32xf32> to vector<32xf32>
      %swap3A_451 = vector.shape_cast %get3A_446 : vector<32xf32> to vector<1x32xf32>
      tpu.vector_store %arg17[%swap3A_447, %swap3A_448], %swap3A_451 {strides = array<i32>} : memref<128x32xf32, #tpu.memory_space<vmem>>, vector<1x32xf32>,
      %mul3A_452 = arith.constant 16 : i32
      %mul3A_453 = arith.muli %add3A_238, %mul3A_452 : i32
      %add3A_454 = arith.constant 13 : i32
      %add3A_455 = arith.addi %mul3A_453, %add3A_454 : i32
      %slice3A_456 = vector.extract_strided_slice %mul3A_247 {offsets = [13], sizes = [1], strides = [1]} : vector<16xi32> to vector<1xi32>
      %squeeze3A_457 = vector.extract %slice3A_456[0] : i32 from vector<1xi32>
      %multiple_of3A_458 = tpu.assume_multiple %squeeze3A_457, 32 : i32
      %get3A_459 = arith.index_cast %add3A_455 : i32 to index
      %get3A_460 = arith.index_cast %multiple_of3A_458 : i32 to index
      %get3A_461 = tpu.vector_load %arg15[%get3A_459, %get3A_460] {strides = array<i32>} : memref<128x128xf32, #tpu.memory_space<vmem>>, vector<1x32xf32>,
      %get3A_462 = vector.shape_cast %get3A_461 : vector<1x32xf32> to vector<32xf32>
      %swap3A_463 = arith.index_cast %add3A_455 : i32 to index
      %swap3A_464 = arith.constant 0 : index
      %swap3A_465 = tpu.vector_load %arg17[%swap3A_463, %swap3A_464] {strides = array<i32>} : memref<128x32xf32, #tpu.memory_space<vmem>>, vector<1x32xf32>,
      %swap3A_466 = vector.shape_cast %swap3A_465 : vector<1x32xf32> to vector<32xf32>
      %swap3A_467 = vector.shape_cast %get3A_462 : vector<32xf32> to vector<1x32xf32>
      tpu.vector_store %arg17[%swap3A_463, %swap3A_464], %swap3A_467 {strides = array<i32>} : memref<128x32xf32, #tpu.memory_space<vmem>>, vector<1x32xf32>,
      %mul3A_468 = arith.constant 16 : i32
      %mul3A_469 = arith.muli %add3A_238, %mul3A_468 : i32
      %add3A_470 = arith.constant 14 : i32
      %add3A_471 = arith.addi %mul3A_469, %add3A_470 : i32
      %slice3A_472 = vector.extract_strided_slice %mul3A_247 {offsets = [14], sizes = [1], strides = [1]} : vector<16xi32> to vector<1xi32>
      %squeeze3A_473 = vector.extract %slice3A_472[0] : i32 from vector<1xi32>
      %multiple_of3A_474 = tpu.assume_multiple %squeeze3A_473, 32 : i32
      %get3A_475 = arith.index_cast %add3A_471 : i32 to index
      %get3A_476 = arith.index_cast %multiple_of3A_474 : i32 to index
      %get3A_477 = tpu.vector_load %arg15[%get3A_475, %get3A_476] {strides = array<i32>} : memref<128x128xf32, #tpu.memory_space<vmem>>, vector<1x32xf32>,
      %get3A_478 = vector.shape_cast %get3A_477 : vector<1x32xf32> to vector<32xf32>
      %swap3A_479 = arith.index_cast %add3A_471 : i32 to index
      %swap3A_480 = arith.constant 0 : index
      %swap3A_481 = tpu.vector_load %arg17[%swap3A_479, %swap3A_480] {strides = array<i32>} : memref<128x32xf32, #tpu.memory_space<vmem>>, vector<1x32xf32>,
      %swap3A_482 = vector.shape_cast %swap3A_481 : vector<1x32xf32> to vector<32xf32>
      %swap3A_483 = vector.shape_cast %get3A_478 : vector<32xf32> to vector<1x32xf32>
      tpu.vector_store %arg17[%swap3A_479, %swap3A_480], %swap3A_483 {strides = array<i32>} : memref<128x32xf32, #tpu.memory_space<vmem>>, vector<1x32xf32>,
      %mul3A_484 = arith.constant 16 : i32
      %mul3A_485 = arith.muli %add3A_238, %mul3A_484 : i32
      %add3A_486 = arith.constant 15 : i32
      %add3A_487 = arith.addi %mul3A_485, %add3A_486 : i32
      %slice3A_488 = vector.extract_strided_slice %mul3A_247 {offsets = [15], sizes = [1], strides = [1]} : vector<16xi32> to vector<1xi32>
      %squeeze3A_489 = vector.extract %slice3A_488[0] : i32 from vector<1xi32>
      %multiple_of3A_490 = tpu.assume_multiple %squeeze3A_489, 32 : i32
      %get3A_491 = arith.index_cast %add3A_487 : i32 to index
      %get3A_492 = arith.index_cast %multiple_of3A_490 : i32 to index
      %get3A_493 = tpu.vector_load %arg15[%get3A_491, %get3A_492] {strides = array<i32>} : memref<128x128xf32, #tpu.memory_space<vmem>>, vector<1x32xf32>,
      %get3A_494 = vector.shape_cast %get3A_493 : vector<1x32xf32> to vector<32xf32>
      %swap3A_495 = arith.index_cast %add3A_487 : i32 to index
      %swap3A_496 = arith.constant 0 : index
      %swap3A_497 = tpu.vector_load %arg17[%swap3A_495, %swap3A_496] {strides = array<i32>} : memref<128x32xf32, #tpu.memory_space<vmem>>, vector<1x32xf32>,
      %swap3A_498 = vector.shape_cast %swap3A_497 : vector<1x32xf32> to vector<32xf32>
      %swap3A_499 = vector.shape_cast %get3A_494 : vector<32xf32> to vector<1x32xf32>
      tpu.vector_store %arg17[%swap3A_495, %swap3A_496], %swap3A_499 {strides = array<i32>} : memref<128x32xf32, #tpu.memory_space<vmem>>, vector<1x32xf32>,
    }
    %scan3A_110 = arith.constant 8 : i32
    %add3A_111 = arith.constant 384 : i32
    %add3A_112 = arith.addi %mul3A_4, %add3A_111 : i32
    %dma_start3A_113 = arith.constant 0 : i32
    %dma_start3A_114 = tpu.memref_slice %arg8[%add3A_112, %dma_start3A_113] : memref<16384x32xf32, #tpu.memory_space<hbm>> -> memref<128x32xf32, #tpu.memory_space<hbm>>
    %dma_start3A_115 = arith.constant 0 : i32
    %dma_start3A_116 = tpu.memref_slice %arg8[%add3A_112, %dma_start3A_115] : memref<16384x32xf32, #tpu.memory_space<hbm>> -> memref<128x32xf32, #tpu.memory_space<hbm>>
    tpu.enqueue_dma source(%arg17 : memref<128x32xf32, #tpu.memory_space<vmem>>) target(%dma_start3A_116 : memref<128x32xf32, #tpu.memory_space<hbm>>) target_semaphore(%arg20 : memref<!tpu.dma_semaphore, #tpu.memory_space<semaphore_mem>>)
    %dma_start3A_117 = arith.constant 1 : i32
    %dma_start3A_118 = arith.constant 0 : i32
    %dma_start3A_119 = tpu.memref_slice %arg11[%dma_start3A_117, %dma_start3A_118] : memref<4x128xi32, #tpu.memory_space<vmem>> -> memref<1x128xi32, #tpu.memory_space<vmem>>
    %dma_start3A_120 = tpu.memref_squeeze %dma_start3A_119 : memref<1x128xi32, #tpu.memory_space<vmem>> -> memref<128xi32, #tpu.memory_space<vmem>>
    %dma_start3A_121 = arith.constant 0 : i32
    %dma_start3A_122 = arith.constant 0 : i32
    %dma_start3A_123 = tpu.memref_slice %arg7[%dma_start3A_121, %dma_start3A_122] : memref<32768x128xf32, #tpu.memory_space<hbm>> -> memref<32768x128xf32, #tpu.memory_space<hbm>>
    tpu.enqueue_indirect_dma source(%dma_start3A_123 : memref<32768x128xf32, #tpu.memory_space<hbm>>) target(%arg15 : memref<128x128xf32, #tpu.memory_space<vmem>>) offsets(%dma_start3A_120 : memref<128xi32, #tpu.memory_space<vmem>>) semaphore(%arg19 : memref<!tpu.dma_semaphore, #tpu.memory_space<semaphore_mem>>)
    %dma_wait3A_124 = arith.constant 0 : i32
    %dma_wait3A_125 = arith.constant 0 : i32
    %dma_wait3A_126 = tpu.memref_slice %arg11[%dma_wait3A_124, %dma_wait3A_125] : memref<4x128xi32, #tpu.memory_space<vmem>> -> memref<1x128xi32, #tpu.memory_space<vmem>>
    %dma_wait3A_127 = tpu.memref_squeeze %dma_wait3A_126 : memref<1x128xi32, #tpu.memory_space<vmem>> -> memref<128xi32, #tpu.memory_space<vmem>>
    %dma_wait3A_128 = arith.constant 0 : i32
    %dma_wait3A_129 = arith.constant 0 : i32
    %dma_wait3A_130 = tpu.memref_slice %arg7[%dma_wait3A_128, %dma_wait3A_129] : memref<32768x128xf32, #tpu.memory_space<hbm>> -> memref<32768x128xf32, #tpu.memory_space<hbm>>
    tpu.wait_indirect_dma semaphore(%arg18 : memref<!tpu.dma_semaphore, #tpu.memory_space<semaphore_mem>>) src(%dma_wait3A_130 : memref<32768x128xf32, #tpu.memory_space<hbm>>) dst(%arg14 : memref<128x128xf32, #tpu.memory_space<vmem>>)
    %dma_wait3A_131 = arith.constant 0 : i32
    %dma_wait3A_132 = tpu.memref_slice %arg8[%add3A_83, %dma_wait3A_131] : memref<16384x32xf32, #tpu.memory_space<hbm>> -> memref<128x32xf32, #tpu.memory_space<hbm>>
    %dma_wait3A_133 = arith.constant 0 : i32
    %dma_wait3A_134 = tpu.memref_slice %arg8[%add3A_83, %dma_wait3A_133] : memref<16384x32xf32, #tpu.memory_space<hbm>> -> memref<128x32xf32, #tpu.memory_space<hbm>>
    tpu.wait_dma2 semaphore(%arg20 : memref<!tpu.dma_semaphore, #tpu.memory_space<semaphore_mem>>) src(%arg16 : memref<128x32xf32, #tpu.memory_space<vmem>>) dst(%dma_wait3A_134 : memref<128x32xf32, #tpu.memory_space<hbm>>)
    %scan3A_135 = arith.constant 0 : i32
    %scan3A_136 = arith.constant 8 : i32
    %scan3A_137 = arith.addi %scan3A_135, %scan3A_136 : i32
    %scan3A_138 = arith.constant 1 : i32
    scf.for %scan3A_234 = %scan3A_135 to %scan3A_137 step %scan3A_138  : i32 {
      %mul3A_235 = arith.constant 1 : i32
      %mul3A_236 = arith.muli %scan3A_234, %mul3A_235 : i32
      %add3A_237 = arith.constant 0 : i32
      %add3A_238 = arith.addi %add3A_237, %mul3A_236 : i32
      %mul3A_239 = arith.constant 16 : i32
      %mul3A_240 = arith.muli %add3A_238, %mul3A_239 : i32
      %add3A_241 = arith.constant 0 : i32
      %add3A_242 = arith.addi %add3A_241, %mul3A_240 : i32
      %get3A = arith.index_cast %add3A_242 : i32 to index
      %get3A_243 = tpu.vector_load %arg13[%get3A] {strides = array<i32>} : memref<512xi32, #tpu.memory_space<vmem>>, vector<16xi32>,
      %get3A_244 = vector.shape_cast %get3A_243 : vector<16xi32> to vector<16xi32>
      %mul3A_245 = arith.constant 32 : i32
      %mul3A_246 = vector.broadcast %mul3A_245 : i32 to vector<16xi32>
      %mul3A_247 = arith.muli %get3A_244, %mul3A_246 : vector<16xi32>
      %mul3A_248 = arith.constant 16 : i32
      %mul3A_249 = arith.muli %add3A_238, %mul3A_248 : i32
      %add3A_250 = arith.constant 0 : i32
      %add3A_251 = arith.addi %mul3A_249, %add3A_250 : i32
      %slice3A = vector.extract_strided_slice %mul3A_247 {offsets = [0], sizes = [1], strides = [1]} : vector<16xi32> to vector<1xi32>
      %squeeze3A = vector.extract %slice3A[0] : i32 from vector<1xi32>
      %multiple_of3A = tpu.assume_multiple %squeeze3A, 32 : i32
      %get3A_252 = arith.index_cast %add3A_251 : i32 to index
      %get3A_253 = arith.index_cast %multiple_of3A : i32 to index
      %get3A_254 = tpu.vector_load %arg14[%get3A_252, %get3A_253] {strides = array<i32>} : memref<128x128xf32, #tpu.memory_space<vmem>>, vector<1x32xf32>,
      %get3A_255 = vector.shape_cast %get3A_254 : vector<1x32xf32> to vector<32xf32>
      %swap3A = arith.index_cast %add3A_251 : i32 to index
      %swap3A_256 = arith.constant 0 : index
      %swap3A_257 = tpu.vector_load %arg16[%swap3A, %swap3A_256] {strides = array<i32>} : memref<128x32xf32, #tpu.memory_space<vmem>>, vector<1x32xf32>,
      %swap3A_258 = vector.shape_cast %swap3A_257 : vector<1x32xf32> to vector<32xf32>
      %swap3A_259 = vector.shape_cast %get3A_255 : vector<32xf32> to vector<1x32xf32>
      tpu.vector_store %arg16[%swap3A, %swap3A_256], %swap3A_259 {strides = array<i32>} : memref<128x32xf32, #tpu.memory_space<vmem>>, vector<1x32xf32>,
      %mul3A_260 = arith.constant 16 : i32
      %mul3A_261 = arith.muli %add3A_238, %mul3A_260 : i32
      %add3A_262 = arith.constant 1 : i32
      %add3A_263 = arith.addi %mul3A_261, %add3A_262 : i32
      %slice3A_264 = vector.extract_strided_slice %mul3A_247 {offsets = [1], sizes = [1], strides = [1]} : vector<16xi32> to vector<1xi32>
      %squeeze3A_265 = vector.extract %slice3A_264[0] : i32 from vector<1xi32>
      %multiple_of3A_266 = tpu.assume_multiple %squeeze3A_265, 32 : i32
      %get3A_267 = arith.index_cast %add3A_263 : i32 to index
      %get3A_268 = arith.index_cast %multiple_of3A_266 : i32 to index
      %get3A_269 = tpu.vector_load %arg14[%get3A_267, %get3A_268] {strides = array<i32>} : memref<128x128xf32, #tpu.memory_space<vmem>>, vector<1x32xf32>,
      %get3A_270 = vector.shape_cast %get3A_269 : vector<1x32xf32> to vector<32xf32>
      %swap3A_271 = arith.index_cast %add3A_263 : i32 to index
      %swap3A_272 = arith.constant 0 : index
      %swap3A_273 = tpu.vector_load %arg16[%swap3A_271, %swap3A_272] {strides = array<i32>} : memref<128x32xf32, #tpu.memory_space<vmem>>, vector<1x32xf32>,
      %swap3A_274 = vector.shape_cast %swap3A_273 : vector<1x32xf32> to vector<32xf32>
      %swap3A_275 = vector.shape_cast %get3A_270 : vector<32xf32> to vector<1x32xf32>
      tpu.vector_store %arg16[%swap3A_271, %swap3A_272], %swap3A_275 {strides = array<i32>} : memref<128x32xf32, #tpu.memory_space<vmem>>, vector<1x32xf32>,
      %mul3A_276 = arith.constant 16 : i32
      %mul3A_277 = arith.muli %add3A_238, %mul3A_276 : i32
      %add3A_278 = arith.constant 2 : i32
      %add3A_279 = arith.addi %mul3A_277, %add3A_278 : i32
      %slice3A_280 = vector.extract_strided_slice %mul3A_247 {offsets = [2], sizes = [1], strides = [1]} : vector<16xi32> to vector<1xi32>
      %squeeze3A_281 = vector.extract %slice3A_280[0] : i32 from vector<1xi32>
      %multiple_of3A_282 = tpu.assume_multiple %squeeze3A_281, 32 : i32
      %get3A_283 = arith.index_cast %add3A_279 : i32 to index
      %get3A_284 = arith.index_cast %multiple_of3A_282 : i32 to index
      %get3A_285 = tpu.vector_load %arg14[%get3A_283, %get3A_284] {strides = array<i32>} : memref<128x128xf32, #tpu.memory_space<vmem>>, vector<1x32xf32>,
      %get3A_286 = vector.shape_cast %get3A_285 : vector<1x32xf32> to vector<32xf32>
      %swap3A_287 = arith.index_cast %add3A_279 : i32 to index
      %swap3A_288 = arith.constant 0 : index
      %swap3A_289 = tpu.vector_load %arg16[%swap3A_287, %swap3A_288] {strides = array<i32>} : memref<128x32xf32, #tpu.memory_space<vmem>>, vector<1x32xf32>,
      %swap3A_290 = vector.shape_cast %swap3A_289 : vector<1x32xf32> to vector<32xf32>
      %swap3A_291 = vector.shape_cast %get3A_286 : vector<32xf32> to vector<1x32xf32>
      tpu.vector_store %arg16[%swap3A_287, %swap3A_288], %swap3A_291 {strides = array<i32>} : memref<128x32xf32, #tpu.memory_space<vmem>>, vector<1x32xf32>,
      %mul3A_292 = arith.constant 16 : i32
      %mul3A_293 = arith.muli %add3A_238, %mul3A_292 : i32
      %add3A_294 = arith.constant 3 : i32
      %add3A_295 = arith.addi %mul3A_293, %add3A_294 : i32
      %slice3A_296 = vector.extract_strided_slice %mul3A_247 {offsets = [3], sizes = [1], strides = [1]} : vector<16xi32> to vector<1xi32>
      %squeeze3A_297 = vector.extract %slice3A_296[0] : i32 from vector<1xi32>
      %multiple_of3A_298 = tpu.assume_multiple %squeeze3A_297, 32 : i32
      %get3A_299 = arith.index_cast %add3A_295 : i32 to index
      %get3A_300 = arith.index_cast %multiple_of3A_298 : i32 to index
      %get3A_301 = tpu.vector_load %arg14[%get3A_299, %get3A_300] {strides = array<i32>} : memref<128x128xf32, #tpu.memory_space<vmem>>, vector<1x32xf32>,
      %get3A_302 = vector.shape_cast %get3A_301 : vector<1x32xf32> to vector<32xf32>
      %swap3A_303 = arith.index_cast %add3A_295 : i32 to index
      %swap3A_304 = arith.constant 0 : index
      %swap3A_305 = tpu.vector_load %arg16[%swap3A_303, %swap3A_304] {strides = array<i32>} : memref<128x32xf32, #tpu.memory_space<vmem>>, vector<1x32xf32>,
      %swap3A_306 = vector.shape_cast %swap3A_305 : vector<1x32xf32> to vector<32xf32>
      %swap3A_307 = vector.shape_cast %get3A_302 : vector<32xf32> to vector<1x32xf32>
      tpu.vector_store %arg16[%swap3A_303, %swap3A_304], %swap3A_307 {strides = array<i32>} : memref<128x32xf32, #tpu.memory_space<vmem>>, vector<1x32xf32>,
      %mul3A_308 = arith.constant 16 : i32
      %mul3A_309 = arith.muli %add3A_238, %mul3A_308 : i32
      %add3A_310 = arith.constant 4 : i32
      %add3A_311 = arith.addi %mul3A_309, %add3A_310 : i32
      %slice3A_312 = vector.extract_strided_slice %mul3A_247 {offsets = [4], sizes = [1], strides = [1]} : vector<16xi32> to vector<1xi32>
      %squeeze3A_313 = vector.extract %slice3A_312[0] : i32 from vector<1xi32>
      %multiple_of3A_314 = tpu.assume_multiple %squeeze3A_313, 32 : i32
      %get3A_315 = arith.index_cast %add3A_311 : i32 to index
      %get3A_316 = arith.index_cast %multiple_of3A_314 : i32 to index
      %get3A_317 = tpu.vector_load %arg14[%get3A_315, %get3A_316] {strides = array<i32>} : memref<128x128xf32, #tpu.memory_space<vmem>>, vector<1x32xf32>,
      %get3A_318 = vector.shape_cast %get3A_317 : vector<1x32xf32> to vector<32xf32>
      %swap3A_319 = arith.index_cast %add3A_311 : i32 to index
      %swap3A_320 = arith.constant 0 : index
      %swap3A_321 = tpu.vector_load %arg16[%swap3A_319, %swap3A_320] {strides = array<i32>} : memref<128x32xf32, #tpu.memory_space<vmem>>, vector<1x32xf32>,
      %swap3A_322 = vector.shape_cast %swap3A_321 : vector<1x32xf32> to vector<32xf32>
      %swap3A_323 = vector.shape_cast %get3A_318 : vector<32xf32> to vector<1x32xf32>
      tpu.vector_store %arg16[%swap3A_319, %swap3A_320], %swap3A_323 {strides = array<i32>} : memref<128x32xf32, #tpu.memory_space<vmem>>, vector<1x32xf32>,
      %mul3A_324 = arith.constant 16 : i32
      %mul3A_325 = arith.muli %add3A_238, %mul3A_324 : i32
      %add3A_326 = arith.constant 5 : i32
      %add3A_327 = arith.addi %mul3A_325, %add3A_326 : i32
      %slice3A_328 = vector.extract_strided_slice %mul3A_247 {offsets = [5], sizes = [1], strides = [1]} : vector<16xi32> to vector<1xi32>
      %squeeze3A_329 = vector.extract %slice3A_328[0] : i32 from vector<1xi32>
      %multiple_of3A_330 = tpu.assume_multiple %squeeze3A_329, 32 : i32
      %get3A_331 = arith.index_cast %add3A_327 : i32 to index
      %get3A_332 = arith.index_cast %multiple_of3A_330 : i32 to index
      %get3A_333 = tpu.vector_load %arg14[%get3A_331, %get3A_332] {strides = array<i32>} : memref<128x128xf32, #tpu.memory_space<vmem>>, vector<1x32xf32>,
      %get3A_334 = vector.shape_cast %get3A_333 : vector<1x32xf32> to vector<32xf32>
      %swap3A_335 = arith.index_cast %add3A_327 : i32 to index
      %swap3A_336 = arith.constant 0 : index
      %swap3A_337 = tpu.vector_load %arg16[%swap3A_335, %swap3A_336] {strides = array<i32>} : memref<128x32xf32, #tpu.memory_space<vmem>>, vector<1x32xf32>,
      %swap3A_338 = vector.shape_cast %swap3A_337 : vector<1x32xf32> to vector<32xf32>
      %swap3A_339 = vector.shape_cast %get3A_334 : vector<32xf32> to vector<1x32xf32>
      tpu.vector_store %arg16[%swap3A_335, %swap3A_336], %swap3A_339 {strides = array<i32>} : memref<128x32xf32, #tpu.memory_space<vmem>>, vector<1x32xf32>,
      %mul3A_340 = arith.constant 16 : i32
      %mul3A_341 = arith.muli %add3A_238, %mul3A_340 : i32
      %add3A_342 = arith.constant 6 : i32
      %add3A_343 = arith.addi %mul3A_341, %add3A_342 : i32
      %slice3A_344 = vector.extract_strided_slice %mul3A_247 {offsets = [6], sizes = [1], strides = [1]} : vector<16xi32> to vector<1xi32>
      %squeeze3A_345 = vector.extract %slice3A_344[0] : i32 from vector<1xi32>
      %multiple_of3A_346 = tpu.assume_multiple %squeeze3A_345, 32 : i32
      %get3A_347 = arith.index_cast %add3A_343 : i32 to index
      %get3A_348 = arith.index_cast %multiple_of3A_346 : i32 to index
      %get3A_349 = tpu.vector_load %arg14[%get3A_347, %get3A_348] {strides = array<i32>} : memref<128x128xf32, #tpu.memory_space<vmem>>, vector<1x32xf32>,
      %get3A_350 = vector.shape_cast %get3A_349 : vector<1x32xf32> to vector<32xf32>
      %swap3A_351 = arith.index_cast %add3A_343 : i32 to index
      %swap3A_352 = arith.constant 0 : index
      %swap3A_353 = tpu.vector_load %arg16[%swap3A_351, %swap3A_352] {strides = array<i32>} : memref<128x32xf32, #tpu.memory_space<vmem>>, vector<1x32xf32>,
      %swap3A_354 = vector.shape_cast %swap3A_353 : vector<1x32xf32> to vector<32xf32>
      %swap3A_355 = vector.shape_cast %get3A_350 : vector<32xf32> to vector<1x32xf32>
      tpu.vector_store %arg16[%swap3A_351, %swap3A_352], %swap3A_355 {strides = array<i32>} : memref<128x32xf32, #tpu.memory_space<vmem>>, vector<1x32xf32>,
      %mul3A_356 = arith.constant 16 : i32
      %mul3A_357 = arith.muli %add3A_238, %mul3A_356 : i32
      %add3A_358 = arith.constant 7 : i32
      %add3A_359 = arith.addi %mul3A_357, %add3A_358 : i32
      %slice3A_360 = vector.extract_strided_slice %mul3A_247 {offsets = [7], sizes = [1], strides = [1]} : vector<16xi32> to vector<1xi32>
      %squeeze3A_361 = vector.extract %slice3A_360[0] : i32 from vector<1xi32>
      %multiple_of3A_362 = tpu.assume_multiple %squeeze3A_361, 32 : i32
      %get3A_363 = arith.index_cast %add3A_359 : i32 to index
      %get3A_364 = arith.index_cast %multiple_of3A_362 : i32 to index
      %get3A_365 = tpu.vector_load %arg14[%get3A_363, %get3A_364] {strides = array<i32>} : memref<128x128xf32, #tpu.memory_space<vmem>>, vector<1x32xf32>,
      %get3A_366 = vector.shape_cast %get3A_365 : vector<1x32xf32> to vector<32xf32>
      %swap3A_367 = arith.index_cast %add3A_359 : i32 to index
      %swap3A_368 = arith.constant 0 : index
      %swap3A_369 = tpu.vector_load %arg16[%swap3A_367, %swap3A_368] {strides = array<i32>} : memref<128x32xf32, #tpu.memory_space<vmem>>, vector<1x32xf32>,
      %swap3A_370 = vector.shape_cast %swap3A_369 : vector<1x32xf32> to vector<32xf32>
      %swap3A_371 = vector.shape_cast %get3A_366 : vector<32xf32> to vector<1x32xf32>
      tpu.vector_store %arg16[%swap3A_367, %swap3A_368], %swap3A_371 {strides = array<i32>} : memref<128x32xf32, #tpu.memory_space<vmem>>, vector<1x32xf32>,
      %mul3A_372 = arith.constant 16 : i32
      %mul3A_373 = arith.muli %add3A_238, %mul3A_372 : i32
      %add3A_374 = arith.constant 8 : i32
      %add3A_375 = arith.addi %mul3A_373, %add3A_374 : i32
      %slice3A_376 = vector.extract_strided_slice %mul3A_247 {offsets = [8], sizes = [1], strides = [1]} : vector<16xi32> to vector<1xi32>
      %squeeze3A_377 = vector.extract %slice3A_376[0] : i32 from vector<1xi32>
      %multiple_of3A_378 = tpu.assume_multiple %squeeze3A_377, 32 : i32
      %get3A_379 = arith.index_cast %add3A_375 : i32 to index
      %get3A_380 = arith.index_cast %multiple_of3A_378 : i32 to index
      %get3A_381 = tpu.vector_load %arg14[%get3A_379, %get3A_380] {strides = array<i32>} : memref<128x128xf32, #tpu.memory_space<vmem>>, vector<1x32xf32>,
      %get3A_382 = vector.shape_cast %get3A_381 : vector<1x32xf32> to vector<32xf32>
      %swap3A_383 = arith.index_cast %add3A_375 : i32 to index
      %swap3A_384 = arith.constant 0 : index
      %swap3A_385 = tpu.vector_load %arg16[%swap3A_383, %swap3A_384] {strides = array<i32>} : memref<128x32xf32, #tpu.memory_space<vmem>>, vector<1x32xf32>,
      %swap3A_386 = vector.shape_cast %swap3A_385 : vector<1x32xf32> to vector<32xf32>
      %swap3A_387 = vector.shape_cast %get3A_382 : vector<32xf32> to vector<1x32xf32>
      tpu.vector_store %arg16[%swap3A_383, %swap3A_384], %swap3A_387 {strides = array<i32>} : memref<128x32xf32, #tpu.memory_space<vmem>>, vector<1x32xf32>,
      %mul3A_388 = arith.constant 16 : i32
      %mul3A_389 = arith.muli %add3A_238, %mul3A_388 : i32
      %add3A_390 = arith.constant 9 : i32
      %add3A_391 = arith.addi %mul3A_389, %add3A_390 : i32
      %slice3A_392 = vector.extract_strided_slice %mul3A_247 {offsets = [9], sizes = [1], strides = [1]} : vector<16xi32> to vector<1xi32>
      %squeeze3A_393 = vector.extract %slice3A_392[0] : i32 from vector<1xi32>
      %multiple_of3A_394 = tpu.assume_multiple %squeeze3A_393, 32 : i32
      %get3A_395 = arith.index_cast %add3A_391 : i32 to index
      %get3A_396 = arith.index_cast %multiple_of3A_394 : i32 to index
      %get3A_397 = tpu.vector_load %arg14[%get3A_395, %get3A_396] {strides = array<i32>} : memref<128x128xf32, #tpu.memory_space<vmem>>, vector<1x32xf32>,
      %get3A_398 = vector.shape_cast %get3A_397 : vector<1x32xf32> to vector<32xf32>
      %swap3A_399 = arith.index_cast %add3A_391 : i32 to index
      %swap3A_400 = arith.constant 0 : index
      %swap3A_401 = tpu.vector_load %arg16[%swap3A_399, %swap3A_400] {strides = array<i32>} : memref<128x32xf32, #tpu.memory_space<vmem>>, vector<1x32xf32>,
      %swap3A_402 = vector.shape_cast %swap3A_401 : vector<1x32xf32> to vector<32xf32>
      %swap3A_403 = vector.shape_cast %get3A_398 : vector<32xf32> to vector<1x32xf32>
      tpu.vector_store %arg16[%swap3A_399, %swap3A_400], %swap3A_403 {strides = array<i32>} : memref<128x32xf32, #tpu.memory_space<vmem>>, vector<1x32xf32>,
      %mul3A_404 = arith.constant 16 : i32
      %mul3A_405 = arith.muli %add3A_238, %mul3A_404 : i32
      %add3A_406 = arith.constant 10 : i32
      %add3A_407 = arith.addi %mul3A_405, %add3A_406 : i32
      %slice3A_408 = vector.extract_strided_slice %mul3A_247 {offsets = [10], sizes = [1], strides = [1]} : vector<16xi32> to vector<1xi32>
      %squeeze3A_409 = vector.extract %slice3A_408[0] : i32 from vector<1xi32>
      %multiple_of3A_410 = tpu.assume_multiple %squeeze3A_409, 32 : i32
      %get3A_411 = arith.index_cast %add3A_407 : i32 to index
      %get3A_412 = arith.index_cast %multiple_of3A_410 : i32 to index
      %get3A_413 = tpu.vector_load %arg14[%get3A_411, %get3A_412] {strides = array<i32>} : memref<128x128xf32, #tpu.memory_space<vmem>>, vector<1x32xf32>,
      %get3A_414 = vector.shape_cast %get3A_413 : vector<1x32xf32> to vector<32xf32>
      %swap3A_415 = arith.index_cast %add3A_407 : i32 to index
      %swap3A_416 = arith.constant 0 : index
      %swap3A_417 = tpu.vector_load %arg16[%swap3A_415, %swap3A_416] {strides = array<i32>} : memref<128x32xf32, #tpu.memory_space<vmem>>, vector<1x32xf32>,
      %swap3A_418 = vector.shape_cast %swap3A_417 : vector<1x32xf32> to vector<32xf32>
      %swap3A_419 = vector.shape_cast %get3A_414 : vector<32xf32> to vector<1x32xf32>
      tpu.vector_store %arg16[%swap3A_415, %swap3A_416], %swap3A_419 {strides = array<i32>} : memref<128x32xf32, #tpu.memory_space<vmem>>, vector<1x32xf32>,
      %mul3A_420 = arith.constant 16 : i32
      %mul3A_421 = arith.muli %add3A_238, %mul3A_420 : i32
      %add3A_422 = arith.constant 11 : i32
      %add3A_423 = arith.addi %mul3A_421, %add3A_422 : i32
      %slice3A_424 = vector.extract_strided_slice %mul3A_247 {offsets = [11], sizes = [1], strides = [1]} : vector<16xi32> to vector<1xi32>
      %squeeze3A_425 = vector.extract %slice3A_424[0] : i32 from vector<1xi32>
      %multiple_of3A_426 = tpu.assume_multiple %squeeze3A_425, 32 : i32
      %get3A_427 = arith.index_cast %add3A_423 : i32 to index
      %get3A_428 = arith.index_cast %multiple_of3A_426 : i32 to index
      %get3A_429 = tpu.vector_load %arg14[%get3A_427, %get3A_428] {strides = array<i32>} : memref<128x128xf32, #tpu.memory_space<vmem>>, vector<1x32xf32>,
      %get3A_430 = vector.shape_cast %get3A_429 : vector<1x32xf32> to vector<32xf32>
      %swap3A_431 = arith.index_cast %add3A_423 : i32 to index
      %swap3A_432 = arith.constant 0 : index
      %swap3A_433 = tpu.vector_load %arg16[%swap3A_431, %swap3A_432] {strides = array<i32>} : memref<128x32xf32, #tpu.memory_space<vmem>>, vector<1x32xf32>,
      %swap3A_434 = vector.shape_cast %swap3A_433 : vector<1x32xf32> to vector<32xf32>
      %swap3A_435 = vector.shape_cast %get3A_430 : vector<32xf32> to vector<1x32xf32>
      tpu.vector_store %arg16[%swap3A_431, %swap3A_432], %swap3A_435 {strides = array<i32>} : memref<128x32xf32, #tpu.memory_space<vmem>>, vector<1x32xf32>,
      %mul3A_436 = arith.constant 16 : i32
      %mul3A_437 = arith.muli %add3A_238, %mul3A_436 : i32
      %add3A_438 = arith.constant 12 : i32
      %add3A_439 = arith.addi %mul3A_437, %add3A_438 : i32
      %slice3A_440 = vector.extract_strided_slice %mul3A_247 {offsets = [12], sizes = [1], strides = [1]} : vector<16xi32> to vector<1xi32>
      %squeeze3A_441 = vector.extract %slice3A_440[0] : i32 from vector<1xi32>
      %multiple_of3A_442 = tpu.assume_multiple %squeeze3A_441, 32 : i32
      %get3A_443 = arith.index_cast %add3A_439 : i32 to index
      %get3A_444 = arith.index_cast %multiple_of3A_442 : i32 to index
      %get3A_445 = tpu.vector_load %arg14[%get3A_443, %get3A_444] {strides = array<i32>} : memref<128x128xf32, #tpu.memory_space<vmem>>, vector<1x32xf32>,
      %get3A_446 = vector.shape_cast %get3A_445 : vector<1x32xf32> to vector<32xf32>
      %swap3A_447 = arith.index_cast %add3A_439 : i32 to index
      %swap3A_448 = arith.constant 0 : index
      %swap3A_449 = tpu.vector_load %arg16[%swap3A_447, %swap3A_448] {strides = array<i32>} : memref<128x32xf32, #tpu.memory_space<vmem>>, vector<1x32xf32>,
      %swap3A_450 = vector.shape_cast %swap3A_449 : vector<1x32xf32> to vector<32xf32>
      %swap3A_451 = vector.shape_cast %get3A_446 : vector<32xf32> to vector<1x32xf32>
      tpu.vector_store %arg16[%swap3A_447, %swap3A_448], %swap3A_451 {strides = array<i32>} : memref<128x32xf32, #tpu.memory_space<vmem>>, vector<1x32xf32>,
      %mul3A_452 = arith.constant 16 : i32
      %mul3A_453 = arith.muli %add3A_238, %mul3A_452 : i32
      %add3A_454 = arith.constant 13 : i32
      %add3A_455 = arith.addi %mul3A_453, %add3A_454 : i32
      %slice3A_456 = vector.extract_strided_slice %mul3A_247 {offsets = [13], sizes = [1], strides = [1]} : vector<16xi32> to vector<1xi32>
      %squeeze3A_457 = vector.extract %slice3A_456[0] : i32 from vector<1xi32>
      %multiple_of3A_458 = tpu.assume_multiple %squeeze3A_457, 32 : i32
      %get3A_459 = arith.index_cast %add3A_455 : i32 to index
      %get3A_460 = arith.index_cast %multiple_of3A_458 : i32 to index
      %get3A_461 = tpu.vector_load %arg14[%get3A_459, %get3A_460] {strides = array<i32>} : memref<128x128xf32, #tpu.memory_space<vmem>>, vector<1x32xf32>,
      %get3A_462 = vector.shape_cast %get3A_461 : vector<1x32xf32> to vector<32xf32>
      %swap3A_463 = arith.index_cast %add3A_455 : i32 to index
      %swap3A_464 = arith.constant 0 : index
      %swap3A_465 = tpu.vector_load %arg16[%swap3A_463, %swap3A_464] {strides = array<i32>} : memref<128x32xf32, #tpu.memory_space<vmem>>, vector<1x32xf32>,
      %swap3A_466 = vector.shape_cast %swap3A_465 : vector<1x32xf32> to vector<32xf32>
      %swap3A_467 = vector.shape_cast %get3A_462 : vector<32xf32> to vector<1x32xf32>
      tpu.vector_store %arg16[%swap3A_463, %swap3A_464], %swap3A_467 {strides = array<i32>} : memref<128x32xf32, #tpu.memory_space<vmem>>, vector<1x32xf32>,
      %mul3A_468 = arith.constant 16 : i32
      %mul3A_469 = arith.muli %add3A_238, %mul3A_468 : i32
      %add3A_470 = arith.constant 14 : i32
      %add3A_471 = arith.addi %mul3A_469, %add3A_470 : i32
      %slice3A_472 = vector.extract_strided_slice %mul3A_247 {offsets = [14], sizes = [1], strides = [1]} : vector<16xi32> to vector<1xi32>
      %squeeze3A_473 = vector.extract %slice3A_472[0] : i32 from vector<1xi32>
      %multiple_of3A_474 = tpu.assume_multiple %squeeze3A_473, 32 : i32
      %get3A_475 = arith.index_cast %add3A_471 : i32 to index
      %get3A_476 = arith.index_cast %multiple_of3A_474 : i32 to index
      %get3A_477 = tpu.vector_load %arg14[%get3A_475, %get3A_476] {strides = array<i32>} : memref<128x128xf32, #tpu.memory_space<vmem>>, vector<1x32xf32>,
      %get3A_478 = vector.shape_cast %get3A_477 : vector<1x32xf32> to vector<32xf32>
      %swap3A_479 = arith.index_cast %add3A_471 : i32 to index
      %swap3A_480 = arith.constant 0 : index
      %swap3A_481 = tpu.vector_load %arg16[%swap3A_479, %swap3A_480] {strides = array<i32>} : memref<128x32xf32, #tpu.memory_space<vmem>>, vector<1x32xf32>,
      %swap3A_482 = vector.shape_cast %swap3A_481 : vector<1x32xf32> to vector<32xf32>
      %swap3A_483 = vector.shape_cast %get3A_478 : vector<32xf32> to vector<1x32xf32>
      tpu.vector_store %arg16[%swap3A_479, %swap3A_480], %swap3A_483 {strides = array<i32>} : memref<128x32xf32, #tpu.memory_space<vmem>>, vector<1x32xf32>,
      %mul3A_484 = arith.constant 16 : i32
      %mul3A_485 = arith.muli %add3A_238, %mul3A_484 : i32
      %add3A_486 = arith.constant 15 : i32
      %add3A_487 = arith.addi %mul3A_485, %add3A_486 : i32
      %slice3A_488 = vector.extract_strided_slice %mul3A_247 {offsets = [15], sizes = [1], strides = [1]} : vector<16xi32> to vector<1xi32>
      %squeeze3A_489 = vector.extract %slice3A_488[0] : i32 from vector<1xi32>
      %multiple_of3A_490 = tpu.assume_multiple %squeeze3A_489, 32 : i32
      %get3A_491 = arith.index_cast %add3A_487 : i32 to index
      %get3A_492 = arith.index_cast %multiple_of3A_490 : i32 to index
      %get3A_493 = tpu.vector_load %arg14[%get3A_491, %get3A_492] {strides = array<i32>} : memref<128x128xf32, #tpu.memory_space<vmem>>, vector<1x32xf32>,
      %get3A_494 = vector.shape_cast %get3A_493 : vector<1x32xf32> to vector<32xf32>
      %swap3A_495 = arith.index_cast %add3A_487 : i32 to index
      %swap3A_496 = arith.constant 0 : index
      %swap3A_497 = tpu.vector_load %arg16[%swap3A_495, %swap3A_496] {strides = array<i32>} : memref<128x32xf32, #tpu.memory_space<vmem>>, vector<1x32xf32>,
      %swap3A_498 = vector.shape_cast %swap3A_497 : vector<1x32xf32> to vector<32xf32>
      %swap3A_499 = vector.shape_cast %get3A_494 : vector<32xf32> to vector<1x32xf32>
      tpu.vector_store %arg16[%swap3A_495, %swap3A_496], %swap3A_499 {strides = array<i32>} : memref<128x32xf32, #tpu.memory_space<vmem>>, vector<1x32xf32>,
    }
    %scan3A_139 = arith.constant 8 : i32
    %add3A_140 = arith.constant 0 : i32
    %add3A_141 = arith.addi %mul3A_4, %add3A_140 : i32
    %dma_start3A_142 = arith.constant 0 : i32
    %dma_start3A_143 = tpu.memref_slice %arg9[%add3A_141, %dma_start3A_142] : memref<16384x32xf32, #tpu.memory_space<hbm>> -> memref<128x32xf32, #tpu.memory_space<hbm>>
    %dma_start3A_144 = arith.constant 0 : i32
    %dma_start3A_145 = tpu.memref_slice %arg9[%add3A_141, %dma_start3A_144] : memref<16384x32xf32, #tpu.memory_space<hbm>> -> memref<128x32xf32, #tpu.memory_space<hbm>>
    tpu.enqueue_dma source(%arg16 : memref<128x32xf32, #tpu.memory_space<vmem>>) target(%dma_start3A_145 : memref<128x32xf32, #tpu.memory_space<hbm>>) target_semaphore(%arg20 : memref<!tpu.dma_semaphore, #tpu.memory_space<semaphore_mem>>)
    %dma_start3A_146 = arith.constant 2 : i32
    %dma_start3A_147 = arith.constant 0 : i32
    %dma_start3A_148 = tpu.memref_slice %arg11[%dma_start3A_146, %dma_start3A_147] : memref<4x128xi32, #tpu.memory_space<vmem>> -> memref<1x128xi32, #tpu.memory_space<vmem>>
    %dma_start3A_149 = tpu.memref_squeeze %dma_start3A_148 : memref<1x128xi32, #tpu.memory_space<vmem>> -> memref<128xi32, #tpu.memory_space<vmem>>
    %dma_start3A_150 = arith.constant 0 : i32
    %dma_start3A_151 = arith.constant 0 : i32
    %dma_start3A_152 = tpu.memref_slice %arg7[%dma_start3A_150, %dma_start3A_151] : memref<32768x128xf32, #tpu.memory_space<hbm>> -> memref<32768x128xf32, #tpu.memory_space<hbm>>
    tpu.enqueue_indirect_dma source(%dma_start3A_152 : memref<32768x128xf32, #tpu.memory_space<hbm>>) target(%arg14 : memref<128x128xf32, #tpu.memory_space<vmem>>) offsets(%dma_start3A_149 : memref<128xi32, #tpu.memory_space<vmem>>) semaphore(%arg18 : memref<!tpu.dma_semaphore, #tpu.memory_space<semaphore_mem>>)
    %dma_wait3A_153 = arith.constant 1 : i32
    %dma_wait3A_154 = arith.constant 0 : i32
    %dma_wait3A_155 = tpu.memref_slice %arg11[%dma_wait3A_153, %dma_wait3A_154] : memref<4x128xi32, #tpu.memory_space<vmem>> -> memref<1x128xi32, #tpu.memory_space<vmem>>
    %dma_wait3A_156 = tpu.memref_squeeze %dma_wait3A_155 : memref<1x128xi32, #tpu.memory_space<vmem>> -> memref<128xi32, #tpu.memory_space<vmem>>
    %dma_wait3A_157 = arith.constant 0 : i32
    %dma_wait3A_158 = arith.constant 0 : i32
    %dma_wait3A_159 = tpu.memref_slice %arg7[%dma_wait3A_157, %dma_wait3A_158] : memref<32768x128xf32, #tpu.memory_space<hbm>> -> memref<32768x128xf32, #tpu.memory_space<hbm>>
    tpu.wait_indirect_dma semaphore(%arg19 : memref<!tpu.dma_semaphore, #tpu.memory_space<semaphore_mem>>) src(%dma_wait3A_159 : memref<32768x128xf32, #tpu.memory_space<hbm>>) dst(%arg15 : memref<128x128xf32, #tpu.memory_space<vmem>>)
    %dma_wait3A_160 = arith.constant 0 : i32
    %dma_wait3A_161 = tpu.memref_slice %arg8[%add3A_112, %dma_wait3A_160] : memref<16384x32xf32, #tpu.memory_space<hbm>> -> memref<128x32xf32, #tpu.memory_space<hbm>>
    %dma_wait3A_162 = arith.constant 0 : i32
    %dma_wait3A_163 = tpu.memref_slice %arg8[%add3A_112, %dma_wait3A_162] : memref<16384x32xf32, #tpu.memory_space<hbm>> -> memref<128x32xf32, #tpu.memory_space<hbm>>
    tpu.wait_dma2 semaphore(%arg20 : memref<!tpu.dma_semaphore, #tpu.memory_space<semaphore_mem>>) src(%arg17 : memref<128x32xf32, #tpu.memory_space<vmem>>) dst(%dma_wait3A_163 : memref<128x32xf32, #tpu.memory_space<hbm>>)
    %scan3A_164 = arith.constant 0 : i32
    %scan3A_165 = arith.constant 8 : i32
    %scan3A_166 = arith.addi %scan3A_164, %scan3A_165 : i32
    %scan3A_167 = arith.constant 1 : i32
    scf.for %scan3A_234 = %scan3A_164 to %scan3A_166 step %scan3A_167  : i32 {
      %mul3A_235 = arith.constant 1 : i32
      %mul3A_236 = arith.muli %scan3A_234, %mul3A_235 : i32
      %add3A_237 = arith.constant 0 : i32
      %add3A_238 = arith.addi %add3A_237, %mul3A_236 : i32
      %mul3A_239 = arith.constant 16 : i32
      %mul3A_240 = arith.muli %add3A_238, %mul3A_239 : i32
      %add3A_241 = arith.constant 128 : i32
      %add3A_242 = arith.addi %add3A_241, %mul3A_240 : i32
      %get3A = arith.index_cast %add3A_242 : i32 to index
      %get3A_243 = tpu.vector_load %arg13[%get3A] {strides = array<i32>} : memref<512xi32, #tpu.memory_space<vmem>>, vector<16xi32>,
      %get3A_244 = vector.shape_cast %get3A_243 : vector<16xi32> to vector<16xi32>
      %mul3A_245 = arith.constant 32 : i32
      %mul3A_246 = vector.broadcast %mul3A_245 : i32 to vector<16xi32>
      %mul3A_247 = arith.muli %get3A_244, %mul3A_246 : vector<16xi32>
      %mul3A_248 = arith.constant 16 : i32
      %mul3A_249 = arith.muli %add3A_238, %mul3A_248 : i32
      %add3A_250 = arith.constant 0 : i32
      %add3A_251 = arith.addi %mul3A_249, %add3A_250 : i32
      %slice3A = vector.extract_strided_slice %mul3A_247 {offsets = [0], sizes = [1], strides = [1]} : vector<16xi32> to vector<1xi32>
      %squeeze3A = vector.extract %slice3A[0] : i32 from vector<1xi32>
      %multiple_of3A = tpu.assume_multiple %squeeze3A, 32 : i32
      %get3A_252 = arith.index_cast %add3A_251 : i32 to index
      %get3A_253 = arith.index_cast %multiple_of3A : i32 to index
      %get3A_254 = tpu.vector_load %arg15[%get3A_252, %get3A_253] {strides = array<i32>} : memref<128x128xf32, #tpu.memory_space<vmem>>, vector<1x32xf32>,
      %get3A_255 = vector.shape_cast %get3A_254 : vector<1x32xf32> to vector<32xf32>
      %swap3A = arith.index_cast %add3A_251 : i32 to index
      %swap3A_256 = arith.constant 0 : index
      %swap3A_257 = tpu.vector_load %arg17[%swap3A, %swap3A_256] {strides = array<i32>} : memref<128x32xf32, #tpu.memory_space<vmem>>, vector<1x32xf32>,
      %swap3A_258 = vector.shape_cast %swap3A_257 : vector<1x32xf32> to vector<32xf32>
      %swap3A_259 = vector.shape_cast %get3A_255 : vector<32xf32> to vector<1x32xf32>
      tpu.vector_store %arg17[%swap3A, %swap3A_256], %swap3A_259 {strides = array<i32>} : memref<128x32xf32, #tpu.memory_space<vmem>>, vector<1x32xf32>,
      %mul3A_260 = arith.constant 16 : i32
      %mul3A_261 = arith.muli %add3A_238, %mul3A_260 : i32
      %add3A_262 = arith.constant 1 : i32
      %add3A_263 = arith.addi %mul3A_261, %add3A_262 : i32
      %slice3A_264 = vector.extract_strided_slice %mul3A_247 {offsets = [1], sizes = [1], strides = [1]} : vector<16xi32> to vector<1xi32>
      %squeeze3A_265 = vector.extract %slice3A_264[0] : i32 from vector<1xi32>
      %multiple_of3A_266 = tpu.assume_multiple %squeeze3A_265, 32 : i32
      %get3A_267 = arith.index_cast %add3A_263 : i32 to index
      %get3A_268 = arith.index_cast %multiple_of3A_266 : i32 to index
      %get3A_269 = tpu.vector_load %arg15[%get3A_267, %get3A_268] {strides = array<i32>} : memref<128x128xf32, #tpu.memory_space<vmem>>, vector<1x32xf32>,
      %get3A_270 = vector.shape_cast %get3A_269 : vector<1x32xf32> to vector<32xf32>
      %swap3A_271 = arith.index_cast %add3A_263 : i32 to index
      %swap3A_272 = arith.constant 0 : index
      %swap3A_273 = tpu.vector_load %arg17[%swap3A_271, %swap3A_272] {strides = array<i32>} : memref<128x32xf32, #tpu.memory_space<vmem>>, vector<1x32xf32>,
      %swap3A_274 = vector.shape_cast %swap3A_273 : vector<1x32xf32> to vector<32xf32>
      %swap3A_275 = vector.shape_cast %get3A_270 : vector<32xf32> to vector<1x32xf32>
      tpu.vector_store %arg17[%swap3A_271, %swap3A_272], %swap3A_275 {strides = array<i32>} : memref<128x32xf32, #tpu.memory_space<vmem>>, vector<1x32xf32>,
      %mul3A_276 = arith.constant 16 : i32
      %mul3A_277 = arith.muli %add3A_238, %mul3A_276 : i32
      %add3A_278 = arith.constant 2 : i32
      %add3A_279 = arith.addi %mul3A_277, %add3A_278 : i32
      %slice3A_280 = vector.extract_strided_slice %mul3A_247 {offsets = [2], sizes = [1], strides = [1]} : vector<16xi32> to vector<1xi32>
      %squeeze3A_281 = vector.extract %slice3A_280[0] : i32 from vector<1xi32>
      %multiple_of3A_282 = tpu.assume_multiple %squeeze3A_281, 32 : i32
      %get3A_283 = arith.index_cast %add3A_279 : i32 to index
      %get3A_284 = arith.index_cast %multiple_of3A_282 : i32 to index
      %get3A_285 = tpu.vector_load %arg15[%get3A_283, %get3A_284] {strides = array<i32>} : memref<128x128xf32, #tpu.memory_space<vmem>>, vector<1x32xf32>,
      %get3A_286 = vector.shape_cast %get3A_285 : vector<1x32xf32> to vector<32xf32>
      %swap3A_287 = arith.index_cast %add3A_279 : i32 to index
      %swap3A_288 = arith.constant 0 : index
      %swap3A_289 = tpu.vector_load %arg17[%swap3A_287, %swap3A_288] {strides = array<i32>} : memref<128x32xf32, #tpu.memory_space<vmem>>, vector<1x32xf32>,
      %swap3A_290 = vector.shape_cast %swap3A_289 : vector<1x32xf32> to vector<32xf32>
      %swap3A_291 = vector.shape_cast %get3A_286 : vector<32xf32> to vector<1x32xf32>
      tpu.vector_store %arg17[%swap3A_287, %swap3A_288], %swap3A_291 {strides = array<i32>} : memref<128x32xf32, #tpu.memory_space<vmem>>, vector<1x32xf32>,
      %mul3A_292 = arith.constant 16 : i32
      %mul3A_293 = arith.muli %add3A_238, %mul3A_292 : i32
      %add3A_294 = arith.constant 3 : i32
      %add3A_295 = arith.addi %mul3A_293, %add3A_294 : i32
      %slice3A_296 = vector.extract_strided_slice %mul3A_247 {offsets = [3], sizes = [1], strides = [1]} : vector<16xi32> to vector<1xi32>
      %squeeze3A_297 = vector.extract %slice3A_296[0] : i32 from vector<1xi32>
      %multiple_of3A_298 = tpu.assume_multiple %squeeze3A_297, 32 : i32
      %get3A_299 = arith.index_cast %add3A_295 : i32 to index
      %get3A_300 = arith.index_cast %multiple_of3A_298 : i32 to index
      %get3A_301 = tpu.vector_load %arg15[%get3A_299, %get3A_300] {strides = array<i32>} : memref<128x128xf32, #tpu.memory_space<vmem>>, vector<1x32xf32>,
      %get3A_302 = vector.shape_cast %get3A_301 : vector<1x32xf32> to vector<32xf32>
      %swap3A_303 = arith.index_cast %add3A_295 : i32 to index
      %swap3A_304 = arith.constant 0 : index
      %swap3A_305 = tpu.vector_load %arg17[%swap3A_303, %swap3A_304] {strides = array<i32>} : memref<128x32xf32, #tpu.memory_space<vmem>>, vector<1x32xf32>,
      %swap3A_306 = vector.shape_cast %swap3A_305 : vector<1x32xf32> to vector<32xf32>
      %swap3A_307 = vector.shape_cast %get3A_302 : vector<32xf32> to vector<1x32xf32>
      tpu.vector_store %arg17[%swap3A_303, %swap3A_304], %swap3A_307 {strides = array<i32>} : memref<128x32xf32, #tpu.memory_space<vmem>>, vector<1x32xf32>,
      %mul3A_308 = arith.constant 16 : i32
      %mul3A_309 = arith.muli %add3A_238, %mul3A_308 : i32
      %add3A_310 = arith.constant 4 : i32
      %add3A_311 = arith.addi %mul3A_309, %add3A_310 : i32
      %slice3A_312 = vector.extract_strided_slice %mul3A_247 {offsets = [4], sizes = [1], strides = [1]} : vector<16xi32> to vector<1xi32>
      %squeeze3A_313 = vector.extract %slice3A_312[0] : i32 from vector<1xi32>
      %multiple_of3A_314 = tpu.assume_multiple %squeeze3A_313, 32 : i32
      %get3A_315 = arith.index_cast %add3A_311 : i32 to index
      %get3A_316 = arith.index_cast %multiple_of3A_314 : i32 to index
      %get3A_317 = tpu.vector_load %arg15[%get3A_315, %get3A_316] {strides = array<i32>} : memref<128x128xf32, #tpu.memory_space<vmem>>, vector<1x32xf32>,
      %get3A_318 = vector.shape_cast %get3A_317 : vector<1x32xf32> to vector<32xf32>
      %swap3A_319 = arith.index_cast %add3A_311 : i32 to index
      %swap3A_320 = arith.constant 0 : index
      %swap3A_321 = tpu.vector_load %arg17[%swap3A_319, %swap3A_320] {strides = array<i32>} : memref<128x32xf32, #tpu.memory_space<vmem>>, vector<1x32xf32>,
      %swap3A_322 = vector.shape_cast %swap3A_321 : vector<1x32xf32> to vector<32xf32>
      %swap3A_323 = vector.shape_cast %get3A_318 : vector<32xf32> to vector<1x32xf32>
      tpu.vector_store %arg17[%swap3A_319, %swap3A_320], %swap3A_323 {strides = array<i32>} : memref<128x32xf32, #tpu.memory_space<vmem>>, vector<1x32xf32>,
      %mul3A_324 = arith.constant 16 : i32
      %mul3A_325 = arith.muli %add3A_238, %mul3A_324 : i32
      %add3A_326 = arith.constant 5 : i32
      %add3A_327 = arith.addi %mul3A_325, %add3A_326 : i32
      %slice3A_328 = vector.extract_strided_slice %mul3A_247 {offsets = [5], sizes = [1], strides = [1]} : vector<16xi32> to vector<1xi32>
      %squeeze3A_329 = vector.extract %slice3A_328[0] : i32 from vector<1xi32>
      %multiple_of3A_330 = tpu.assume_multiple %squeeze3A_329, 32 : i32
      %get3A_331 = arith.index_cast %add3A_327 : i32 to index
      %get3A_332 = arith.index_cast %multiple_of3A_330 : i32 to index
      %get3A_333 = tpu.vector_load %arg15[%get3A_331, %get3A_332] {strides = array<i32>} : memref<128x128xf32, #tpu.memory_space<vmem>>, vector<1x32xf32>,
      %get3A_334 = vector.shape_cast %get3A_333 : vector<1x32xf32> to vector<32xf32>
      %swap3A_335 = arith.index_cast %add3A_327 : i32 to index
      %swap3A_336 = arith.constant 0 : index
      %swap3A_337 = tpu.vector_load %arg17[%swap3A_335, %swap3A_336] {strides = array<i32>} : memref<128x32xf32, #tpu.memory_space<vmem>>, vector<1x32xf32>,
      %swap3A_338 = vector.shape_cast %swap3A_337 : vector<1x32xf32> to vector<32xf32>
      %swap3A_339 = vector.shape_cast %get3A_334 : vector<32xf32> to vector<1x32xf32>
      tpu.vector_store %arg17[%swap3A_335, %swap3A_336], %swap3A_339 {strides = array<i32>} : memref<128x32xf32, #tpu.memory_space<vmem>>, vector<1x32xf32>,
      %mul3A_340 = arith.constant 16 : i32
      %mul3A_341 = arith.muli %add3A_238, %mul3A_340 : i32
      %add3A_342 = arith.constant 6 : i32
      %add3A_343 = arith.addi %mul3A_341, %add3A_342 : i32
      %slice3A_344 = vector.extract_strided_slice %mul3A_247 {offsets = [6], sizes = [1], strides = [1]} : vector<16xi32> to vector<1xi32>
      %squeeze3A_345 = vector.extract %slice3A_344[0] : i32 from vector<1xi32>
      %multiple_of3A_346 = tpu.assume_multiple %squeeze3A_345, 32 : i32
      %get3A_347 = arith.index_cast %add3A_343 : i32 to index
      %get3A_348 = arith.index_cast %multiple_of3A_346 : i32 to index
      %get3A_349 = tpu.vector_load %arg15[%get3A_347, %get3A_348] {strides = array<i32>} : memref<128x128xf32, #tpu.memory_space<vmem>>, vector<1x32xf32>,
      %get3A_350 = vector.shape_cast %get3A_349 : vector<1x32xf32> to vector<32xf32>
      %swap3A_351 = arith.index_cast %add3A_343 : i32 to index
      %swap3A_352 = arith.constant 0 : index
      %swap3A_353 = tpu.vector_load %arg17[%swap3A_351, %swap3A_352] {strides = array<i32>} : memref<128x32xf32, #tpu.memory_space<vmem>>, vector<1x32xf32>,
      %swap3A_354 = vector.shape_cast %swap3A_353 : vector<1x32xf32> to vector<32xf32>
      %swap3A_355 = vector.shape_cast %get3A_350 : vector<32xf32> to vector<1x32xf32>
      tpu.vector_store %arg17[%swap3A_351, %swap3A_352], %swap3A_355 {strides = array<i32>} : memref<128x32xf32, #tpu.memory_space<vmem>>, vector<1x32xf32>,
      %mul3A_356 = arith.constant 16 : i32
      %mul3A_357 = arith.muli %add3A_238, %mul3A_356 : i32
      %add3A_358 = arith.constant 7 : i32
      %add3A_359 = arith.addi %mul3A_357, %add3A_358 : i32
      %slice3A_360 = vector.extract_strided_slice %mul3A_247 {offsets = [7], sizes = [1], strides = [1]} : vector<16xi32> to vector<1xi32>
      %squeeze3A_361 = vector.extract %slice3A_360[0] : i32 from vector<1xi32>
      %multiple_of3A_362 = tpu.assume_multiple %squeeze3A_361, 32 : i32
      %get3A_363 = arith.index_cast %add3A_359 : i32 to index
      %get3A_364 = arith.index_cast %multiple_of3A_362 : i32 to index
      %get3A_365 = tpu.vector_load %arg15[%get3A_363, %get3A_364] {strides = array<i32>} : memref<128x128xf32, #tpu.memory_space<vmem>>, vector<1x32xf32>,
      %get3A_366 = vector.shape_cast %get3A_365 : vector<1x32xf32> to vector<32xf32>
      %swap3A_367 = arith.index_cast %add3A_359 : i32 to index
      %swap3A_368 = arith.constant 0 : index
      %swap3A_369 = tpu.vector_load %arg17[%swap3A_367, %swap3A_368] {strides = array<i32>} : memref<128x32xf32, #tpu.memory_space<vmem>>, vector<1x32xf32>,
      %swap3A_370 = vector.shape_cast %swap3A_369 : vector<1x32xf32> to vector<32xf32>
      %swap3A_371 = vector.shape_cast %get3A_366 : vector<32xf32> to vector<1x32xf32>
      tpu.vector_store %arg17[%swap3A_367, %swap3A_368], %swap3A_371 {strides = array<i32>} : memref<128x32xf32, #tpu.memory_space<vmem>>, vector<1x32xf32>,
      %mul3A_372 = arith.constant 16 : i32
      %mul3A_373 = arith.muli %add3A_238, %mul3A_372 : i32
      %add3A_374 = arith.constant 8 : i32
      %add3A_375 = arith.addi %mul3A_373, %add3A_374 : i32
      %slice3A_376 = vector.extract_strided_slice %mul3A_247 {offsets = [8], sizes = [1], strides = [1]} : vector<16xi32> to vector<1xi32>
      %squeeze3A_377 = vector.extract %slice3A_376[0] : i32 from vector<1xi32>
      %multiple_of3A_378 = tpu.assume_multiple %squeeze3A_377, 32 : i32
      %get3A_379 = arith.index_cast %add3A_375 : i32 to index
      %get3A_380 = arith.index_cast %multiple_of3A_378 : i32 to index
      %get3A_381 = tpu.vector_load %arg15[%get3A_379, %get3A_380] {strides = array<i32>} : memref<128x128xf32, #tpu.memory_space<vmem>>, vector<1x32xf32>,
      %get3A_382 = vector.shape_cast %get3A_381 : vector<1x32xf32> to vector<32xf32>
      %swap3A_383 = arith.index_cast %add3A_375 : i32 to index
      %swap3A_384 = arith.constant 0 : index
      %swap3A_385 = tpu.vector_load %arg17[%swap3A_383, %swap3A_384] {strides = array<i32>} : memref<128x32xf32, #tpu.memory_space<vmem>>, vector<1x32xf32>,
      %swap3A_386 = vector.shape_cast %swap3A_385 : vector<1x32xf32> to vector<32xf32>
      %swap3A_387 = vector.shape_cast %get3A_382 : vector<32xf32> to vector<1x32xf32>
      tpu.vector_store %arg17[%swap3A_383, %swap3A_384], %swap3A_387 {strides = array<i32>} : memref<128x32xf32, #tpu.memory_space<vmem>>, vector<1x32xf32>,
      %mul3A_388 = arith.constant 16 : i32
      %mul3A_389 = arith.muli %add3A_238, %mul3A_388 : i32
      %add3A_390 = arith.constant 9 : i32
      %add3A_391 = arith.addi %mul3A_389, %add3A_390 : i32
      %slice3A_392 = vector.extract_strided_slice %mul3A_247 {offsets = [9], sizes = [1], strides = [1]} : vector<16xi32> to vector<1xi32>
      %squeeze3A_393 = vector.extract %slice3A_392[0] : i32 from vector<1xi32>
      %multiple_of3A_394 = tpu.assume_multiple %squeeze3A_393, 32 : i32
      %get3A_395 = arith.index_cast %add3A_391 : i32 to index
      %get3A_396 = arith.index_cast %multiple_of3A_394 : i32 to index
      %get3A_397 = tpu.vector_load %arg15[%get3A_395, %get3A_396] {strides = array<i32>} : memref<128x128xf32, #tpu.memory_space<vmem>>, vector<1x32xf32>,
      %get3A_398 = vector.shape_cast %get3A_397 : vector<1x32xf32> to vector<32xf32>
      %swap3A_399 = arith.index_cast %add3A_391 : i32 to index
      %swap3A_400 = arith.constant 0 : index
      %swap3A_401 = tpu.vector_load %arg17[%swap3A_399, %swap3A_400] {strides = array<i32>} : memref<128x32xf32, #tpu.memory_space<vmem>>, vector<1x32xf32>,
      %swap3A_402 = vector.shape_cast %swap3A_401 : vector<1x32xf32> to vector<32xf32>
      %swap3A_403 = vector.shape_cast %get3A_398 : vector<32xf32> to vector<1x32xf32>
      tpu.vector_store %arg17[%swap3A_399, %swap3A_400], %swap3A_403 {strides = array<i32>} : memref<128x32xf32, #tpu.memory_space<vmem>>, vector<1x32xf32>,
      %mul3A_404 = arith.constant 16 : i32
      %mul3A_405 = arith.muli %add3A_238, %mul3A_404 : i32
      %add3A_406 = arith.constant 10 : i32
      %add3A_407 = arith.addi %mul3A_405, %add3A_406 : i32
      %slice3A_408 = vector.extract_strided_slice %mul3A_247 {offsets = [10], sizes = [1], strides = [1]} : vector<16xi32> to vector<1xi32>
      %squeeze3A_409 = vector.extract %slice3A_408[0] : i32 from vector<1xi32>
      %multiple_of3A_410 = tpu.assume_multiple %squeeze3A_409, 32 : i32
      %get3A_411 = arith.index_cast %add3A_407 : i32 to index
      %get3A_412 = arith.index_cast %multiple_of3A_410 : i32 to index
      %get3A_413 = tpu.vector_load %arg15[%get3A_411, %get3A_412] {strides = array<i32>} : memref<128x128xf32, #tpu.memory_space<vmem>>, vector<1x32xf32>,
      %get3A_414 = vector.shape_cast %get3A_413 : vector<1x32xf32> to vector<32xf32>
      %swap3A_415 = arith.index_cast %add3A_407 : i32 to index
      %swap3A_416 = arith.constant 0 : index
      %swap3A_417 = tpu.vector_load %arg17[%swap3A_415, %swap3A_416] {strides = array<i32>} : memref<128x32xf32, #tpu.memory_space<vmem>>, vector<1x32xf32>,
      %swap3A_418 = vector.shape_cast %swap3A_417 : vector<1x32xf32> to vector<32xf32>
      %swap3A_419 = vector.shape_cast %get3A_414 : vector<32xf32> to vector<1x32xf32>
      tpu.vector_store %arg17[%swap3A_415, %swap3A_416], %swap3A_419 {strides = array<i32>} : memref<128x32xf32, #tpu.memory_space<vmem>>, vector<1x32xf32>,
      %mul3A_420 = arith.constant 16 : i32
      %mul3A_421 = arith.muli %add3A_238, %mul3A_420 : i32
      %add3A_422 = arith.constant 11 : i32
      %add3A_423 = arith.addi %mul3A_421, %add3A_422 : i32
      %slice3A_424 = vector.extract_strided_slice %mul3A_247 {offsets = [11], sizes = [1], strides = [1]} : vector<16xi32> to vector<1xi32>
      %squeeze3A_425 = vector.extract %slice3A_424[0] : i32 from vector<1xi32>
      %multiple_of3A_426 = tpu.assume_multiple %squeeze3A_425, 32 : i32
      %get3A_427 = arith.index_cast %add3A_423 : i32 to index
      %get3A_428 = arith.index_cast %multiple_of3A_426 : i32 to index
      %get3A_429 = tpu.vector_load %arg15[%get3A_427, %get3A_428] {strides = array<i32>} : memref<128x128xf32, #tpu.memory_space<vmem>>, vector<1x32xf32>,
      %get3A_430 = vector.shape_cast %get3A_429 : vector<1x32xf32> to vector<32xf32>
      %swap3A_431 = arith.index_cast %add3A_423 : i32 to index
      %swap3A_432 = arith.constant 0 : index
      %swap3A_433 = tpu.vector_load %arg17[%swap3A_431, %swap3A_432] {strides = array<i32>} : memref<128x32xf32, #tpu.memory_space<vmem>>, vector<1x32xf32>,
      %swap3A_434 = vector.shape_cast %swap3A_433 : vector<1x32xf32> to vector<32xf32>
      %swap3A_435 = vector.shape_cast %get3A_430 : vector<32xf32> to vector<1x32xf32>
      tpu.vector_store %arg17[%swap3A_431, %swap3A_432], %swap3A_435 {strides = array<i32>} : memref<128x32xf32, #tpu.memory_space<vmem>>, vector<1x32xf32>,
      %mul3A_436 = arith.constant 16 : i32
      %mul3A_437 = arith.muli %add3A_238, %mul3A_436 : i32
      %add3A_438 = arith.constant 12 : i32
      %add3A_439 = arith.addi %mul3A_437, %add3A_438 : i32
      %slice3A_440 = vector.extract_strided_slice %mul3A_247 {offsets = [12], sizes = [1], strides = [1]} : vector<16xi32> to vector<1xi32>
      %squeeze3A_441 = vector.extract %slice3A_440[0] : i32 from vector<1xi32>
      %multiple_of3A_442 = tpu.assume_multiple %squeeze3A_441, 32 : i32
      %get3A_443 = arith.index_cast %add3A_439 : i32 to index
      %get3A_444 = arith.index_cast %multiple_of3A_442 : i32 to index
      %get3A_445 = tpu.vector_load %arg15[%get3A_443, %get3A_444] {strides = array<i32>} : memref<128x128xf32, #tpu.memory_space<vmem>>, vector<1x32xf32>,
      %get3A_446 = vector.shape_cast %get3A_445 : vector<1x32xf32> to vector<32xf32>
      %swap3A_447 = arith.index_cast %add3A_439 : i32 to index
      %swap3A_448 = arith.constant 0 : index
      %swap3A_449 = tpu.vector_load %arg17[%swap3A_447, %swap3A_448] {strides = array<i32>} : memref<128x32xf32, #tpu.memory_space<vmem>>, vector<1x32xf32>,
      %swap3A_450 = vector.shape_cast %swap3A_449 : vector<1x32xf32> to vector<32xf32>
      %swap3A_451 = vector.shape_cast %get3A_446 : vector<32xf32> to vector<1x32xf32>
      tpu.vector_store %arg17[%swap3A_447, %swap3A_448], %swap3A_451 {strides = array<i32>} : memref<128x32xf32, #tpu.memory_space<vmem>>, vector<1x32xf32>,
      %mul3A_452 = arith.constant 16 : i32
      %mul3A_453 = arith.muli %add3A_238, %mul3A_452 : i32
      %add3A_454 = arith.constant 13 : i32
      %add3A_455 = arith.addi %mul3A_453, %add3A_454 : i32
      %slice3A_456 = vector.extract_strided_slice %mul3A_247 {offsets = [13], sizes = [1], strides = [1]} : vector<16xi32> to vector<1xi32>
      %squeeze3A_457 = vector.extract %slice3A_456[0] : i32 from vector<1xi32>
      %multiple_of3A_458 = tpu.assume_multiple %squeeze3A_457, 32 : i32
      %get3A_459 = arith.index_cast %add3A_455 : i32 to index
      %get3A_460 = arith.index_cast %multiple_of3A_458 : i32 to index
      %get3A_461 = tpu.vector_load %arg15[%get3A_459, %get3A_460] {strides = array<i32>} : memref<128x128xf32, #tpu.memory_space<vmem>>, vector<1x32xf32>,
      %get3A_462 = vector.shape_cast %get3A_461 : vector<1x32xf32> to vector<32xf32>
      %swap3A_463 = arith.index_cast %add3A_455 : i32 to index
      %swap3A_464 = arith.constant 0 : index
      %swap3A_465 = tpu.vector_load %arg17[%swap3A_463, %swap3A_464] {strides = array<i32>} : memref<128x32xf32, #tpu.memory_space<vmem>>, vector<1x32xf32>,
      %swap3A_466 = vector.shape_cast %swap3A_465 : vector<1x32xf32> to vector<32xf32>
      %swap3A_467 = vector.shape_cast %get3A_462 : vector<32xf32> to vector<1x32xf32>
      tpu.vector_store %arg17[%swap3A_463, %swap3A_464], %swap3A_467 {strides = array<i32>} : memref<128x32xf32, #tpu.memory_space<vmem>>, vector<1x32xf32>,
      %mul3A_468 = arith.constant 16 : i32
      %mul3A_469 = arith.muli %add3A_238, %mul3A_468 : i32
      %add3A_470 = arith.constant 14 : i32
      %add3A_471 = arith.addi %mul3A_469, %add3A_470 : i32
      %slice3A_472 = vector.extract_strided_slice %mul3A_247 {offsets = [14], sizes = [1], strides = [1]} : vector<16xi32> to vector<1xi32>
      %squeeze3A_473 = vector.extract %slice3A_472[0] : i32 from vector<1xi32>
      %multiple_of3A_474 = tpu.assume_multiple %squeeze3A_473, 32 : i32
      %get3A_475 = arith.index_cast %add3A_471 : i32 to index
      %get3A_476 = arith.index_cast %multiple_of3A_474 : i32 to index
      %get3A_477 = tpu.vector_load %arg15[%get3A_475, %get3A_476] {strides = array<i32>} : memref<128x128xf32, #tpu.memory_space<vmem>>, vector<1x32xf32>,
      %get3A_478 = vector.shape_cast %get3A_477 : vector<1x32xf32> to vector<32xf32>
      %swap3A_479 = arith.index_cast %add3A_471 : i32 to index
      %swap3A_480 = arith.constant 0 : index
      %swap3A_481 = tpu.vector_load %arg17[%swap3A_479, %swap3A_480] {strides = array<i32>} : memref<128x32xf32, #tpu.memory_space<vmem>>, vector<1x32xf32>,
      %swap3A_482 = vector.shape_cast %swap3A_481 : vector<1x32xf32> to vector<32xf32>
      %swap3A_483 = vector.shape_cast %get3A_478 : vector<32xf32> to vector<1x32xf32>
      tpu.vector_store %arg17[%swap3A_479, %swap3A_480], %swap3A_483 {strides = array<i32>} : memref<128x32xf32, #tpu.memory_space<vmem>>, vector<1x32xf32>,
      %mul3A_484 = arith.constant 16 : i32
      %mul3A_485 = arith.muli %add3A_238, %mul3A_484 : i32
      %add3A_486 = arith.constant 15 : i32
      %add3A_487 = arith.addi %mul3A_485, %add3A_486 : i32
      %slice3A_488 = vector.extract_strided_slice %mul3A_247 {offsets = [15], sizes = [1], strides = [1]} : vector<16xi32> to vector<1xi32>
      %squeeze3A_489 = vector.extract %slice3A_488[0] : i32 from vector<1xi32>
      %multiple_of3A_490 = tpu.assume_multiple %squeeze3A_489, 32 : i32
      %get3A_491 = arith.index_cast %add3A_487 : i32 to index
      %get3A_492 = arith.index_cast %multiple_of3A_490 : i32 to index
      %get3A_493 = tpu.vector_load %arg15[%get3A_491, %get3A_492] {strides = array<i32>} : memref<128x128xf32, #tpu.memory_space<vmem>>, vector<1x32xf32>,
      %get3A_494 = vector.shape_cast %get3A_493 : vector<1x32xf32> to vector<32xf32>
      %swap3A_495 = arith.index_cast %add3A_487 : i32 to index
      %swap3A_496 = arith.constant 0 : index
      %swap3A_497 = tpu.vector_load %arg17[%swap3A_495, %swap3A_496] {strides = array<i32>} : memref<128x32xf32, #tpu.memory_space<vmem>>, vector<1x32xf32>,
      %swap3A_498 = vector.shape_cast %swap3A_497 : vector<1x32xf32> to vector<32xf32>
      %swap3A_499 = vector.shape_cast %get3A_494 : vector<32xf32> to vector<1x32xf32>
      tpu.vector_store %arg17[%swap3A_495, %swap3A_496], %swap3A_499 {strides = array<i32>} : memref<128x32xf32, #tpu.memory_space<vmem>>, vector<1x32xf32>,
    }
    %scan3A_168 = arith.constant 8 : i32
    %add3A_169 = arith.constant 128 : i32
    %add3A_170 = arith.addi %mul3A_4, %add3A_169 : i32
    %dma_start3A_171 = arith.constant 0 : i32
    %dma_start3A_172 = tpu.memref_slice %arg9[%add3A_170, %dma_start3A_171] : memref<16384x32xf32, #tpu.memory_space<hbm>> -> memref<128x32xf32, #tpu.memory_space<hbm>>
    %dma_start3A_173 = arith.constant 0 : i32
    %dma_start3A_174 = tpu.memref_slice %arg9[%add3A_170, %dma_start3A_173] : memref<16384x32xf32, #tpu.memory_space<hbm>> -> memref<128x32xf32, #tpu.memory_space<hbm>>
    tpu.enqueue_dma source(%arg17 : memref<128x32xf32, #tpu.memory_space<vmem>>) target(%dma_start3A_174 : memref<128x32xf32, #tpu.memory_space<hbm>>) target_semaphore(%arg20 : memref<!tpu.dma_semaphore, #tpu.memory_space<semaphore_mem>>)
    %dma_start3A_175 = arith.constant 3 : i32
    %dma_start3A_176 = arith.constant 0 : i32
    %dma_start3A_177 = tpu.memref_slice %arg11[%dma_start3A_175, %dma_start3A_176] : memref<4x128xi32, #tpu.memory_space<vmem>> -> memref<1x128xi32, #tpu.memory_space<vmem>>
    %dma_start3A_178 = tpu.memref_squeeze %dma_start3A_177 : memref<1x128xi32, #tpu.memory_space<vmem>> -> memref<128xi32, #tpu.memory_space<vmem>>
    %dma_start3A_179 = arith.constant 0 : i32
    %dma_start3A_180 = arith.constant 0 : i32
    %dma_start3A_181 = tpu.memref_slice %arg7[%dma_start3A_179, %dma_start3A_180] : memref<32768x128xf32, #tpu.memory_space<hbm>> -> memref<32768x128xf32, #tpu.memory_space<hbm>>
    tpu.enqueue_indirect_dma source(%dma_start3A_181 : memref<32768x128xf32, #tpu.memory_space<hbm>>) target(%arg15 : memref<128x128xf32, #tpu.memory_space<vmem>>) offsets(%dma_start3A_178 : memref<128xi32, #tpu.memory_space<vmem>>) semaphore(%arg19 : memref<!tpu.dma_semaphore, #tpu.memory_space<semaphore_mem>>)
    %dma_wait3A_182 = arith.constant 2 : i32
    %dma_wait3A_183 = arith.constant 0 : i32
    %dma_wait3A_184 = tpu.memref_slice %arg11[%dma_wait3A_182, %dma_wait3A_183] : memref<4x128xi32, #tpu.memory_space<vmem>> -> memref<1x128xi32, #tpu.memory_space<vmem>>
    %dma_wait3A_185 = tpu.memref_squeeze %dma_wait3A_184 : memref<1x128xi32, #tpu.memory_space<vmem>> -> memref<128xi32, #tpu.memory_space<vmem>>
    %dma_wait3A_186 = arith.constant 0 : i32
    %dma_wait3A_187 = arith.constant 0 : i32
    %dma_wait3A_188 = tpu.memref_slice %arg7[%dma_wait3A_186, %dma_wait3A_187] : memref<32768x128xf32, #tpu.memory_space<hbm>> -> memref<32768x128xf32, #tpu.memory_space<hbm>>
    tpu.wait_indirect_dma semaphore(%arg18 : memref<!tpu.dma_semaphore, #tpu.memory_space<semaphore_mem>>) src(%dma_wait3A_188 : memref<32768x128xf32, #tpu.memory_space<hbm>>) dst(%arg14 : memref<128x128xf32, #tpu.memory_space<vmem>>)
    %dma_wait3A_189 = arith.constant 0 : i32
    %dma_wait3A_190 = tpu.memref_slice %arg9[%add3A_141, %dma_wait3A_189] : memref<16384x32xf32, #tpu.memory_space<hbm>> -> memref<128x32xf32, #tpu.memory_space<hbm>>
    %dma_wait3A_191 = arith.constant 0 : i32
    %dma_wait3A_192 = tpu.memref_slice %arg9[%add3A_141, %dma_wait3A_191] : memref<16384x32xf32, #tpu.memory_space<hbm>> -> memref<128x32xf32, #tpu.memory_space<hbm>>
    tpu.wait_dma2 semaphore(%arg20 : memref<!tpu.dma_semaphore, #tpu.memory_space<semaphore_mem>>) src(%arg16 : memref<128x32xf32, #tpu.memory_space<vmem>>) dst(%dma_wait3A_192 : memref<128x32xf32, #tpu.memory_space<hbm>>)
    %scan3A_193 = arith.constant 0 : i32
    %scan3A_194 = arith.constant 8 : i32
    %scan3A_195 = arith.addi %scan3A_193, %scan3A_194 : i32
    %scan3A_196 = arith.constant 1 : i32
    scf.for %scan3A_234 = %scan3A_193 to %scan3A_195 step %scan3A_196  : i32 {
      %mul3A_235 = arith.constant 1 : i32
      %mul3A_236 = arith.muli %scan3A_234, %mul3A_235 : i32
      %add3A_237 = arith.constant 0 : i32
      %add3A_238 = arith.addi %add3A_237, %mul3A_236 : i32
      %mul3A_239 = arith.constant 16 : i32
      %mul3A_240 = arith.muli %add3A_238, %mul3A_239 : i32
      %add3A_241 = arith.constant 256 : i32
      %add3A_242 = arith.addi %add3A_241, %mul3A_240 : i32
      %get3A = arith.index_cast %add3A_242 : i32 to index
      %get3A_243 = tpu.vector_load %arg13[%get3A] {strides = array<i32>} : memref<512xi32, #tpu.memory_space<vmem>>, vector<16xi32>,
      %get3A_244 = vector.shape_cast %get3A_243 : vector<16xi32> to vector<16xi32>
      %mul3A_245 = arith.constant 32 : i32
      %mul3A_246 = vector.broadcast %mul3A_245 : i32 to vector<16xi32>
      %mul3A_247 = arith.muli %get3A_244, %mul3A_246 : vector<16xi32>
      %mul3A_248 = arith.constant 16 : i32
      %mul3A_249 = arith.muli %add3A_238, %mul3A_248 : i32
      %add3A_250 = arith.constant 0 : i32
      %add3A_251 = arith.addi %mul3A_249, %add3A_250 : i32
      %slice3A = vector.extract_strided_slice %mul3A_247 {offsets = [0], sizes = [1], strides = [1]} : vector<16xi32> to vector<1xi32>
      %squeeze3A = vector.extract %slice3A[0] : i32 from vector<1xi32>
      %multiple_of3A = tpu.assume_multiple %squeeze3A, 32 : i32
      %get3A_252 = arith.index_cast %add3A_251 : i32 to index
      %get3A_253 = arith.index_cast %multiple_of3A : i32 to index
      %get3A_254 = tpu.vector_load %arg14[%get3A_252, %get3A_253] {strides = array<i32>} : memref<128x128xf32, #tpu.memory_space<vmem>>, vector<1x32xf32>,
      %get3A_255 = vector.shape_cast %get3A_254 : vector<1x32xf32> to vector<32xf32>
      %swap3A = arith.index_cast %add3A_251 : i32 to index
      %swap3A_256 = arith.constant 0 : index
      %swap3A_257 = tpu.vector_load %arg16[%swap3A, %swap3A_256] {strides = array<i32>} : memref<128x32xf32, #tpu.memory_space<vmem>>, vector<1x32xf32>,
      %swap3A_258 = vector.shape_cast %swap3A_257 : vector<1x32xf32> to vector<32xf32>
      %swap3A_259 = vector.shape_cast %get3A_255 : vector<32xf32> to vector<1x32xf32>
      tpu.vector_store %arg16[%swap3A, %swap3A_256], %swap3A_259 {strides = array<i32>} : memref<128x32xf32, #tpu.memory_space<vmem>>, vector<1x32xf32>,
      %mul3A_260 = arith.constant 16 : i32
      %mul3A_261 = arith.muli %add3A_238, %mul3A_260 : i32
      %add3A_262 = arith.constant 1 : i32
      %add3A_263 = arith.addi %mul3A_261, %add3A_262 : i32
      %slice3A_264 = vector.extract_strided_slice %mul3A_247 {offsets = [1], sizes = [1], strides = [1]} : vector<16xi32> to vector<1xi32>
      %squeeze3A_265 = vector.extract %slice3A_264[0] : i32 from vector<1xi32>
      %multiple_of3A_266 = tpu.assume_multiple %squeeze3A_265, 32 : i32
      %get3A_267 = arith.index_cast %add3A_263 : i32 to index
      %get3A_268 = arith.index_cast %multiple_of3A_266 : i32 to index
      %get3A_269 = tpu.vector_load %arg14[%get3A_267, %get3A_268] {strides = array<i32>} : memref<128x128xf32, #tpu.memory_space<vmem>>, vector<1x32xf32>,
      %get3A_270 = vector.shape_cast %get3A_269 : vector<1x32xf32> to vector<32xf32>
      %swap3A_271 = arith.index_cast %add3A_263 : i32 to index
      %swap3A_272 = arith.constant 0 : index
      %swap3A_273 = tpu.vector_load %arg16[%swap3A_271, %swap3A_272] {strides = array<i32>} : memref<128x32xf32, #tpu.memory_space<vmem>>, vector<1x32xf32>,
      %swap3A_274 = vector.shape_cast %swap3A_273 : vector<1x32xf32> to vector<32xf32>
      %swap3A_275 = vector.shape_cast %get3A_270 : vector<32xf32> to vector<1x32xf32>
      tpu.vector_store %arg16[%swap3A_271, %swap3A_272], %swap3A_275 {strides = array<i32>} : memref<128x32xf32, #tpu.memory_space<vmem>>, vector<1x32xf32>,
      %mul3A_276 = arith.constant 16 : i32
      %mul3A_277 = arith.muli %add3A_238, %mul3A_276 : i32
      %add3A_278 = arith.constant 2 : i32
      %add3A_279 = arith.addi %mul3A_277, %add3A_278 : i32
      %slice3A_280 = vector.extract_strided_slice %mul3A_247 {offsets = [2], sizes = [1], strides = [1]} : vector<16xi32> to vector<1xi32>
      %squeeze3A_281 = vector.extract %slice3A_280[0] : i32 from vector<1xi32>
      %multiple_of3A_282 = tpu.assume_multiple %squeeze3A_281, 32 : i32
      %get3A_283 = arith.index_cast %add3A_279 : i32 to index
      %get3A_284 = arith.index_cast %multiple_of3A_282 : i32 to index
      %get3A_285 = tpu.vector_load %arg14[%get3A_283, %get3A_284] {strides = array<i32>} : memref<128x128xf32, #tpu.memory_space<vmem>>, vector<1x32xf32>,
      %get3A_286 = vector.shape_cast %get3A_285 : vector<1x32xf32> to vector<32xf32>
      %swap3A_287 = arith.index_cast %add3A_279 : i32 to index
      %swap3A_288 = arith.constant 0 : index
      %swap3A_289 = tpu.vector_load %arg16[%swap3A_287, %swap3A_288] {strides = array<i32>} : memref<128x32xf32, #tpu.memory_space<vmem>>, vector<1x32xf32>,
      %swap3A_290 = vector.shape_cast %swap3A_289 : vector<1x32xf32> to vector<32xf32>
      %swap3A_291 = vector.shape_cast %get3A_286 : vector<32xf32> to vector<1x32xf32>
      tpu.vector_store %arg16[%swap3A_287, %swap3A_288], %swap3A_291 {strides = array<i32>} : memref<128x32xf32, #tpu.memory_space<vmem>>, vector<1x32xf32>,
      %mul3A_292 = arith.constant 16 : i32
      %mul3A_293 = arith.muli %add3A_238, %mul3A_292 : i32
      %add3A_294 = arith.constant 3 : i32
      %add3A_295 = arith.addi %mul3A_293, %add3A_294 : i32
      %slice3A_296 = vector.extract_strided_slice %mul3A_247 {offsets = [3], sizes = [1], strides = [1]} : vector<16xi32> to vector<1xi32>
      %squeeze3A_297 = vector.extract %slice3A_296[0] : i32 from vector<1xi32>
      %multiple_of3A_298 = tpu.assume_multiple %squeeze3A_297, 32 : i32
      %get3A_299 = arith.index_cast %add3A_295 : i32 to index
      %get3A_300 = arith.index_cast %multiple_of3A_298 : i32 to index
      %get3A_301 = tpu.vector_load %arg14[%get3A_299, %get3A_300] {strides = array<i32>} : memref<128x128xf32, #tpu.memory_space<vmem>>, vector<1x32xf32>,
      %get3A_302 = vector.shape_cast %get3A_301 : vector<1x32xf32> to vector<32xf32>
      %swap3A_303 = arith.index_cast %add3A_295 : i32 to index
      %swap3A_304 = arith.constant 0 : index
      %swap3A_305 = tpu.vector_load %arg16[%swap3A_303, %swap3A_304] {strides = array<i32>} : memref<128x32xf32, #tpu.memory_space<vmem>>, vector<1x32xf32>,
      %swap3A_306 = vector.shape_cast %swap3A_305 : vector<1x32xf32> to vector<32xf32>
      %swap3A_307 = vector.shape_cast %get3A_302 : vector<32xf32> to vector<1x32xf32>
      tpu.vector_store %arg16[%swap3A_303, %swap3A_304], %swap3A_307 {strides = array<i32>} : memref<128x32xf32, #tpu.memory_space<vmem>>, vector<1x32xf32>,
      %mul3A_308 = arith.constant 16 : i32
      %mul3A_309 = arith.muli %add3A_238, %mul3A_308 : i32
      %add3A_310 = arith.constant 4 : i32
      %add3A_311 = arith.addi %mul3A_309, %add3A_310 : i32
      %slice3A_312 = vector.extract_strided_slice %mul3A_247 {offsets = [4], sizes = [1], strides = [1]} : vector<16xi32> to vector<1xi32>
      %squeeze3A_313 = vector.extract %slice3A_312[0] : i32 from vector<1xi32>
      %multiple_of3A_314 = tpu.assume_multiple %squeeze3A_313, 32 : i32
      %get3A_315 = arith.index_cast %add3A_311 : i32 to index
      %get3A_316 = arith.index_cast %multiple_of3A_314 : i32 to index
      %get3A_317 = tpu.vector_load %arg14[%get3A_315, %get3A_316] {strides = array<i32>} : memref<128x128xf32, #tpu.memory_space<vmem>>, vector<1x32xf32>,
      %get3A_318 = vector.shape_cast %get3A_317 : vector<1x32xf32> to vector<32xf32>
      %swap3A_319 = arith.index_cast %add3A_311 : i32 to index
      %swap3A_320 = arith.constant 0 : index
      %swap3A_321 = tpu.vector_load %arg16[%swap3A_319, %swap3A_320] {strides = array<i32>} : memref<128x32xf32, #tpu.memory_space<vmem>>, vector<1x32xf32>,
      %swap3A_322 = vector.shape_cast %swap3A_321 : vector<1x32xf32> to vector<32xf32>
      %swap3A_323 = vector.shape_cast %get3A_318 : vector<32xf32> to vector<1x32xf32>
      tpu.vector_store %arg16[%swap3A_319, %swap3A_320], %swap3A_323 {strides = array<i32>} : memref<128x32xf32, #tpu.memory_space<vmem>>, vector<1x32xf32>,
      %mul3A_324 = arith.constant 16 : i32
      %mul3A_325 = arith.muli %add3A_238, %mul3A_324 : i32
      %add3A_326 = arith.constant 5 : i32
      %add3A_327 = arith.addi %mul3A_325, %add3A_326 : i32
      %slice3A_328 = vector.extract_strided_slice %mul3A_247 {offsets = [5], sizes = [1], strides = [1]} : vector<16xi32> to vector<1xi32>
      %squeeze3A_329 = vector.extract %slice3A_328[0] : i32 from vector<1xi32>
      %multiple_of3A_330 = tpu.assume_multiple %squeeze3A_329, 32 : i32
      %get3A_331 = arith.index_cast %add3A_327 : i32 to index
      %get3A_332 = arith.index_cast %multiple_of3A_330 : i32 to index
      %get3A_333 = tpu.vector_load %arg14[%get3A_331, %get3A_332] {strides = array<i32>} : memref<128x128xf32, #tpu.memory_space<vmem>>, vector<1x32xf32>,
      %get3A_334 = vector.shape_cast %get3A_333 : vector<1x32xf32> to vector<32xf32>
      %swap3A_335 = arith.index_cast %add3A_327 : i32 to index
      %swap3A_336 = arith.constant 0 : index
      %swap3A_337 = tpu.vector_load %arg16[%swap3A_335, %swap3A_336] {strides = array<i32>} : memref<128x32xf32, #tpu.memory_space<vmem>>, vector<1x32xf32>,
      %swap3A_338 = vector.shape_cast %swap3A_337 : vector<1x32xf32> to vector<32xf32>
      %swap3A_339 = vector.shape_cast %get3A_334 : vector<32xf32> to vector<1x32xf32>
      tpu.vector_store %arg16[%swap3A_335, %swap3A_336], %swap3A_339 {strides = array<i32>} : memref<128x32xf32, #tpu.memory_space<vmem>>, vector<1x32xf32>,
      %mul3A_340 = arith.constant 16 : i32
      %mul3A_341 = arith.muli %add3A_238, %mul3A_340 : i32
      %add3A_342 = arith.constant 6 : i32
      %add3A_343 = arith.addi %mul3A_341, %add3A_342 : i32
      %slice3A_344 = vector.extract_strided_slice %mul3A_247 {offsets = [6], sizes = [1], strides = [1]} : vector<16xi32> to vector<1xi32>
      %squeeze3A_345 = vector.extract %slice3A_344[0] : i32 from vector<1xi32>
      %multiple_of3A_346 = tpu.assume_multiple %squeeze3A_345, 32 : i32
      %get3A_347 = arith.index_cast %add3A_343 : i32 to index
      %get3A_348 = arith.index_cast %multiple_of3A_346 : i32 to index
      %get3A_349 = tpu.vector_load %arg14[%get3A_347, %get3A_348] {strides = array<i32>} : memref<128x128xf32, #tpu.memory_space<vmem>>, vector<1x32xf32>,
      %get3A_350 = vector.shape_cast %get3A_349 : vector<1x32xf32> to vector<32xf32>
      %swap3A_351 = arith.index_cast %add3A_343 : i32 to index
      %swap3A_352 = arith.constant 0 : index
      %swap3A_353 = tpu.vector_load %arg16[%swap3A_351, %swap3A_352] {strides = array<i32>} : memref<128x32xf32, #tpu.memory_space<vmem>>, vector<1x32xf32>,
      %swap3A_354 = vector.shape_cast %swap3A_353 : vector<1x32xf32> to vector<32xf32>
      %swap3A_355 = vector.shape_cast %get3A_350 : vector<32xf32> to vector<1x32xf32>
      tpu.vector_store %arg16[%swap3A_351, %swap3A_352], %swap3A_355 {strides = array<i32>} : memref<128x32xf32, #tpu.memory_space<vmem>>, vector<1x32xf32>,
      %mul3A_356 = arith.constant 16 : i32
      %mul3A_357 = arith.muli %add3A_238, %mul3A_356 : i32
      %add3A_358 = arith.constant 7 : i32
      %add3A_359 = arith.addi %mul3A_357, %add3A_358 : i32
      %slice3A_360 = vector.extract_strided_slice %mul3A_247 {offsets = [7], sizes = [1], strides = [1]} : vector<16xi32> to vector<1xi32>
      %squeeze3A_361 = vector.extract %slice3A_360[0] : i32 from vector<1xi32>
      %multiple_of3A_362 = tpu.assume_multiple %squeeze3A_361, 32 : i32
      %get3A_363 = arith.index_cast %add3A_359 : i32 to index
      %get3A_364 = arith.index_cast %multiple_of3A_362 : i32 to index
      %get3A_365 = tpu.vector_load %arg14[%get3A_363, %get3A_364] {strides = array<i32>} : memref<128x128xf32, #tpu.memory_space<vmem>>, vector<1x32xf32>,
      %get3A_366 = vector.shape_cast %get3A_365 : vector<1x32xf32> to vector<32xf32>
      %swap3A_367 = arith.index_cast %add3A_359 : i32 to index
      %swap3A_368 = arith.constant 0 : index
      %swap3A_369 = tpu.vector_load %arg16[%swap3A_367, %swap3A_368] {strides = array<i32>} : memref<128x32xf32, #tpu.memory_space<vmem>>, vector<1x32xf32>,
      %swap3A_370 = vector.shape_cast %swap3A_369 : vector<1x32xf32> to vector<32xf32>
      %swap3A_371 = vector.shape_cast %get3A_366 : vector<32xf32> to vector<1x32xf32>
      tpu.vector_store %arg16[%swap3A_367, %swap3A_368], %swap3A_371 {strides = array<i32>} : memref<128x32xf32, #tpu.memory_space<vmem>>, vector<1x32xf32>,
      %mul3A_372 = arith.constant 16 : i32
      %mul3A_373 = arith.muli %add3A_238, %mul3A_372 : i32
      %add3A_374 = arith.constant 8 : i32
      %add3A_375 = arith.addi %mul3A_373, %add3A_374 : i32
      %slice3A_376 = vector.extract_strided_slice %mul3A_247 {offsets = [8], sizes = [1], strides = [1]} : vector<16xi32> to vector<1xi32>
      %squeeze3A_377 = vector.extract %slice3A_376[0] : i32 from vector<1xi32>
      %multiple_of3A_378 = tpu.assume_multiple %squeeze3A_377, 32 : i32
      %get3A_379 = arith.index_cast %add3A_375 : i32 to index
      %get3A_380 = arith.index_cast %multiple_of3A_378 : i32 to index
      %get3A_381 = tpu.vector_load %arg14[%get3A_379, %get3A_380] {strides = array<i32>} : memref<128x128xf32, #tpu.memory_space<vmem>>, vector<1x32xf32>,
      %get3A_382 = vector.shape_cast %get3A_381 : vector<1x32xf32> to vector<32xf32>
      %swap3A_383 = arith.index_cast %add3A_375 : i32 to index
      %swap3A_384 = arith.constant 0 : index
      %swap3A_385 = tpu.vector_load %arg16[%swap3A_383, %swap3A_384] {strides = array<i32>} : memref<128x32xf32, #tpu.memory_space<vmem>>, vector<1x32xf32>,
      %swap3A_386 = vector.shape_cast %swap3A_385 : vector<1x32xf32> to vector<32xf32>
      %swap3A_387 = vector.shape_cast %get3A_382 : vector<32xf32> to vector<1x32xf32>
      tpu.vector_store %arg16[%swap3A_383, %swap3A_384], %swap3A_387 {strides = array<i32>} : memref<128x32xf32, #tpu.memory_space<vmem>>, vector<1x32xf32>,
      %mul3A_388 = arith.constant 16 : i32
      %mul3A_389 = arith.muli %add3A_238, %mul3A_388 : i32
      %add3A_390 = arith.constant 9 : i32
      %add3A_391 = arith.addi %mul3A_389, %add3A_390 : i32
      %slice3A_392 = vector.extract_strided_slice %mul3A_247 {offsets = [9], sizes = [1], strides = [1]} : vector<16xi32> to vector<1xi32>
      %squeeze3A_393 = vector.extract %slice3A_392[0] : i32 from vector<1xi32>
      %multiple_of3A_394 = tpu.assume_multiple %squeeze3A_393, 32 : i32
      %get3A_395 = arith.index_cast %add3A_391 : i32 to index
      %get3A_396 = arith.index_cast %multiple_of3A_394 : i32 to index
      %get3A_397 = tpu.vector_load %arg14[%get3A_395, %get3A_396] {strides = array<i32>} : memref<128x128xf32, #tpu.memory_space<vmem>>, vector<1x32xf32>,
      %get3A_398 = vector.shape_cast %get3A_397 : vector<1x32xf32> to vector<32xf32>
      %swap3A_399 = arith.index_cast %add3A_391 : i32 to index
      %swap3A_400 = arith.constant 0 : index
      %swap3A_401 = tpu.vector_load %arg16[%swap3A_399, %swap3A_400] {strides = array<i32>} : memref<128x32xf32, #tpu.memory_space<vmem>>, vector<1x32xf32>,
      %swap3A_402 = vector.shape_cast %swap3A_401 : vector<1x32xf32> to vector<32xf32>
      %swap3A_403 = vector.shape_cast %get3A_398 : vector<32xf32> to vector<1x32xf32>
      tpu.vector_store %arg16[%swap3A_399, %swap3A_400], %swap3A_403 {strides = array<i32>} : memref<128x32xf32, #tpu.memory_space<vmem>>, vector<1x32xf32>,
      %mul3A_404 = arith.constant 16 : i32
      %mul3A_405 = arith.muli %add3A_238, %mul3A_404 : i32
      %add3A_406 = arith.constant 10 : i32
      %add3A_407 = arith.addi %mul3A_405, %add3A_406 : i32
      %slice3A_408 = vector.extract_strided_slice %mul3A_247 {offsets = [10], sizes = [1], strides = [1]} : vector<16xi32> to vector<1xi32>
      %squeeze3A_409 = vector.extract %slice3A_408[0] : i32 from vector<1xi32>
      %multiple_of3A_410 = tpu.assume_multiple %squeeze3A_409, 32 : i32
      %get3A_411 = arith.index_cast %add3A_407 : i32 to index
      %get3A_412 = arith.index_cast %multiple_of3A_410 : i32 to index
      %get3A_413 = tpu.vector_load %arg14[%get3A_411, %get3A_412] {strides = array<i32>} : memref<128x128xf32, #tpu.memory_space<vmem>>, vector<1x32xf32>,
      %get3A_414 = vector.shape_cast %get3A_413 : vector<1x32xf32> to vector<32xf32>
      %swap3A_415 = arith.index_cast %add3A_407 : i32 to index
      %swap3A_416 = arith.constant 0 : index
      %swap3A_417 = tpu.vector_load %arg16[%swap3A_415, %swap3A_416] {strides = array<i32>} : memref<128x32xf32, #tpu.memory_space<vmem>>, vector<1x32xf32>,
      %swap3A_418 = vector.shape_cast %swap3A_417 : vector<1x32xf32> to vector<32xf32>
      %swap3A_419 = vector.shape_cast %get3A_414 : vector<32xf32> to vector<1x32xf32>
      tpu.vector_store %arg16[%swap3A_415, %swap3A_416], %swap3A_419 {strides = array<i32>} : memref<128x32xf32, #tpu.memory_space<vmem>>, vector<1x32xf32>,
      %mul3A_420 = arith.constant 16 : i32
      %mul3A_421 = arith.muli %add3A_238, %mul3A_420 : i32
      %add3A_422 = arith.constant 11 : i32
      %add3A_423 = arith.addi %mul3A_421, %add3A_422 : i32
      %slice3A_424 = vector.extract_strided_slice %mul3A_247 {offsets = [11], sizes = [1], strides = [1]} : vector<16xi32> to vector<1xi32>
      %squeeze3A_425 = vector.extract %slice3A_424[0] : i32 from vector<1xi32>
      %multiple_of3A_426 = tpu.assume_multiple %squeeze3A_425, 32 : i32
      %get3A_427 = arith.index_cast %add3A_423 : i32 to index
      %get3A_428 = arith.index_cast %multiple_of3A_426 : i32 to index
      %get3A_429 = tpu.vector_load %arg14[%get3A_427, %get3A_428] {strides = array<i32>} : memref<128x128xf32, #tpu.memory_space<vmem>>, vector<1x32xf32>,
      %get3A_430 = vector.shape_cast %get3A_429 : vector<1x32xf32> to vector<32xf32>
      %swap3A_431 = arith.index_cast %add3A_423 : i32 to index
      %swap3A_432 = arith.constant 0 : index
      %swap3A_433 = tpu.vector_load %arg16[%swap3A_431, %swap3A_432] {strides = array<i32>} : memref<128x32xf32, #tpu.memory_space<vmem>>, vector<1x32xf32>,
      %swap3A_434 = vector.shape_cast %swap3A_433 : vector<1x32xf32> to vector<32xf32>
      %swap3A_435 = vector.shape_cast %get3A_430 : vector<32xf32> to vector<1x32xf32>
      tpu.vector_store %arg16[%swap3A_431, %swap3A_432], %swap3A_435 {strides = array<i32>} : memref<128x32xf32, #tpu.memory_space<vmem>>, vector<1x32xf32>,
      %mul3A_436 = arith.constant 16 : i32
      %mul3A_437 = arith.muli %add3A_238, %mul3A_436 : i32
      %add3A_438 = arith.constant 12 : i32
      %add3A_439 = arith.addi %mul3A_437, %add3A_438 : i32
      %slice3A_440 = vector.extract_strided_slice %mul3A_247 {offsets = [12], sizes = [1], strides = [1]} : vector<16xi32> to vector<1xi32>
      %squeeze3A_441 = vector.extract %slice3A_440[0] : i32 from vector<1xi32>
      %multiple_of3A_442 = tpu.assume_multiple %squeeze3A_441, 32 : i32
      %get3A_443 = arith.index_cast %add3A_439 : i32 to index
      %get3A_444 = arith.index_cast %multiple_of3A_442 : i32 to index
      %get3A_445 = tpu.vector_load %arg14[%get3A_443, %get3A_444] {strides = array<i32>} : memref<128x128xf32, #tpu.memory_space<vmem>>, vector<1x32xf32>,
      %get3A_446 = vector.shape_cast %get3A_445 : vector<1x32xf32> to vector<32xf32>
      %swap3A_447 = arith.index_cast %add3A_439 : i32 to index
      %swap3A_448 = arith.constant 0 : index
      %swap3A_449 = tpu.vector_load %arg16[%swap3A_447, %swap3A_448] {strides = array<i32>} : memref<128x32xf32, #tpu.memory_space<vmem>>, vector<1x32xf32>,
      %swap3A_450 = vector.shape_cast %swap3A_449 : vector<1x32xf32> to vector<32xf32>
      %swap3A_451 = vector.shape_cast %get3A_446 : vector<32xf32> to vector<1x32xf32>
      tpu.vector_store %arg16[%swap3A_447, %swap3A_448], %swap3A_451 {strides = array<i32>} : memref<128x32xf32, #tpu.memory_space<vmem>>, vector<1x32xf32>,
      %mul3A_452 = arith.constant 16 : i32
      %mul3A_453 = arith.muli %add3A_238, %mul3A_452 : i32
      %add3A_454 = arith.constant 13 : i32
      %add3A_455 = arith.addi %mul3A_453, %add3A_454 : i32
      %slice3A_456 = vector.extract_strided_slice %mul3A_247 {offsets = [13], sizes = [1], strides = [1]} : vector<16xi32> to vector<1xi32>
      %squeeze3A_457 = vector.extract %slice3A_456[0] : i32 from vector<1xi32>
      %multiple_of3A_458 = tpu.assume_multiple %squeeze3A_457, 32 : i32
      %get3A_459 = arith.index_cast %add3A_455 : i32 to index
      %get3A_460 = arith.index_cast %multiple_of3A_458 : i32 to index
      %get3A_461 = tpu.vector_load %arg14[%get3A_459, %get3A_460] {strides = array<i32>} : memref<128x128xf32, #tpu.memory_space<vmem>>, vector<1x32xf32>,
      %get3A_462 = vector.shape_cast %get3A_461 : vector<1x32xf32> to vector<32xf32>
      %swap3A_463 = arith.index_cast %add3A_455 : i32 to index
      %swap3A_464 = arith.constant 0 : index
      %swap3A_465 = tpu.vector_load %arg16[%swap3A_463, %swap3A_464] {strides = array<i32>} : memref<128x32xf32, #tpu.memory_space<vmem>>, vector<1x32xf32>,
      %swap3A_466 = vector.shape_cast %swap3A_465 : vector<1x32xf32> to vector<32xf32>
      %swap3A_467 = vector.shape_cast %get3A_462 : vector<32xf32> to vector<1x32xf32>
      tpu.vector_store %arg16[%swap3A_463, %swap3A_464], %swap3A_467 {strides = array<i32>} : memref<128x32xf32, #tpu.memory_space<vmem>>, vector<1x32xf32>,
      %mul3A_468 = arith.constant 16 : i32
      %mul3A_469 = arith.muli %add3A_238, %mul3A_468 : i32
      %add3A_470 = arith.constant 14 : i32
      %add3A_471 = arith.addi %mul3A_469, %add3A_470 : i32
      %slice3A_472 = vector.extract_strided_slice %mul3A_247 {offsets = [14], sizes = [1], strides = [1]} : vector<16xi32> to vector<1xi32>
      %squeeze3A_473 = vector.extract %slice3A_472[0] : i32 from vector<1xi32>
      %multiple_of3A_474 = tpu.assume_multiple %squeeze3A_473, 32 : i32
      %get3A_475 = arith.index_cast %add3A_471 : i32 to index
      %get3A_476 = arith.index_cast %multiple_of3A_474 : i32 to index
      %get3A_477 = tpu.vector_load %arg14[%get3A_475, %get3A_476] {strides = array<i32>} : memref<128x128xf32, #tpu.memory_space<vmem>>, vector<1x32xf32>,
      %get3A_478 = vector.shape_cast %get3A_477 : vector<1x32xf32> to vector<32xf32>
      %swap3A_479 = arith.index_cast %add3A_471 : i32 to index
      %swap3A_480 = arith.constant 0 : index
      %swap3A_481 = tpu.vector_load %arg16[%swap3A_479, %swap3A_480] {strides = array<i32>} : memref<128x32xf32, #tpu.memory_space<vmem>>, vector<1x32xf32>,
      %swap3A_482 = vector.shape_cast %swap3A_481 : vector<1x32xf32> to vector<32xf32>
      %swap3A_483 = vector.shape_cast %get3A_478 : vector<32xf32> to vector<1x32xf32>
      tpu.vector_store %arg16[%swap3A_479, %swap3A_480], %swap3A_483 {strides = array<i32>} : memref<128x32xf32, #tpu.memory_space<vmem>>, vector<1x32xf32>,
      %mul3A_484 = arith.constant 16 : i32
      %mul3A_485 = arith.muli %add3A_238, %mul3A_484 : i32
      %add3A_486 = arith.constant 15 : i32
      %add3A_487 = arith.addi %mul3A_485, %add3A_486 : i32
      %slice3A_488 = vector.extract_strided_slice %mul3A_247 {offsets = [15], sizes = [1], strides = [1]} : vector<16xi32> to vector<1xi32>
      %squeeze3A_489 = vector.extract %slice3A_488[0] : i32 from vector<1xi32>
      %multiple_of3A_490 = tpu.assume_multiple %squeeze3A_489, 32 : i32
      %get3A_491 = arith.index_cast %add3A_487 : i32 to index
      %get3A_492 = arith.index_cast %multiple_of3A_490 : i32 to index
      %get3A_493 = tpu.vector_load %arg14[%get3A_491, %get3A_492] {strides = array<i32>} : memref<128x128xf32, #tpu.memory_space<vmem>>, vector<1x32xf32>,
      %get3A_494 = vector.shape_cast %get3A_493 : vector<1x32xf32> to vector<32xf32>
      %swap3A_495 = arith.index_cast %add3A_487 : i32 to index
      %swap3A_496 = arith.constant 0 : index
      %swap3A_497 = tpu.vector_load %arg16[%swap3A_495, %swap3A_496] {strides = array<i32>} : memref<128x32xf32, #tpu.memory_space<vmem>>, vector<1x32xf32>,
      %swap3A_498 = vector.shape_cast %swap3A_497 : vector<1x32xf32> to vector<32xf32>
      %swap3A_499 = vector.shape_cast %get3A_494 : vector<32xf32> to vector<1x32xf32>
      tpu.vector_store %arg16[%swap3A_495, %swap3A_496], %swap3A_499 {strides = array<i32>} : memref<128x32xf32, #tpu.memory_space<vmem>>, vector<1x32xf32>,
    }
    %scan3A_197 = arith.constant 8 : i32
    %add3A_198 = arith.constant 256 : i32
    %add3A_199 = arith.addi %mul3A_4, %add3A_198 : i32
    %dma_start3A_200 = arith.constant 0 : i32
    %dma_start3A_201 = tpu.memref_slice %arg9[%add3A_199, %dma_start3A_200] : memref<16384x32xf32, #tpu.memory_space<hbm>> -> memref<128x32xf32, #tpu.memory_space<hbm>>
    %dma_start3A_202 = arith.constant 0 : i32
    %dma_start3A_203 = tpu.memref_slice %arg9[%add3A_199, %dma_start3A_202] : memref<16384x32xf32, #tpu.memory_space<hbm>> -> memref<128x32xf32, #tpu.memory_space<hbm>>
    tpu.enqueue_dma source(%arg16 : memref<128x32xf32, #tpu.memory_space<vmem>>) target(%dma_start3A_203 : memref<128x32xf32, #tpu.memory_space<hbm>>) target_semaphore(%arg20 : memref<!tpu.dma_semaphore, #tpu.memory_space<semaphore_mem>>)
    %dma_wait3A_204 = arith.constant 3 : i32
    %dma_wait3A_205 = arith.constant 0 : i32
    %dma_wait3A_206 = tpu.memref_slice %arg11[%dma_wait3A_204, %dma_wait3A_205] : memref<4x128xi32, #tpu.memory_space<vmem>> -> memref<1x128xi32, #tpu.memory_space<vmem>>
    %dma_wait3A_207 = tpu.memref_squeeze %dma_wait3A_206 : memref<1x128xi32, #tpu.memory_space<vmem>> -> memref<128xi32, #tpu.memory_space<vmem>>
    %dma_wait3A_208 = arith.constant 0 : i32
    %dma_wait3A_209 = arith.constant 0 : i32
    %dma_wait3A_210 = tpu.memref_slice %arg7[%dma_wait3A_208, %dma_wait3A_209] : memref<32768x128xf32, #tpu.memory_space<hbm>> -> memref<32768x128xf32, #tpu.memory_space<hbm>>
    tpu.wait_indirect_dma semaphore(%arg19 : memref<!tpu.dma_semaphore, #tpu.memory_space<semaphore_mem>>) src(%dma_wait3A_210 : memref<32768x128xf32, #tpu.memory_space<hbm>>) dst(%arg15 : memref<128x128xf32, #tpu.memory_space<vmem>>)
    %dma_wait3A_211 = arith.constant 0 : i32
    %dma_wait3A_212 = tpu.memref_slice %arg9[%add3A_170, %dma_wait3A_211] : memref<16384x32xf32, #tpu.memory_space<hbm>> -> memref<128x32xf32, #tpu.memory_space<hbm>>
    %dma_wait3A_213 = arith.constant 0 : i32
    %dma_wait3A_214 = tpu.memref_slice %arg9[%add3A_170, %dma_wait3A_213] : memref<16384x32xf32, #tpu.memory_space<hbm>> -> memref<128x32xf32, #tpu.memory_space<hbm>>
    tpu.wait_dma2 semaphore(%arg20 : memref<!tpu.dma_semaphore, #tpu.memory_space<semaphore_mem>>) src(%arg17 : memref<128x32xf32, #tpu.memory_space<vmem>>) dst(%dma_wait3A_214 : memref<128x32xf32, #tpu.memory_space<hbm>>)
    %scan3A_215 = arith.constant 0 : i32
    %scan3A_216 = arith.constant 8 : i32
    %scan3A_217 = arith.addi %scan3A_215, %scan3A_216 : i32
    %scan3A_218 = arith.constant 1 : i32
    scf.for %scan3A_234 = %scan3A_215 to %scan3A_217 step %scan3A_218  : i32 {
      %mul3A_235 = arith.constant 1 : i32
      %mul3A_236 = arith.muli %scan3A_234, %mul3A_235 : i32
      %add3A_237 = arith.constant 0 : i32
      %add3A_238 = arith.addi %add3A_237, %mul3A_236 : i32
      %mul3A_239 = arith.constant 16 : i32
      %mul3A_240 = arith.muli %add3A_238, %mul3A_239 : i32
      %add3A_241 = arith.constant 384 : i32
      %add3A_242 = arith.addi %add3A_241, %mul3A_240 : i32
      %get3A = arith.index_cast %add3A_242 : i32 to index
      %get3A_243 = tpu.vector_load %arg13[%get3A] {strides = array<i32>} : memref<512xi32, #tpu.memory_space<vmem>>, vector<16xi32>,
      %get3A_244 = vector.shape_cast %get3A_243 : vector<16xi32> to vector<16xi32>
      %mul3A_245 = arith.constant 32 : i32
      %mul3A_246 = vector.broadcast %mul3A_245 : i32 to vector<16xi32>
      %mul3A_247 = arith.muli %get3A_244, %mul3A_246 : vector<16xi32>
      %mul3A_248 = arith.constant 16 : i32
      %mul3A_249 = arith.muli %add3A_238, %mul3A_248 : i32
      %add3A_250 = arith.constant 0 : i32
      %add3A_251 = arith.addi %mul3A_249, %add3A_250 : i32
      %slice3A = vector.extract_strided_slice %mul3A_247 {offsets = [0], sizes = [1], strides = [1]} : vector<16xi32> to vector<1xi32>
      %squeeze3A = vector.extract %slice3A[0] : i32 from vector<1xi32>
      %multiple_of3A = tpu.assume_multiple %squeeze3A, 32 : i32
      %get3A_252 = arith.index_cast %add3A_251 : i32 to index
      %get3A_253 = arith.index_cast %multiple_of3A : i32 to index
      %get3A_254 = tpu.vector_load %arg15[%get3A_252, %get3A_253] {strides = array<i32>} : memref<128x128xf32, #tpu.memory_space<vmem>>, vector<1x32xf32>,
      %get3A_255 = vector.shape_cast %get3A_254 : vector<1x32xf32> to vector<32xf32>
      %swap3A = arith.index_cast %add3A_251 : i32 to index
      %swap3A_256 = arith.constant 0 : index
      %swap3A_257 = tpu.vector_load %arg17[%swap3A, %swap3A_256] {strides = array<i32>} : memref<128x32xf32, #tpu.memory_space<vmem>>, vector<1x32xf32>,
      %swap3A_258 = vector.shape_cast %swap3A_257 : vector<1x32xf32> to vector<32xf32>
      %swap3A_259 = vector.shape_cast %get3A_255 : vector<32xf32> to vector<1x32xf32>
      tpu.vector_store %arg17[%swap3A, %swap3A_256], %swap3A_259 {strides = array<i32>} : memref<128x32xf32, #tpu.memory_space<vmem>>, vector<1x32xf32>,
      %mul3A_260 = arith.constant 16 : i32
      %mul3A_261 = arith.muli %add3A_238, %mul3A_260 : i32
      %add3A_262 = arith.constant 1 : i32
      %add3A_263 = arith.addi %mul3A_261, %add3A_262 : i32
      %slice3A_264 = vector.extract_strided_slice %mul3A_247 {offsets = [1], sizes = [1], strides = [1]} : vector<16xi32> to vector<1xi32>
      %squeeze3A_265 = vector.extract %slice3A_264[0] : i32 from vector<1xi32>
      %multiple_of3A_266 = tpu.assume_multiple %squeeze3A_265, 32 : i32
      %get3A_267 = arith.index_cast %add3A_263 : i32 to index
      %get3A_268 = arith.index_cast %multiple_of3A_266 : i32 to index
      %get3A_269 = tpu.vector_load %arg15[%get3A_267, %get3A_268] {strides = array<i32>} : memref<128x128xf32, #tpu.memory_space<vmem>>, vector<1x32xf32>,
      %get3A_270 = vector.shape_cast %get3A_269 : vector<1x32xf32> to vector<32xf32>
      %swap3A_271 = arith.index_cast %add3A_263 : i32 to index
      %swap3A_272 = arith.constant 0 : index
      %swap3A_273 = tpu.vector_load %arg17[%swap3A_271, %swap3A_272] {strides = array<i32>} : memref<128x32xf32, #tpu.memory_space<vmem>>, vector<1x32xf32>,
      %swap3A_274 = vector.shape_cast %swap3A_273 : vector<1x32xf32> to vector<32xf32>
      %swap3A_275 = vector.shape_cast %get3A_270 : vector<32xf32> to vector<1x32xf32>
      tpu.vector_store %arg17[%swap3A_271, %swap3A_272], %swap3A_275 {strides = array<i32>} : memref<128x32xf32, #tpu.memory_space<vmem>>, vector<1x32xf32>,
      %mul3A_276 = arith.constant 16 : i32
      %mul3A_277 = arith.muli %add3A_238, %mul3A_276 : i32
      %add3A_278 = arith.constant 2 : i32
      %add3A_279 = arith.addi %mul3A_277, %add3A_278 : i32
      %slice3A_280 = vector.extract_strided_slice %mul3A_247 {offsets = [2], sizes = [1], strides = [1]} : vector<16xi32> to vector<1xi32>
      %squeeze3A_281 = vector.extract %slice3A_280[0] : i32 from vector<1xi32>
      %multiple_of3A_282 = tpu.assume_multiple %squeeze3A_281, 32 : i32
      %get3A_283 = arith.index_cast %add3A_279 : i32 to index
      %get3A_284 = arith.index_cast %multiple_of3A_282 : i32 to index
      %get3A_285 = tpu.vector_load %arg15[%get3A_283, %get3A_284] {strides = array<i32>} : memref<128x128xf32, #tpu.memory_space<vmem>>, vector<1x32xf32>,
      %get3A_286 = vector.shape_cast %get3A_285 : vector<1x32xf32> to vector<32xf32>
      %swap3A_287 = arith.index_cast %add3A_279 : i32 to index
      %swap3A_288 = arith.constant 0 : index
      %swap3A_289 = tpu.vector_load %arg17[%swap3A_287, %swap3A_288] {strides = array<i32>} : memref<128x32xf32, #tpu.memory_space<vmem>>, vector<1x32xf32>,
      %swap3A_290 = vector.shape_cast %swap3A_289 : vector<1x32xf32> to vector<32xf32>
      %swap3A_291 = vector.shape_cast %get3A_286 : vector<32xf32> to vector<1x32xf32>
      tpu.vector_store %arg17[%swap3A_287, %swap3A_288], %swap3A_291 {strides = array<i32>} : memref<128x32xf32, #tpu.memory_space<vmem>>, vector<1x32xf32>,
      %mul3A_292 = arith.constant 16 : i32
      %mul3A_293 = arith.muli %add3A_238, %mul3A_292 : i32
      %add3A_294 = arith.constant 3 : i32
      %add3A_295 = arith.addi %mul3A_293, %add3A_294 : i32
      %slice3A_296 = vector.extract_strided_slice %mul3A_247 {offsets = [3], sizes = [1], strides = [1]} : vector<16xi32> to vector<1xi32>
      %squeeze3A_297 = vector.extract %slice3A_296[0] : i32 from vector<1xi32>
      %multiple_of3A_298 = tpu.assume_multiple %squeeze3A_297, 32 : i32
      %get3A_299 = arith.index_cast %add3A_295 : i32 to index
      %get3A_300 = arith.index_cast %multiple_of3A_298 : i32 to index
      %get3A_301 = tpu.vector_load %arg15[%get3A_299, %get3A_300] {strides = array<i32>} : memref<128x128xf32, #tpu.memory_space<vmem>>, vector<1x32xf32>,
      %get3A_302 = vector.shape_cast %get3A_301 : vector<1x32xf32> to vector<32xf32>
      %swap3A_303 = arith.index_cast %add3A_295 : i32 to index
      %swap3A_304 = arith.constant 0 : index
      %swap3A_305 = tpu.vector_load %arg17[%swap3A_303, %swap3A_304] {strides = array<i32>} : memref<128x32xf32, #tpu.memory_space<vmem>>, vector<1x32xf32>,
      %swap3A_306 = vector.shape_cast %swap3A_305 : vector<1x32xf32> to vector<32xf32>
      %swap3A_307 = vector.shape_cast %get3A_302 : vector<32xf32> to vector<1x32xf32>
      tpu.vector_store %arg17[%swap3A_303, %swap3A_304], %swap3A_307 {strides = array<i32>} : memref<128x32xf32, #tpu.memory_space<vmem>>, vector<1x32xf32>,
      %mul3A_308 = arith.constant 16 : i32
      %mul3A_309 = arith.muli %add3A_238, %mul3A_308 : i32
      %add3A_310 = arith.constant 4 : i32
      %add3A_311 = arith.addi %mul3A_309, %add3A_310 : i32
      %slice3A_312 = vector.extract_strided_slice %mul3A_247 {offsets = [4], sizes = [1], strides = [1]} : vector<16xi32> to vector<1xi32>
      %squeeze3A_313 = vector.extract %slice3A_312[0] : i32 from vector<1xi32>
      %multiple_of3A_314 = tpu.assume_multiple %squeeze3A_313, 32 : i32
      %get3A_315 = arith.index_cast %add3A_311 : i32 to index
      %get3A_316 = arith.index_cast %multiple_of3A_314 : i32 to index
      %get3A_317 = tpu.vector_load %arg15[%get3A_315, %get3A_316] {strides = array<i32>} : memref<128x128xf32, #tpu.memory_space<vmem>>, vector<1x32xf32>,
      %get3A_318 = vector.shape_cast %get3A_317 : vector<1x32xf32> to vector<32xf32>
      %swap3A_319 = arith.index_cast %add3A_311 : i32 to index
      %swap3A_320 = arith.constant 0 : index
      %swap3A_321 = tpu.vector_load %arg17[%swap3A_319, %swap3A_320] {strides = array<i32>} : memref<128x32xf32, #tpu.memory_space<vmem>>, vector<1x32xf32>,
      %swap3A_322 = vector.shape_cast %swap3A_321 : vector<1x32xf32> to vector<32xf32>
      %swap3A_323 = vector.shape_cast %get3A_318 : vector<32xf32> to vector<1x32xf32>
      tpu.vector_store %arg17[%swap3A_319, %swap3A_320], %swap3A_323 {strides = array<i32>} : memref<128x32xf32, #tpu.memory_space<vmem>>, vector<1x32xf32>,
      %mul3A_324 = arith.constant 16 : i32
      %mul3A_325 = arith.muli %add3A_238, %mul3A_324 : i32
      %add3A_326 = arith.constant 5 : i32
      %add3A_327 = arith.addi %mul3A_325, %add3A_326 : i32
      %slice3A_328 = vector.extract_strided_slice %mul3A_247 {offsets = [5], sizes = [1], strides = [1]} : vector<16xi32> to vector<1xi32>
      %squeeze3A_329 = vector.extract %slice3A_328[0] : i32 from vector<1xi32>
      %multiple_of3A_330 = tpu.assume_multiple %squeeze3A_329, 32 : i32
      %get3A_331 = arith.index_cast %add3A_327 : i32 to index
      %get3A_332 = arith.index_cast %multiple_of3A_330 : i32 to index
      %get3A_333 = tpu.vector_load %arg15[%get3A_331, %get3A_332] {strides = array<i32>} : memref<128x128xf32, #tpu.memory_space<vmem>>, vector<1x32xf32>,
      %get3A_334 = vector.shape_cast %get3A_333 : vector<1x32xf32> to vector<32xf32>
      %swap3A_335 = arith.index_cast %add3A_327 : i32 to index
      %swap3A_336 = arith.constant 0 : index
      %swap3A_337 = tpu.vector_load %arg17[%swap3A_335, %swap3A_336] {strides = array<i32>} : memref<128x32xf32, #tpu.memory_space<vmem>>, vector<1x32xf32>,
      %swap3A_338 = vector.shape_cast %swap3A_337 : vector<1x32xf32> to vector<32xf32>
      %swap3A_339 = vector.shape_cast %get3A_334 : vector<32xf32> to vector<1x32xf32>
      tpu.vector_store %arg17[%swap3A_335, %swap3A_336], %swap3A_339 {strides = array<i32>} : memref<128x32xf32, #tpu.memory_space<vmem>>, vector<1x32xf32>,
      %mul3A_340 = arith.constant 16 : i32
      %mul3A_341 = arith.muli %add3A_238, %mul3A_340 : i32
      %add3A_342 = arith.constant 6 : i32
      %add3A_343 = arith.addi %mul3A_341, %add3A_342 : i32
      %slice3A_344 = vector.extract_strided_slice %mul3A_247 {offsets = [6], sizes = [1], strides = [1]} : vector<16xi32> to vector<1xi32>
      %squeeze3A_345 = vector.extract %slice3A_344[0] : i32 from vector<1xi32>
      %multiple_of3A_346 = tpu.assume_multiple %squeeze3A_345, 32 : i32
      %get3A_347 = arith.index_cast %add3A_343 : i32 to index
      %get3A_348 = arith.index_cast %multiple_of3A_346 : i32 to index
      %get3A_349 = tpu.vector_load %arg15[%get3A_347, %get3A_348] {strides = array<i32>} : memref<128x128xf32, #tpu.memory_space<vmem>>, vector<1x32xf32>,
      %get3A_350 = vector.shape_cast %get3A_349 : vector<1x32xf32> to vector<32xf32>
      %swap3A_351 = arith.index_cast %add3A_343 : i32 to index
      %swap3A_352 = arith.constant 0 : index
      %swap3A_353 = tpu.vector_load %arg17[%swap3A_351, %swap3A_352] {strides = array<i32>} : memref<128x32xf32, #tpu.memory_space<vmem>>, vector<1x32xf32>,
      %swap3A_354 = vector.shape_cast %swap3A_353 : vector<1x32xf32> to vector<32xf32>
      %swap3A_355 = vector.shape_cast %get3A_350 : vector<32xf32> to vector<1x32xf32>
      tpu.vector_store %arg17[%swap3A_351, %swap3A_352], %swap3A_355 {strides = array<i32>} : memref<128x32xf32, #tpu.memory_space<vmem>>, vector<1x32xf32>,
      %mul3A_356 = arith.constant 16 : i32
      %mul3A_357 = arith.muli %add3A_238, %mul3A_356 : i32
      %add3A_358 = arith.constant 7 : i32
      %add3A_359 = arith.addi %mul3A_357, %add3A_358 : i32
      %slice3A_360 = vector.extract_strided_slice %mul3A_247 {offsets = [7], sizes = [1], strides = [1]} : vector<16xi32> to vector<1xi32>
      %squeeze3A_361 = vector.extract %slice3A_360[0] : i32 from vector<1xi32>
      %multiple_of3A_362 = tpu.assume_multiple %squeeze3A_361, 32 : i32
      %get3A_363 = arith.index_cast %add3A_359 : i32 to index
      %get3A_364 = arith.index_cast %multiple_of3A_362 : i32 to index
      %get3A_365 = tpu.vector_load %arg15[%get3A_363, %get3A_364] {strides = array<i32>} : memref<128x128xf32, #tpu.memory_space<vmem>>, vector<1x32xf32>,
      %get3A_366 = vector.shape_cast %get3A_365 : vector<1x32xf32> to vector<32xf32>
      %swap3A_367 = arith.index_cast %add3A_359 : i32 to index
      %swap3A_368 = arith.constant 0 : index
      %swap3A_369 = tpu.vector_load %arg17[%swap3A_367, %swap3A_368] {strides = array<i32>} : memref<128x32xf32, #tpu.memory_space<vmem>>, vector<1x32xf32>,
      %swap3A_370 = vector.shape_cast %swap3A_369 : vector<1x32xf32> to vector<32xf32>
      %swap3A_371 = vector.shape_cast %get3A_366 : vector<32xf32> to vector<1x32xf32>
      tpu.vector_store %arg17[%swap3A_367, %swap3A_368], %swap3A_371 {strides = array<i32>} : memref<128x32xf32, #tpu.memory_space<vmem>>, vector<1x32xf32>,
      %mul3A_372 = arith.constant 16 : i32
      %mul3A_373 = arith.muli %add3A_238, %mul3A_372 : i32
      %add3A_374 = arith.constant 8 : i32
      %add3A_375 = arith.addi %mul3A_373, %add3A_374 : i32
      %slice3A_376 = vector.extract_strided_slice %mul3A_247 {offsets = [8], sizes = [1], strides = [1]} : vector<16xi32> to vector<1xi32>
      %squeeze3A_377 = vector.extract %slice3A_376[0] : i32 from vector<1xi32>
      %multiple_of3A_378 = tpu.assume_multiple %squeeze3A_377, 32 : i32
      %get3A_379 = arith.index_cast %add3A_375 : i32 to index
      %get3A_380 = arith.index_cast %multiple_of3A_378 : i32 to index
      %get3A_381 = tpu.vector_load %arg15[%get3A_379, %get3A_380] {strides = array<i32>} : memref<128x128xf32, #tpu.memory_space<vmem>>, vector<1x32xf32>,
      %get3A_382 = vector.shape_cast %get3A_381 : vector<1x32xf32> to vector<32xf32>
      %swap3A_383 = arith.index_cast %add3A_375 : i32 to index
      %swap3A_384 = arith.constant 0 : index
      %swap3A_385 = tpu.vector_load %arg17[%swap3A_383, %swap3A_384] {strides = array<i32>} : memref<128x32xf32, #tpu.memory_space<vmem>>, vector<1x32xf32>,
      %swap3A_386 = vector.shape_cast %swap3A_385 : vector<1x32xf32> to vector<32xf32>
      %swap3A_387 = vector.shape_cast %get3A_382 : vector<32xf32> to vector<1x32xf32>
      tpu.vector_store %arg17[%swap3A_383, %swap3A_384], %swap3A_387 {strides = array<i32>} : memref<128x32xf32, #tpu.memory_space<vmem>>, vector<1x32xf32>,
      %mul3A_388 = arith.constant 16 : i32
      %mul3A_389 = arith.muli %add3A_238, %mul3A_388 : i32
      %add3A_390 = arith.constant 9 : i32
      %add3A_391 = arith.addi %mul3A_389, %add3A_390 : i32
      %slice3A_392 = vector.extract_strided_slice %mul3A_247 {offsets = [9], sizes = [1], strides = [1]} : vector<16xi32> to vector<1xi32>
      %squeeze3A_393 = vector.extract %slice3A_392[0] : i32 from vector<1xi32>
      %multiple_of3A_394 = tpu.assume_multiple %squeeze3A_393, 32 : i32
      %get3A_395 = arith.index_cast %add3A_391 : i32 to index
      %get3A_396 = arith.index_cast %multiple_of3A_394 : i32 to index
      %get3A_397 = tpu.vector_load %arg15[%get3A_395, %get3A_396] {strides = array<i32>} : memref<128x128xf32, #tpu.memory_space<vmem>>, vector<1x32xf32>,
      %get3A_398 = vector.shape_cast %get3A_397 : vector<1x32xf32> to vector<32xf32>
      %swap3A_399 = arith.index_cast %add3A_391 : i32 to index
      %swap3A_400 = arith.constant 0 : index
      %swap3A_401 = tpu.vector_load %arg17[%swap3A_399, %swap3A_400] {strides = array<i32>} : memref<128x32xf32, #tpu.memory_space<vmem>>, vector<1x32xf32>,
      %swap3A_402 = vector.shape_cast %swap3A_401 : vector<1x32xf32> to vector<32xf32>
      %swap3A_403 = vector.shape_cast %get3A_398 : vector<32xf32> to vector<1x32xf32>
      tpu.vector_store %arg17[%swap3A_399, %swap3A_400], %swap3A_403 {strides = array<i32>} : memref<128x32xf32, #tpu.memory_space<vmem>>, vector<1x32xf32>,
      %mul3A_404 = arith.constant 16 : i32
      %mul3A_405 = arith.muli %add3A_238, %mul3A_404 : i32
      %add3A_406 = arith.constant 10 : i32
      %add3A_407 = arith.addi %mul3A_405, %add3A_406 : i32
      %slice3A_408 = vector.extract_strided_slice %mul3A_247 {offsets = [10], sizes = [1], strides = [1]} : vector<16xi32> to vector<1xi32>
      %squeeze3A_409 = vector.extract %slice3A_408[0] : i32 from vector<1xi32>
      %multiple_of3A_410 = tpu.assume_multiple %squeeze3A_409, 32 : i32
      %get3A_411 = arith.index_cast %add3A_407 : i32 to index
      %get3A_412 = arith.index_cast %multiple_of3A_410 : i32 to index
      %get3A_413 = tpu.vector_load %arg15[%get3A_411, %get3A_412] {strides = array<i32>} : memref<128x128xf32, #tpu.memory_space<vmem>>, vector<1x32xf32>,
      %get3A_414 = vector.shape_cast %get3A_413 : vector<1x32xf32> to vector<32xf32>
      %swap3A_415 = arith.index_cast %add3A_407 : i32 to index
      %swap3A_416 = arith.constant 0 : index
      %swap3A_417 = tpu.vector_load %arg17[%swap3A_415, %swap3A_416] {strides = array<i32>} : memref<128x32xf32, #tpu.memory_space<vmem>>, vector<1x32xf32>,
      %swap3A_418 = vector.shape_cast %swap3A_417 : vector<1x32xf32> to vector<32xf32>
      %swap3A_419 = vector.shape_cast %get3A_414 : vector<32xf32> to vector<1x32xf32>
      tpu.vector_store %arg17[%swap3A_415, %swap3A_416], %swap3A_419 {strides = array<i32>} : memref<128x32xf32, #tpu.memory_space<vmem>>, vector<1x32xf32>,
      %mul3A_420 = arith.constant 16 : i32
      %mul3A_421 = arith.muli %add3A_238, %mul3A_420 : i32
      %add3A_422 = arith.constant 11 : i32
      %add3A_423 = arith.addi %mul3A_421, %add3A_422 : i32
      %slice3A_424 = vector.extract_strided_slice %mul3A_247 {offsets = [11], sizes = [1], strides = [1]} : vector<16xi32> to vector<1xi32>
      %squeeze3A_425 = vector.extract %slice3A_424[0] : i32 from vector<1xi32>
      %multiple_of3A_426 = tpu.assume_multiple %squeeze3A_425, 32 : i32
      %get3A_427 = arith.index_cast %add3A_423 : i32 to index
      %get3A_428 = arith.index_cast %multiple_of3A_426 : i32 to index
      %get3A_429 = tpu.vector_load %arg15[%get3A_427, %get3A_428] {strides = array<i32>} : memref<128x128xf32, #tpu.memory_space<vmem>>, vector<1x32xf32>,
      %get3A_430 = vector.shape_cast %get3A_429 : vector<1x32xf32> to vector<32xf32>
      %swap3A_431 = arith.index_cast %add3A_423 : i32 to index
      %swap3A_432 = arith.constant 0 : index
      %swap3A_433 = tpu.vector_load %arg17[%swap3A_431, %swap3A_432] {strides = array<i32>} : memref<128x32xf32, #tpu.memory_space<vmem>>, vector<1x32xf32>,
      %swap3A_434 = vector.shape_cast %swap3A_433 : vector<1x32xf32> to vector<32xf32>
      %swap3A_435 = vector.shape_cast %get3A_430 : vector<32xf32> to vector<1x32xf32>
      tpu.vector_store %arg17[%swap3A_431, %swap3A_432], %swap3A_435 {strides = array<i32>} : memref<128x32xf32, #tpu.memory_space<vmem>>, vector<1x32xf32>,
      %mul3A_436 = arith.constant 16 : i32
      %mul3A_437 = arith.muli %add3A_238, %mul3A_436 : i32
      %add3A_438 = arith.constant 12 : i32
      %add3A_439 = arith.addi %mul3A_437, %add3A_438 : i32
      %slice3A_440 = vector.extract_strided_slice %mul3A_247 {offsets = [12], sizes = [1], strides = [1]} : vector<16xi32> to vector<1xi32>
      %squeeze3A_441 = vector.extract %slice3A_440[0] : i32 from vector<1xi32>
      %multiple_of3A_442 = tpu.assume_multiple %squeeze3A_441, 32 : i32
      %get3A_443 = arith.index_cast %add3A_439 : i32 to index
      %get3A_444 = arith.index_cast %multiple_of3A_442 : i32 to index
      %get3A_445 = tpu.vector_load %arg15[%get3A_443, %get3A_444] {strides = array<i32>} : memref<128x128xf32, #tpu.memory_space<vmem>>, vector<1x32xf32>,
      %get3A_446 = vector.shape_cast %get3A_445 : vector<1x32xf32> to vector<32xf32>
      %swap3A_447 = arith.index_cast %add3A_439 : i32 to index
      %swap3A_448 = arith.constant 0 : index
      %swap3A_449 = tpu.vector_load %arg17[%swap3A_447, %swap3A_448] {strides = array<i32>} : memref<128x32xf32, #tpu.memory_space<vmem>>, vector<1x32xf32>,
      %swap3A_450 = vector.shape_cast %swap3A_449 : vector<1x32xf32> to vector<32xf32>
      %swap3A_451 = vector.shape_cast %get3A_446 : vector<32xf32> to vector<1x32xf32>
      tpu.vector_store %arg17[%swap3A_447, %swap3A_448], %swap3A_451 {strides = array<i32>} : memref<128x32xf32, #tpu.memory_space<vmem>>, vector<1x32xf32>,
      %mul3A_452 = arith.constant 16 : i32
      %mul3A_453 = arith.muli %add3A_238, %mul3A_452 : i32
      %add3A_454 = arith.constant 13 : i32
      %add3A_455 = arith.addi %mul3A_453, %add3A_454 : i32
      %slice3A_456 = vector.extract_strided_slice %mul3A_247 {offsets = [13], sizes = [1], strides = [1]} : vector<16xi32> to vector<1xi32>
      %squeeze3A_457 = vector.extract %slice3A_456[0] : i32 from vector<1xi32>
      %multiple_of3A_458 = tpu.assume_multiple %squeeze3A_457, 32 : i32
      %get3A_459 = arith.index_cast %add3A_455 : i32 to index
      %get3A_460 = arith.index_cast %multiple_of3A_458 : i32 to index
      %get3A_461 = tpu.vector_load %arg15[%get3A_459, %get3A_460] {strides = array<i32>} : memref<128x128xf32, #tpu.memory_space<vmem>>, vector<1x32xf32>,
      %get3A_462 = vector.shape_cast %get3A_461 : vector<1x32xf32> to vector<32xf32>
      %swap3A_463 = arith.index_cast %add3A_455 : i32 to index
      %swap3A_464 = arith.constant 0 : index
      %swap3A_465 = tpu.vector_load %arg17[%swap3A_463, %swap3A_464] {strides = array<i32>} : memref<128x32xf32, #tpu.memory_space<vmem>>, vector<1x32xf32>,
      %swap3A_466 = vector.shape_cast %swap3A_465 : vector<1x32xf32> to vector<32xf32>
      %swap3A_467 = vector.shape_cast %get3A_462 : vector<32xf32> to vector<1x32xf32>
      tpu.vector_store %arg17[%swap3A_463, %swap3A_464], %swap3A_467 {strides = array<i32>} : memref<128x32xf32, #tpu.memory_space<vmem>>, vector<1x32xf32>,
      %mul3A_468 = arith.constant 16 : i32
      %mul3A_469 = arith.muli %add3A_238, %mul3A_468 : i32
      %add3A_470 = arith.constant 14 : i32
      %add3A_471 = arith.addi %mul3A_469, %add3A_470 : i32
      %slice3A_472 = vector.extract_strided_slice %mul3A_247 {offsets = [14], sizes = [1], strides = [1]} : vector<16xi32> to vector<1xi32>
      %squeeze3A_473 = vector.extract %slice3A_472[0] : i32 from vector<1xi32>
      %multiple_of3A_474 = tpu.assume_multiple %squeeze3A_473, 32 : i32
      %get3A_475 = arith.index_cast %add3A_471 : i32 to index
      %get3A_476 = arith.index_cast %multiple_of3A_474 : i32 to index
      %get3A_477 = tpu.vector_load %arg15[%get3A_475, %get3A_476] {strides = array<i32>} : memref<128x128xf32, #tpu.memory_space<vmem>>, vector<1x32xf32>,
      %get3A_478 = vector.shape_cast %get3A_477 : vector<1x32xf32> to vector<32xf32>
      %swap3A_479 = arith.index_cast %add3A_471 : i32 to index
      %swap3A_480 = arith.constant 0 : index
      %swap3A_481 = tpu.vector_load %arg17[%swap3A_479, %swap3A_480] {strides = array<i32>} : memref<128x32xf32, #tpu.memory_space<vmem>>, vector<1x32xf32>,
      %swap3A_482 = vector.shape_cast %swap3A_481 : vector<1x32xf32> to vector<32xf32>
      %swap3A_483 = vector.shape_cast %get3A_478 : vector<32xf32> to vector<1x32xf32>
      tpu.vector_store %arg17[%swap3A_479, %swap3A_480], %swap3A_483 {strides = array<i32>} : memref<128x32xf32, #tpu.memory_space<vmem>>, vector<1x32xf32>,
      %mul3A_484 = arith.constant 16 : i32
      %mul3A_485 = arith.muli %add3A_238, %mul3A_484 : i32
      %add3A_486 = arith.constant 15 : i32
      %add3A_487 = arith.addi %mul3A_485, %add3A_486 : i32
      %slice3A_488 = vector.extract_strided_slice %mul3A_247 {offsets = [15], sizes = [1], strides = [1]} : vector<16xi32> to vector<1xi32>
      %squeeze3A_489 = vector.extract %slice3A_488[0] : i32 from vector<1xi32>
      %multiple_of3A_490 = tpu.assume_multiple %squeeze3A_489, 32 : i32
      %get3A_491 = arith.index_cast %add3A_487 : i32 to index
      %get3A_492 = arith.index_cast %multiple_of3A_490 : i32 to index
      %get3A_493 = tpu.vector_load %arg15[%get3A_491, %get3A_492] {strides = array<i32>} : memref<128x128xf32, #tpu.memory_space<vmem>>, vector<1x32xf32>,
      %get3A_494 = vector.shape_cast %get3A_493 : vector<1x32xf32> to vector<32xf32>
      %swap3A_495 = arith.index_cast %add3A_487 : i32 to index
      %swap3A_496 = arith.constant 0 : index
      %swap3A_497 = tpu.vector_load %arg17[%swap3A_495, %swap3A_496] {strides = array<i32>} : memref<128x32xf32, #tpu.memory_space<vmem>>, vector<1x32xf32>,
      %swap3A_498 = vector.shape_cast %swap3A_497 : vector<1x32xf32> to vector<32xf32>
      %swap3A_499 = vector.shape_cast %get3A_494 : vector<32xf32> to vector<1x32xf32>
      tpu.vector_store %arg17[%swap3A_495, %swap3A_496], %swap3A_499 {strides = array<i32>} : memref<128x32xf32, #tpu.memory_space<vmem>>, vector<1x32xf32>,
    }
    %scan3A_219 = arith.constant 8 : i32
    %add3A_220 = arith.constant 384 : i32
    %add3A_221 = arith.addi %mul3A_4, %add3A_220 : i32
    %dma_start3A_222 = arith.constant 0 : i32
    %dma_start3A_223 = tpu.memref_slice %arg9[%add3A_221, %dma_start3A_222] : memref<16384x32xf32, #tpu.memory_space<hbm>> -> memref<128x32xf32, #tpu.memory_space<hbm>>
    %dma_start3A_224 = arith.constant 0 : i32
    %dma_start3A_225 = tpu.memref_slice %arg9[%add3A_221, %dma_start3A_224] : memref<16384x32xf32, #tpu.memory_space<hbm>> -> memref<128x32xf32, #tpu.memory_space<hbm>>
    tpu.enqueue_dma source(%arg17 : memref<128x32xf32, #tpu.memory_space<vmem>>) target(%dma_start3A_225 : memref<128x32xf32, #tpu.memory_space<hbm>>) target_semaphore(%arg20 : memref<!tpu.dma_semaphore, #tpu.memory_space<semaphore_mem>>)
    %dma_wait3A_226 = arith.constant 0 : i32
    %dma_wait3A_227 = tpu.memref_slice %arg9[%add3A_199, %dma_wait3A_226] : memref<16384x32xf32, #tpu.memory_space<hbm>> -> memref<128x32xf32, #tpu.memory_space<hbm>>
    %dma_wait3A_228 = arith.constant 0 : i32
    %dma_wait3A_229 = tpu.memref_slice %arg9[%add3A_199, %dma_wait3A_228] : memref<16384x32xf32, #tpu.memory_space<hbm>> -> memref<128x32xf32, #tpu.memory_space<hbm>>
    tpu.wait_dma2 semaphore(%arg20 : memref<!tpu.dma_semaphore, #tpu.memory_space<semaphore_mem>>) src(%arg16 : memref<128x32xf32, #tpu.memory_space<vmem>>) dst(%dma_wait3A_229 : memref<128x32xf32, #tpu.memory_space<hbm>>)
    %dma_wait3A_230 = arith.constant 0 : i32
    %dma_wait3A_231 = tpu.memref_slice %arg9[%add3A_221, %dma_wait3A_230] : memref<16384x32xf32, #tpu.memory_space<hbm>> -> memref<128x32xf32, #tpu.memory_space<hbm>>
    %dma_wait3A_232 = arith.constant 0 : i32
    %dma_wait3A_233 = tpu.memref_slice %arg9[%add3A_221, %dma_wait3A_232] : memref<16384x32xf32, #tpu.memory_space<hbm>> -> memref<128x32xf32, #tpu.memory_space<hbm>>
    tpu.wait_dma2 semaphore(%arg20 : memref<!tpu.dma_semaphore, #tpu.memory_space<semaphore_mem>>) src(%arg17 : memref<128x32xf32, #tpu.memory_space<vmem>>) dst(%dma_wait3A_233 : memref<128x32xf32, #tpu.memory_space<hbm>>)
    return
  }
}

module attributes {stable_mosaic.version = 14 : i64} {
  func.func @_tr_body(%arg0: i32, %arg1: memref<32x32768xf32, #tpu.memory_space<vmem>>, %arg2: memref<8192x128xf32, #tpu.memory_space<vmem>>) attributes {dimension_semantics = [#tpu.dimension_semantics<arbitrary>], iteration_bounds = array<i64: 31>, scalar_prefetch = 0 : i64, scratch_operands = 0 : i64, tpu.core_type = #tpu.core_type<tc>, window_params = [{transform_indices = @transform_0, window_bounds = array<i64: 32, 32768>}, {transform_indices = @transform_1, window_bounds = array<i64: 8192, 128>}]} {
    %get3A = arith.constant 0 : index
    %get3A_0 = arith.constant 0 : index
    %get3A_1 = vector.load %arg1[%get3A, %get3A_0] : memref<32x32768xf32, #tpu.memory_space<vmem>>, vector<32x32768xf32>
    %iota3A = tpu.iota {dimensions = array<i32: 0>} : vector<32x128xi32>
    %iota3A_2 = tpu.iota {dimensions = array<i32: 1>} : vector<32x128xi32>
    %add3A = arith.constant 0 : i32
    %add3A_3 = vector.broadcast %add3A : i32 to vector<32x128xi32>
    %add3A_4 = arith.addi %iota3A, %add3A_3 : vector<32x128xi32>
    %eq3A = arith.cmpi eq, %iota3A_2, %add3A_4 : vector<32x128xi32>
    %convert_element_type3A = arith.extui %eq3A : vector<32x128xi1> to vector<32x128xi32>
    %convert_element_type3A_5 = arith.sitofp %convert_element_type3A : vector<32x128xi32> to vector<32x128xf32>
    %slice3A = vector.extract_strided_slice %get3A_1 {offsets = [0, 0], sizes = [32, 8192], strides = [1, 1]} : vector<32x32768xf32> to vector<32x8192xf32>
    %dot_general3A = arith.constant dense<0.000000e+00> : vector<8192x128xf32>
    %dot_general3A_6 = tpu.matmul %slice3A, %convert_element_type3A_5, %dot_general3A {dimension_numbers = #tpu.dot_dimension_numbers<[0], [0], [1], [1], [0, 1, 1, 1], [], []>, transpose_lhs_hint = false} : vector<32x8192xf32>, vector<32x128xf32>, vector<8192x128xf32> -> vector<8192x128xf32>
    %add3A_7 = arith.constant 32 : i32
    %add3A_8 = vector.broadcast %add3A_7 : i32 to vector<32x128xi32>
    %add3A_9 = arith.addi %iota3A, %add3A_8 : vector<32x128xi32>
    %eq3A_10 = arith.cmpi eq, %iota3A_2, %add3A_9 : vector<32x128xi32>
    %convert_element_type3A_11 = arith.extui %eq3A_10 : vector<32x128xi1> to vector<32x128xi32>
    %convert_element_type3A_12 = arith.sitofp %convert_element_type3A_11 : vector<32x128xi32> to vector<32x128xf32>
    %slice3A_13 = vector.extract_strided_slice %get3A_1 {offsets = [0, 8192], sizes = [32, 8192], strides = [1, 1]} : vector<32x32768xf32> to vector<32x8192xf32>
    %dot_general3A_14 = arith.constant dense<0.000000e+00> : vector<8192x128xf32>
    %dot_general3A_15 = tpu.matmul %slice3A_13, %convert_element_type3A_12, %dot_general3A_14 {dimension_numbers = #tpu.dot_dimension_numbers<[0], [0], [1], [1], [0, 1, 1, 1], [], []>, transpose_lhs_hint = false} : vector<32x8192xf32>, vector<32x128xf32>, vector<8192x128xf32> -> vector<8192x128xf32>
    %add3A_16 = arith.addf %dot_general3A_6, %dot_general3A_15 : vector<8192x128xf32>
    %add3A_17 = arith.constant 64 : i32
    %add3A_18 = vector.broadcast %add3A_17 : i32 to vector<32x128xi32>
    %add3A_19 = arith.addi %iota3A, %add3A_18 : vector<32x128xi32>
    %eq3A_20 = arith.cmpi eq, %iota3A_2, %add3A_19 : vector<32x128xi32>
    %convert_element_type3A_21 = arith.extui %eq3A_20 : vector<32x128xi1> to vector<32x128xi32>
    %convert_element_type3A_22 = arith.sitofp %convert_element_type3A_21 : vector<32x128xi32> to vector<32x128xf32>
    %slice3A_23 = vector.extract_strided_slice %get3A_1 {offsets = [0, 16384], sizes = [32, 8192], strides = [1, 1]} : vector<32x32768xf32> to vector<32x8192xf32>
    %dot_general3A_24 = arith.constant dense<0.000000e+00> : vector<8192x128xf32>
    %dot_general3A_25 = tpu.matmul %slice3A_23, %convert_element_type3A_22, %dot_general3A_24 {dimension_numbers = #tpu.dot_dimension_numbers<[0], [0], [1], [1], [0, 1, 1, 1], [], []>, transpose_lhs_hint = false} : vector<32x8192xf32>, vector<32x128xf32>, vector<8192x128xf32> -> vector<8192x128xf32>
    %add3A_26 = arith.addf %add3A_16, %dot_general3A_25 : vector<8192x128xf32>
    %add3A_27 = arith.constant 96 : i32
    %add3A_28 = vector.broadcast %add3A_27 : i32 to vector<32x128xi32>
    %add3A_29 = arith.addi %iota3A, %add3A_28 : vector<32x128xi32>
    %eq3A_30 = arith.cmpi eq, %iota3A_2, %add3A_29 : vector<32x128xi32>
    %convert_element_type3A_31 = arith.extui %eq3A_30 : vector<32x128xi1> to vector<32x128xi32>
    %convert_element_type3A_32 = arith.sitofp %convert_element_type3A_31 : vector<32x128xi32> to vector<32x128xf32>
    %slice3A_33 = vector.extract_strided_slice %get3A_1 {offsets = [0, 24576], sizes = [32, 8192], strides = [1, 1]} : vector<32x32768xf32> to vector<32x8192xf32>
    %dot_general3A_34 = arith.constant dense<0.000000e+00> : vector<8192x128xf32>
    %dot_general3A_35 = tpu.matmul %slice3A_33, %convert_element_type3A_32, %dot_general3A_34 {dimension_numbers = #tpu.dot_dimension_numbers<[0], [0], [1], [1], [0, 1, 1, 1], [], []>, transpose_lhs_hint = false} : vector<32x8192xf32>, vector<32x128xf32>, vector<8192x128xf32> -> vector<8192x128xf32>
    %add3A_36 = arith.addf %add3A_26, %dot_general3A_35 : vector<8192x128xf32>
    %swap3A = arith.constant 0 : index
    %swap3A_37 = arith.constant 0 : index
    %swap3A_38 = vector.load %arg2[%swap3A, %swap3A_37] : memref<8192x128xf32, #tpu.memory_space<vmem>>, vector<8192x128xf32>
    tpu.vector_store %arg2[%swap3A, %swap3A_37], %add3A_36 {strides = array<i32>} : memref<8192x128xf32, #tpu.memory_space<vmem>>, vector<8192x128xf32>,
    return
  }
  func.func @transform_0(%arg0: i32) -> (i32, i32) {
    %c0_i32 = arith.constant 0 : i32
    %c0_i32_0 = arith.constant 0 : i32
    return %c0_i32, %arg0 : i32, i32
  }
  func.func @transform_1(%arg0: i32) -> (i32, i32) {
    %c0_i32 = arith.constant 0 : i32
    %c0_i32_0 = arith.constant 0 : i32
    return %arg0, %c0_i32 : i32, i32
  }
}

module attributes {stable_mosaic.version = 14 : i64} {
  func.func @_tr_body(%arg0: i32, %arg1: memref<32x32768xf32, #tpu.memory_space<vmem>>, %arg2: memref<8192x128xf32, #tpu.memory_space<vmem>>) attributes {dimension_semantics = [#tpu.dimension_semantics<arbitrary>], iteration_bounds = array<i64: 4>, scalar_prefetch = 0 : i64, scratch_operands = 0 : i64, tpu.core_type = #tpu.core_type<tc>, window_params = [{transform_indices = @transform_0, window_bounds = array<i64: 32, 32768>}, {transform_indices = @transform_1, window_bounds = array<i64: 8192, 128>}]} {
    %get3A = arith.constant 0 : index
    %get3A_0 = arith.constant 0 : index
    %get3A_1 = vector.load %arg1[%get3A, %get3A_0] : memref<32x32768xf32, #tpu.memory_space<vmem>>, vector<32x32768xf32>
    %iota3A = tpu.iota {dimensions = array<i32: 0>} : vector<32x128xi32>
    %iota3A_2 = tpu.iota {dimensions = array<i32: 1>} : vector<32x128xi32>
    %add3A = arith.constant 0 : i32
    %add3A_3 = vector.broadcast %add3A : i32 to vector<32x128xi32>
    %add3A_4 = arith.addi %iota3A, %add3A_3 : vector<32x128xi32>
    %eq3A = arith.cmpi eq, %iota3A_2, %add3A_4 : vector<32x128xi32>
    %convert_element_type3A = arith.extui %eq3A : vector<32x128xi1> to vector<32x128xi32>
    %convert_element_type3A_5 = arith.sitofp %convert_element_type3A : vector<32x128xi32> to vector<32x128xf32>
    %slice3A = vector.extract_strided_slice %get3A_1 {offsets = [0, 0], sizes = [32, 8192], strides = [1, 1]} : vector<32x32768xf32> to vector<32x8192xf32>
    %dot_general3A = arith.constant dense<0.000000e+00> : vector<8192x128xf32>
    %dot_general3A_6 = tpu.matmul %slice3A, %convert_element_type3A_5, %dot_general3A {dimension_numbers = #tpu.dot_dimension_numbers<[0], [0], [1], [1], [0, 1, 1, 1], [], []>, transpose_lhs_hint = false} : vector<32x8192xf32>, vector<32x128xf32>, vector<8192x128xf32> -> vector<8192x128xf32>
    %add3A_7 = arith.constant 32 : i32
    %add3A_8 = vector.broadcast %add3A_7 : i32 to vector<32x128xi32>
    %add3A_9 = arith.addi %iota3A, %add3A_8 : vector<32x128xi32>
    %eq3A_10 = arith.cmpi eq, %iota3A_2, %add3A_9 : vector<32x128xi32>
    %convert_element_type3A_11 = arith.extui %eq3A_10 : vector<32x128xi1> to vector<32x128xi32>
    %convert_element_type3A_12 = arith.sitofp %convert_element_type3A_11 : vector<32x128xi32> to vector<32x128xf32>
    %slice3A_13 = vector.extract_strided_slice %get3A_1 {offsets = [0, 8192], sizes = [32, 8192], strides = [1, 1]} : vector<32x32768xf32> to vector<32x8192xf32>
    %dot_general3A_14 = arith.constant dense<0.000000e+00> : vector<8192x128xf32>
    %dot_general3A_15 = tpu.matmul %slice3A_13, %convert_element_type3A_12, %dot_general3A_14 {dimension_numbers = #tpu.dot_dimension_numbers<[0], [0], [1], [1], [0, 1, 1, 1], [], []>, transpose_lhs_hint = false} : vector<32x8192xf32>, vector<32x128xf32>, vector<8192x128xf32> -> vector<8192x128xf32>
    %add3A_16 = arith.addf %dot_general3A_6, %dot_general3A_15 : vector<8192x128xf32>
    %add3A_17 = arith.constant 64 : i32
    %add3A_18 = vector.broadcast %add3A_17 : i32 to vector<32x128xi32>
    %add3A_19 = arith.addi %iota3A, %add3A_18 : vector<32x128xi32>
    %eq3A_20 = arith.cmpi eq, %iota3A_2, %add3A_19 : vector<32x128xi32>
    %convert_element_type3A_21 = arith.extui %eq3A_20 : vector<32x128xi1> to vector<32x128xi32>
    %convert_element_type3A_22 = arith.sitofp %convert_element_type3A_21 : vector<32x128xi32> to vector<32x128xf32>
    %slice3A_23 = vector.extract_strided_slice %get3A_1 {offsets = [0, 16384], sizes = [32, 8192], strides = [1, 1]} : vector<32x32768xf32> to vector<32x8192xf32>
    %dot_general3A_24 = arith.constant dense<0.000000e+00> : vector<8192x128xf32>
    %dot_general3A_25 = tpu.matmul %slice3A_23, %convert_element_type3A_22, %dot_general3A_24 {dimension_numbers = #tpu.dot_dimension_numbers<[0], [0], [1], [1], [0, 1, 1, 1], [], []>, transpose_lhs_hint = false} : vector<32x8192xf32>, vector<32x128xf32>, vector<8192x128xf32> -> vector<8192x128xf32>
    %add3A_26 = arith.addf %add3A_16, %dot_general3A_25 : vector<8192x128xf32>
    %add3A_27 = arith.constant 96 : i32
    %add3A_28 = vector.broadcast %add3A_27 : i32 to vector<32x128xi32>
    %add3A_29 = arith.addi %iota3A, %add3A_28 : vector<32x128xi32>
    %eq3A_30 = arith.cmpi eq, %iota3A_2, %add3A_29 : vector<32x128xi32>
    %convert_element_type3A_31 = arith.extui %eq3A_30 : vector<32x128xi1> to vector<32x128xi32>
    %convert_element_type3A_32 = arith.sitofp %convert_element_type3A_31 : vector<32x128xi32> to vector<32x128xf32>
    %slice3A_33 = vector.extract_strided_slice %get3A_1 {offsets = [0, 24576], sizes = [32, 8192], strides = [1, 1]} : vector<32x32768xf32> to vector<32x8192xf32>
    %dot_general3A_34 = arith.constant dense<0.000000e+00> : vector<8192x128xf32>
    %dot_general3A_35 = tpu.matmul %slice3A_33, %convert_element_type3A_32, %dot_general3A_34 {dimension_numbers = #tpu.dot_dimension_numbers<[0], [0], [1], [1], [0, 1, 1, 1], [], []>, transpose_lhs_hint = false} : vector<32x8192xf32>, vector<32x128xf32>, vector<8192x128xf32> -> vector<8192x128xf32>
    %add3A_36 = arith.addf %add3A_26, %dot_general3A_35 : vector<8192x128xf32>
    %swap3A = arith.constant 0 : index
    %swap3A_37 = arith.constant 0 : index
    %swap3A_38 = vector.load %arg2[%swap3A, %swap3A_37] : memref<8192x128xf32, #tpu.memory_space<vmem>>, vector<8192x128xf32>
    tpu.vector_store %arg2[%swap3A, %swap3A_37], %add3A_36 {strides = array<i32>} : memref<8192x128xf32, #tpu.memory_space<vmem>>, vector<8192x128xf32>,
    return
  }
  func.func @transform_0(%arg0: i32) -> (i32, i32) {
    %c0_i32 = arith.constant 0 : i32
    %c0_i32_0 = arith.constant 0 : i32
    return %c0_i32, %arg0 : i32, i32
  }
  func.func @transform_1(%arg0: i32) -> (i32, i32) {
    %c0_i32 = arith.constant 0 : i32
    %c0_i32_0 = arith.constant 0 : i32
    return %arg0, %c0_i32 : i32, i32
  }
}

module attributes {stable_mosaic.version = 14 : i64} {
  func.func @_mlp_body(%arg0: i32, %arg1: memref<2048x32xf32, #tpu.memory_space<vmem>>, %arg2: memref<2048x32xf32, #tpu.memory_space<vmem>>, %arg3: memref<32x64xf32, #tpu.memory_space<vmem>>, %arg4: memref<32x64xf32, #tpu.memory_space<vmem>>, %arg5: memref<1x64xf32, #tpu.memory_space<vmem>>, %arg6: memref<64x32xf32, #tpu.memory_space<vmem>>, %arg7: memref<1x32xf32, #tpu.memory_space<vmem>>, %arg8: memref<32x1xf32, #tpu.memory_space<vmem>>, %arg9: memref<1x1xf32, #tpu.memory_space<vmem>>, %arg10: memref<2048x1xf32, #tpu.memory_space<vmem>>) attributes {dimension_semantics = [#tpu.dimension_semantics<arbitrary>], iteration_bounds = array<i64: 8>, scalar_prefetch = 0 : i64, scratch_operands = 0 : i64, tpu.core_type = #tpu.core_type<tc>, window_params = [{transform_indices = @transform_0, window_bounds = array<i64: 2048, 32>}, {transform_indices = @transform_1, window_bounds = array<i64: 2048, 32>}, {pipeline_mode = #tpu.pipeline_mode<synchronous>, transform_indices = @transform_2, window_bounds = array<i64: 32, 64>}, {pipeline_mode = #tpu.pipeline_mode<synchronous>, transform_indices = @transform_3, window_bounds = array<i64: 32, 64>}, {pipeline_mode = #tpu.pipeline_mode<synchronous>, transform_indices = @transform_4, window_bounds = array<i64: 1, 64>}, {pipeline_mode = #tpu.pipeline_mode<synchronous>, transform_indices = @transform_5, window_bounds = array<i64: 64, 32>}, {pipeline_mode = #tpu.pipeline_mode<synchronous>, transform_indices = @transform_6, window_bounds = array<i64: 1, 32>}, {pipeline_mode = #tpu.pipeline_mode<synchronous>, transform_indices = @transform_7, window_bounds = array<i64: 32, 1>}, {pipeline_mode = #tpu.pipeline_mode<synchronous>, transform_indices = @transform_8, window_bounds = array<i64: 1, 1>}, {transform_indices = @transform_9, window_bounds = array<i64: 2048, 1>}]} {
    %get3A = arith.constant 0 : index
    %get3A_0 = arith.constant 0 : index
    %get3A_1 = vector.load %arg1[%get3A, %get3A_0] : memref<2048x32xf32, #tpu.memory_space<vmem>>, vector<2048x32xf32>
    %get3A_2 = arith.constant 0 : index
    %get3A_3 = arith.constant 0 : index
    %get3A_4 = vector.load %arg3[%get3A_2, %get3A_3] : memref<32x64xf32, #tpu.memory_space<vmem>>, vector<32x64xf32>
    %dot_general3A = arith.constant dense<0.000000e+00> : vector<2048x64xf32>
    %dot_general3A_5 = tpu.matmul %get3A_1, %get3A_4, %dot_general3A {dimension_numbers = #tpu.dot_dimension_numbers<[1], [0], [0], [1], [0, 0, 1, 1], [], []>, transpose_lhs_hint = false} : vector<2048x32xf32>, vector<32x64xf32>, vector<2048x64xf32> -> vector<2048x64xf32>
    %get3A_6 = arith.constant 0 : index
    %get3A_7 = arith.constant 0 : index
    %get3A_8 = vector.load %arg2[%get3A_6, %get3A_7] : memref<2048x32xf32, #tpu.memory_space<vmem>>, vector<2048x32xf32>
    %get3A_9 = arith.constant 0 : index
    %get3A_10 = arith.constant 0 : index
    %get3A_11 = vector.load %arg4[%get3A_9, %get3A_10] : memref<32x64xf32, #tpu.memory_space<vmem>>, vector<32x64xf32>
    %dot_general3A_12 = arith.constant dense<0.000000e+00> : vector<2048x64xf32>
    %dot_general3A_13 = tpu.matmul %get3A_8, %get3A_11, %dot_general3A_12 {dimension_numbers = #tpu.dot_dimension_numbers<[1], [0], [0], [1], [0, 0, 1, 1], [], []>, transpose_lhs_hint = false} : vector<2048x32xf32>, vector<32x64xf32>, vector<2048x64xf32> -> vector<2048x64xf32>
    %add3A = arith.addf %dot_general3A_5, %dot_general3A_13 : vector<2048x64xf32>
    %get3A_14 = arith.constant 0 : index
    %get3A_15 = arith.constant 0 : index
    %get3A_16 = vector.load %arg5[%get3A_14, %get3A_15] : memref<1x64xf32, #tpu.memory_space<vmem>>, vector<1x64xf32>
    %add3A_17 = vector.broadcast %get3A_16 : vector<1x64xf32> to vector<2048x64xf32>
    %add3A_18 = arith.addf %add3A, %add3A_17 : vector<2048x64xf32>
    %max3A = arith.constant 0.000000e+00 : f32
    %max3A_19 = vector.broadcast %max3A : f32 to vector<2048x64xf32>
    %max3A_20 = arith.maximumf %add3A_18, %max3A_19 : vector<2048x64xf32>
    %get3A_21 = arith.constant 0 : index
    %get3A_22 = arith.constant 0 : index
    %get3A_23 = vector.load %arg6[%get3A_21, %get3A_22] : memref<64x32xf32, #tpu.memory_space<vmem>>, vector<64x32xf32>
    %dot_general3A_24 = arith.constant dense<0.000000e+00> : vector<2048x32xf32>
    %dot_general3A_25 = tpu.matmul %max3A_20, %get3A_23, %dot_general3A_24 {dimension_numbers = #tpu.dot_dimension_numbers<[1], [0], [0], [1], [0, 0, 1, 1], [], []>, transpose_lhs_hint = false} : vector<2048x64xf32>, vector<64x32xf32>, vector<2048x32xf32> -> vector<2048x32xf32>
    %get3A_26 = arith.constant 0 : index
    %get3A_27 = arith.constant 0 : index
    %get3A_28 = vector.load %arg7[%get3A_26, %get3A_27] : memref<1x32xf32, #tpu.memory_space<vmem>>, vector<1x32xf32>
    %add3A_29 = vector.broadcast %get3A_28 : vector<1x32xf32> to vector<2048x32xf32>
    %add3A_30 = arith.addf %dot_general3A_25, %add3A_29 : vector<2048x32xf32>
    %max3A_31 = arith.constant 0.000000e+00 : f32
    %max3A_32 = vector.broadcast %max3A_31 : f32 to vector<2048x32xf32>
    %max3A_33 = arith.maximumf %add3A_30, %max3A_32 : vector<2048x32xf32>
    %get3A_34 = arith.constant 0 : index
    %get3A_35 = arith.constant 0 : index
    %get3A_36 = vector.load %arg8[%get3A_34, %get3A_35] : memref<32x1xf32, #tpu.memory_space<vmem>>, vector<32x1xf32>
    %dot_general3A_37 = arith.constant dense<0.000000e+00> : vector<2048x1xf32>
    %dot_general3A_38 = tpu.matmul %max3A_33, %get3A_36, %dot_general3A_37 {dimension_numbers = #tpu.dot_dimension_numbers<[1], [0], [0], [1], [0, 0, 1, 1], [], []>, transpose_lhs_hint = false} : vector<2048x32xf32>, vector<32x1xf32>, vector<2048x1xf32> -> vector<2048x1xf32>
    %get3A_39 = arith.constant 0 : index
    %get3A_40 = arith.constant 0 : index
    %get3A_41 = vector.load %arg9[%get3A_39, %get3A_40] : memref<1x1xf32, #tpu.memory_space<vmem>>, vector<1x1xf32>
    %add3A_42 = vector.broadcast %get3A_41 : vector<1x1xf32> to vector<2048x1xf32>
    %add3A_43 = arith.addf %dot_general3A_38, %add3A_42 : vector<2048x1xf32>
    %swap3A = arith.constant 0 : index
    %swap3A_44 = arith.constant 0 : index
    %swap3A_45 = vector.load %arg10[%swap3A, %swap3A_44] : memref<2048x1xf32, #tpu.memory_space<vmem>>, vector<2048x1xf32>
    tpu.vector_store %arg10[%swap3A, %swap3A_44], %add3A_43 {strides = array<i32>} : memref<2048x1xf32, #tpu.memory_space<vmem>>, vector<2048x1xf32>,
    return
  }
  func.func @transform_0(%arg0: i32) -> (i32, i32) {
    %c0_i32 = arith.constant 0 : i32
    %c0_i32_0 = arith.constant 0 : i32
    return %arg0, %c0_i32 : i32, i32
  }
  func.func @transform_1(%arg0: i32) -> (i32, i32) {
    %c0_i32 = arith.constant 0 : i32
    %c0_i32_0 = arith.constant 0 : i32
    return %arg0, %c0_i32 : i32, i32
  }
  func.func @transform_2(%arg0: i32) -> (i32, i32) {
    %c0_i32 = arith.constant 0 : i32
    %c0_i32_0 = arith.constant 0 : i32
    %c0_i32_1 = arith.constant 0 : i32
    return %c0_i32, %c0_i32_0 : i32, i32
  }
  func.func @transform_3(%arg0: i32) -> (i32, i32) {
    %c0_i32 = arith.constant 0 : i32
    %c0_i32_0 = arith.constant 0 : i32
    %c0_i32_1 = arith.constant 0 : i32
    return %c0_i32, %c0_i32_0 : i32, i32
  }
  func.func @transform_4(%arg0: i32) -> (i32, i32) {
    %c0_i32 = arith.constant 0 : i32
    %c0_i32_0 = arith.constant 0 : i32
    %c0_i32_1 = arith.constant 0 : i32
    return %c0_i32, %c0_i32_0 : i32, i32
  }
  func.func @transform_5(%arg0: i32) -> (i32, i32) {
    %c0_i32 = arith.constant 0 : i32
    %c0_i32_0 = arith.constant 0 : i32
    %c0_i32_1 = arith.constant 0 : i32
    return %c0_i32, %c0_i32_0 : i32, i32
  }
  func.func @transform_6(%arg0: i32) -> (i32, i32) {
    %c0_i32 = arith.constant 0 : i32
    %c0_i32_0 = arith.constant 0 : i32
    %c0_i32_1 = arith.constant 0 : i32
    return %c0_i32, %c0_i32_0 : i32, i32
  }
  func.func @transform_7(%arg0: i32) -> (i32, i32) {
    %c0_i32 = arith.constant 0 : i32
    %c0_i32_0 = arith.constant 0 : i32
    %c0_i32_1 = arith.constant 0 : i32
    return %c0_i32, %c0_i32_0 : i32, i32
  }
  func.func @transform_8(%arg0: i32) -> (i32, i32) {
    %c0_i32 = arith.constant 0 : i32
    %c0_i32_0 = arith.constant 0 : i32
    %c0_i32_1 = arith.constant 0 : i32
    return %c0_i32, %c0_i32_0 : i32, i32
  }
  func.func @transform_9(%arg0: i32) -> (i32, i32) {
    %c0_i32 = arith.constant 0 : i32
    %c0_i32_0 = arith.constant 0 : i32
    return %arg0, %c0_i32 : i32, i32
  }
}

</mosaic_0001>

<sc_bundles>
// kernel: kernel.6.cloned.1.call-start
scs
__scs_entry_jumppad:
0x0: {  	(pc) =	sbr.rel $0x88, $3  }
0x1: {  	(tag) =	ssettag $0x0;
	lr =	simm.s32 $0x1  }
0x2: {  	[smem:$0x3F97] =	sst lr;
	_ =	strace $0xD0000000  }
0x3: {  	_ = 	snop  }
0x4: {  	_ = 	snop  }
0x5: {  	_ = 	snop  }
0x6: {  	_ = 	snop  }
0x7: {  	_ = 	snop  }
__scs_overlays_trampoline_lowered:
0x8: {  	[smem:$0x3FA6] =	sst s0  }
0x9: {  	[smem:$0x3FA7] =	sst s1  }
0xa: {  	[smem:$0x3FA8] =	sst s2  }
0xb: {  	[smem:$0x3FA9] =	sst s3  }
0xc: {  	[smem:$0x3FAA] =	sst s4  }
0xd: {  	[smem:$0x3FAB] =	sst s5  }
0xe: {  	[smem:$0x3FAC] =	sst s6  }
0xf: {  	[smem:$0x3FAD] =	sst s7  }
0x10: {  	[smem:$0x3FAE] =	sst s8  }
0x11: {  	[smem:$0x3FAF] =	sst s9;
	s0 =	simm.s32 @!p0 $0x0  }
0x12: {  	s1 =	sld [smem:$0x3F95];
	s0 =	simm.s32 @p0 $0x1  }
0x13: {  	[smem:$0x3FB0] =	sst s0;
	s0 =	simm.s32 @!p1 $0x0  }
0x14: {  	s2 =	sld [smem:$0x3F94];
	s0 =	simm.s32 @p1 $0x1  }
0x15: {  	[smem:$0x3FB1] =	sst s0;
	s0 =	simm.s32 @!p2 $0x0  }
0x16: {  	s3 =	sld [smem:$0x3FDB];
	s0 =	simm.s32 @p2 $0x1  }
0x17: {  	s4 =	simm.s32 $0x1BF5;
	[smem:$0x3FB3] =	sst s0  }
0x18: {  	s0 =	sld [smem:$0x3F96];
	_ =	swait.ge [sflag:s4], $0x0  }
0x19: {  	s7 =	sld [smem:$0x3F97]  }
0x1a: {  	s8 =	sadd.s32 $0xFFFFE003, lr  }
0x1b: {  	s9 =	sadd.s32 $0xFFFFFEF7, lr;
	s5 =	simm.s32 $0xFFFFFFFF;
	p2 =	slt.u32 s8, $0xFFFFF086  }
0x1c: {  	p1 =	slt.u32 s9, $0xF7A;
	s5 =	simm.s32 @!p2 $0x0  }
0x1d: {  	s5 =	simm.s32 @p1 $0x1;
	p0 =	seq.s32 s7, s2  }
0x1e: {  	s7 =	smul.u32 @!p0 $0xF7A, s2;
	p2 =	seq.s32 @!p0 s5, $0x0  }
0x1f: {  	s9 =	smul.u32 $0xF7A, s1;
	s8 =	simm.s32 @!p0 $0x1BF5;
	p2 =	por !p2, p0  }
0x20: {  	[sflag:s8] =	ssyncset.s32 @!p0 $0xFFFFF086;
	s6 =	sadd.s32 @!p0 s3, s7;
	s7 =	simm.s32 @!p0 $0x108  }
0x21: {  	s3 =	sadd.s32 s3, s9;
	s6 =	sadd.s32 @!p0 $0x88, s6;
	s7 =	simm.s32 @p2 $0x1082  }
0x22: {  	[simem:s7], [sflag:s8] =	dma.local @!p0 [hbm:s6], $0xF7A  }
0x23: {  	s9 =	sor.u32 $0xD0000000, s2;
	s6 =	simm.s32 $0x108;
	_ =	swait.ge @!p0 [sflag:s8], $0x0  }
0x24: {  	s3 =	sadd.s32 $0x88, s3;
	s6 =	simm.s32 @!p1 $0x1082;
	[sflag:s4] =	ssyncset.s32 $0xFFFFF086  }
0x25: {  	[simem:s6], [sflag:s4] =	dma.local [hbm:s3], $0xF7A  }
0x26: {  	[smem:$0x3F97] =	sst s1;
	(tag) =	ssettag s2;
	_ =	strace s9  }
0x27: {  	s1 =	sld [smem:$0x3FA7]  }
0x28: {  	s2 =	sld [smem:$0x3FA8]  }
0x29: {  	s4 =	sld [smem:$0x3FAA]  }
0x2a: {  	p0 =	seq.s32 s5, $0x0;
	s5 =	sld [smem:$0x3FAB]  }
0x2b: {  	s6 =	sld [smem:$0x3FAC]  }
0x2c: {  	s7 =	sld [smem:$0x3FAD]  }
0x2d: {  	s3 =	simm.s32 $0x108;
	s8 =	sld [smem:$0x3FAE]  }
0x2e: {  	s3 =	simm.s32 @!p0 $0x1082;
	s9 =	sld [smem:$0x3FAF]  }
0x2f: {  	lr =	sadd.s32 s0, s3;
	s0 =	sld [smem:$0x3FA6]  }
0x30: {  	s3 =	sld [smem:$0x3FA9]  }
0x31: {  	[smem:$0x3FB2] =	sst s10  }
0x32: {  	s10 =	sld [smem:$0x3FB0];
	_ =	sdelay $0x3  }
0x33: {  	p0 =	seq.s32 s10, $0x1;
	s10 =	sld [smem:$0x3FB2];
	_ =	sdelay $0x3  }
0x34: {  	[smem:$0x3FB2] =	sst s10  }
0x35: {  	s10 =	sld [smem:$0x3FB1];
	_ =	sdelay $0x3  }
0x36: {  	p1 =	seq.s32 s10, $0x1;
	s10 =	sld [smem:$0x3FB2];
	_ =	sdelay $0x3  }
0x37: {  	[smem:$0x3FB2] =	sst s10  }
0x38: {  	s10 =	sld [smem:$0x3FB3]  }
0x39: {  	_ = 	snop;
	(pc) =	sbr.ind lr, $3  }
0x3a: {  	_ = 	snop  }
0x3b: {  	_ = 	snop  }
0x3c: {  	p2 =	seq.s32 s10, $0x1;
	s10 =	sld [smem:$0x3FB2]  }
0x3d: {  	_ =	shalt  }
0x3e: {  	_ =	shalt  }
0x3f: {  	_ =	shalt  }
0x40: {  	_ =	shalt  }
0x41: {  	_ =	shalt  }
0x42: {  	_ =	shalt  }
0x43: {  	_ =	shalt  }
0x44: {  	_ =	shalt  }
0x45: {  	_ =	shalt  }
0x46: {  	_ =	shalt  }
0x47: {  	_ =	shalt  }
0x48: {  	_ =	shalt  }
0x49: {  	_ =	shalt  }
0x4a: {  	_ =	shalt  }
0x4b: {  	_ =	shalt  }
0x4c: {  	_ =	shalt  }
0x4d: {  	_ =	shalt  }
0x4e: {  	_ =	shalt  }
0x4f: {  	_ =	shalt  }
0x50: {  	_ =	shalt  }
0x51: {  	_ =	shalt  }
0x52: {  	_ =	shalt  }
0x53: {  	_ =	shalt  }
0x54: {  	_ =	shalt  }
0x55: {  	_ =	shalt  }
0x56: {  	_ =	shalt  }
0x57: {  	_ =	shalt  }
0x58: {  	_ =	shalt  }
0x59: {  	_ =	shalt  }
0x5a: {  	_ =	shalt  }
0x5b: {  	_ =	shalt  }
0x5c: {  	_ =	shalt  }
0x5d: {  	_ =	shalt  }
0x5e: {  	_ =	shalt  }
0x5f: {  	_ =	shalt  }
0x60: {  	_ =	shalt  }
0x61: {  	_ =	shalt  }
0x62: {  	_ =	shalt  }
0x63: {  	_ =	shalt  }
0x64: {  	_ =	shalt  }
0x65: {  	_ =	shalt  }
0x66: {  	_ =	shalt  }
0x67: {  	_ =	shalt  }
0x68: {  	_ =	shalt  }
0x69: {  	_ =	shalt  }
0x6a: {  	_ =	shalt  }
0x6b: {  	_ =	shalt  }
0x6c: {  	_ =	shalt  }
0x6d: {  	_ =	shalt  }
0x6e: {  	_ =	shalt  }
0x6f: {  	_ =	shalt  }
0x70: {  	_ =	shalt  }
0x71: {  	_ =	shalt  }
0x72: {  	_ =	shalt  }
0x73: {  	_ =	shalt  }
0x74: {  	_ =	shalt  }
0x75: {  	_ =	shalt  }
0x76: {  	_ =	shalt  }
0x77: {  	_ =	shalt  }
0x78: {  	_ =	shalt  }
0x79: {  	_ =	shalt  }
0x7a: {  	_ =	shalt  }
0x7b: {  	_ =	shalt  }
0x7c: {  	_ =	shalt  }
0x7d: {  	_ =	shalt  }
0x7e: {  	_ =	shalt  }
0x7f: {  	_ =	shalt  }
0x80: {  	_ =	shalt  }
0x81: {  	_ =	shalt  }
0x82: {  	_ =	shalt  }
0x83: {  	_ =	shalt  }
0x84: {  	_ =	shalt  }
0x85: {  	_ =	shalt  }
0x86: {  	_ =	shalt  }
0x87: {  	_ =	shalt  }
.Lfunc_end0:
.L_simem_size_0:
called_computation_lowered:
.L_overlay_start_0:
0x88: {  	s2 =	sld [smem:$0x3FD9]  }
0x89: {  	s3 =	sld [smem:$0x3FFE];
	_ =	sdelay $0x1  }
0x8a: {  	s1 =	srdreg.scid  }
0x8b: {  	s0 =	sand.u32 $0x1, s1  }
0x8c: {  	s17 =	sshll.u32 s0, $0xA;
	s2 =	sadd.s32 s3, s2  }
0x8d: {  	s2 =	sadd.s32 s2, s17  }
0x8e: {  	[smem:$0x3FBE] =	sst s2  }
0x8f: {  	_ = 	snop  }
0x90: {  	s2 =	sld [smem:$0x3FD0];
	(tm) =	ssettm $0x1  }
0x91: {  	s18 =	sld [smem:$0x3FFB];
	_ =	sdelay $0x3  }
0x92: {  	_ =	strace s18  }
0x93: {  	s3 =	sld [smem:$0x3FFC];
	_ =	sdelay $0x3  }
0x94: {  	_ =	strace s3  }
0x95: {  	s3 =	sld [smem:$0x3FFD];
	_ =	sdelay $0x3  }
0x96: {  	_ =	strace s3  }
0x97: {  	_ =	strace $0x8FFFFFFF  }
0x98: {  	s19 =	sld [smem:$0x3FDB];
	_ =	sdelay $0x1  }
0x99: {  	s4 =	simm.s32 $_scs_section_size  }
0x9a: {  	s5 =	simm.s32 $_size__tile_overlayer_lowered;
	s6 =	simm.s32 $_tile_overlayer_lowered  }
0x9b: {  	s22 =	simm.s32 $0x1BFF;
	s21 =	sshll.u32 s6, $0x1;
	s3 =	sadd.s32 s4, s19  }
0x9c: {  	s7 =	simm.s32 $0x0;
	s20 =	sshll.u32 s5, $0x1;
	s5 =	sadd.s32 s21, s3  }
0x9d: {  	[timem:s7], [sflag:s22] =	dma.local [hbm:s5], s20  }
0x9e: {  	_ =	swait.ge [sflag:s22], s20  }
0x9f: {  	s4 =	ssub.s32 $0x0, s20;
	[sflag:s22] =	ssyncset.done $0x0  }
0xa0: {  	[sflag:s22] =	ssyncadd.s32 s4;
	_ =	sdelay $0x1  }
0xa1: {  	s23 =	simm.s32 $0x1B8B  }
0xa2: {  	_ =	swait.ge [sflag:s23], $0x1  }
0xa3: {  	[sflag:s23] =	ssyncset.done $0x0  }
0xa4: {  	s25 =	simm.s32 $0x1B8E;
	s24 =	sld [smem:$0x3FFE];
	[sflag:s23] =	ssyncadd.s32 $0xFFFFFFFF  }
0xa5: {  	s26 =	simm.s32 $execute0_lowered;
	[smem:$0x3FD2] =	sst s25  }
0xa6: {  	s5 =	sshll.u32 s26, $0x1;
	_ =	strace $0x80000046;
	[dreg:$0x1] =	wrdreg $0xFFFFFFFF  }
0xa7: {  	s28 =	simm.s32 $_size_execute0_lowered;
	s3 =	sadd.s32 s3, s5;
	[dreg:$0x0] =	wrdreg $0x0  }
0xa8: {  	s5 =	sshll.u32 s28, $0x1;
	[dreg:$0x2] =	wrdreg s3  }
0xa9: {  	[dreg:$0x3] =	wrdreg s5  }
0xaa: {  	[dreg:$0x4] =	wrdreg $0xC0  }
0xab: {  	_ =	task [dreg:s7], $0x5FFFF  }
0xac: {  	[dreg:$0x1] =	wrdreg $0xFFFFFFFF  }
0xad: {  	[dreg:$0x0] =	wrdreg $0x60  }
0xae: {  	[dreg:$0x2] =	wrdreg s24  }
0xaf: {  	[dreg:$0x3] =	wrdreg s2  }
0xb0: {  	[dreg:$0x4] =	wrdreg $0x9  }
0xb1: {  	_ =	task.clear_ibuf [dreg:s7], $0x5FFFF;
	_ =	strace $0x90000046  }
0xb2: {  	s29 =	simm.s32 $0x9;
	_ =	strace $0x80000048  }
0xb3: {  	_ =	swait.ge [sflag:s29], $0x1  }
0xb4: {  	[sflag:s29] =	ssyncadd.s32 $0xFFFFFFFF  }
0xb5: {  	_ =	strace $0x90000048  }
0xb6: {  	_ =	sfence  }
0xb7: {  	s30 =	sld [smem:$0x0];
	_ =	sdelay $0x2  }
0xb8: {  	s31 =	sshll.u32 s1, $0xD;
	s1 =	sshrl.u32 s1, $0x2  }
0xb9: {  	s3 =	sand.u32 $0x4000, s31;
	s1 =	sadd.s32 s1, s30  }
0xba: {  	s0 =	sor.u32 s3, s0;
	s1 =	sshll.u32 s1, $0x11  }
0xbb: {  	s0 =	sor.u32 s1, s0  }
0xbc: {  	s0 =	sadd.s32 $0x8F2B, s0  }
0xbd: {  	[sflag:s0] =	ssyncadd.remote.s32 $0x1  }
0xbe: {  	_ =	sfence.sel $0xFFFF  }
0xbf: {  	[dreg:$0x0] =	wrdreg $0xFFFFFFFF;
	(pc) =	sbr.abs _section_cstart, $3  }
0xc0: {  	[dreg:$0x1] =	wrdreg $0xFFFFFFFF  }
0xc1: {  	_ =	task.clear_ibuf [dreg:s7], $0x2FFFF;
	_ =	strace $0x9FFFFFFF  }
0xc2: {  	(tm) =	ssettm $0x7FFFFFFF  }
0xc3: {  	_ =	shalt  }
tec
execute0_lowered:
.L_overlay_start_1:
0x0: {  	(tag) =	ssettag $0x1  }
0x1: {  	s0 =	rddreg [dreg:$0x0]  }
0x2: {  	s1 =	rddreg [dreg:$0x1]  }
0x3: {  	s3 =	srdreg.scid;
	s2 =	simm.s32 $0x0;
	s6 =	stileid.u32  }
0x4: {  	s18 =	simm.s32 $0x4;
	s21 =	simm.s32 $0x80;
	s22 =	simm.s32 $0x800  }
0x5: {  	s23 =	simm.s32 $0x4800;
	s24 =	simm.s32 $0x1;
	s28 =	simm.s32 $0x2  }
0x6: {  	s29 =	simm.s32 $0xC800;
	s31 =	simm.s32 $0x3;
	s5 =	sand.u32 $0x1, s3  }
0x7: {  	s25 =	sshll.u32 s6, $0x7;
	s6 =	sshll.u32 s6, $0x1;
	[smem:$0x7FF] =	sst s2  }
0x8: {  	s12 =	sadd.s32 $0x463600, s0;
	s4 =	sshll.u32 s5, $0x6;
	s8 =	sor.u32 s5, s6  }
0x9: {  	_ =	strace $0x80000047;
	s10 =	ssub.s32 $0x2, s5;
	s3 =	sor.u32 s4, s25  }
0xa: {  	s9 =	sshll.u32 s8, $0x6;
	s4 =	sadd.s32 $0x3E1E00, s0;
	s11 =	sshrl.u32 s10, $0x1  }
0xb: {  	s13 =	sshll.u32 s8, $0xD;
	s25 =	simm.s32 $0x8800;
	s26 =	sadd.s32 s3, s0  }
0xc: {  	s7 =	sadd.s32 s9, s0;
	s3 =	sadd.s32 $0x1E00, s0;
	s0 =	sadd.s32 $0x4A3600, s0  }
0xd: {  	s17 =	ssub.s32 s10, s11;
	s8 =	sadd.s32 s1, s9;
	s30 =	sor.u32 $0x800, s13  }
0xe: {  	s15 =	sor.u32 $0x1000, s13;
	s16 =	sor.u32 $0x1800, s13;
	s5 =	sadd.s32 $0x462600, s26  }
0xf: {  	s9 =	sadd.s32 s12, s13;
	s6 =	sadd.s32 $0x461E00, s26;
	s7 =	sadd.s32 $0x462E00, s7  }
0x10: {  	s10 =	sadd.s32 s12, s30;
	s11 =	sadd.s32 s12, s15;
	s12 =	sadd.s32 s12, s16  }
0x11: {  	s13 =	sadd.s32 s0, s13;
	s14 =	sadd.s32 s0, s30;
	s15 =	sadd.s32 s0, s15  }
0x12: {  	s16 =	sadd.s32 s0, s16;
	s17 =	smax.u32 s17, $0x1;
	s26 =	simm.s32 $0x0  }
.LBB2_1:
0x13: {  	[tilespmem:s2], [sflag:$0x4] =	stream.linear.gather [hbm4b:s5+s2], $0x200, $0x38;
	[tilespmem:$0x10800] =	vst v63  }
0x14: {  	_ =	swait.ge [sflag:s18], $0x200  }
0x15: {  	[sflag:s18] =	ssyncset.done $0x0  }
0x16: {  	s0 =	simm.s32 $0x200;
	[sflag:s18] =	ssyncadd.s32 $0xFFFFFE00  }
0x17: {  	[tilespmem:s0], [sflag:$0x4] =	stream.linear.gather [hbm4b:s6+s2], $0x200, $0x38;
	[tilespmem:$0x10800] =	vst v63  }
0x18: {  	_ =	swait.ge [sflag:s18], $0x200  }
0x19: {  	[sflag:s18] =	ssyncset.done $0x0  }
0x1a: {  	s30 =	simm.s32 $0x400;
	[sflag:s18] =	ssyncadd.s32 $0xFFFFFE00  }
0x1b: {  	[tilespmem:s30], [sflag:$0x4] =	stream.linear.gather [hbm4b:s7+s2], $0x200, $0x38;
	[tilespmem:$0x10800] =	vst v63  }
0x1c: {  	_ =	swait.ge [sflag:s18], $0x200  }
0x1d: {  	[sflag:s18] =	ssyncset.done $0x0  }
0x1e: {  	s1 =	simm.s32 $0x600;
	[sflag:s18] =	ssyncadd.s32 $0xFFFFFE00  }
0x1f: {  	[tilespmem:s1], [sflag:$0x4] =	stream.linear.gather [hbm4b:s8+s2], $0x200, $0x38;
	[tilespmem:$0x10800] =	vst v63  }
0x20: {  	_ =	swait.ge [sflag:s18], $0x200  }
0x21: {  	[sflag:s18] =	ssyncset.done $0x0  }
0x22: {  	[sflag:s18] =	ssyncadd.s32 $0xFFFFFE00  }
0x23: {  	[tilespmem:s22], [sflag:$0x1] =	stream.indirect.gather [hbm4b:s3+s21], $0x80, s2, s21, $0xb8;
	[tilespmem:$0x10800] =	vst v63  }
0x24: {  	_ = 	snop  }
0x25: {  	[tilespmem:s23], [sflag:$0x2] =	stream.indirect.gather [hbm4b:s3+s21], $0x80, s21, s21, $0xb8;
	[tilespmem:$0x10800] =	vst v63  }
0x26: {  	_ =	swait.ge [sflag:s24], $0x4000  }
0x27: {  	[sflag:s24] =	ssyncset.done $0x0  }
0x28: {  	[sflag:s24] =	ssyncadd.s32 $0xFFFFC000  }
0x29: {  	v0 =	vld [tilespmem:s30+$0x0];
	_ =	sdelay $0x4  }
0x2a: {  	v0 =	vshll.u32 v0, $0x5  }
0x2b: {  	v0 =	vshll.u32 v0, $0x2  }
0x2c: {  	s0 =	simm.s32 $0x0;
	v0 =	vshra.s32 v0, $0x2  }
0x2d: {  	v1 =	vadd.s32 s0, v0  }
0x2e: {  	(v2sf) =	vpush v1, $0x0;
	_ =	sdelay $0x6  }
0x2f: {  	(v2sf) =	vpush v1, $0x1;
	_ =	sdelay $0x6  }
0x30: {  	(v2sf) =	vpush v1, $0x2  }
0x31: {  	s1 =	spop (v2sf)  }
0x32: {  	v0 =	vld [tilespmem:s1+$0x800]  }
0x33: {  	v2 =	vld [tilespmem:s1+$0x810];
	_ =	sdelay $0x3  }
0x34: {  	(v2sf) =	vpush v1, $0x3;
	[tilespmem:s0+$0x8800] =	vst v0  }
0x35: {  	s19 =	spop (v2sf);
	[tilespmem:s0+$0x8810] =	vst v2  }
0x36: {  	v0 =	vld [tilespmem:s19+$0x880]  }
0x37: {  	v2 =	vld [tilespmem:s19+$0x890];
	_ =	sdelay $0x3  }
0x38: {  	(v2sf) =	vpush v1, $0x4;
	[tilespmem:s0+$0x8880] =	vst v0  }
0x39: {  	s20 =	spop (v2sf);
	[tilespmem:s0+$0x8890] =	vst v2  }
0x3a: {  	v0 =	vld [tilespmem:s20+$0x900]  }
0x3b: {  	v2 =	vld [tilespmem:s20+$0x910];
	_ =	sdelay $0x3  }
0x3c: {  	(v2sf) =	vpush v1, $0x5;
	[tilespmem:s0+$0x8900] =	vst v0  }
0x3d: {  	s19 =	spop (v2sf);
	[tilespmem:s0+$0x8910] =	vst v2  }
0x3e: {  	v0 =	vld [tilespmem:s19+$0x980]  }
0x3f: {  	v2 =	vld [tilespmem:s19+$0x990];
	_ =	sdelay $0x3  }
0x40: {  	(v2sf) =	vpush v1, $0x6;
	[tilespmem:s0+$0x8980] =	vst v0  }
0x41: {  	s20 =	spop (v2sf);
	[tilespmem:s0+$0x8990] =	vst v2  }
0x42: {  	v0 =	vld [tilespmem:s20+$0xA00]  }
0x43: {  	v2 =	vld [tilespmem:s20+$0xA10];
	_ =	sdelay $0x3  }
0x44: {  	(v2sf) =	vpush v1, $0x7;
	[tilespmem:s0+$0x8A00] =	vst v0  }
0x45: {  	s19 =	spop (v2sf);
	[tilespmem:s0+$0x8A10] =	vst v2  }
0x46: {  	v0 =	vld [tilespmem:s19+$0xA80]  }
0x47: {  	v2 =	vld [tilespmem:s19+$0xA90];
	_ =	sdelay $0x3  }
0x48: {  	(v2sf) =	vpush v1, $0x8;
	[tilespmem:s0+$0x8A80] =	vst v0  }
0x49: {  	s20 =	spop (v2sf);
	[tilespmem:s0+$0x8A90] =	vst v2  }
0x4a: {  	v0 =	vld [tilespmem:s20+$0xB00]  }
0x4b: {  	v2 =	vld [tilespmem:s20+$0xB10];
	_ =	sdelay $0x3  }
0x4c: {  	(v2sf) =	vpush v1, $0x9;
	[tilespmem:s0+$0x8B00] =	vst v0  }
0x4d: {  	s19 =	spop (v2sf);
	[tilespmem:s0+$0x8B10] =	vst v2  }
0x4e: {  	v0 =	vld [tilespmem:s19+$0xB80]  }
0x4f: {  	v2 =	vld [tilespmem:s19+$0xB90];
	_ =	sdelay $0x3  }
0x50: {  	(v2sf) =	vpush v1, $0xA;
	[tilespmem:s0+$0x8B80] =	vst v0  }
0x51: {  	s20 =	spop (v2sf);
	[tilespmem:s0+$0x8B90] =	vst v2  }
0x52: {  	v0 =	vld [tilespmem:s20+$0xC00]  }
0x53: {  	v2 =	vld [tilespmem:s20+$0xC10];
	_ =	sdelay $0x3  }
0x54: {  	(v2sf) =	vpush v1, $0xB;
	[tilespmem:s0+$0x8C00] =	vst v0  }
0x55: {  	s19 =	spop (v2sf);
	[tilespmem:s0+$0x8C10] =	vst v2  }
0x56: {  	v0 =	vld [tilespmem:s19+$0xC80]  }
0x57: {  	v2 =	vld [tilespmem:s19+$0xC90];
	_ =	sdelay $0x3  }
0x58: {  	(v2sf) =	vpush v1, $0xC;
	[tilespmem:s0+$0x8C80] =	vst v0  }
0x59: {  	s20 =	spop (v2sf);
	[tilespmem:s0+$0x8C90] =	vst v2  }
0x5a: {  	(v2sf) =	vpush v1, $0xD;
	v0 =	vld [tilespmem:s20+$0xD00]  }
0x5b: {  	v2 =	vld [tilespmem:s20+$0xD10];
	_ =	sdelay $0x3  }
0x5c: {  	[tilespmem:s0+$0x8D00] =	vst v0  }
0x5d: {  	s19 =	spop (v2sf);
	[tilespmem:s0+$0x8D10] =	vst v2  }
0x5e: {  	v0 =	vld [tilespmem:s19+$0xD80]  }
0x5f: {  	v2 =	vld [tilespmem:s19+$0xD90];
	_ =	sdelay $0x3  }
0x60: {  	[tilespmem:s0+$0x8D80] =	vst v0  }
0x61: {  	s20 =	spop (v2sf);
	[tilespmem:s0+$0x8D90] =	vst v2  }
0x62: {  	v0 =	vld [tilespmem:s20+$0xE00]  }
0x63: {  	v2 =	vld [tilespmem:s20+$0xE10];
	s20 =	spop (v2sf);
	(v2sf) =	vpush v1, $0xE;
	_ =	sdelay $0x6  }
0x64: {  	(v2sf) =	vpush v1, $0xF;
	[tilespmem:s0+$0x8E00] =	vst v0  }
0x65: {  	[tilespmem:s0+$0x8E10] =	vst v2  }
0x66: {  	v0 =	vld [tilespmem:s20+$0xE80]  }
0x67: {  	s1 =	simm.s32 $0x2000;
	v1 =	vld [tilespmem:s20+$0xE90]  }
.LBB2_2:
0x68: {  	_ = 	snop  }
0x69: {  	p0 =	sne.s32 s1, $0xE000  }
0x6a: {  	s30 =	sadd.s32 $0x10, s30;
	s20 =	smov.u32 s1;
	s1 =	sadd.s32 $0x2000, s1  }
0x6b: {  	[tilespmem:s0+$0x8E80] =	vst v0  }
0x6c: {  	[tilespmem:s0+$0x8E90] =	vst v1;
	s19 =	spop (v2sf)  }
0x6d: {  	v0 =	vld [tilespmem:s19+$0xF00]  }
0x6e: {  	v1 =	vld [tilespmem:s19+$0xF10];
	_ =	sdelay $0x3  }
0x6f: {  	[tilespmem:s0+$0x8F00] =	vst v0  }
0x70: {  	[tilespmem:s0+$0x8F10] =	vst v1;
	s19 =	spop (v2sf)  }
0x71: {  	v0 =	vld [tilespmem:s19+$0xF80]  }
0x72: {  	v1 =	vld [tilespmem:s19+$0xF90];
	_ =	sdelay $0x3  }
0x73: {  	[tilespmem:s0+$0x8F80] =	vst v0  }
0x74: {  	[tilespmem:s0+$0x8F90] =	vst v1  }
0x75: {  	v0 =	vld [tilespmem:s30+$0x0];
	_ =	sdelay $0x4  }
0x76: {  	v0 =	vshll.u32 v0, $0x5  }
0x77: {  	v0 =	vshll.u32 v0, $0x2  }
0x78: {  	s0 =	sshra.s32 s20, $0x2;
	v0 =	vshra.s32 v0, $0x2  }
0x79: {  	v0 =	vadd.s32 s0, v0  }
0x7a: {  	(v2sf) =	vpush v0, $0x0;
	_ =	sdelay $0x6  }
0x7b: {  	(v2sf) =	vpush v0, $0x1;
	_ =	sdelay $0x6  }
0x7c: {  	(v2sf) =	vpush v0, $0x2  }
0x7d: {  	s19 =	spop (v2sf)  }
0x7e: {  	v1 =	vld [tilespmem:s19+$0x800]  }
0x7f: {  	v2 =	vld [tilespmem:s19+$0x810];
	_ =	sdelay $0x3  }
0x80: {  	[tilespmem:s0+$0x8800] =	vst v1;
	(v2sf) =	vpush v0, $0x3  }
0x81: {  	[tilespmem:s0+$0x8810] =	vst v2;
	s19 =	spop (v2sf)  }
0x82: {  	v1 =	vld [tilespmem:s19+$0x880]  }
0x83: {  	v2 =	vld [tilespmem:s19+$0x890];
	_ =	sdelay $0x3  }
0x84: {  	[tilespmem:s0+$0x8880] =	vst v1;
	(v2sf) =	vpush v0, $0x4  }
0x85: {  	[tilespmem:s0+$0x8890] =	vst v2;
	s19 =	spop (v2sf)  }
0x86: {  	v1 =	vld [tilespmem:s19+$0x900]  }
0x87: {  	v2 =	vld [tilespmem:s19+$0x910];
	_ =	sdelay $0x3  }
0x88: {  	[tilespmem:s0+$0x8900] =	vst v1;
	(v2sf) =	vpush v0, $0x5  }
0x89: {  	[tilespmem:s0+$0x8910] =	vst v2;
	s19 =	spop (v2sf)  }
0x8a: {  	v1 =	vld [tilespmem:s19+$0x980]  }
0x8b: {  	v2 =	vld [tilespmem:s19+$0x990];
	_ =	sdelay $0x3  }
0x8c: {  	[tilespmem:s0+$0x8980] =	vst v1;
	(v2sf) =	vpush v0, $0x6  }
0x8d: {  	[tilespmem:s0+$0x8990] =	vst v2;
	s19 =	spop (v2sf)  }
0x8e: {  	v1 =	vld [tilespmem:s19+$0xA00]  }
0x8f: {  	v2 =	vld [tilespmem:s19+$0xA10];
	_ =	sdelay $0x3  }
0x90: {  	[tilespmem:s0+$0x8A00] =	vst v1;
	(v2sf) =	vpush v0, $0x7  }
0x91: {  	[tilespmem:s0+$0x8A10] =	vst v2;
	s19 =	spop (v2sf)  }
0x92: {  	v1 =	vld [tilespmem:s19+$0xA80]  }
0x93: {  	v2 =	vld [tilespmem:s19+$0xA90];
	_ =	sdelay $0x3  }
0x94: {  	[tilespmem:s0+$0x8A80] =	vst v1;
	(v2sf) =	vpush v0, $0x8  }
0x95: {  	[tilespmem:s0+$0x8A90] =	vst v2;
	s19 =	spop (v2sf)  }
0x96: {  	v1 =	vld [tilespmem:s19+$0xB00]  }
0x97: {  	v2 =	vld [tilespmem:s19+$0xB10];
	_ =	sdelay $0x3  }
0x98: {  	[tilespmem:s0+$0x8B00] =	vst v1;
	(v2sf) =	vpush v0, $0x9  }
0x99: {  	[tilespmem:s0+$0x8B10] =	vst v2;
	s19 =	spop (v2sf)  }
0x9a: {  	v1 =	vld [tilespmem:s19+$0xB80]  }
0x9b: {  	v2 =	vld [tilespmem:s19+$0xB90];
	_ =	sdelay $0x3  }
0x9c: {  	[tilespmem:s0+$0x8B80] =	vst v1;
	(v2sf) =	vpush v0, $0xA  }
0x9d: {  	[tilespmem:s0+$0x8B90] =	vst v2;
	s19 =	spop (v2sf)  }
0x9e: {  	v1 =	vld [tilespmem:s19+$0xC00]  }
0x9f: {  	v2 =	vld [tilespmem:s19+$0xC10];
	_ =	sdelay $0x3  }
0xa0: {  	[tilespmem:s0+$0x8C00] =	vst v1;
	(v2sf) =	vpush v0, $0xB  }
0xa1: {  	[tilespmem:s0+$0x8C10] =	vst v2;
	s19 =	spop (v2sf)  }
0xa2: {  	v1 =	vld [tilespmem:s19+$0xC80]  }
0xa3: {  	v2 =	vld [tilespmem:s19+$0xC90];
	_ =	sdelay $0x3  }
0xa4: {  	[tilespmem:s0+$0x8C80] =	vst v1;
	(v2sf) =	vpush v0, $0xC  }
0xa5: {  	[tilespmem:s0+$0x8C90] =	vst v2;
	s19 =	spop (v2sf)  }
0xa6: {  	v1 =	vld [tilespmem:s19+$0xD00]  }
0xa7: {  	v2 =	vld [tilespmem:s19+$0xD10];
	_ =	sdelay $0x3  }
0xa8: {  	[tilespmem:s0+$0x8D00] =	vst v1;
	(v2sf) =	vpush v0, $0xD  }
0xa9: {  	[tilespmem:s0+$0x8D10] =	vst v2;
	s19 =	spop (v2sf)  }
0xaa: {  	v1 =	vld [tilespmem:s19+$0xD80]  }
0xab: {  	v2 =	vld [tilespmem:s19+$0xD90];
	_ =	sdelay $0x3  }
0xac: {  	[tilespmem:s0+$0x8D80] =	vst v1;
	(v2sf) =	vpush v0, $0xE  }
0xad: {  	[tilespmem:s0+$0x8D90] =	vst v2;
	s19 =	spop (v2sf)  }
0xae: {  	v1 =	vld [tilespmem:s19+$0xE00]  }
0xaf: {  	v2 =	vld [tilespmem:s19+$0xE10];
	_ =	sdelay $0x2  }
.Ltmp0:
0xb0: {  	(pc) =	sbr.rel @p0 .LBB2_2-.Ltmp0, $4  }
0xb1: {  	[tilespmem:s0+$0x8E00] =	vst v1;
	(v2sf) =	vpush v0, $0xF  }
0xb2: {  	[tilespmem:s0+$0x8E10] =	vst v2;
	s19 =	spop (v2sf)  }
0xb3: {  	v0 =	vld [tilespmem:s19+$0xE80]  }
0xb4: {  	v1 =	vld [tilespmem:s19+$0xE90]  }
0xb5: {  	_ =	sdelay $0x2  }
0xb6: {  	[tilespmem:s0+$0x8E80] =	vst v0  }
0xb7: {  	[tilespmem:s0+$0x8E90] =	vst v1;
	s1 =	spop (v2sf)  }
0xb8: {  	v0 =	vld [tilespmem:s1+$0xF00]  }
0xb9: {  	v1 =	vld [tilespmem:s1+$0xF10];
	_ =	sdelay $0x3  }
0xba: {  	[tilespmem:s0+$0x8F00] =	vst v0  }
0xbb: {  	[tilespmem:s0+$0x8F10] =	vst v1;
	s20 =	spop (v2sf)  }
0xbc: {  	v0 =	vld [tilespmem:s20+$0xF80]  }
0xbd: {  	v1 =	vld [tilespmem:s20+$0xF90];
	_ =	sdelay $0x3  }
0xbe: {  	[tilespmem:s0+$0x8F80] =	vst v0  }
0xbf: {  	s1 =	simm.s32 $0x0;
	[tilespmem:s0+$0x8F90] =	vst v1  }
0xc0: {  	[hbm4b:s9+s1] =	stream.linear.scatter [tilespmem:s25], [sflag:$0x3], $0x4000, $0x38;
	[tilespmem:$0x10800] =	vst v63  }
0xc1: {  	s19 =	simm.s32 $0x100  }
0xc2: {  	[tilespmem:s22], [sflag:$0x1] =	stream.indirect.gather [hbm4b:s3+s21], $0x80, s19, s21, $0xb8;
	[tilespmem:$0x10800] =	vst v63  }
0xc3: {  	_ =	swait.ge [sflag:s28], $0x4000  }
0xc4: {  	[sflag:s28] =	ssyncset.done $0x0  }
0xc5: {  	s30 =	simm.s32 $0x480;
	[sflag:s28] =	ssyncadd.s32 $0xFFFFC000  }
0xc6: {  	v0 =	vld [tilespmem:s30+$0x0];
	_ =	sdelay $0x4  }
0xc7: {  	v0 =	vshll.u32 v0, $0x5  }
0xc8: {  	v0 =	vshll.u32 v0, $0x2  }
0xc9: {  	s0 =	simm.s32 $0x0;
	v0 =	vshra.s32 v0, $0x2  }
0xca: {  	v1 =	vadd.s32 s0, v0  }
0xcb: {  	(v2sf) =	vpush v1, $0x0;
	_ =	sdelay $0x6  }
0xcc: {  	(v2sf) =	vpush v1, $0x1;
	_ =	sdelay $0x6  }
0xcd: {  	(v2sf) =	vpush v1, $0x2  }
0xce: {  	s20 =	spop (v2sf)  }
0xcf: {  	v0 =	vld [tilespmem:s20+$0x4800]  }
0xd0: {  	v2 =	vld [tilespmem:s20+$0x4810];
	_ =	sdelay $0x3  }
0xd1: {  	(v2sf) =	vpush v1, $0x3;
	[tilespmem:s0+$0xC800] =	vst v0  }
0xd2: {  	s19 =	spop (v2sf);
	[tilespmem:s0+$0xC810] =	vst v2  }
0xd3: {  	v0 =	vld [tilespmem:s19+$0x4880]  }
0xd4: {  	v2 =	vld [tilespmem:s19+$0x4890];
	_ =	sdelay $0x3  }
0xd5: {  	(v2sf) =	vpush v1, $0x4;
	[tilespmem:s0+$0xC880] =	vst v0  }
0xd6: {  	s20 =	spop (v2sf);
	[tilespmem:s0+$0xC890] =	vst v2  }
0xd7: {  	v0 =	vld [tilespmem:s20+$0x4900]  }
0xd8: {  	v2 =	vld [tilespmem:s20+$0x4910];
	_ =	sdelay $0x3  }
0xd9: {  	(v2sf) =	vpush v1, $0x5;
	[tilespmem:s0+$0xC900] =	vst v0  }
0xda: {  	s19 =	spop (v2sf);
	[tilespmem:s0+$0xC910] =	vst v2  }
0xdb: {  	v0 =	vld [tilespmem:s19+$0x4980]  }
0xdc: {  	v2 =	vld [tilespmem:s19+$0x4990];
	_ =	sdelay $0x3  }
0xdd: {  	(v2sf) =	vpush v1, $0x6;
	[tilespmem:s0+$0xC980] =	vst v0  }
0xde: {  	s20 =	spop (v2sf);
	[tilespmem:s0+$0xC990] =	vst v2  }
0xdf: {  	v0 =	vld [tilespmem:s20+$0x4A00]  }
0xe0: {  	v2 =	vld [tilespmem:s20+$0x4A10];
	_ =	sdelay $0x3  }
0xe1: {  	(v2sf) =	vpush v1, $0x7;
	[tilespmem:s0+$0xCA00] =	vst v0  }
0xe2: {  	s19 =	spop (v2sf);
	[tilespmem:s0+$0xCA10] =	vst v2  }
0xe3: {  	v0 =	vld [tilespmem:s19+$0x4A80]  }
0xe4: {  	v2 =	vld [tilespmem:s19+$0x4A90];
	_ =	sdelay $0x3  }
0xe5: {  	(v2sf) =	vpush v1, $0x8;
	[tilespmem:s0+$0xCA80] =	vst v0  }
0xe6: {  	s20 =	spop (v2sf);
	[tilespmem:s0+$0xCA90] =	vst v2  }
0xe7: {  	v0 =	vld [tilespmem:s20+$0x4B00]  }
0xe8: {  	v2 =	vld [tilespmem:s20+$0x4B10];
	_ =	sdelay $0x3  }
0xe9: {  	(v2sf) =	vpush v1, $0x9;
	[tilespmem:s0+$0xCB00] =	vst v0  }
0xea: {  	s19 =	spop (v2sf);
	[tilespmem:s0+$0xCB10] =	vst v2  }
0xeb: {  	v0 =	vld [tilespmem:s19+$0x4B80]  }
0xec: {  	v2 =	vld [tilespmem:s19+$0x4B90];
	_ =	sdelay $0x1  }
0xed: {  	(v2sf) =	vpush v1, $0xA;
	_ =	sdelay $0x1  }
0xee: {  	[tilespmem:s0+$0xCB80] =	vst v0  }
0xef: {  	s20 =	spop (v2sf);
	[tilespmem:s0+$0xCB90] =	vst v2  }
0xf0: {  	v0 =	vld [tilespmem:s20+$0x4C00]  }
0xf1: {  	v2 =	vld [tilespmem:s20+$0x4C10];
	_ =	sdelay $0x3  }
0xf2: {  	(v2sf) =	vpush v1, $0xB;
	[tilespmem:s0+$0xCC00] =	vst v0  }
0xf3: {  	s19 =	spop (v2sf);
	[tilespmem:s0+$0xCC10] =	vst v2  }
0xf4: {  	v0 =	vld [tilespmem:s19+$0x4C80]  }
0xf5: {  	v2 =	vld [tilespmem:s19+$0x4C90];
	_ =	sdelay $0x1  }
0xf6: {  	(v2sf) =	vpush v1, $0xC  }
0xf7: {  	s20 =	spop (v2sf);
	(v2sf) =	vpush v1, $0xD  }
0xf8: {  	[tilespmem:s0+$0xCC80] =	vst v0  }
0xf9: {  	[tilespmem:s0+$0xCC90] =	vst v2  }
0xfa: {  	v0 =	vld [tilespmem:s20+$0x4D00]  }
0xfb: {  	v2 =	vld [tilespmem:s20+$0x4D10];
	_ =	sdelay $0x3  }
0xfc: {  	[tilespmem:s0+$0xCD00] =	vst v0  }
0xfd: {  	s19 =	spop (v2sf);
	[tilespmem:s0+$0xCD10] =	vst v2  }
0xfe: {  	v0 =	vld [tilespmem:s19+$0x4D80]  }
0xff: {  	v2 =	vld [tilespmem:s19+$0x4D90];
	_ =	sdelay $0x2  }
0x100: {  	s20 =	spop (v2sf)  }
0x101: {  	s19 =	spop (v2sf);
	(v2sf) =	vpush v1, $0xE;
	[tilespmem:s0+$0xCD80] =	vst v0  }
0x102: {  	[tilespmem:s0+$0xCD90] =	vst v2  }
0x103: {  	v0 =	vld [tilespmem:s20+$0x4E00]  }
0x104: {  	v2 =	vld [tilespmem:s20+$0x4E10];
	_ =	sdelay $0x3  }
0x105: {  	(v2sf) =	vpush v1, $0xF;
	[tilespmem:s0+$0xCE00] =	vst v0  }
0x106: {  	[tilespmem:s0+$0xCE10] =	vst v2  }
0x107: {  	v0 =	vld [tilespmem:s19+$0x4E80]  }
0x108: {  	s1 =	simm.s32 $0x2000;
	v1 =	vld [tilespmem:s19+$0x4E90]  }
.LBB2_4:
0x109: {  	_ = 	snop  }
0x10a: {  	p0 =	sne.s32 s1, $0xE000  }
0x10b: {  	s30 =	sadd.s32 $0x10, s30;
	s19 =	smov.u32 s1;
	s1 =	sadd.s32 $0x2000, s1  }
0x10c: {  	[tilespmem:s0+$0xCE80] =	vst v0  }
0x10d: {  	[tilespmem:s0+$0xCE90] =	vst v1;
	s20 =	spop (v2sf)  }
0x10e: {  	v0 =	vld [tilespmem:s20+$0x4F00]  }
0x10f: {  	v1 =	vld [tilespmem:s20+$0x4F10];
	_ =	sdelay $0x3  }
0x110: {  	[tilespmem:s0+$0xCF00] =	vst v0  }
0x111: {  	[tilespmem:s0+$0xCF10] =	vst v1;
	s20 =	spop (v2sf)  }
0x112: {  	v0 =	vld [tilespmem:s20+$0x4F80]  }
0x113: {  	v1 =	vld [tilespmem:s20+$0x4F90];
	_ =	sdelay $0x3  }
0x114: {  	[tilespmem:s0+$0xCF80] =	vst v0  }
0x115: {  	[tilespmem:s0+$0xCF90] =	vst v1  }
0x116: {  	v0 =	vld [tilespmem:s30+$0x0];
	_ =	sdelay $0x4  }
0x117: {  	v0 =	vshll.u32 v0, $0x5  }
0x118: {  	v0 =	vshll.u32 v0, $0x2  }
0x119: {  	s0 =	sshra.s32 s19, $0x2;
	v0 =	vshra.s32 v0, $0x2  }
0x11a: {  	v0 =	vadd.s32 s0, v0  }
0x11b: {  	(v2sf) =	vpush v0, $0x0;
	_ =	sdelay $0x6  }
0x11c: {  	(v2sf) =	vpush v0, $0x1;
	_ =	sdelay $0x6  }
0x11d: {  	(v2sf) =	vpush v0, $0x2  }
0x11e: {  	s19 =	spop (v2sf)  }
0x11f: {  	v1 =	vld [tilespmem:s19+$0x4800]  }
0x120: {  	v2 =	vld [tilespmem:s19+$0x4810];
	_ =	sdelay $0x3  }
0x121: {  	[tilespmem:s0+$0xC800] =	vst v1;
	(v2sf) =	vpush v0, $0x3  }
0x122: {  	[tilespmem:s0+$0xC810] =	vst v2;
	s19 =	spop (v2sf)  }
0x123: {  	v1 =	vld [tilespmem:s19+$0x4880]  }
0x124: {  	v2 =	vld [tilespmem:s19+$0x4890];
	_ =	sdelay $0x3  }
0x125: {  	[tilespmem:s0+$0xC880] =	vst v1;
	(v2sf) =	vpush v0, $0x4  }
0x126: {  	[tilespmem:s0+$0xC890] =	vst v2;
	s19 =	spop (v2sf)  }
0x127: {  	v1 =	vld [tilespmem:s19+$0x4900]  }
0x128: {  	v2 =	vld [tilespmem:s19+$0x4910];
	_ =	sdelay $0x3  }
0x129: {  	[tilespmem:s0+$0xC900] =	vst v1;
	(v2sf) =	vpush v0, $0x5  }
0x12a: {  	[tilespmem:s0+$0xC910] =	vst v2;
	s19 =	spop (v2sf)  }
0x12b: {  	v1 =	vld [tilespmem:s19+$0x4980]  }
0x12c: {  	v2 =	vld [tilespmem:s19+$0x4990];
	_ =	sdelay $0x3  }
0x12d: {  	[tilespmem:s0+$0xC980] =	vst v1;
	(v2sf) =	vpush v0, $0x6  }
0x12e: {  	[tilespmem:s0+$0xC990] =	vst v2;
	s19 =	spop (v2sf)  }
0x12f: {  	v1 =	vld [tilespmem:s19+$0x4A00]  }
0x130: {  	v2 =	vld [tilespmem:s19+$0x4A10];
	_ =	sdelay $0x3  }
0x131: {  	[tilespmem:s0+$0xCA00] =	vst v1;
	(v2sf) =	vpush v0, $0x7  }
0x132: {  	[tilespmem:s0+$0xCA10] =	vst v2;
	s19 =	spop (v2sf)  }
0x133: {  	v1 =	vld [tilespmem:s19+$0x4A80]  }
0x134: {  	v2 =	vld [tilespmem:s19+$0x4A90];
	_ =	sdelay $0x3  }
0x135: {  	[tilespmem:s0+$0xCA80] =	vst v1;
	(v2sf) =	vpush v0, $0x8  }
0x136: {  	[tilespmem:s0+$0xCA90] =	vst v2;
	s19 =	spop (v2sf)  }
0x137: {  	v1 =	vld [tilespmem:s19+$0x4B00]  }
0x138: {  	v2 =	vld [tilespmem:s19+$0x4B10];
	_ =	sdelay $0x3  }
0x139: {  	[tilespmem:s0+$0xCB00] =	vst v1;
	(v2sf) =	vpush v0, $0x9  }
0x13a: {  	[tilespmem:s0+$0xCB10] =	vst v2;
	s19 =	spop (v2sf)  }
0x13b: {  	v1 =	vld [tilespmem:s19+$0x4B80]  }
0x13c: {  	v2 =	vld [tilespmem:s19+$0x4B90];
	_ =	sdelay $0x3  }
0x13d: {  	[tilespmem:s0+$0xCB80] =	vst v1;
	(v2sf) =	vpush v0, $0xA  }
0x13e: {  	[tilespmem:s0+$0xCB90] =	vst v2;
	s19 =	spop (v2sf)  }
0x13f: {  	v1 =	vld [tilespmem:s19+$0x4C00]  }
0x140: {  	v2 =	vld [tilespmem:s19+$0x4C10];
	_ =	sdelay $0x3  }
0x141: {  	[tilespmem:s0+$0xCC00] =	vst v1;
	(v2sf) =	vpush v0, $0xB  }
0x142: {  	[tilespmem:s0+$0xCC10] =	vst v2;
	s19 =	spop (v2sf)  }
0x143: {  	v1 =	vld [tilespmem:s19+$0x4C80]  }
0x144: {  	v2 =	vld [tilespmem:s19+$0x4C90];
	_ =	sdelay $0x3  }
0x145: {  	[tilespmem:s0+$0xCC80] =	vst v1;
	(v2sf) =	vpush v0, $0xC  }
0x146: {  	[tilespmem:s0+$0xCC90] =	vst v2;
	s19 =	spop (v2sf)  }
0x147: {  	v1 =	vld [tilespmem:s19+$0x4D00]  }
0x148: {  	v2 =	vld [tilespmem:s19+$0x4D10];
	_ =	sdelay $0x3  }
0x149: {  	[tilespmem:s0+$0xCD00] =	vst v1;
	(v2sf) =	vpush v0, $0xD  }
0x14a: {  	[tilespmem:s0+$0xCD10] =	vst v2;
	s19 =	spop (v2sf)  }
0x14b: {  	v1 =	vld [tilespmem:s19+$0x4D80]  }
0x14c: {  	v2 =	vld [tilespmem:s19+$0x4D90];
	_ =	sdelay $0x3  }
0x14d: {  	[tilespmem:s0+$0xCD80] =	vst v1;
	(v2sf) =	vpush v0, $0xE  }
0x14e: {  	[tilespmem:s0+$0xCD90] =	vst v2;
	s19 =	spop (v2sf)  }
0x14f: {  	v1 =	vld [tilespmem:s19+$0x4E00]  }
0x150: {  	v2 =	vld [tilespmem:s19+$0x4E10];
	_ =	sdelay $0x2  }
.Ltmp1:
0x151: {  	(pc) =	sbr.rel @p0 .LBB2_4-.Ltmp1, $4  }
0x152: {  	[tilespmem:s0+$0xCE00] =	vst v1;
	(v2sf) =	vpush v0, $0xF  }
0x153: {  	[tilespmem:s0+$0xCE10] =	vst v2;
	s19 =	spop (v2sf)  }
0x154: {  	v0 =	vld [tilespmem:s19+$0x4E80]  }
0x155: {  	v1 =	vld [tilespmem:s19+$0x4E90]  }
0x156: {  	_ =	sdelay $0x2  }
0x157: {  	[tilespmem:s0+$0xCE80] =	vst v0  }
0x158: {  	[tilespmem:s0+$0xCE90] =	vst v1;
	s1 =	spop (v2sf)  }
0x159: {  	v0 =	vld [tilespmem:s1+$0x4F00]  }
0x15a: {  	v1 =	vld [tilespmem:s1+$0x4F10];
	_ =	sdelay $0x3  }
0x15b: {  	[tilespmem:s0+$0xCF00] =	vst v0  }
0x15c: {  	[tilespmem:s0+$0xCF10] =	vst v1;
	s20 =	spop (v2sf)  }
0x15d: {  	v0 =	vld [tilespmem:s20+$0x4F80]  }
0x15e: {  	v1 =	vld [tilespmem:s20+$0x4F90];
	_ =	sdelay $0x3  }
0x15f: {  	[tilespmem:s0+$0xCF80] =	vst v0  }
0x160: {  	s1 =	simm.s32 $0x0;
	[tilespmem:s0+$0xCF90] =	vst v1  }
0x161: {  	[hbm4b:s10+s1] =	stream.linear.scatter [tilespmem:s29], [sflag:$0x3], $0x4000, $0x38;
	[tilespmem:$0x10800] =	vst v63  }
0x162: {  	s19 =	simm.s32 $0x180  }
0x163: {  	[tilespmem:s23], [sflag:$0x2] =	stream.indirect.gather [hbm4b:s3+s21], $0x80, s19, s21, $0xb8;
	[tilespmem:$0x10800] =	vst v63  }
0x164: {  	_ =	swait.ge [sflag:s24], $0x4000  }
0x165: {  	[sflag:s24] =	ssyncset.done $0x0  }
0x166: {  	[sflag:s24] =	ssyncadd.s32 $0xFFFFC000  }
0x167: {  	_ =	swait.ge [sflag:s31], $0x4000  }
0x168: {  	[sflag:s31] =	ssyncset.done $0x0  }
0x169: {  	s30 =	simm.s32 $0x500;
	[sflag:s31] =	ssyncadd.s32 $0xFFFFC000  }
0x16a: {  	v0 =	vld [tilespmem:s30+$0x0];
	_ =	sdelay $0x4  }
0x16b: {  	v0 =	vshll.u32 v0, $0x5  }
0x16c: {  	v0 =	vshll.u32 v0, $0x2  }
0x16d: {  	s0 =	simm.s32 $0x0;
	v0 =	vshra.s32 v0, $0x2  }
0x16e: {  	v1 =	vadd.s32 s0, v0  }
0x16f: {  	(v2sf) =	vpush v1, $0x0;
	_ =	sdelay $0x6  }
0x170: {  	(v2sf) =	vpush v1, $0x1;
	_ =	sdelay $0x6  }
0x171: {  	(v2sf) =	vpush v1, $0x2  }
0x172: {  	s20 =	spop (v2sf)  }
0x173: {  	v0 =	vld [tilespmem:s20+$0x800]  }
0x174: {  	v2 =	vld [tilespmem:s20+$0x810];
	_ =	sdelay $0x3  }
0x175: {  	(v2sf) =	vpush v1, $0x3;
	[tilespmem:s0+$0x8800] =	vst v0  }
0x176: {  	s19 =	spop (v2sf);
	[tilespmem:s0+$0x8810] =	vst v2  }
0x177: {  	v0 =	vld [tilespmem:s19+$0x880]  }
0x178: {  	v2 =	vld [tilespmem:s19+$0x890];
	_ =	sdelay $0x3  }
0x179: {  	(v2sf) =	vpush v1, $0x4;
	[tilespmem:s0+$0x8880] =	vst v0  }
0x17a: {  	s20 =	spop (v2sf);
	[tilespmem:s0+$0x8890] =	vst v2  }
0x17b: {  	v0 =	vld [tilespmem:s20+$0x900]  }
0x17c: {  	v2 =	vld [tilespmem:s20+$0x910];
	_ =	sdelay $0x3  }
0x17d: {  	(v2sf) =	vpush v1, $0x5;
	[tilespmem:s0+$0x8900] =	vst v0  }
0x17e: {  	s19 =	spop (v2sf);
	[tilespmem:s0+$0x8910] =	vst v2  }
0x17f: {  	v0 =	vld [tilespmem:s19+$0x980]  }
0x180: {  	v2 =	vld [tilespmem:s19+$0x990];
	_ =	sdelay $0x3  }
0x181: {  	(v2sf) =	vpush v1, $0x6;
	[tilespmem:s0+$0x8980] =	vst v0  }
0x182: {  	s20 =	spop (v2sf);
	[tilespmem:s0+$0x8990] =	vst v2  }
0x183: {  	v0 =	vld [tilespmem:s20+$0xA00]  }
0x184: {  	v2 =	vld [tilespmem:s20+$0xA10];
	_ =	sdelay $0x3  }
0x185: {  	(v2sf) =	vpush v1, $0x7;
	[tilespmem:s0+$0x8A00] =	vst v0  }
0x186: {  	s19 =	spop (v2sf);
	[tilespmem:s0+$0x8A10] =	vst v2  }
0x187: {  	v0 =	vld [tilespmem:s19+$0xA80]  }
0x188: {  	v2 =	vld [tilespmem:s19+$0xA90];
	_ =	sdelay $0x3  }
0x189: {  	(v2sf) =	vpush v1, $0x8;
	[tilespmem:s0+$0x8A80] =	vst v0  }
0x18a: {  	s20 =	spop (v2sf);
	[tilespmem:s0+$0x8A90] =	vst v2  }
0x18b: {  	v0 =	vld [tilespmem:s20+$0xB00]  }
0x18c: {  	v2 =	vld [tilespmem:s20+$0xB10];
	_ =	sdelay $0x3  }
0x18d: {  	(v2sf) =	vpush v1, $0x9;
	[tilespmem:s0+$0x8B00] =	vst v0  }
0x18e: {  	s19 =	spop (v2sf);
	[tilespmem:s0+$0x8B10] =	vst v2  }
0x18f: {  	v0 =	vld [tilespmem:s19+$0xB80]  }
0x190: {  	v2 =	vld [tilespmem:s19+$0xB90];
	_ =	sdelay $0x1  }
0x191: {  	(v2sf) =	vpush v1, $0xA;
	_ =	sdelay $0x1  }
0x192: {  	[tilespmem:s0+$0x8B80] =	vst v0  }
0x193: {  	s20 =	spop (v2sf);
	[tilespmem:s0+$0x8B90] =	vst v2  }
0x194: {  	v0 =	vld [tilespmem:s20+$0xC00]  }
0x195: {  	v2 =	vld [tilespmem:s20+$0xC10];
	_ =	sdelay $0x3  }
0x196: {  	(v2sf) =	vpush v1, $0xB;
	[tilespmem:s0+$0x8C00] =	vst v0  }
0x197: {  	s19 =	spop (v2sf);
	[tilespmem:s0+$0x8C10] =	vst v2  }
0x198: {  	v0 =	vld [tilespmem:s19+$0xC80]  }
0x199: {  	v2 =	vld [tilespmem:s19+$0xC90];
	_ =	sdelay $0x1  }
0x19a: {  	(v2sf) =	vpush v1, $0xC  }
0x19b: {  	s20 =	spop (v2sf);
	(v2sf) =	vpush v1, $0xD  }
0x19c: {  	[tilespmem:s0+$0x8C80] =	vst v0  }
0x19d: {  	[tilespmem:s0+$0x8C90] =	vst v2  }
0x19e: {  	v0 =	vld [tilespmem:s20+$0xD00]  }
0x19f: {  	v2 =	vld [tilespmem:s20+$0xD10];
	_ =	sdelay $0x3  }
0x1a0: {  	[tilespmem:s0+$0x8D00] =	vst v0  }
0x1a1: {  	s19 =	spop (v2sf);
	[tilespmem:s0+$0x8D10] =	vst v2  }
0x1a2: {  	v0 =	vld [tilespmem:s19+$0xD80]  }
0x1a3: {  	v2 =	vld [tilespmem:s19+$0xD90];
	_ =	sdelay $0x2  }
0x1a4: {  	s20 =	spop (v2sf)  }
0x1a5: {  	s19 =	spop (v2sf);
	(v2sf) =	vpush v1, $0xE;
	[tilespmem:s0+$0x8D80] =	vst v0  }
0x1a6: {  	[tilespmem:s0+$0x8D90] =	vst v2  }
0x1a7: {  	v0 =	vld [tilespmem:s20+$0xE00]  }
0x1a8: {  	v2 =	vld [tilespmem:s20+$0xE10];
	_ =	sdelay $0x3  }
0x1a9: {  	(v2sf) =	vpush v1, $0xF;
	[tilespmem:s0+$0x8E00] =	vst v0  }
0x1aa: {  	[tilespmem:s0+$0x8E10] =	vst v2  }
0x1ab: {  	v0 =	vld [tilespmem:s19+$0xE80]  }
0x1ac: {  	s1 =	simm.s32 $0x2000;
	v1 =	vld [tilespmem:s19+$0xE90]  }
.LBB2_6:
0x1ad: {  	_ = 	snop  }
0x1ae: {  	p0 =	sne.s32 s1, $0xE000  }
0x1af: {  	s30 =	sadd.s32 $0x10, s30;
	s19 =	smov.u32 s1;
	s1 =	sadd.s32 $0x2000, s1  }
0x1b0: {  	[tilespmem:s0+$0x8E80] =	vst v0  }
0x1b1: {  	[tilespmem:s0+$0x8E90] =	vst v1;
	s20 =	spop (v2sf)  }
0x1b2: {  	v0 =	vld [tilespmem:s20+$0xF00]  }
0x1b3: {  	v1 =	vld [tilespmem:s20+$0xF10];
	_ =	sdelay $0x3  }
0x1b4: {  	[tilespmem:s0+$0x8F00] =	vst v0  }
0x1b5: {  	[tilespmem:s0+$0x8F10] =	vst v1;
	s20 =	spop (v2sf)  }
0x1b6: {  	v0 =	vld [tilespmem:s20+$0xF80]  }
0x1b7: {  	v1 =	vld [tilespmem:s20+$0xF90];
	_ =	sdelay $0x3  }
0x1b8: {  	[tilespmem:s0+$0x8F80] =	vst v0  }
0x1b9: {  	[tilespmem:s0+$0x8F90] =	vst v1  }
0x1ba: {  	v0 =	vld [tilespmem:s30+$0x0];
	_ =	sdelay $0x4  }
0x1bb: {  	v0 =	vshll.u32 v0, $0x5  }
0x1bc: {  	v0 =	vshll.u32 v0, $0x2  }
0x1bd: {  	s0 =	sshra.s32 s19, $0x2;
	v0 =	vshra.s32 v0, $0x2  }
0x1be: {  	v0 =	vadd.s32 s0, v0  }
0x1bf: {  	(v2sf) =	vpush v0, $0x0;
	_ =	sdelay $0x6  }
0x1c0: {  	(v2sf) =	vpush v0, $0x1;
	_ =	sdelay $0x6  }
0x1c1: {  	(v2sf) =	vpush v0, $0x2  }
0x1c2: {  	s19 =	spop (v2sf)  }
0x1c3: {  	v1 =	vld [tilespmem:s19+$0x800]  }
0x1c4: {  	v2 =	vld [tilespmem:s19+$0x810];
	_ =	sdelay $0x3  }
0x1c5: {  	[tilespmem:s0+$0x8800] =	vst v1;
	(v2sf) =	vpush v0, $0x3  }
0x1c6: {  	[tilespmem:s0+$0x8810] =	vst v2;
	s19 =	spop (v2sf)  }
0x1c7: {  	v1 =	vld [tilespmem:s19+$0x880]  }
0x1c8: {  	v2 =	vld [tilespmem:s19+$0x890];
	_ =	sdelay $0x3  }
0x1c9: {  	[tilespmem:s0+$0x8880] =	vst v1;
	(v2sf) =	vpush v0, $0x4  }
0x1ca: {  	[tilespmem:s0+$0x8890] =	vst v2;
	s19 =	spop (v2sf)  }
0x1cb: {  	v1 =	vld [tilespmem:s19+$0x900]  }
0x1cc: {  	v2 =	vld [tilespmem:s19+$0x910];
	_ =	sdelay $0x3  }
0x1cd: {  	[tilespmem:s0+$0x8900] =	vst v1;
	(v2sf) =	vpush v0, $0x5  }
0x1ce: {  	[tilespmem:s0+$0x8910] =	vst v2;
	s19 =	spop (v2sf)  }
0x1cf: {  	v1 =	vld [tilespmem:s19+$0x980]  }
0x1d0: {  	v2 =	vld [tilespmem:s19+$0x990];
	_ =	sdelay $0x3  }
0x1d1: {  	[tilespmem:s0+$0x8980] =	vst v1;
	(v2sf) =	vpush v0, $0x6  }
0x1d2: {  	[tilespmem:s0+$0x8990] =	vst v2;
	s19 =	spop (v2sf)  }
0x1d3: {  	v1 =	vld [tilespmem:s19+$0xA00]  }
0x1d4: {  	v2 =	vld [tilespmem:s19+$0xA10];
	_ =	sdelay $0x3  }
0x1d5: {  	[tilespmem:s0+$0x8A00] =	vst v1;
	(v2sf) =	vpush v0, $0x7  }
0x1d6: {  	[tilespmem:s0+$0x8A10] =	vst v2;
	s19 =	spop (v2sf)  }
0x1d7: {  	v1 =	vld [tilespmem:s19+$0xA80]  }
0x1d8: {  	v2 =	vld [tilespmem:s19+$0xA90];
	_ =	sdelay $0x3  }
0x1d9: {  	[tilespmem:s0+$0x8A80] =	vst v1;
	(v2sf) =	vpush v0, $0x8  }
0x1da: {  	[tilespmem:s0+$0x8A90] =	vst v2;
	s19 =	spop (v2sf)  }
0x1db: {  	v1 =	vld [tilespmem:s19+$0xB00]  }
0x1dc: {  	v2 =	vld [tilespmem:s19+$0xB10];
	_ =	sdelay $0x3  }
0x1dd: {  	[tilespmem:s0+$0x8B00] =	vst v1;
	(v2sf) =	vpush v0, $0x9  }
0x1de: {  	[tilespmem:s0+$0x8B10] =	vst v2;
	s19 =	spop (v2sf)  }
0x1df: {  	v1 =	vld [tilespmem:s19+$0xB80]  }
0x1e0: {  	v2 =	vld [tilespmem:s19+$0xB90];
	_ =	sdelay $0x3  }
0x1e1: {  	[tilespmem:s0+$0x8B80] =	vst v1;
	(v2sf) =	vpush v0, $0xA  }
0x1e2: {  	[tilespmem:s0+$0x8B90] =	vst v2;
	s19 =	spop (v2sf)  }
0x1e3: {  	v1 =	vld [tilespmem:s19+$0xC00]  }
0x1e4: {  	v2 =	vld [tilespmem:s19+$0xC10];
	_ =	sdelay $0x3  }
0x1e5: {  	[tilespmem:s0+$0x8C00] =	vst v1;
	(v2sf) =	vpush v0, $0xB  }
0x1e6: {  	[tilespmem:s0+$0x8C10] =	vst v2;
	s19 =	spop (v2sf)  }
0x1e7: {  	v1 =	vld [tilespmem:s19+$0xC80]  }
0x1e8: {  	v2 =	vld [tilespmem:s19+$0xC90];
	_ =	sdelay $0x3  }
0x1e9: {  	[tilespmem:s0+$0x8C80] =	vst v1;
	(v2sf) =	vpush v0, $0xC  }
0x1ea: {  	[tilespmem:s0+$0x8C90] =	vst v2;
	s19 =	spop (v2sf)  }
0x1eb: {  	v1 =	vld [tilespmem:s19+$0xD00]  }
0x1ec: {  	v2 =	vld [tilespmem:s19+$0xD10];
	_ =	sdelay $0x3  }
0x1ed: {  	[tilespmem:s0+$0x8D00] =	vst v1;
	(v2sf) =	vpush v0, $0xD  }
0x1ee: {  	[tilespmem:s0+$0x8D10] =	vst v2;
	s19 =	spop (v2sf)  }
0x1ef: {  	v1 =	vld [tilespmem:s19+$0xD80]  }
0x1f0: {  	v2 =	vld [tilespmem:s19+$0xD90];
	_ =	sdelay $0x3  }
0x1f1: {  	[tilespmem:s0+$0x8D80] =	vst v1;
	(v2sf) =	vpush v0, $0xE  }
0x1f2: {  	[tilespmem:s0+$0x8D90] =	vst v2;
	s19 =	spop (v2sf)  }
0x1f3: {  	v1 =	vld [tilespmem:s19+$0xE00]  }
0x1f4: {  	v2 =	vld [tilespmem:s19+$0xE10];
	_ =	sdelay $0x2  }
.Ltmp2:
0x1f5: {  	(pc) =	sbr.rel @p0 .LBB2_6-.Ltmp2, $4  }
0x1f6: {  	[tilespmem:s0+$0x8E00] =	vst v1;
	(v2sf) =	vpush v0, $0xF  }
0x1f7: {  	[tilespmem:s0+$0x8E10] =	vst v2;
	s19 =	spop (v2sf)  }
0x1f8: {  	v0 =	vld [tilespmem:s19+$0xE80]  }
0x1f9: {  	v1 =	vld [tilespmem:s19+$0xE90]  }
0x1fa: {  	_ =	sdelay $0x2  }
0x1fb: {  	[tilespmem:s0+$0x8E80] =	vst v0  }
0x1fc: {  	[tilespmem:s0+$0x8E90] =	vst v1;
	s1 =	spop (v2sf)  }
0x1fd: {  	v0 =	vld [tilespmem:s1+$0xF00]  }
0x1fe: {  	v1 =	vld [tilespmem:s1+$0xF10];
	_ =	sdelay $0x3  }
0x1ff: {  	[tilespmem:s0+$0x8F00] =	vst v0  }
0x200: {  	[tilespmem:s0+$0x8F10] =	vst v1;
	s20 =	spop (v2sf)  }
0x201: {  	v0 =	vld [tilespmem:s20+$0xF80]  }
0x202: {  	v1 =	vld [tilespmem:s20+$0xF90];
	_ =	sdelay $0x3  }
0x203: {  	[tilespmem:s0+$0x8F80] =	vst v0  }
0x204: {  	s1 =	simm.s32 $0x0;
	[tilespmem:s0+$0x8F90] =	vst v1  }
0x205: {  	[hbm4b:s11+s1] =	stream.linear.scatter [tilespmem:s25], [sflag:$0x3], $0x4000, $0x38;
	[tilespmem:$0x10800] =	vst v63  }
0x206: {  	s19 =	simm.s32 $0x200  }
0x207: {  	[tilespmem:s22], [sflag:$0x1] =	stream.indirect.gather [hbm4b:s4+s21], $0x80, s19, s21, $0xb8;
	[tilespmem:$0x10800] =	vst v63  }
0x208: {  	_ =	swait.ge [sflag:s28], $0x4000  }
0x209: {  	[sflag:s28] =	ssyncset.done $0x0  }
0x20a: {  	[sflag:s28] =	ssyncadd.s32 $0xFFFFC000  }
0x20b: {  	_ =	swait.ge [sflag:s31], $0x4000  }
0x20c: {  	[sflag:s31] =	ssyncset.done $0x0  }
0x20d: {  	s30 =	simm.s32 $0x580;
	[sflag:s31] =	ssyncadd.s32 $0xFFFFC000  }
0x20e: {  	v0 =	vld [tilespmem:s30+$0x0];
	_ =	sdelay $0x4  }
0x20f: {  	v0 =	vshll.u32 v0, $0x5  }
0x210: {  	v0 =	vshll.u32 v0, $0x2  }
0x211: {  	s0 =	simm.s32 $0x0;
	v0 =	vshra.s32 v0, $0x2  }
0x212: {  	v1 =	vadd.s32 s0, v0  }
0x213: {  	(v2sf) =	vpush v1, $0x0;
	_ =	sdelay $0x6  }
0x214: {  	(v2sf) =	vpush v1, $0x1;
	_ =	sdelay $0x6  }
0x215: {  	(v2sf) =	vpush v1, $0x2  }
0x216: {  	s20 =	spop (v2sf)  }
0x217: {  	v0 =	vld [tilespmem:s20+$0x4800]  }
0x218: {  	v2 =	vld [tilespmem:s20+$0x4810];
	_ =	sdelay $0x3  }
0x219: {  	(v2sf) =	vpush v1, $0x3;
	[tilespmem:s0+$0xC800] =	vst v0  }
0x21a: {  	s19 =	spop (v2sf);
	[tilespmem:s0+$0xC810] =	vst v2  }
0x21b: {  	v0 =	vld [tilespmem:s19+$0x4880]  }
0x21c: {  	v2 =	vld [tilespmem:s19+$0x4890];
	_ =	sdelay $0x3  }
0x21d: {  	(v2sf) =	vpush v1, $0x4;
	[tilespmem:s0+$0xC880] =	vst v0  }
0x21e: {  	s20 =	spop (v2sf);
	[tilespmem:s0+$0xC890] =	vst v2  }
0x21f: {  	v0 =	vld [tilespmem:s20+$0x4900]  }
0x220: {  	v2 =	vld [tilespmem:s20+$0x4910];
	_ =	sdelay $0x3  }
0x221: {  	(v2sf) =	vpush v1, $0x5;
	[tilespmem:s0+$0xC900] =	vst v0  }
0x222: {  	s19 =	spop (v2sf);
	[tilespmem:s0+$0xC910] =	vst v2  }
0x223: {  	v0 =	vld [tilespmem:s19+$0x4980]  }
0x224: {  	v2 =	vld [tilespmem:s19+$0x4990];
	_ =	sdelay $0x3  }
0x225: {  	(v2sf) =	vpush v1, $0x6;
	[tilespmem:s0+$0xC980] =	vst v0  }
0x226: {  	s20 =	spop (v2sf);
	[tilespmem:s0+$0xC990] =	vst v2  }
0x227: {  	v0 =	vld [tilespmem:s20+$0x4A00]  }
0x228: {  	v2 =	vld [tilespmem:s20+$0x4A10];
	_ =	sdelay $0x3  }
0x229: {  	(v2sf) =	vpush v1, $0x7;
	[tilespmem:s0+$0xCA00] =	vst v0  }
0x22a: {  	s19 =	spop (v2sf);
	[tilespmem:s0+$0xCA10] =	vst v2  }
0x22b: {  	v0 =	vld [tilespmem:s19+$0x4A80]  }
0x22c: {  	v2 =	vld [tilespmem:s19+$0x4A90];
	_ =	sdelay $0x3  }
0x22d: {  	(v2sf) =	vpush v1, $0x8;
	[tilespmem:s0+$0xCA80] =	vst v0  }
0x22e: {  	s20 =	spop (v2sf);
	[tilespmem:s0+$0xCA90] =	vst v2  }
0x22f: {  	v0 =	vld [tilespmem:s20+$0x4B00]  }
0x230: {  	v2 =	vld [tilespmem:s20+$0x4B10];
	_ =	sdelay $0x3  }
0x231: {  	(v2sf) =	vpush v1, $0x9;
	[tilespmem:s0+$0xCB00] =	vst v0  }
0x232: {  	s19 =	spop (v2sf);
	[tilespmem:s0+$0xCB10] =	vst v2  }
0x233: {  	v0 =	vld [tilespmem:s19+$0x4B80]  }
0x234: {  	v2 =	vld [tilespmem:s19+$0x4B90];
	_ =	sdelay $0x1  }
0x235: {  	(v2sf) =	vpush v1, $0xA;
	_ =	sdelay $0x1  }
0x236: {  	[tilespmem:s0+$0xCB80] =	vst v0  }
0x237: {  	s20 =	spop (v2sf);
	[tilespmem:s0+$0xCB90] =	vst v2  }
0x238: {  	v0 =	vld [tilespmem:s20+$0x4C00]  }
0x239: {  	v2 =	vld [tilespmem:s20+$0x4C10];
	_ =	sdelay $0x3  }
0x23a: {  	(v2sf) =	vpush v1, $0xB;
	[tilespmem:s0+$0xCC00] =	vst v0  }
0x23b: {  	s19 =	spop (v2sf);
	[tilespmem:s0+$0xCC10] =	vst v2  }
0x23c: {  	v0 =	vld [tilespmem:s19+$0x4C80]  }
0x23d: {  	v2 =	vld [tilespmem:s19+$0x4C90];
	_ =	sdelay $0x1  }
0x23e: {  	(v2sf) =	vpush v1, $0xC  }
0x23f: {  	s20 =	spop (v2sf);
	(v2sf) =	vpush v1, $0xD  }
0x240: {  	[tilespmem:s0+$0xCC80] =	vst v0  }
0x241: {  	[tilespmem:s0+$0xCC90] =	vst v2  }
0x242: {  	v0 =	vld [tilespmem:s20+$0x4D00]  }
0x243: {  	v2 =	vld [tilespmem:s20+$0x4D10];
	_ =	sdelay $0x3  }
0x244: {  	[tilespmem:s0+$0xCD00] =	vst v0  }
0x245: {  	s19 =	spop (v2sf);
	[tilespmem:s0+$0xCD10] =	vst v2  }
0x246: {  	v0 =	vld [tilespmem:s19+$0x4D80]  }
0x247: {  	v2 =	vld [tilespmem:s19+$0x4D90];
	_ =	sdelay $0x2  }
0x248: {  	s20 =	spop (v2sf)  }
0x249: {  	s19 =	spop (v2sf);
	(v2sf) =	vpush v1, $0xE;
	[tilespmem:s0+$0xCD80] =	vst v0  }
0x24a: {  	[tilespmem:s0+$0xCD90] =	vst v2  }
0x24b: {  	v0 =	vld [tilespmem:s20+$0x4E00]  }
0x24c: {  	v2 =	vld [tilespmem:s20+$0x4E10];
	_ =	sdelay $0x3  }
0x24d: {  	(v2sf) =	vpush v1, $0xF;
	[tilespmem:s0+$0xCE00] =	vst v0  }
0x24e: {  	[tilespmem:s0+$0xCE10] =	vst v2  }
0x24f: {  	v0 =	vld [tilespmem:s19+$0x4E80]  }
0x250: {  	s1 =	simm.s32 $0x2000;
	v1 =	vld [tilespmem:s19+$0x4E90]  }
.LBB2_8:
0x251: {  	_ = 	snop  }
0x252: {  	p0 =	sne.s32 s1, $0xE000  }
0x253: {  	s30 =	sadd.s32 $0x10, s30;
	s19 =	smov.u32 s1;
	s1 =	sadd.s32 $0x2000, s1  }
0x254: {  	[tilespmem:s0+$0xCE80] =	vst v0  }
0x255: {  	[tilespmem:s0+$0xCE90] =	vst v1;
	s20 =	spop (v2sf)  }
0x256: {  	v0 =	vld [tilespmem:s20+$0x4F00]  }
0x257: {  	v1 =	vld [tilespmem:s20+$0x4F10];
	_ =	sdelay $0x3  }
0x258: {  	[tilespmem:s0+$0xCF00] =	vst v0  }
0x259: {  	[tilespmem:s0+$0xCF10] =	vst v1;
	s20 =	spop (v2sf)  }
0x25a: {  	v0 =	vld [tilespmem:s20+$0x4F80]  }
0x25b: {  	v1 =	vld [tilespmem:s20+$0x4F90];
	_ =	sdelay $0x3  }
0x25c: {  	[tilespmem:s0+$0xCF80] =	vst v0  }
0x25d: {  	[tilespmem:s0+$0xCF90] =	vst v1  }
0x25e: {  	v0 =	vld [tilespmem:s30+$0x0];
	_ =	sdelay $0x4  }
0x25f: {  	v0 =	vshll.u32 v0, $0x5  }
0x260: {  	v0 =	vshll.u32 v0, $0x2  }
0x261: {  	s0 =	sshra.s32 s19, $0x2;
	v0 =	vshra.s32 v0, $0x2  }
0x262: {  	v0 =	vadd.s32 s0, v0  }
0x263: {  	(v2sf) =	vpush v0, $0x0;
	_ =	sdelay $0x6  }
0x264: {  	(v2sf) =	vpush v0, $0x1;
	_ =	sdelay $0x6  }
0x265: {  	(v2sf) =	vpush v0, $0x2  }
0x266: {  	s19 =	spop (v2sf)  }
0x267: {  	v1 =	vld [tilespmem:s19+$0x4800]  }
0x268: {  	v2 =	vld [tilespmem:s19+$0x4810];
	_ =	sdelay $0x3  }
0x269: {  	[tilespmem:s0+$0xC800] =	vst v1;
	(v2sf) =	vpush v0, $0x3  }
0x26a: {  	[tilespmem:s0+$0xC810] =	vst v2;
	s19 =	spop (v2sf)  }
0x26b: {  	v1 =	vld [tilespmem:s19+$0x4880]  }
0x26c: {  	v2 =	vld [tilespmem:s19+$0x4890];
	_ =	sdelay $0x3  }
0x26d: {  	[tilespmem:s0+$0xC880] =	vst v1;
	(v2sf) =	vpush v0, $0x4  }
0x26e: {  	[tilespmem:s0+$0xC890] =	vst v2;
	s19 =	spop (v2sf)  }
0x26f: {  	v1 =	vld [tilespmem:s19+$0x4900]  }
0x270: {  	v2 =	vld [tilespmem:s19+$0x4910];
	_ =	sdelay $0x3  }
0x271: {  	[tilespmem:s0+$0xC900] =	vst v1;
	(v2sf) =	vpush v0, $0x5  }
0x272: {  	[tilespmem:s0+$0xC910] =	vst v2;
	s19 =	spop (v2sf)  }
0x273: {  	v1 =	vld [tilespmem:s19+$0x4980]  }
0x274: {  	v2 =	vld [tilespmem:s19+$0x4990];
	_ =	sdelay $0x3  }
0x275: {  	[tilespmem:s0+$0xC980] =	vst v1;
	(v2sf) =	vpush v0, $0x6  }
0x276: {  	[tilespmem:s0+$0xC990] =	vst v2;
	s19 =	spop (v2sf)  }
0x277: {  	v1 =	vld [tilespmem:s19+$0x4A00]  }
0x278: {  	v2 =	vld [tilespmem:s19+$0x4A10];
	_ =	sdelay $0x3  }
0x279: {  	[tilespmem:s0+$0xCA00] =	vst v1;
	(v2sf) =	vpush v0, $0x7  }
0x27a: {  	[tilespmem:s0+$0xCA10] =	vst v2;
	s19 =	spop (v2sf)  }
0x27b: {  	v1 =	vld [tilespmem:s19+$0x4A80]  }
0x27c: {  	v2 =	vld [tilespmem:s19+$0x4A90];
	_ =	sdelay $0x3  }
0x27d: {  	[tilespmem:s0+$0xCA80] =	vst v1;
	(v2sf) =	vpush v0, $0x8  }
0x27e: {  	[tilespmem:s0+$0xCA90] =	vst v2;
	s19 =	spop (v2sf)  }
0x27f: {  	v1 =	vld [tilespmem:s19+$0x4B00]  }
0x280: {  	v2 =	vld [tilespmem:s19+$0x4B10];
	_ =	sdelay $0x3  }
0x281: {  	[tilespmem:s0+$0xCB00] =	vst v1;
	(v2sf) =	vpush v0, $0x9  }
0x282: {  	[tilespmem:s0+$0xCB10] =	vst v2;
	s19 =	spop (v2sf)  }
0x283: {  	v1 =	vld [tilespmem:s19+$0x4B80]  }
0x284: {  	v2 =	vld [tilespmem:s19+$0x4B90];
	_ =	sdelay $0x3  }
0x285: {  	[tilespmem:s0+$0xCB80] =	vst v1;
	(v2sf) =	vpush v0, $0xA  }
0x286: {  	[tilespmem:s0+$0xCB90] =	vst v2;
	s19 =	spop (v2sf)  }
0x287: {  	v1 =	vld [tilespmem:s19+$0x4C00]  }
0x288: {  	v2 =	vld [tilespmem:s19+$0x4C10];
	_ =	sdelay $0x3  }
0x289: {  	[tilespmem:s0+$0xCC00] =	vst v1;
	(v2sf) =	vpush v0, $0xB  }
0x28a: {  	[tilespmem:s0+$0xCC10] =	vst v2;
	s19 =	spop (v2sf)  }
0x28b: {  	v1 =	vld [tilespmem:s19+$0x4C80]  }
0x28c: {  	v2 =	vld [tilespmem:s19+$0x4C90];
	_ =	sdelay $0x3  }
0x28d: {  	[tilespmem:s0+$0xCC80] =	vst v1;
	(v2sf) =	vpush v0, $0xC  }
0x28e: {  	[tilespmem:s0+$0xCC90] =	vst v2;
	s19 =	spop (v2sf)  }
0x28f: {  	v1 =	vld [tilespmem:s19+$0x4D00]  }
0x290: {  	v2 =	vld [tilespmem:s19+$0x4D10];
	_ =	sdelay $0x3  }
0x291: {  	[tilespmem:s0+$0xCD00] =	vst v1;
	(v2sf) =	vpush v0, $0xD  }
0x292: {  	[tilespmem:s0+$0xCD10] =	vst v2;
	s19 =	spop (v2sf)  }
0x293: {  	v1 =	vld [tilespmem:s19+$0x4D80]  }
0x294: {  	v2 =	vld [tilespmem:s19+$0x4D90];
	_ =	sdelay $0x3  }
0x295: {  	[tilespmem:s0+$0xCD80] =	vst v1;
	(v2sf) =	vpush v0, $0xE  }
0x296: {  	[tilespmem:s0+$0xCD90] =	vst v2;
	s19 =	spop (v2sf)  }
0x297: {  	v1 =	vld [tilespmem:s19+$0x4E00]  }
0x298: {  	v2 =	vld [tilespmem:s19+$0x4E10];
	_ =	sdelay $0x2  }
.Ltmp3:
0x299: {  	(pc) =	sbr.rel @p0 .LBB2_8-.Ltmp3, $4  }
0x29a: {  	[tilespmem:s0+$0xCE00] =	vst v1;
	(v2sf) =	vpush v0, $0xF  }
0x29b: {  	[tilespmem:s0+$0xCE10] =	vst v2;
	s19 =	spop (v2sf)  }
0x29c: {  	v0 =	vld [tilespmem:s19+$0x4E80]  }
0x29d: {  	v1 =	vld [tilespmem:s19+$0x4E90]  }
0x29e: {  	_ =	sdelay $0x2  }
0x29f: {  	[tilespmem:s0+$0xCE80] =	vst v0  }
0x2a0: {  	[tilespmem:s0+$0xCE90] =	vst v1;
	s1 =	spop (v2sf)  }
0x2a1: {  	v0 =	vld [tilespmem:s1+$0x4F00]  }
0x2a2: {  	v1 =	vld [tilespmem:s1+$0x4F10];
	_ =	sdelay $0x3  }
0x2a3: {  	[tilespmem:s0+$0xCF00] =	vst v0  }
0x2a4: {  	[tilespmem:s0+$0xCF10] =	vst v1;
	s20 =	spop (v2sf)  }
0x2a5: {  	v0 =	vld [tilespmem:s20+$0x4F80]  }
0x2a6: {  	v1 =	vld [tilespmem:s20+$0x4F90];
	_ =	sdelay $0x3  }
0x2a7: {  	[tilespmem:s0+$0xCF80] =	vst v0  }
0x2a8: {  	s1 =	simm.s32 $0x0;
	[tilespmem:s0+$0xCF90] =	vst v1  }
0x2a9: {  	[hbm4b:s12+s1] =	stream.linear.scatter [tilespmem:s29], [sflag:$0x3], $0x4000, $0x38;
	[tilespmem:$0x10800] =	vst v63  }
0x2aa: {  	s19 =	simm.s32 $0x280  }
0x2ab: {  	[tilespmem:s23], [sflag:$0x2] =	stream.indirect.gather [hbm4b:s4+s21], $0x80, s19, s21, $0xb8;
	[tilespmem:$0x10800] =	vst v63  }
0x2ac: {  	_ =	swait.ge [sflag:s24], $0x4000  }
0x2ad: {  	[sflag:s24] =	ssyncset.done $0x0  }
0x2ae: {  	[sflag:s24] =	ssyncadd.s32 $0xFFFFC000  }
0x2af: {  	_ =	swait.ge [sflag:s31], $0x4000  }
0x2b0: {  	[sflag:s31] =	ssyncset.done $0x0  }
0x2b1: {  	s30 =	simm.s32 $0x600;
	[sflag:s31] =	ssyncadd.s32 $0xFFFFC000  }
0x2b2: {  	v0 =	vld [tilespmem:s30+$0x0];
	_ =	sdelay $0x4  }
0x2b3: {  	v0 =	vshll.u32 v0, $0x5  }
0x2b4: {  	v0 =	vshll.u32 v0, $0x2  }
0x2b5: {  	s0 =	simm.s32 $0x0;
	v0 =	vshra.s32 v0, $0x2  }
0x2b6: {  	v1 =	vadd.s32 s0, v0  }
0x2b7: {  	(v2sf) =	vpush v1, $0x0;
	_ =	sdelay $0x6  }
0x2b8: {  	(v2sf) =	vpush v1, $0x1;
	_ =	sdelay $0x6  }
0x2b9: {  	(v2sf) =	vpush v1, $0x2  }
0x2ba: {  	s20 =	spop (v2sf)  }
0x2bb: {  	v0 =	vld [tilespmem:s20+$0x800]  }
0x2bc: {  	v2 =	vld [tilespmem:s20+$0x810];
	_ =	sdelay $0x3  }
0x2bd: {  	(v2sf) =	vpush v1, $0x3;
	[tilespmem:s0+$0x8800] =	vst v0  }
0x2be: {  	s19 =	spop (v2sf);
	[tilespmem:s0+$0x8810] =	vst v2  }
0x2bf: {  	v0 =	vld [tilespmem:s19+$0x880]  }
0x2c0: {  	v2 =	vld [tilespmem:s19+$0x890];
	_ =	sdelay $0x3  }
0x2c1: {  	(v2sf) =	vpush v1, $0x4;
	[tilespmem:s0+$0x8880] =	vst v0  }
0x2c2: {  	s20 =	spop (v2sf);
	[tilespmem:s0+$0x8890] =	vst v2  }
0x2c3: {  	v0 =	vld [tilespmem:s20+$0x900]  }
0x2c4: {  	v2 =	vld [tilespmem:s20+$0x910];
	_ =	sdelay $0x3  }
0x2c5: {  	(v2sf) =	vpush v1, $0x5;
	[tilespmem:s0+$0x8900] =	vst v0  }
0x2c6: {  	s19 =	spop (v2sf);
	[tilespmem:s0+$0x8910] =	vst v2  }
0x2c7: {  	v0 =	vld [tilespmem:s19+$0x980]  }
0x2c8: {  	v2 =	vld [tilespmem:s19+$0x990];
	_ =	sdelay $0x3  }
0x2c9: {  	(v2sf) =	vpush v1, $0x6;
	[tilespmem:s0+$0x8980] =	vst v0  }
0x2ca: {  	s20 =	spop (v2sf);
	[tilespmem:s0+$0x8990] =	vst v2  }
0x2cb: {  	v0 =	vld [tilespmem:s20+$0xA00]  }
0x2cc: {  	v2 =	vld [tilespmem:s20+$0xA10];
	_ =	sdelay $0x3  }
0x2cd: {  	(v2sf) =	vpush v1, $0x7;
	[tilespmem:s0+$0x8A00] =	vst v0  }
0x2ce: {  	s19 =	spop (v2sf);
	[tilespmem:s0+$0x8A10] =	vst v2  }
0x2cf: {  	v0 =	vld [tilespmem:s19+$0xA80]  }
0x2d0: {  	v2 =	vld [tilespmem:s19+$0xA90];
	_ =	sdelay $0x3  }
0x2d1: {  	(v2sf) =	vpush v1, $0x8;
	[tilespmem:s0+$0x8A80] =	vst v0  }
0x2d2: {  	s20 =	spop (v2sf);
	[tilespmem:s0+$0x8A90] =	vst v2  }
0x2d3: {  	v0 =	vld [tilespmem:s20+$0xB00]  }
0x2d4: {  	v2 =	vld [tilespmem:s20+$0xB10];
	_ =	sdelay $0x3  }
0x2d5: {  	(v2sf) =	vpush v1, $0x9;
	[tilespmem:s0+$0x8B00] =	vst v0  }
0x2d6: {  	s19 =	spop (v2sf);
	[tilespmem:s0+$0x8B10] =	vst v2  }
0x2d7: {  	v0 =	vld [tilespmem:s19+$0xB80]  }
0x2d8: {  	v2 =	vld [tilespmem:s19+$0xB90];
	_ =	sdelay $0x1  }
0x2d9: {  	(v2sf) =	vpush v1, $0xA;
	_ =	sdelay $0x1  }
0x2da: {  	[tilespmem:s0+$0x8B80] =	vst v0  }
0x2db: {  	s20 =	spop (v2sf);
	[tilespmem:s0+$0x8B90] =	vst v2  }
0x2dc: {  	v0 =	vld [tilespmem:s20+$0xC00]  }
0x2dd: {  	v2 =	vld [tilespmem:s20+$0xC10];
	_ =	sdelay $0x3  }
0x2de: {  	(v2sf) =	vpush v1, $0xB;
	[tilespmem:s0+$0x8C00] =	vst v0  }
0x2df: {  	s19 =	spop (v2sf);
	[tilespmem:s0+$0x8C10] =	vst v2  }
0x2e0: {  	v0 =	vld [tilespmem:s19+$0xC80]  }
0x2e1: {  	v2 =	vld [tilespmem:s19+$0xC90];
	_ =	sdelay $0x1  }
0x2e2: {  	(v2sf) =	vpush v1, $0xC  }
0x2e3: {  	s20 =	spop (v2sf);
	(v2sf) =	vpush v1, $0xD  }
0x2e4: {  	[tilespmem:s0+$0x8C80] =	vst v0  }
0x2e5: {  	[tilespmem:s0+$0x8C90] =	vst v2  }
0x2e6: {  	v0 =	vld [tilespmem:s20+$0xD00]  }
0x2e7: {  	v2 =	vld [tilespmem:s20+$0xD10];
	_ =	sdelay $0x3  }
0x2e8: {  	[tilespmem:s0+$0x8D00] =	vst v0  }
0x2e9: {  	s19 =	spop (v2sf);
	[tilespmem:s0+$0x8D10] =	vst v2  }
0x2ea: {  	v0 =	vld [tilespmem:s19+$0xD80]  }
0x2eb: {  	v2 =	vld [tilespmem:s19+$0xD90];
	_ =	sdelay $0x2  }
0x2ec: {  	s20 =	spop (v2sf)  }
0x2ed: {  	s19 =	spop (v2sf);
	(v2sf) =	vpush v1, $0xE;
	[tilespmem:s0+$0x8D80] =	vst v0  }
0x2ee: {  	[tilespmem:s0+$0x8D90] =	vst v2  }
0x2ef: {  	v0 =	vld [tilespmem:s20+$0xE00]  }
0x2f0: {  	v2 =	vld [tilespmem:s20+$0xE10];
	_ =	sdelay $0x3  }
0x2f1: {  	(v2sf) =	vpush v1, $0xF;
	[tilespmem:s0+$0x8E00] =	vst v0  }
0x2f2: {  	[tilespmem:s0+$0x8E10] =	vst v2  }
0x2f3: {  	v0 =	vld [tilespmem:s19+$0xE80]  }
0x2f4: {  	s1 =	simm.s32 $0x2000;
	v1 =	vld [tilespmem:s19+$0xE90]  }
.LBB2_10:
0x2f5: {  	_ = 	snop  }
0x2f6: {  	p0 =	sne.s32 s1, $0xE000  }
0x2f7: {  	s30 =	sadd.s32 $0x10, s30;
	s19 =	smov.u32 s1;
	s1 =	sadd.s32 $0x2000, s1  }
0x2f8: {  	[tilespmem:s0+$0x8E80] =	vst v0  }
0x2f9: {  	[tilespmem:s0+$0x8E90] =	vst v1;
	s20 =	spop (v2sf)  }
0x2fa: {  	v0 =	vld [tilespmem:s20+$0xF00]  }
0x2fb: {  	v1 =	vld [tilespmem:s20+$0xF10];
	_ =	sdelay $0x3  }
0x2fc: {  	[tilespmem:s0+$0x8F00] =	vst v0  }
0x2fd: {  	[tilespmem:s0+$0x8F10] =	vst v1;
	s20 =	spop (v2sf)  }
0x2fe: {  	v0 =	vld [tilespmem:s20+$0xF80]  }
0x2ff: {  	v1 =	vld [tilespmem:s20+$0xF90];
	_ =	sdelay $0x3  }
0x300: {  	[tilespmem:s0+$0x8F80] =	vst v0  }
0x301: {  	[tilespmem:s0+$0x8F90] =	vst v1  }
0x302: {  	v0 =	vld [tilespmem:s30+$0x0];
	_ =	sdelay $0x4  }
0x303: {  	v0 =	vshll.u32 v0, $0x5  }
0x304: {  	v0 =	vshll.u32 v0, $0x2  }
0x305: {  	s0 =	sshra.s32 s19, $0x2;
	v0 =	vshra.s32 v0, $0x2  }
0x306: {  	v0 =	vadd.s32 s0, v0  }
0x307: {  	(v2sf) =	vpush v0, $0x0;
	_ =	sdelay $0x6  }
0x308: {  	(v2sf) =	vpush v0, $0x1;
	_ =	sdelay $0x6  }
0x309: {  	(v2sf) =	vpush v0, $0x2  }
0x30a: {  	s19 =	spop (v2sf)  }
0x30b: {  	v1 =	vld [tilespmem:s19+$0x800]  }
0x30c: {  	v2 =	vld [tilespmem:s19+$0x810];
	_ =	sdelay $0x3  }
0x30d: {  	[tilespmem:s0+$0x8800] =	vst v1;
	(v2sf) =	vpush v0, $0x3  }
0x30e: {  	[tilespmem:s0+$0x8810] =	vst v2;
	s19 =	spop (v2sf)  }
0x30f: {  	v1 =	vld [tilespmem:s19+$0x880]  }
0x310: {  	v2 =	vld [tilespmem:s19+$0x890];
	_ =	sdelay $0x3  }
0x311: {  	[tilespmem:s0+$0x8880] =	vst v1;
	(v2sf) =	vpush v0, $0x4  }
0x312: {  	[tilespmem:s0+$0x8890] =	vst v2;
	s19 =	spop (v2sf)  }
0x313: {  	v1 =	vld [tilespmem:s19+$0x900]  }
0x314: {  	v2 =	vld [tilespmem:s19+$0x910];
	_ =	sdelay $0x3  }
0x315: {  	[tilespmem:s0+$0x8900] =	vst v1;
	(v2sf) =	vpush v0, $0x5  }
0x316: {  	[tilespmem:s0+$0x8910] =	vst v2;
	s19 =	spop (v2sf)  }
0x317: {  	v1 =	vld [tilespmem:s19+$0x980]  }
0x318: {  	v2 =	vld [tilespmem:s19+$0x990];
	_ =	sdelay $0x3  }
0x319: {  	[tilespmem:s0+$0x8980] =	vst v1;
	(v2sf) =	vpush v0, $0x6  }
0x31a: {  	[tilespmem:s0+$0x8990] =	vst v2;
	s19 =	spop (v2sf)  }
0x31b: {  	v1 =	vld [tilespmem:s19+$0xA00]  }
0x31c: {  	v2 =	vld [tilespmem:s19+$0xA10];
	_ =	sdelay $0x3  }
0x31d: {  	[tilespmem:s0+$0x8A00] =	vst v1;
	(v2sf) =	vpush v0, $0x7  }
0x31e: {  	[tilespmem:s0+$0x8A10] =	vst v2;
	s19 =	spop (v2sf)  }
0x31f: {  	v1 =	vld [tilespmem:s19+$0xA80]  }
0x320: {  	v2 =	vld [tilespmem:s19+$0xA90];
	_ =	sdelay $0x3  }
0x321: {  	[tilespmem:s0+$0x8A80] =	vst v1;
	(v2sf) =	vpush v0, $0x8  }
0x322: {  	[tilespmem:s0+$0x8A90] =	vst v2;
	s19 =	spop (v2sf)  }
0x323: {  	v1 =	vld [tilespmem:s19+$0xB00]  }
0x324: {  	v2 =	vld [tilespmem:s19+$0xB10];
	_ =	sdelay $0x3  }
0x325: {  	[tilespmem:s0+$0x8B00] =	vst v1;
	(v2sf) =	vpush v0, $0x9  }
0x326: {  	[tilespmem:s0+$0x8B10] =	vst v2;
	s19 =	spop (v2sf)  }
0x327: {  	v1 =	vld [tilespmem:s19+$0xB80]  }
0x328: {  	v2 =	vld [tilespmem:s19+$0xB90];
	_ =	sdelay $0x3  }
0x329: {  	[tilespmem:s0+$0x8B80] =	vst v1;
	(v2sf) =	vpush v0, $0xA  }
0x32a: {  	[tilespmem:s0+$0x8B90] =	vst v2;
	s19 =	spop (v2sf)  }
0x32b: {  	v1 =	vld [tilespmem:s19+$0xC00]  }
0x32c: {  	v2 =	vld [tilespmem:s19+$0xC10];
	_ =	sdelay $0x3  }
0x32d: {  	[tilespmem:s0+$0x8C00] =	vst v1;
	(v2sf) =	vpush v0, $0xB  }
0x32e: {  	[tilespmem:s0+$0x8C10] =	vst v2;
	s19 =	spop (v2sf)  }
0x32f: {  	v1 =	vld [tilespmem:s19+$0xC80]  }
0x330: {  	v2 =	vld [tilespmem:s19+$0xC90];
	_ =	sdelay $0x3  }
0x331: {  	[tilespmem:s0+$0x8C80] =	vst v1;
	(v2sf) =	vpush v0, $0xC  }
0x332: {  	[tilespmem:s0+$0x8C90] =	vst v2;
	s19 =	spop (v2sf)  }
0x333: {  	v1 =	vld [tilespmem:s19+$0xD00]  }
0x334: {  	v2 =	vld [tilespmem:s19+$0xD10];
	_ =	sdelay $0x3  }
0x335: {  	[tilespmem:s0+$0x8D00] =	vst v1;
	(v2sf) =	vpush v0, $0xD  }
0x336: {  	[tilespmem:s0+$0x8D10] =	vst v2;
	s19 =	spop (v2sf)  }
0x337: {  	v1 =	vld [tilespmem:s19+$0xD80]  }
0x338: {  	v2 =	vld [tilespmem:s19+$0xD90];
	_ =	sdelay $0x3  }
0x339: {  	[tilespmem:s0+$0x8D80] =	vst v1;
	(v2sf) =	vpush v0, $0xE  }
0x33a: {  	[tilespmem:s0+$0x8D90] =	vst v2;
	s19 =	spop (v2sf)  }
0x33b: {  	v1 =	vld [tilespmem:s19+$0xE00]  }
0x33c: {  	v2 =	vld [tilespmem:s19+$0xE10];
	_ =	sdelay $0x2  }
.Ltmp4:
0x33d: {  	(pc) =	sbr.rel @p0 .LBB2_10-.Ltmp4, $4  }
0x33e: {  	[tilespmem:s0+$0x8E00] =	vst v1;
	(v2sf) =	vpush v0, $0xF  }
0x33f: {  	[tilespmem:s0+$0x8E10] =	vst v2;
	s19 =	spop (v2sf)  }
0x340: {  	v0 =	vld [tilespmem:s19+$0xE80]  }
0x341: {  	v1 =	vld [tilespmem:s19+$0xE90]  }
0x342: {  	_ =	sdelay $0x2  }
0x343: {  	[tilespmem:s0+$0x8E80] =	vst v0  }
0x344: {  	[tilespmem:s0+$0x8E90] =	vst v1;
	s1 =	spop (v2sf)  }
0x345: {  	v0 =	vld [tilespmem:s1+$0xF00]  }
0x346: {  	v1 =	vld [tilespmem:s1+$0xF10];
	_ =	sdelay $0x3  }
0x347: {  	[tilespmem:s0+$0x8F00] =	vst v0  }
0x348: {  	[tilespmem:s0+$0x8F10] =	vst v1;
	s20 =	spop (v2sf)  }
0x349: {  	v0 =	vld [tilespmem:s20+$0xF80]  }
0x34a: {  	v1 =	vld [tilespmem:s20+$0xF90];
	_ =	sdelay $0x3  }
0x34b: {  	[tilespmem:s0+$0x8F80] =	vst v0  }
0x34c: {  	s1 =	simm.s32 $0x0;
	[tilespmem:s0+$0x8F90] =	vst v1  }
0x34d: {  	[hbm4b:s13+s1] =	stream.linear.scatter [tilespmem:s25], [sflag:$0x3], $0x4000, $0x38;
	[tilespmem:$0x10800] =	vst v63  }
0x34e: {  	s19 =	simm.s32 $0x300  }
0x34f: {  	[tilespmem:s22], [sflag:$0x1] =	stream.indirect.gather [hbm4b:s4+s21], $0x80, s19, s21, $0xb8;
	[tilespmem:$0x10800] =	vst v63  }
0x350: {  	_ =	swait.ge [sflag:s28], $0x4000  }
0x351: {  	[sflag:s28] =	ssyncset.done $0x0  }
0x352: {  	[sflag:s28] =	ssyncadd.s32 $0xFFFFC000  }
0x353: {  	_ =	swait.ge [sflag:s31], $0x4000  }
0x354: {  	[sflag:s31] =	ssyncset.done $0x0  }
0x355: {  	s30 =	simm.s32 $0x680;
	[sflag:s31] =	ssyncadd.s32 $0xFFFFC000  }
0x356: {  	v0 =	vld [tilespmem:s30+$0x0];
	_ =	sdelay $0x4  }
0x357: {  	v0 =	vshll.u32 v0, $0x5  }
0x358: {  	v0 =	vshll.u32 v0, $0x2  }
0x359: {  	s0 =	simm.s32 $0x0;
	v0 =	vshra.s32 v0, $0x2  }
0x35a: {  	v1 =	vadd.s32 s0, v0  }
0x35b: {  	(v2sf) =	vpush v1, $0x0;
	_ =	sdelay $0x6  }
0x35c: {  	(v2sf) =	vpush v1, $0x1;
	_ =	sdelay $0x6  }
0x35d: {  	(v2sf) =	vpush v1, $0x2  }
0x35e: {  	s20 =	spop (v2sf)  }
0x35f: {  	v0 =	vld [tilespmem:s20+$0x4800]  }
0x360: {  	v2 =	vld [tilespmem:s20+$0x4810];
	_ =	sdelay $0x3  }
0x361: {  	(v2sf) =	vpush v1, $0x3;
	[tilespmem:s0+$0xC800] =	vst v0  }
0x362: {  	s19 =	spop (v2sf);
	[tilespmem:s0+$0xC810] =	vst v2  }
0x363: {  	v0 =	vld [tilespmem:s19+$0x4880]  }
0x364: {  	v2 =	vld [tilespmem:s19+$0x4890];
	_ =	sdelay $0x3  }
0x365: {  	(v2sf) =	vpush v1, $0x4;
	[tilespmem:s0+$0xC880] =	vst v0  }
0x366: {  	s20 =	spop (v2sf);
	[tilespmem:s0+$0xC890] =	vst v2  }
0x367: {  	v0 =	vld [tilespmem:s20+$0x4900]  }
0x368: {  	v2 =	vld [tilespmem:s20+$0x4910];
	_ =	sdelay $0x3  }
0x369: {  	(v2sf) =	vpush v1, $0x5;
	[tilespmem:s0+$0xC900] =	vst v0  }
0x36a: {  	s19 =	spop (v2sf);
	[tilespmem:s0+$0xC910] =	vst v2  }
0x36b: {  	v0 =	vld [tilespmem:s19+$0x4980]  }
0x36c: {  	v2 =	vld [tilespmem:s19+$0x4990];
	_ =	sdelay $0x3  }
0x36d: {  	(v2sf) =	vpush v1, $0x6;
	[tilespmem:s0+$0xC980] =	vst v0  }
0x36e: {  	s20 =	spop (v2sf);
	[tilespmem:s0+$0xC990] =	vst v2  }
0x36f: {  	v0 =	vld [tilespmem:s20+$0x4A00]  }
0x370: {  	v2 =	vld [tilespmem:s20+$0x4A10];
	_ =	sdelay $0x3  }
0x371: {  	(v2sf) =	vpush v1, $0x7;
	[tilespmem:s0+$0xCA00] =	vst v0  }
0x372: {  	s19 =	spop (v2sf);
	[tilespmem:s0+$0xCA10] =	vst v2  }
0x373: {  	v0 =	vld [tilespmem:s19+$0x4A80]  }
0x374: {  	v2 =	vld [tilespmem:s19+$0x4A90];
	_ =	sdelay $0x3  }
0x375: {  	(v2sf) =	vpush v1, $0x8;
	[tilespmem:s0+$0xCA80] =	vst v0  }
0x376: {  	s20 =	spop (v2sf);
	[tilespmem:s0+$0xCA90] =	vst v2  }
0x377: {  	v0 =	vld [tilespmem:s20+$0x4B00]  }
0x378: {  	v2 =	vld [tilespmem:s20+$0x4B10];
	_ =	sdelay $0x3  }
0x379: {  	(v2sf) =	vpush v1, $0x9;
	[tilespmem:s0+$0xCB00] =	vst v0  }
0x37a: {  	s19 =	spop (v2sf);
	[tilespmem:s0+$0xCB10] =	vst v2  }
0x37b: {  	v0 =	vld [tilespmem:s19+$0x4B80]  }
0x37c: {  	v2 =	vld [tilespmem:s19+$0x4B90];
	_ =	sdelay $0x1  }
0x37d: {  	(v2sf) =	vpush v1, $0xA;
	_ =	sdelay $0x1  }
0x37e: {  	[tilespmem:s0+$0xCB80] =	vst v0  }
0x37f: {  	s20 =	spop (v2sf);
	[tilespmem:s0+$0xCB90] =	vst v2  }
0x380: {  	v0 =	vld [tilespmem:s20+$0x4C00]  }
0x381: {  	v2 =	vld [tilespmem:s20+$0x4C10];
	_ =	sdelay $0x3  }
0x382: {  	(v2sf) =	vpush v1, $0xB;
	[tilespmem:s0+$0xCC00] =	vst v0  }
0x383: {  	s19 =	spop (v2sf);
	[tilespmem:s0+$0xCC10] =	vst v2  }
0x384: {  	v0 =	vld [tilespmem:s19+$0x4C80]  }
0x385: {  	v2 =	vld [tilespmem:s19+$0x4C90];
	_ =	sdelay $0x1  }
0x386: {  	(v2sf) =	vpush v1, $0xC  }
0x387: {  	s20 =	spop (v2sf);
	(v2sf) =	vpush v1, $0xD  }
0x388: {  	[tilespmem:s0+$0xCC80] =	vst v0  }
0x389: {  	[tilespmem:s0+$0xCC90] =	vst v2  }
0x38a: {  	v0 =	vld [tilespmem:s20+$0x4D00]  }
0x38b: {  	v2 =	vld [tilespmem:s20+$0x4D10];
	_ =	sdelay $0x3  }
0x38c: {  	[tilespmem:s0+$0xCD00] =	vst v0  }
0x38d: {  	s19 =	spop (v2sf);
	[tilespmem:s0+$0xCD10] =	vst v2  }
0x38e: {  	v0 =	vld [tilespmem:s19+$0x4D80]  }
0x38f: {  	v2 =	vld [tilespmem:s19+$0x4D90];
	_ =	sdelay $0x2  }
0x390: {  	s20 =	spop (v2sf)  }
0x391: {  	s19 =	spop (v2sf);
	(v2sf) =	vpush v1, $0xE;
	[tilespmem:s0+$0xCD80] =	vst v0  }
0x392: {  	[tilespmem:s0+$0xCD90] =	vst v2  }
0x393: {  	v0 =	vld [tilespmem:s20+$0x4E00]  }
0x394: {  	v2 =	vld [tilespmem:s20+$0x4E10];
	_ =	sdelay $0x3  }
0x395: {  	(v2sf) =	vpush v1, $0xF;
	[tilespmem:s0+$0xCE00] =	vst v0  }
0x396: {  	[tilespmem:s0+$0xCE10] =	vst v2  }
0x397: {  	v0 =	vld [tilespmem:s19+$0x4E80]  }
0x398: {  	s1 =	simm.s32 $0x2000;
	v1 =	vld [tilespmem:s19+$0x4E90]  }
.LBB2_12:
0x399: {  	_ = 	snop  }
0x39a: {  	p0 =	sne.s32 s1, $0xE000  }
0x39b: {  	s30 =	sadd.s32 $0x10, s30;
	s19 =	smov.u32 s1;
	s1 =	sadd.s32 $0x2000, s1  }
0x39c: {  	[tilespmem:s0+$0xCE80] =	vst v0  }
0x39d: {  	[tilespmem:s0+$0xCE90] =	vst v1;
	s20 =	spop (v2sf)  }
0x39e: {  	v0 =	vld [tilespmem:s20+$0x4F00]  }
0x39f: {  	v1 =	vld [tilespmem:s20+$0x4F10];
	_ =	sdelay $0x3  }
0x3a0: {  	[tilespmem:s0+$0xCF00] =	vst v0  }
0x3a1: {  	[tilespmem:s0+$0xCF10] =	vst v1;
	s20 =	spop (v2sf)  }
0x3a2: {  	v0 =	vld [tilespmem:s20+$0x4F80]  }
0x3a3: {  	v1 =	vld [tilespmem:s20+$0x4F90];
	_ =	sdelay $0x3  }
0x3a4: {  	[tilespmem:s0+$0xCF80] =	vst v0  }
0x3a5: {  	[tilespmem:s0+$0xCF90] =	vst v1  }
0x3a6: {  	v0 =	vld [tilespmem:s30+$0x0];
	_ =	sdelay $0x4  }
0x3a7: {  	v0 =	vshll.u32 v0, $0x5  }
0x3a8: {  	v0 =	vshll.u32 v0, $0x2  }
0x3a9: {  	s0 =	sshra.s32 s19, $0x2;
	v0 =	vshra.s32 v0, $0x2  }
0x3aa: {  	v0 =	vadd.s32 s0, v0  }
0x3ab: {  	(v2sf) =	vpush v0, $0x0;
	_ =	sdelay $0x6  }
0x3ac: {  	(v2sf) =	vpush v0, $0x1;
	_ =	sdelay $0x6  }
0x3ad: {  	(v2sf) =	vpush v0, $0x2  }
0x3ae: {  	s19 =	spop (v2sf)  }
0x3af: {  	v1 =	vld [tilespmem:s19+$0x4800]  }
0x3b0: {  	v2 =	vld [tilespmem:s19+$0x4810];
	_ =	sdelay $0x3  }
0x3b1: {  	[tilespmem:s0+$0xC800] =	vst v1;
	(v2sf) =	vpush v0, $0x3  }
0x3b2: {  	[tilespmem:s0+$0xC810] =	vst v2;
	s19 =	spop (v2sf)  }
0x3b3: {  	v1 =	vld [tilespmem:s19+$0x4880]  }
0x3b4: {  	v2 =	vld [tilespmem:s19+$0x4890];
	_ =	sdelay $0x3  }
0x3b5: {  	[tilespmem:s0+$0xC880] =	vst v1;
	(v2sf) =	vpush v0, $0x4  }
0x3b6: {  	[tilespmem:s0+$0xC890] =	vst v2;
	s19 =	spop (v2sf)  }
0x3b7: {  	v1 =	vld [tilespmem:s19+$0x4900]  }
0x3b8: {  	v2 =	vld [tilespmem:s19+$0x4910];
	_ =	sdelay $0x3  }
0x3b9: {  	[tilespmem:s0+$0xC900] =	vst v1;
	(v2sf) =	vpush v0, $0x5  }
0x3ba: {  	[tilespmem:s0+$0xC910] =	vst v2;
	s19 =	spop (v2sf)  }
0x3bb: {  	v1 =	vld [tilespmem:s19+$0x4980]  }
0x3bc: {  	v2 =	vld [tilespmem:s19+$0x4990];
	_ =	sdelay $0x3  }
0x3bd: {  	[tilespmem:s0+$0xC980] =	vst v1;
	(v2sf) =	vpush v0, $0x6  }
0x3be: {  	[tilespmem:s0+$0xC990] =	vst v2;
	s19 =	spop (v2sf)  }
0x3bf: {  	v1 =	vld [tilespmem:s19+$0x4A00]  }
0x3c0: {  	v2 =	vld [tilespmem:s19+$0x4A10];
	_ =	sdelay $0x3  }
0x3c1: {  	[tilespmem:s0+$0xCA00] =	vst v1;
	(v2sf) =	vpush v0, $0x7  }
0x3c2: {  	[tilespmem:s0+$0xCA10] =	vst v2;
	s19 =	spop (v2sf)  }
0x3c3: {  	v1 =	vld [tilespmem:s19+$0x4A80]  }
0x3c4: {  	v2 =	vld [tilespmem:s19+$0x4A90];
	_ =	sdelay $0x3  }
0x3c5: {  	[tilespmem:s0+$0xCA80] =	vst v1;
	(v2sf) =	vpush v0, $0x8  }
0x3c6: {  	[tilespmem:s0+$0xCA90] =	vst v2;
	s19 =	spop (v2sf)  }
0x3c7: {  	v1 =	vld [tilespmem:s19+$0x4B00]  }
0x3c8: {  	v2 =	vld [tilespmem:s19+$0x4B10];
	_ =	sdelay $0x3  }
0x3c9: {  	[tilespmem:s0+$0xCB00] =	vst v1;
	(v2sf) =	vpush v0, $0x9  }
0x3ca: {  	[tilespmem:s0+$0xCB10] =	vst v2;
	s19 =	spop (v2sf)  }
0x3cb: {  	v1 =	vld [tilespmem:s19+$0x4B80]  }
0x3cc: {  	v2 =	vld [tilespmem:s19+$0x4B90];
	_ =	sdelay $0x3  }
0x3cd: {  	[tilespmem:s0+$0xCB80] =	vst v1;
	(v2sf) =	vpush v0, $0xA  }
0x3ce: {  	[tilespmem:s0+$0xCB90] =	vst v2;
	s19 =	spop (v2sf)  }
0x3cf: {  	v1 =	vld [tilespmem:s19+$0x4C00]  }
0x3d0: {  	v2 =	vld [tilespmem:s19+$0x4C10];
	_ =	sdelay $0x3  }
0x3d1: {  	[tilespmem:s0+$0xCC00] =	vst v1;
	(v2sf) =	vpush v0, $0xB  }
0x3d2: {  	[tilespmem:s0+$0xCC10] =	vst v2;
	s19 =	spop (v2sf)  }
0x3d3: {  	v1 =	vld [tilespmem:s19+$0x4C80]  }
0x3d4: {  	v2 =	vld [tilespmem:s19+$0x4C90];
	_ =	sdelay $0x3  }
0x3d5: {  	[tilespmem:s0+$0xCC80] =	vst v1;
	(v2sf) =	vpush v0, $0xC  }
0x3d6: {  	[tilespmem:s0+$0xCC90] =	vst v2;
	s19 =	spop (v2sf)  }
0x3d7: {  	v1 =	vld [tilespmem:s19+$0x4D00]  }
0x3d8: {  	v2 =	vld [tilespmem:s19+$0x4D10];
	_ =	sdelay $0x3  }
0x3d9: {  	[tilespmem:s0+$0xCD00] =	vst v1;
	(v2sf) =	vpush v0, $0xD  }
0x3da: {  	[tilespmem:s0+$0xCD10] =	vst v2;
	s19 =	spop (v2sf)  }
0x3db: {  	v1 =	vld [tilespmem:s19+$0x4D80]  }
0x3dc: {  	v2 =	vld [tilespmem:s19+$0x4D90];
	_ =	sdelay $0x3  }
0x3dd: {  	[tilespmem:s0+$0xCD80] =	vst v1;
	(v2sf) =	vpush v0, $0xE  }
0x3de: {  	[tilespmem:s0+$0xCD90] =	vst v2;
	s19 =	spop (v2sf)  }
0x3df: {  	v1 =	vld [tilespmem:s19+$0x4E00]  }
0x3e0: {  	v2 =	vld [tilespmem:s19+$0x4E10];
	_ =	sdelay $0x2  }
.Ltmp5:
0x3e1: {  	(pc) =	sbr.rel @p0 .LBB2_12-.Ltmp5, $4  }
0x3e2: {  	[tilespmem:s0+$0xCE00] =	vst v1;
	(v2sf) =	vpush v0, $0xF  }
0x3e3: {  	[tilespmem:s0+$0xCE10] =	vst v2;
	s19 =	spop (v2sf)  }
0x3e4: {  	v0 =	vld [tilespmem:s19+$0x4E80]  }
0x3e5: {  	v1 =	vld [tilespmem:s19+$0x4E90]  }
0x3e6: {  	_ =	sdelay $0x2  }
0x3e7: {  	[tilespmem:s0+$0xCE80] =	vst v0  }
0x3e8: {  	[tilespmem:s0+$0xCE90] =	vst v1;
	s1 =	spop (v2sf)  }
0x3e9: {  	v0 =	vld [tilespmem:s1+$0x4F00]  }
0x3ea: {  	v1 =	vld [tilespmem:s1+$0x4F10];
	_ =	sdelay $0x3  }
0x3eb: {  	[tilespmem:s0+$0xCF00] =	vst v0  }
0x3ec: {  	[tilespmem:s0+$0xCF10] =	vst v1;
	s20 =	spop (v2sf)  }
0x3ed: {  	v0 =	vld [tilespmem:s20+$0x4F80]  }
0x3ee: {  	v1 =	vld [tilespmem:s20+$0x4F90];
	_ =	sdelay $0x3  }
0x3ef: {  	[tilespmem:s0+$0xCF80] =	vst v0  }
0x3f0: {  	s1 =	simm.s32 $0x0;
	[tilespmem:s0+$0xCF90] =	vst v1  }
0x3f1: {  	[hbm4b:s14+s1] =	stream.linear.scatter [tilespmem:s29], [sflag:$0x3], $0x4000, $0x38;
	[tilespmem:$0x10800] =	vst v63  }
0x3f2: {  	s19 =	simm.s32 $0x380  }
0x3f3: {  	[tilespmem:s23], [sflag:$0x2] =	stream.indirect.gather [hbm4b:s4+s21], $0x80, s19, s21, $0xb8;
	[tilespmem:$0x10800] =	vst v63  }
0x3f4: {  	_ =	swait.ge [sflag:s24], $0x4000  }
0x3f5: {  	[sflag:s24] =	ssyncset.done $0x0  }
0x3f6: {  	[sflag:s24] =	ssyncadd.s32 $0xFFFFC000  }
0x3f7: {  	_ =	swait.ge [sflag:s31], $0x4000  }
0x3f8: {  	[sflag:s31] =	ssyncset.done $0x0  }
0x3f9: {  	s30 =	simm.s32 $0x700;
	[sflag:s31] =	ssyncadd.s32 $0xFFFFC000  }
0x3fa: {  	v0 =	vld [tilespmem:s30+$0x0];
	_ =	sdelay $0x4  }
0x3fb: {  	v0 =	vshll.u32 v0, $0x5  }
0x3fc: {  	v0 =	vshll.u32 v0, $0x2  }
0x3fd: {  	s0 =	simm.s32 $0x0;
	v0 =	vshra.s32 v0, $0x2  }
0x3fe: {  	v1 =	vadd.s32 s0, v0  }
0x3ff: {  	(v2sf) =	vpush v1, $0x0;
	_ =	sdelay $0x6  }
0x400: {  	(v2sf) =	vpush v1, $0x1;
	_ =	sdelay $0x6  }
0x401: {  	(v2sf) =	vpush v1, $0x2  }
0x402: {  	s20 =	spop (v2sf)  }
0x403: {  	v0 =	vld [tilespmem:s20+$0x800]  }
0x404: {  	v2 =	vld [tilespmem:s20+$0x810];
	_ =	sdelay $0x3  }
0x405: {  	(v2sf) =	vpush v1, $0x3;
	[tilespmem:s0+$0x8800] =	vst v0  }
0x406: {  	s19 =	spop (v2sf);
	[tilespmem:s0+$0x8810] =	vst v2  }
0x407: {  	v0 =	vld [tilespmem:s19+$0x880]  }
0x408: {  	v2 =	vld [tilespmem:s19+$0x890];
	_ =	sdelay $0x3  }
0x409: {  	(v2sf) =	vpush v1, $0x4;
	[tilespmem:s0+$0x8880] =	vst v0  }
0x40a: {  	s20 =	spop (v2sf);
	[tilespmem:s0+$0x8890] =	vst v2  }
0x40b: {  	v0 =	vld [tilespmem:s20+$0x900]  }
0x40c: {  	v2 =	vld [tilespmem:s20+$0x910];
	_ =	sdelay $0x3  }
0x40d: {  	(v2sf) =	vpush v1, $0x5;
	[tilespmem:s0+$0x8900] =	vst v0  }
0x40e: {  	s19 =	spop (v2sf);
	[tilespmem:s0+$0x8910] =	vst v2  }
0x40f: {  	v0 =	vld [tilespmem:s19+$0x980]  }
0x410: {  	v2 =	vld [tilespmem:s19+$0x990];
	_ =	sdelay $0x3  }
0x411: {  	(v2sf) =	vpush v1, $0x6;
	[tilespmem:s0+$0x8980] =	vst v0  }
0x412: {  	s20 =	spop (v2sf);
	[tilespmem:s0+$0x8990] =	vst v2  }
0x413: {  	v0 =	vld [tilespmem:s20+$0xA00]  }
0x414: {  	v2 =	vld [tilespmem:s20+$0xA10];
	_ =	sdelay $0x3  }
0x415: {  	(v2sf) =	vpush v1, $0x7;
	[tilespmem:s0+$0x8A00] =	vst v0  }
0x416: {  	s19 =	spop (v2sf);
	[tilespmem:s0+$0x8A10] =	vst v2  }
0x417: {  	v0 =	vld [tilespmem:s19+$0xA80]  }
0x418: {  	v2 =	vld [tilespmem:s19+$0xA90];
	_ =	sdelay $0x3  }
0x419: {  	(v2sf) =	vpush v1, $0x8;
	[tilespmem:s0+$0x8A80] =	vst v0  }
0x41a: {  	s20 =	spop (v2sf);
	[tilespmem:s0+$0x8A90] =	vst v2  }
0x41b: {  	v0 =	vld [tilespmem:s20+$0xB00]  }
0x41c: {  	v2 =	vld [tilespmem:s20+$0xB10];
	_ =	sdelay $0x3  }
0x41d: {  	(v2sf) =	vpush v1, $0x9;
	[tilespmem:s0+$0x8B00] =	vst v0  }
0x41e: {  	s19 =	spop (v2sf);
	[tilespmem:s0+$0x8B10] =	vst v2  }
0x41f: {  	v0 =	vld [tilespmem:s19+$0xB80]  }
0x420: {  	v2 =	vld [tilespmem:s19+$0xB90];
	_ =	sdelay $0x1  }
0x421: {  	(v2sf) =	vpush v1, $0xA;
	_ =	sdelay $0x1  }
0x422: {  	[tilespmem:s0+$0x8B80] =	vst v0  }
0x423: {  	s20 =	spop (v2sf);
	[tilespmem:s0+$0x8B90] =	vst v2  }
0x424: {  	v0 =	vld [tilespmem:s20+$0xC00]  }
0x425: {  	v2 =	vld [tilespmem:s20+$0xC10];
	_ =	sdelay $0x3  }
0x426: {  	(v2sf) =	vpush v1, $0xB;
	[tilespmem:s0+$0x8C00] =	vst v0  }
0x427: {  	s19 =	spop (v2sf);
	[tilespmem:s0+$0x8C10] =	vst v2  }
0x428: {  	v0 =	vld [tilespmem:s19+$0xC80]  }
0x429: {  	v2 =	vld [tilespmem:s19+$0xC90];
	_ =	sdelay $0x1  }
0x42a: {  	(v2sf) =	vpush v1, $0xC  }
0x42b: {  	s20 =	spop (v2sf);
	(v2sf) =	vpush v1, $0xD  }
0x42c: {  	[tilespmem:s0+$0x8C80] =	vst v0  }
0x42d: {  	[tilespmem:s0+$0x8C90] =	vst v2  }
0x42e: {  	v0 =	vld [tilespmem:s20+$0xD00]  }
0x42f: {  	v2 =	vld [tilespmem:s20+$0xD10];
	_ =	sdelay $0x3  }
0x430: {  	[tilespmem:s0+$0x8D00] =	vst v0  }
0x431: {  	s19 =	spop (v2sf);
	[tilespmem:s0+$0x8D10] =	vst v2  }
0x432: {  	v0 =	vld [tilespmem:s19+$0xD80]  }
0x433: {  	v2 =	vld [tilespmem:s19+$0xD90];
	_ =	sdelay $0x2  }
0x434: {  	s20 =	spop (v2sf)  }
0x435: {  	s19 =	spop (v2sf);
	(v2sf) =	vpush v1, $0xE;
	[tilespmem:s0+$0x8D80] =	vst v0  }
0x436: {  	[tilespmem:s0+$0x8D90] =	vst v2  }
0x437: {  	v0 =	vld [tilespmem:s20+$0xE00]  }
0x438: {  	v2 =	vld [tilespmem:s20+$0xE10];
	_ =	sdelay $0x3  }
0x439: {  	(v2sf) =	vpush v1, $0xF;
	[tilespmem:s0+$0x8E00] =	vst v0  }
0x43a: {  	[tilespmem:s0+$0x8E10] =	vst v2  }
0x43b: {  	v0 =	vld [tilespmem:s19+$0xE80]  }
0x43c: {  	s1 =	simm.s32 $0x2000;
	v1 =	vld [tilespmem:s19+$0xE90]  }
.LBB2_14:
0x43d: {  	_ = 	snop  }
0x43e: {  	p0 =	sne.s32 s1, $0xE000  }
0x43f: {  	s30 =	sadd.s32 $0x10, s30;
	s19 =	smov.u32 s1;
	s1 =	sadd.s32 $0x2000, s1  }
0x440: {  	[tilespmem:s0+$0x8E80] =	vst v0  }
0x441: {  	[tilespmem:s0+$0x8E90] =	vst v1;
	s20 =	spop (v2sf)  }
0x442: {  	v0 =	vld [tilespmem:s20+$0xF00]  }
0x443: {  	v1 =	vld [tilespmem:s20+$0xF10];
	_ =	sdelay $0x3  }
0x444: {  	[tilespmem:s0+$0x8F00] =	vst v0  }
0x445: {  	[tilespmem:s0+$0x8F10] =	vst v1;
	s20 =	spop (v2sf)  }
0x446: {  	v0 =	vld [tilespmem:s20+$0xF80]  }
0x447: {  	v1 =	vld [tilespmem:s20+$0xF90];
	_ =	sdelay $0x3  }
0x448: {  	[tilespmem:s0+$0x8F80] =	vst v0  }
0x449: {  	[tilespmem:s0+$0x8F90] =	vst v1  }
0x44a: {  	v0 =	vld [tilespmem:s30+$0x0];
	_ =	sdelay $0x4  }
0x44b: {  	v0 =	vshll.u32 v0, $0x5  }
0x44c: {  	v0 =	vshll.u32 v0, $0x2  }
0x44d: {  	s0 =	sshra.s32 s19, $0x2;
	v0 =	vshra.s32 v0, $0x2  }
0x44e: {  	v0 =	vadd.s32 s0, v0  }
0x44f: {  	(v2sf) =	vpush v0, $0x0;
	_ =	sdelay $0x6  }
0x450: {  	(v2sf) =	vpush v0, $0x1;
	_ =	sdelay $0x6  }
0x451: {  	(v2sf) =	vpush v0, $0x2  }
0x452: {  	s19 =	spop (v2sf)  }
0x453: {  	v1 =	vld [tilespmem:s19+$0x800]  }
0x454: {  	v2 =	vld [tilespmem:s19+$0x810];
	_ =	sdelay $0x3  }
0x455: {  	[tilespmem:s0+$0x8800] =	vst v1;
	(v2sf) =	vpush v0, $0x3  }
0x456: {  	[tilespmem:s0+$0x8810] =	vst v2;
	s19 =	spop (v2sf)  }
0x457: {  	v1 =	vld [tilespmem:s19+$0x880]  }
0x458: {  	v2 =	vld [tilespmem:s19+$0x890];
	_ =	sdelay $0x3  }
0x459: {  	[tilespmem:s0+$0x8880] =	vst v1;
	(v2sf) =	vpush v0, $0x4  }
0x45a: {  	[tilespmem:s0+$0x8890] =	vst v2;
	s19 =	spop (v2sf)  }
0x45b: {  	v1 =	vld [tilespmem:s19+$0x900]  }
0x45c: {  	v2 =	vld [tilespmem:s19+$0x910];
	_ =	sdelay $0x3  }
0x45d: {  	[tilespmem:s0+$0x8900] =	vst v1;
	(v2sf) =	vpush v0, $0x5  }
0x45e: {  	[tilespmem:s0+$0x8910] =	vst v2;
	s19 =	spop (v2sf)  }
0x45f: {  	v1 =	vld [tilespmem:s19+$0x980]  }
0x460: {  	v2 =	vld [tilespmem:s19+$0x990];
	_ =	sdelay $0x3  }
0x461: {  	[tilespmem:s0+$0x8980] =	vst v1;
	(v2sf) =	vpush v0, $0x6  }
0x462: {  	[tilespmem:s0+$0x8990] =	vst v2;
	s19 =	spop (v2sf)  }
0x463: {  	v1 =	vld [tilespmem:s19+$0xA00]  }
0x464: {  	v2 =	vld [tilespmem:s19+$0xA10];
	_ =	sdelay $0x3  }
0x465: {  	[tilespmem:s0+$0x8A00] =	vst v1;
	(v2sf) =	vpush v0, $0x7  }
0x466: {  	[tilespmem:s0+$0x8A10] =	vst v2;
	s19 =	spop (v2sf)  }
0x467: {  	v1 =	vld [tilespmem:s19+$0xA80]  }
0x468: {  	v2 =	vld [tilespmem:s19+$0xA90];
	_ =	sdelay $0x3  }
0x469: {  	[tilespmem:s0+$0x8A80] =	vst v1;
	(v2sf) =	vpush v0, $0x8  }
0x46a: {  	[tilespmem:s0+$0x8A90] =	vst v2;
	s19 =	spop (v2sf)  }
0x46b: {  	v1 =	vld [tilespmem:s19+$0xB00]  }
0x46c: {  	v2 =	vld [tilespmem:s19+$0xB10];
	_ =	sdelay $0x3  }
0x46d: {  	[tilespmem:s0+$0x8B00] =	vst v1;
	(v2sf) =	vpush v0, $0x9  }
0x46e: {  	[tilespmem:s0+$0x8B10] =	vst v2;
	s19 =	spop (v2sf)  }
0x46f: {  	v1 =	vld [tilespmem:s19+$0xB80]  }
0x470: {  	v2 =	vld [tilespmem:s19+$0xB90];
	_ =	sdelay $0x3  }
0x471: {  	[tilespmem:s0+$0x8B80] =	vst v1;
	(v2sf) =	vpush v0, $0xA  }
0x472: {  	[tilespmem:s0+$0x8B90] =	vst v2;
	s19 =	spop (v2sf)  }
0x473: {  	v1 =	vld [tilespmem:s19+$0xC00]  }
0x474: {  	v2 =	vld [tilespmem:s19+$0xC10];
	_ =	sdelay $0x3  }
0x475: {  	[tilespmem:s0+$0x8C00] =	vst v1;
	(v2sf) =	vpush v0, $0xB  }
0x476: {  	[tilespmem:s0+$0x8C10] =	vst v2;
	s19 =	spop (v2sf)  }
0x477: {  	v1 =	vld [tilespmem:s19+$0xC80]  }
0x478: {  	v2 =	vld [tilespmem:s19+$0xC90];
	_ =	sdelay $0x3  }
0x479: {  	[tilespmem:s0+$0x8C80] =	vst v1;
	(v2sf) =	vpush v0, $0xC  }
0x47a: {  	[tilespmem:s0+$0x8C90] =	vst v2;
	s19 =	spop (v2sf)  }
0x47b: {  	v1 =	vld [tilespmem:s19+$0xD00]  }
0x47c: {  	v2 =	vld [tilespmem:s19+$0xD10];
	_ =	sdelay $0x3  }
0x47d: {  	[tilespmem:s0+$0x8D00] =	vst v1;
	(v2sf) =	vpush v0, $0xD  }
0x47e: {  	[tilespmem:s0+$0x8D10] =	vst v2;
	s19 =	spop (v2sf)  }
0x47f: {  	v1 =	vld [tilespmem:s19+$0xD80]  }
0x480: {  	v2 =	vld [tilespmem:s19+$0xD90];
	_ =	sdelay $0x3  }
0x481: {  	[tilespmem:s0+$0x8D80] =	vst v1;
	(v2sf) =	vpush v0, $0xE  }
0x482: {  	[tilespmem:s0+$0x8D90] =	vst v2;
	s19 =	spop (v2sf)  }
0x483: {  	v1 =	vld [tilespmem:s19+$0xE00]  }
0x484: {  	v2 =	vld [tilespmem:s19+$0xE10];
	_ =	sdelay $0x2  }
.Ltmp6:
0x485: {  	(pc) =	sbr.rel @p0 .LBB2_14-.Ltmp6, $4  }
0x486: {  	[tilespmem:s0+$0x8E00] =	vst v1;
	(v2sf) =	vpush v0, $0xF  }
0x487: {  	[tilespmem:s0+$0x8E10] =	vst v2;
	s19 =	spop (v2sf)  }
0x488: {  	v0 =	vld [tilespmem:s19+$0xE80]  }
0x489: {  	v1 =	vld [tilespmem:s19+$0xE90]  }
0x48a: {  	_ =	sdelay $0x2  }
0x48b: {  	[tilespmem:s0+$0x8E80] =	vst v0  }
0x48c: {  	[tilespmem:s0+$0x8E90] =	vst v1;
	s1 =	spop (v2sf)  }
0x48d: {  	v0 =	vld [tilespmem:s1+$0xF00]  }
0x48e: {  	v1 =	vld [tilespmem:s1+$0xF10];
	_ =	sdelay $0x3  }
0x48f: {  	[tilespmem:s0+$0x8F00] =	vst v0  }
0x490: {  	[tilespmem:s0+$0x8F10] =	vst v1;
	s20 =	spop (v2sf)  }
0x491: {  	v0 =	vld [tilespmem:s20+$0xF80]  }
0x492: {  	v1 =	vld [tilespmem:s20+$0xF90];
	_ =	sdelay $0x3  }
0x493: {  	[tilespmem:s0+$0x8F80] =	vst v0  }
0x494: {  	s19 =	simm.s32 $0x0;
	[tilespmem:s0+$0x8F90] =	vst v1  }
0x495: {  	[hbm4b:s15+s19] =	stream.linear.scatter [tilespmem:s25], [sflag:$0x3], $0x4000, $0x38;
	[tilespmem:$0x10800] =	vst v63  }
0x496: {  	_ =	swait.ge [sflag:s28], $0x4000  }
0x497: {  	[sflag:s28] =	ssyncset.done $0x0  }
0x498: {  	[sflag:s28] =	ssyncadd.s32 $0xFFFFC000  }
0x499: {  	_ =	swait.ge [sflag:s31], $0x4000  }
0x49a: {  	[sflag:s31] =	ssyncset.done $0x0  }
0x49b: {  	s30 =	simm.s32 $0x780;
	[sflag:s31] =	ssyncadd.s32 $0xFFFFC000  }
0x49c: {  	v0 =	vld [tilespmem:s30+$0x0];
	_ =	sdelay $0x4  }
0x49d: {  	v0 =	vshll.u32 v0, $0x5  }
0x49e: {  	v0 =	vshll.u32 v0, $0x2  }
0x49f: {  	s0 =	simm.s32 $0x0;
	v0 =	vshra.s32 v0, $0x2  }
0x4a0: {  	v1 =	vadd.s32 s0, v0  }
0x4a1: {  	(v2sf) =	vpush v1, $0x0;
	_ =	sdelay $0x6  }
0x4a2: {  	(v2sf) =	vpush v1, $0x1;
	_ =	sdelay $0x6  }
0x4a3: {  	(v2sf) =	vpush v1, $0x2  }
0x4a4: {  	s20 =	spop (v2sf)  }
0x4a5: {  	v0 =	vld [tilespmem:s20+$0x4800]  }
0x4a6: {  	v2 =	vld [tilespmem:s20+$0x4810];
	_ =	sdelay $0x3  }
0x4a7: {  	(v2sf) =	vpush v1, $0x3;
	[tilespmem:s0+$0xC800] =	vst v0  }
0x4a8: {  	s19 =	spop (v2sf);
	[tilespmem:s0+$0xC810] =	vst v2  }
0x4a9: {  	v0 =	vld [tilespmem:s19+$0x4880]  }
0x4aa: {  	v2 =	vld [tilespmem:s19+$0x4890];
	_ =	sdelay $0x3  }
0x4ab: {  	(v2sf) =	vpush v1, $0x4;
	[tilespmem:s0+$0xC880] =	vst v0  }
0x4ac: {  	s20 =	spop (v2sf);
	[tilespmem:s0+$0xC890] =	vst v2  }
0x4ad: {  	v0 =	vld [tilespmem:s20+$0x4900]  }
0x4ae: {  	v2 =	vld [tilespmem:s20+$0x4910];
	_ =	sdelay $0x3  }
0x4af: {  	(v2sf) =	vpush v1, $0x5;
	[tilespmem:s0+$0xC900] =	vst v0  }
0x4b0: {  	s19 =	spop (v2sf);
	[tilespmem:s0+$0xC910] =	vst v2  }
0x4b1: {  	v0 =	vld [tilespmem:s19+$0x4980]  }
0x4b2: {  	v2 =	vld [tilespmem:s19+$0x4990];
	_ =	sdelay $0x3  }
0x4b3: {  	(v2sf) =	vpush v1, $0x6;
	[tilespmem:s0+$0xC980] =	vst v0  }
0x4b4: {  	s20 =	spop (v2sf);
	[tilespmem:s0+$0xC990] =	vst v2  }
0x4b5: {  	v0 =	vld [tilespmem:s20+$0x4A00]  }
0x4b6: {  	v2 =	vld [tilespmem:s20+$0x4A10];
	_ =	sdelay $0x3  }
0x4b7: {  	(v2sf) =	vpush v1, $0x7;
	[tilespmem:s0+$0xCA00] =	vst v0  }
0x4b8: {  	s19 =	spop (v2sf);
	[tilespmem:s0+$0xCA10] =	vst v2  }
0x4b9: {  	v0 =	vld [tilespmem:s19+$0x4A80]  }
0x4ba: {  	v2 =	vld [tilespmem:s19+$0x4A90];
	_ =	sdelay $0x3  }
0x4bb: {  	(v2sf) =	vpush v1, $0x8;
	[tilespmem:s0+$0xCA80] =	vst v0  }
0x4bc: {  	s20 =	spop (v2sf);
	[tilespmem:s0+$0xCA90] =	vst v2  }
0x4bd: {  	v0 =	vld [tilespmem:s20+$0x4B00]  }
0x4be: {  	v2 =	vld [tilespmem:s20+$0x4B10];
	_ =	sdelay $0x3  }
0x4bf: {  	(v2sf) =	vpush v1, $0x9;
	[tilespmem:s0+$0xCB00] =	vst v0  }
0x4c0: {  	s19 =	spop (v2sf);
	[tilespmem:s0+$0xCB10] =	vst v2  }
0x4c1: {  	v0 =	vld [tilespmem:s19+$0x4B80]  }
0x4c2: {  	v2 =	vld [tilespmem:s19+$0x4B90];
	_ =	sdelay $0x1  }
0x4c3: {  	(v2sf) =	vpush v1, $0xA;
	_ =	sdelay $0x1  }
0x4c4: {  	[tilespmem:s0+$0xCB80] =	vst v0  }
0x4c5: {  	s20 =	spop (v2sf);
	[tilespmem:s0+$0xCB90] =	vst v2  }
0x4c6: {  	v0 =	vld [tilespmem:s20+$0x4C00]  }
0x4c7: {  	v2 =	vld [tilespmem:s20+$0x4C10];
	_ =	sdelay $0x3  }
0x4c8: {  	(v2sf) =	vpush v1, $0xB;
	[tilespmem:s0+$0xCC00] =	vst v0  }
0x4c9: {  	s19 =	spop (v2sf);
	[tilespmem:s0+$0xCC10] =	vst v2  }
0x4ca: {  	v0 =	vld [tilespmem:s19+$0x4C80]  }
0x4cb: {  	v2 =	vld [tilespmem:s19+$0x4C90];
	_ =	sdelay $0x1  }
0x4cc: {  	(v2sf) =	vpush v1, $0xC  }
0x4cd: {  	s20 =	spop (v2sf);
	(v2sf) =	vpush v1, $0xD  }
0x4ce: {  	[tilespmem:s0+$0xCC80] =	vst v0  }
0x4cf: {  	[tilespmem:s0+$0xCC90] =	vst v2  }
0x4d0: {  	v0 =	vld [tilespmem:s20+$0x4D00]  }
0x4d1: {  	v2 =	vld [tilespmem:s20+$0x4D10];
	_ =	sdelay $0x3  }
0x4d2: {  	[tilespmem:s0+$0xCD00] =	vst v0  }
0x4d3: {  	s19 =	spop (v2sf);
	[tilespmem:s0+$0xCD10] =	vst v2  }
0x4d4: {  	v0 =	vld [tilespmem:s19+$0x4D80]  }
0x4d5: {  	v2 =	vld [tilespmem:s19+$0x4D90];
	_ =	sdelay $0x2  }
0x4d6: {  	s20 =	spop (v2sf)  }
0x4d7: {  	s19 =	spop (v2sf);
	(v2sf) =	vpush v1, $0xE;
	[tilespmem:s0+$0xCD80] =	vst v0  }
0x4d8: {  	[tilespmem:s0+$0xCD90] =	vst v2  }
0x4d9: {  	v0 =	vld [tilespmem:s20+$0x4E00]  }
0x4da: {  	v2 =	vld [tilespmem:s20+$0x4E10];
	_ =	sdelay $0x3  }
0x4db: {  	(v2sf) =	vpush v1, $0xF;
	[tilespmem:s0+$0xCE00] =	vst v0  }
0x4dc: {  	[tilespmem:s0+$0xCE10] =	vst v2  }
0x4dd: {  	v0 =	vld [tilespmem:s19+$0x4E80]  }
0x4de: {  	s1 =	simm.s32 $0x2000;
	v1 =	vld [tilespmem:s19+$0x4E90]  }
.LBB2_16:
0x4df: {  	_ = 	snop  }
0x4e0: {  	p0 =	sne.s32 s1, $0xE000  }
0x4e1: {  	s30 =	sadd.s32 $0x10, s30;
	s19 =	smov.u32 s1;
	s1 =	sadd.s32 $0x2000, s1  }
0x4e2: {  	[tilespmem:s0+$0xCE80] =	vst v0  }
0x4e3: {  	[tilespmem:s0+$0xCE90] =	vst v1;
	s20 =	spop (v2sf)  }
0x4e4: {  	v0 =	vld [tilespmem:s20+$0x4F00]  }
0x4e5: {  	v1 =	vld [tilespmem:s20+$0x4F10];
	_ =	sdelay $0x3  }
0x4e6: {  	[tilespmem:s0+$0xCF00] =	vst v0  }
0x4e7: {  	[tilespmem:s0+$0xCF10] =	vst v1;
	s20 =	spop (v2sf)  }
0x4e8: {  	v0 =	vld [tilespmem:s20+$0x4F80]  }
0x4e9: {  	v1 =	vld [tilespmem:s20+$0x4F90];
	_ =	sdelay $0x3  }
0x4ea: {  	[tilespmem:s0+$0xCF80] =	vst v0  }
0x4eb: {  	[tilespmem:s0+$0xCF90] =	vst v1  }
0x4ec: {  	v0 =	vld [tilespmem:s30+$0x0];
	_ =	sdelay $0x4  }
0x4ed: {  	v0 =	vshll.u32 v0, $0x5  }
0x4ee: {  	v0 =	vshll.u32 v0, $0x2  }
0x4ef: {  	s0 =	sshra.s32 s19, $0x2;
	v0 =	vshra.s32 v0, $0x2  }
0x4f0: {  	v0 =	vadd.s32 s0, v0  }
0x4f1: {  	(v2sf) =	vpush v0, $0x0;
	_ =	sdelay $0x6  }
0x4f2: {  	(v2sf) =	vpush v0, $0x1;
	_ =	sdelay $0x6  }
0x4f3: {  	(v2sf) =	vpush v0, $0x2  }
0x4f4: {  	s19 =	spop (v2sf)  }
0x4f5: {  	v1 =	vld [tilespmem:s19+$0x4800]  }
0x4f6: {  	v2 =	vld [tilespmem:s19+$0x4810];
	_ =	sdelay $0x3  }
0x4f7: {  	[tilespmem:s0+$0xC800] =	vst v1;
	(v2sf) =	vpush v0, $0x3  }
0x4f8: {  	[tilespmem:s0+$0xC810] =	vst v2;
	s19 =	spop (v2sf)  }
0x4f9: {  	v1 =	vld [tilespmem:s19+$0x4880]  }
0x4fa: {  	v2 =	vld [tilespmem:s19+$0x4890];
	_ =	sdelay $0x3  }
0x4fb: {  	[tilespmem:s0+$0xC880] =	vst v1;
	(v2sf) =	vpush v0, $0x4  }
0x4fc: {  	[tilespmem:s0+$0xC890] =	vst v2;
	s19 =	spop (v2sf)  }
0x4fd: {  	v1 =	vld [tilespmem:s19+$0x4900]  }
0x4fe: {  	v2 =	vld [tilespmem:s19+$0x4910];
	_ =	sdelay $0x3  }
0x4ff: {  	[tilespmem:s0+$0xC900] =	vst v1;
	(v2sf) =	vpush v0, $0x5  }
0x500: {  	[tilespmem:s0+$0xC910] =	vst v2;
	s19 =	spop (v2sf)  }
0x501: {  	v1 =	vld [tilespmem:s19+$0x4980]  }
0x502: {  	v2 =	vld [tilespmem:s19+$0x4990];
	_ =	sdelay $0x3  }
0x503: {  	[tilespmem:s0+$0xC980] =	vst v1;
	(v2sf) =	vpush v0, $0x6  }
0x504: {  	[tilespmem:s0+$0xC990] =	vst v2;
	s19 =	spop (v2sf)  }
0x505: {  	v1 =	vld [tilespmem:s19+$0x4A00]  }
0x506: {  	v2 =	vld [tilespmem:s19+$0x4A10];
	_ =	sdelay $0x3  }
0x507: {  	[tilespmem:s0+$0xCA00] =	vst v1;
	(v2sf) =	vpush v0, $0x7  }
0x508: {  	[tilespmem:s0+$0xCA10] =	vst v2;
	s19 =	spop (v2sf)  }
0x509: {  	v1 =	vld [tilespmem:s19+$0x4A80]  }
0x50a: {  	v2 =	vld [tilespmem:s19+$0x4A90];
	_ =	sdelay $0x3  }
0x50b: {  	[tilespmem:s0+$0xCA80] =	vst v1;
	(v2sf) =	vpush v0, $0x8  }
0x50c: {  	[tilespmem:s0+$0xCA90] =	vst v2;
	s19 =	spop (v2sf)  }
0x50d: {  	v1 =	vld [tilespmem:s19+$0x4B00]  }
0x50e: {  	v2 =	vld [tilespmem:s19+$0x4B10];
	_ =	sdelay $0x3  }
0x50f: {  	[tilespmem:s0+$0xCB00] =	vst v1;
	(v2sf) =	vpush v0, $0x9  }
0x510: {  	[tilespmem:s0+$0xCB10] =	vst v2;
	s19 =	spop (v2sf)  }
0x511: {  	v1 =	vld [tilespmem:s19+$0x4B80]  }
0x512: {  	v2 =	vld [tilespmem:s19+$0x4B90];
	_ =	sdelay $0x3  }
0x513: {  	[tilespmem:s0+$0xCB80] =	vst v1;
	(v2sf) =	vpush v0, $0xA  }
0x514: {  	[tilespmem:s0+$0xCB90] =	vst v2;
	s19 =	spop (v2sf)  }
0x515: {  	v1 =	vld [tilespmem:s19+$0x4C00]  }
0x516: {  	v2 =	vld [tilespmem:s19+$0x4C10];
	_ =	sdelay $0x3  }
0x517: {  	[tilespmem:s0+$0xCC00] =	vst v1;
	(v2sf) =	vpush v0, $0xB  }
0x518: {  	[tilespmem:s0+$0xCC10] =	vst v2;
	s19 =	spop (v2sf)  }
0x519: {  	v1 =	vld [tilespmem:s19+$0x4C80]  }
0x51a: {  	v2 =	vld [tilespmem:s19+$0x4C90];
	_ =	sdelay $0x3  }
0x51b: {  	[tilespmem:s0+$0xCC80] =	vst v1;
	(v2sf) =	vpush v0, $0xC  }
0x51c: {  	[tilespmem:s0+$0xCC90] =	vst v2;
	s19 =	spop (v2sf)  }
0x51d: {  	v1 =	vld [tilespmem:s19+$0x4D00]  }
0x51e: {  	v2 =	vld [tilespmem:s19+$0x4D10];
	_ =	sdelay $0x3  }
0x51f: {  	[tilespmem:s0+$0xCD00] =	vst v1;
	(v2sf) =	vpush v0, $0xD  }
0x520: {  	[tilespmem:s0+$0xCD10] =	vst v2;
	s19 =	spop (v2sf)  }
0x521: {  	v1 =	vld [tilespmem:s19+$0x4D80]  }
0x522: {  	v2 =	vld [tilespmem:s19+$0x4D90];
	_ =	sdelay $0x3  }
0x523: {  	[tilespmem:s0+$0xCD80] =	vst v1;
	(v2sf) =	vpush v0, $0xE  }
0x524: {  	[tilespmem:s0+$0xCD90] =	vst v2;
	s19 =	spop (v2sf)  }
0x525: {  	v1 =	vld [tilespmem:s19+$0x4E00]  }
0x526: {  	v2 =	vld [tilespmem:s19+$0x4E10];
	_ =	sdelay $0x2  }
.Ltmp7:
0x527: {  	(pc) =	sbr.rel @p0 .LBB2_16-.Ltmp7, $4  }
0x528: {  	[tilespmem:s0+$0xCE00] =	vst v1;
	(v2sf) =	vpush v0, $0xF  }
0x529: {  	[tilespmem:s0+$0xCE10] =	vst v2;
	s19 =	spop (v2sf)  }
0x52a: {  	v0 =	vld [tilespmem:s19+$0x4E80]  }
0x52b: {  	v1 =	vld [tilespmem:s19+$0x4E90]  }
0x52c: {  	_ =	sdelay $0x2  }
0x52d: {  	[tilespmem:s0+$0xCE80] =	vst v0  }
0x52e: {  	[tilespmem:s0+$0xCE90] =	vst v1;
	s1 =	spop (v2sf)  }
0x52f: {  	v0 =	vld [tilespmem:s1+$0x4F00]  }
0x530: {  	v1 =	vld [tilespmem:s1+$0x4F10];
	_ =	sdelay $0x3  }
0x531: {  	[tilespmem:s0+$0xCF00] =	vst v0  }
0x532: {  	[tilespmem:s0+$0xCF10] =	vst v1;
	s30 =	spop (v2sf)  }
0x533: {  	v0 =	vld [tilespmem:s30+$0x4F80]  }
0x534: {  	v1 =	vld [tilespmem:s30+$0x4F90];
	_ =	sdelay $0x3  }
0x535: {  	[tilespmem:s0+$0xCF80] =	vst v0  }
0x536: {  	s26 =	sadd.s32 $0x1, s26;
	[tilespmem:s0+$0xCF90] =	vst v1  }
0x537: {  	[hbm4b:s16+s2] =	stream.linear.scatter [tilespmem:s29], [sflag:$0x3], $0x4000, $0x38;
	[tilespmem:$0x10800] =	vst v63  }
0x538: {  	p0 =	sne.s32 s26, s17;
	_ =	swait.ge [sflag:s31], $0x4000  }
.Ltmp8:
0x539: {  	[sflag:s31] =	ssyncset.done $0x0;
	(pc) =	sbr.rel @p0 .LBB2_1-.Ltmp8, $4  }
0x53a: {  	[sflag:s31] =	ssyncadd.s32 $0xFFFFC000  }
0x53b: {  	_ =	swait.ge [sflag:s31], $0x4000  }
0x53c: {  	[sflag:s31] =	ssyncset.done $0x0  }
0x53d: {  	[sflag:s31] =	ssyncadd.s32 $0xFFFFC000  }
0x53e: {  	_ =	sfence.sel $0x180000  }
0x53f: {  	[bflag:$0x0] =	sbarrier.arrive $0xFFFF  }
0x540: {  	_ =	strace $0x90000047  }
0x541: {  	s0 =	stileid.u32;
	[bflag:$0x2] =	sbarrier.arrive $0xFFFF  }
0x542: {  	p0 =	sne.s32 s0, $0x0;
	s0 =	rddreg [dreg:$0x2]  }
0x543: {  	s0 =	sadd.s32 @!p0 $0x100000, s0  }
0x544: {  	[sflag:s0] =	ssyncadd.tile.s32 @!p0 $0x1;
	_ =	shalt  }
.Lfunc_end2:
_tile_overlayer_lowered:
.L_overlay_start_2:
0x545: {  	(tag) =	ssettag $0x2  }
0x546: {  	s0 =	rddreg [dreg:$0x0];
	s2 =	stileid.u32  }
0x547: {  	s1 =	rddreg [dreg:$0x1];
	p0 =	sne.s32 s2, $0x0  }
0x548: {  	s3 =	rddreg [dreg:$0x2];
	[bflag:$0x3] =	sbarrier.arrive $0xFFFF;
	s2 =	simm.s32 @!p0 $0x1C04  }
0x549: {  	[timem:s3], [sflag:s2] =	dma.local @!p0 [hbm:s0], s1  }
0x54a: {  	s0 =	simm.s32 @!p0 $0x4  }
0x54b: {  	_ =	swait.ge @!p0 [sflag:s0], s1  }
0x54c: {  	s1 =	ssub.s32 @!p0 $0x0, s1;
	[sflag:s0] =	ssyncset.done @!p0 $0x0  }
0x54d: {  	[sflag:s0] =	ssyncadd.s32 @!p0 s1  }
0x54e: {  	[bflag:$0x3] =	sbarrier.arrive $0xFFFF  }
0x54f: {  	_ =	shalt  }

</sc_bundles>
